<compile_context>
chip_gen: v7x
topology: tpu7x:2x2x1
jax: 0.10.2.dev20260603
libtpu: 0.0.44.dev20260713+nightly
codegen_flags: <defaults>
</compile_context>

<pallas_src>
import jax
import jax.numpy as jnp
from jax import lax
from jax.experimental import pallas as pl
from jax.experimental.pallas import tpu as pltpu
from jax.experimental.pallas import tpu_sc as plsc

N_NODES = 10000
EPS = 1e-7
_NC, _NS = 2, 16
_E = 320000

_D2 = 128
_CPT = 4
_NP2 = 8016
_ECH = 8000
_NCHUNK = _E // _ECH

_D1 = 4
_NP1 = 10016
_ES = 8
_EPT = _E // _ES
_ECH1 = 8000
_NCH1 = _EPT // _ECH1
_GRP1 = _ECH1 // 16

_K1 = 8000
_EPT_B = _E // 32
_ECHB = 2000
_NCHB = _EPT_B // _ECHB
_GRPB = _ECHB // 16

_UNROLL = 8


def _fast_exp(x):
    y = jnp.maximum(x * 1.4426950408889634, -125.0)
    t = y + 12582912.0
    ni = plsc.bitcast(t, jnp.int32) - 0x4B400000
    f = y - (t - 12582912.0)
    p = 0.0013333558146428443 * f + 0.009618129107628477
    p = p * f + 0.05550410866482158
    p = p * f + 0.24022650695910072
    p = p * f + 0.6931471805599453
    p = p * f + 1.0
    scale = plsc.bitcast(lax.shift_left(ni + 127, 23), jnp.float32)
    return p * scale


def _conv2_body(xt_ref, src_ref, dst_ref, c_ref, out_ref, xv, srcv, dstv, cv, denv, numv):
    wid = lax.axis_index("s") * _NC + lax.axis_index("c")
    ch0 = wid * _CPT

    pltpu.sync_copy(xt_ref.at[pl.ds(pl.multiple_of(ch0 * _NP2, 8), _CPT * _NP2)], xv)
    pltpu.sync_copy(c_ref, cv)
    cls = [plsc.load_gather(cv, [jnp.full((16,), 0, jnp.int32) + (ch0 + q)])
           for q in range(_CPT)]

    def zbody(i, _):
        o = pl.ds(pl.multiple_of(i * 16, 8), 16)
        denv[o] = jnp.zeros((16,), jnp.float32)
        numv[o] = jnp.zeros((16,), jnp.float32)
        return 0
    lax.fori_loop(0, _CPT * _NP2 // 16, zbody, 0, unroll=_UNROLL)

    def chunk(ic, _):
        off = pl.ds(pl.multiple_of(ic * _ECH, 8), _ECH)
        pltpu.sync_copy(src_ref.at[off], srcv)
        pltpu.sync_copy(dst_ref.at[off], dstv)

        @plsc.parallel_loop(0, _ECH // 16, 1, unroll=4, carry=jnp.int32(0))
        def grp(g, j):
            sl = pl.ds(pl.multiple_of(g * 16, 8), 16)
            sv = srcv[sl]
            dv = dstv[sl]
            for q in range(_CPT):
                xg = plsc.load_gather(xv, [sv + q * _NP2])
                msg = jnp.maximum(xg, 0.0) + EPS
                w = jnp.exp(msg - cls[q])
                sidx = dv + q * _NP2
                plsc.addupdate_scatter(denv, [sidx], w)
                plsc.addupdate_scatter(numv, [sidx], w * msg)
            return j
        return 0
    lax.fori_loop(0, _NCHUNK, chunk, 0)

    def dbody(i, _):
        o = pl.ds(pl.multiple_of(i * 16, 8), 16)
        numv[o] = numv[o] / jnp.maximum(denv[o], 1e-30)
        return 0
    lax.fori_loop(0, _CPT * _NP2 // 16, dbody, 0, unroll=_UNROLL)
    pltpu.sync_copy(numv, out_ref.at[pl.ds(pl.multiple_of(ch0 * _NP2, 8), _CPT * _NP2)])


def _conv2_aggr_sc(xt_flat, src, dst, c):
    mesh = plsc.VectorSubcoreMesh(core_axis_name="c", subcore_axis_name="s",
                                  num_cores=_NC, num_subcores=_NS)
    f = pl.kernel(
        _conv2_body,
        out_type=jax.ShapeDtypeStruct((_D2 * _NP2,), jnp.float32),
        mesh=mesh,
        compiler_params=pltpu.CompilerParams(needs_layout_passes=False),
        scratch_types=[
            pltpu.VMEM((_CPT * _NP2,), jnp.float32),
            pltpu.VMEM((_ECH,), jnp.int32),
            pltpu.VMEM((_ECH,), jnp.int32),
            pltpu.VMEM((_D2,), jnp.float32),
            pltpu.VMEM((_CPT * _NP2,), jnp.float32),
            pltpu.VMEM((_CPT * _NP2,), jnp.float32),
        ],
    )
    return f(xt_flat, src, dst, c)


def _conv1_body(xt_ref, ea_ref, src_ref, dst_ref, cb_ref, out_ref,
                xv, srcv, dstv, eav, cv, denv, numv):
    wid = lax.axis_index("s") * _NC + lax.axis_index("c")
    q = wid & 3
    es = lax.shift_right_logical(wid, 2)

    pltpu.sync_copy(xt_ref.at[pl.ds(pl.multiple_of(q * _NP1, 8), _NP1)], xv)
    pltpu.sync_copy(cb_ref.at[wid], cv)
    cl = cv[...]

    def zbody(i, _):
        o = pl.ds(pl.multiple_of(i * 16, 8), 16)
        denv[o] = jnp.zeros((16,), jnp.float32)
        numv[o] = jnp.zeros((16,), jnp.float32)
        return 0
    lax.fori_loop(0, _NP1 // 16, zbody, 0, unroll=_UNROLL)

    ebase = es * _EPT

    def chunk(ic, _):
        off = ebase + ic * _ECH1
        pltpu.sync_copy(src_ref.at[pl.ds(pl.multiple_of(off, 8), _ECH1)], srcv)
        pltpu.sync_copy(dst_ref.at[pl.ds(pl.multiple_of(off, 8), _ECH1)], dstv)
        pltpu.sync_copy(ea_ref.at[pl.ds(pl.multiple_of(q * _E + off, 8), _ECH1)], eav)

        @plsc.parallel_loop(0, _GRP1, 1, unroll=8, carry=jnp.int32(0))
        def grp(g, j):
            sl = pl.ds(pl.multiple_of(g * 16, 8), 16)
            sv = srcv[sl]
            dv = dstv[sl]
            ev = eav[sl]
            xg = plsc.load_gather(xv, [sv])
            msg = jnp.maximum(xg + ev, 0.0) + EPS
            w = _fast_exp(msg - cl)
            plsc.addupdate_scatter(denv, [dv], w)
            plsc.addupdate_scatter(numv, [dv], w * msg)
            return j
        return 0
    lax.fori_loop(0, _NCH1, chunk, 0)

    obase = pl.multiple_of(wid * 2 * _NP1, 8)
    pltpu.sync_copy(denv, out_ref.at[pl.ds(obase, _NP1)])
    pltpu.sync_copy(numv, out_ref.at[pl.ds(pl.multiple_of(obase + _NP1, 8), _NP1)])


def _conv1_aggr_sc(xt_flat, ea_flat, src, dst, cb):
    mesh = plsc.VectorSubcoreMesh(core_axis_name="c", subcore_axis_name="s",
                                  num_cores=_NC, num_subcores=_NS)
    f = pl.kernel(
        _conv1_body,
        out_type=jax.ShapeDtypeStruct((32 * 2 * _NP1,), jnp.float32),
        mesh=mesh,
        compiler_params=pltpu.CompilerParams(needs_layout_passes=False),
        scratch_types=[
            pltpu.VMEM((_NP1,), jnp.float32),
            pltpu.VMEM((_ECH1,), jnp.int32),
            pltpu.VMEM((_ECH1,), jnp.int32),
            pltpu.VMEM((_ECH1,), jnp.float32),
            pltpu.VMEM((16,), jnp.float32),
            pltpu.VMEM((_NP1,), jnp.float32),
            pltpu.VMEM((_NP1,), jnp.float32),
        ],
    )
    return f(xt_flat, ea_flat, src, dst, cb)


def _pool1_body(ht_ref, sc_ref, perm_ref, src_ref, dst_ref,
                xnt_ref, s2_ref, d2_ref, st_ref,
                xv, scv, permv, nidxv, onv, srcv, dstv, s2v, d2v, statv):
    wid = lax.axis_index("s") * _NC + lax.axis_index("c")
    ch0 = wid * _CPT
    iota = lax.iota(jnp.int32, 16)

    pltpu.sync_copy(ht_ref.at[pl.ds(pl.multiple_of(ch0 * _NP1, 8), _CPT * _NP1)], xv)
    pltpu.sync_copy(sc_ref, scv)
    pltpu.sync_copy(perm_ref, permv)

    def zb(i, _):
        nidxv[pl.ds(pl.multiple_of(i * 16, 8), 16)] = jnp.full((16,), _K1, jnp.int32)
        return 0
    lax.fori_loop(0, _NP1 // 16, zb, 0, unroll=_UNROLL)

    def sb(g, _):
        pv = permv[pl.ds(pl.multiple_of(g * 16, 8), 16)]
        plsc.store_scatter(nidxv, [pv], g * 16 + iota)
        return 0
    lax.fori_loop(0, _K1 // 16, sb, 0, unroll=_UNROLL)

    for q in range(_CPT):
        def gb(g, carry):
            mx, sm = carry
            pv = permv[pl.ds(pl.multiple_of(g * 16, 8), 16)]
            s = plsc.load_gather(scv, [pv])
            xg = plsc.load_gather(xv, [q * _NP1 + pv])
            v = xg * s
            onv[pl.ds(pl.multiple_of(q * _NP2 + g * 16, 8), 16)] = v
            return (jnp.maximum(mx, v), sm + v)
        mx, sm = lax.fori_loop(0, _K1 // 16, gb,
                               (jnp.full((16,), -3.4e38, jnp.float32),
                                jnp.zeros((16,), jnp.float32)), unroll=_UNROLL)
        onv[pl.ds(q * _NP2 + _K1, 16)] = jnp.zeros((16,), jnp.float32)
        statv[pl.ds(q * 32, 16)] = mx
        statv[pl.ds(q * 32 + 16, 16)] = sm

    pltpu.sync_copy(onv, xnt_ref.at[pl.ds(pl.multiple_of(ch0 * _NP2, 8), _CPT * _NP2)])
    pltpu.sync_copy(statv, st_ref.at[wid])

    ebase = wid * _EPT_B

    def chunk(ic, _):
        off = ebase + ic * _ECHB
        osl = pl.ds(pl.multiple_of(off, 8), _ECHB)
        pltpu.sync_copy(src_ref.at[osl], srcv)
        pltpu.sync_copy(dst_ref.at[osl], dstv)

        def grp(g, _):
            sl = pl.ds(pl.multiple_of(g * 16, 8), 16)
            ns = plsc.load_gather(nidxv, [srcv[sl]])
            nd = plsc.load_gather(nidxv, [dstv[sl]])
            bad = (ns == _K1) | (nd == _K1)
            s2v[sl] = jnp.where(bad, _K1, ns)
            d2v[sl] = jnp.where(bad, _K1, nd)
            return 0
        lax.fori_loop(0, _GRPB, grp, 0, unroll=_UNROLL)
        pltpu.sync_copy(s2v, s2_ref.at[osl])
        pltpu.sync_copy(d2v, d2_ref.at[osl])
        return 0
    lax.fori_loop(0, _NCHB, chunk, 0)


def _pool1_sc(ht_flat, score, perm, src, dst):
    mesh = plsc.VectorSubcoreMesh(core_axis_name="c", subcore_axis_name="s",
                                  num_cores=_NC, num_subcores=_NS)
    f = pl.kernel(
        _pool1_body,
        out_type=(jax.ShapeDtypeStruct((_D2 * _NP2,), jnp.float32),
                  jax.ShapeDtypeStruct((_E,), jnp.int32),
                  jax.ShapeDtypeStruct((_E,), jnp.int32),
                  jax.ShapeDtypeStruct((32, 128), jnp.float32)),
        mesh=mesh,
        compiler_params=pltpu.CompilerParams(needs_layout_passes=False),
        scratch_types=[
            pltpu.VMEM((_CPT * _NP1,), jnp.float32),
            pltpu.VMEM((_NP1,), jnp.float32),
            pltpu.VMEM((_K1,), jnp.int32),
            pltpu.VMEM((_NP1,), jnp.int32),
            pltpu.VMEM((_CPT * _NP2,), jnp.float32),
            pltpu.VMEM((_ECHB,), jnp.int32),
            pltpu.VMEM((_ECHB,), jnp.int32),
            pltpu.VMEM((_ECHB,), jnp.int32),
            pltpu.VMEM((_ECHB,), jnp.int32),
            pltpu.VMEM((128,), jnp.float32),
        ],
    )
    return f(ht_flat, score, perm, src, dst)


def _k2_body(parts_ref, xt_ref, w1_ref, b1_ref, g_ref, bb_ref, w2_ref, b2_ref, pn_ref, nrm_ref,
             ht_ref, sc_ref):
    ps = parts_ref[...]
    dn = jnp.sum(ps.reshape(_ES, _D1, 2, _NP1), axis=0)
    aggr = dn[:, 1, :] / jnp.maximum(dn[:, 0, :], 1e-30)
    out1 = xt_ref[...] + aggr
    h = jnp.dot(w1_ref[...].astype(jnp.bfloat16), out1.astype(jnp.bfloat16),
                preferred_element_type=jnp.float32) + b1_ref[...]
    mask = lax.broadcasted_iota(jnp.int32, (1, _NP1), 1) < N_NODES
    hm = jnp.where(mask, h, 0.0)
    mu = jnp.sum(hm, axis=1, keepdims=True) / N_NODES
    d = jnp.where(mask, h - mu, 0.0)
    var = jnp.sum(d * d, axis=1, keepdims=True) / N_NODES
    v = var + 1e-5
    r = lax.rsqrt(v)
    r = r * (1.5 - 0.5 * v * r * r)
    hn = (h - mu) * r * g_ref[...] + bb_ref[...]
    hr = jnp.maximum(hn, 0.0)
    h2 = jnp.maximum(jnp.dot(w2_ref[...].astype(jnp.bfloat16), hr.astype(jnp.bfloat16),
                             preferred_element_type=jnp.float32) + b2_ref[...], 0.0)
    ht_ref[...] = h2
    s = jnp.dot(pn_ref[...].astype(jnp.bfloat16), h2.astype(jnp.bfloat16),
                preferred_element_type=jnp.float32) / nrm_ref[...]
    sc_ref[...] = jnp.where(mask, jnp.tanh(s), -1e30)


def _k4_body(xnt_ref, aggr_ref, w1_ref, b1_ref, g_ref, bb_ref, w2_ref, b2_ref, pn_ref, nrm_ref,
             ht_ref, sc_ref):
    out2 = xnt_ref[...] + aggr_ref[...]
    h = jnp.dot(w1_ref[...].astype(jnp.bfloat16), out2.astype(jnp.bfloat16),
                preferred_element_type=jnp.float32) + b1_ref[...]
    mask = lax.broadcasted_iota(jnp.int32, (1, _NP2), 1) < _K1
    hm = jnp.where(mask, h, 0.0)
    mu = jnp.sum(hm, axis=1, keepdims=True) / _K1
    d = jnp.where(mask, h - mu, 0.0)
    var = jnp.sum(d * d, axis=1, keepdims=True) / _K1
    v = var + 1e-5
    r = lax.rsqrt(v)
    r = r * (1.5 - 0.5 * v * r * r)
    hn = (h - mu) * r * g_ref[...] + bb_ref[...]
    hr = jnp.maximum(hn, 0.0)
    h2 = jnp.maximum(jnp.dot(w2_ref[...].astype(jnp.bfloat16), hr.astype(jnp.bfloat16),
                             preferred_element_type=jnp.float32) + b2_ref[...], 0.0)
    ht_ref[...] = h2
    s = jnp.dot(pn_ref[...].astype(jnp.bfloat16), h2.astype(jnp.bfloat16),
                preferred_element_type=jnp.float32) / nrm_ref[...]
    sc_ref[...] = jnp.where(mask, jnp.tanh(s), -1e30)


def _k6_body(ht_ref, sc_ref, mask_ref, x1_ref, l1w_ref, l1b_ref, l2w_ref, l2b_ref, out_ref):
    v = ht_ref[...] * sc_ref[...]
    m = mask_ref[...]
    x2max = jnp.max(jnp.where(m > 0, v, -3.4e38), axis=1, keepdims=True)
    x2mean = jnp.sum(v * m, axis=1, keepdims=True) / _K2
    z = x1_ref[...] + jnp.concatenate([x2max, x2mean], axis=0)
    h = jnp.maximum(jnp.dot(l1w_ref[...].astype(jnp.bfloat16), z.astype(jnp.bfloat16),
                            preferred_element_type=jnp.float32) + l1b_ref[...], 0.0)
    out_ref[...] = jnp.dot(l2w_ref[...].astype(jnp.bfloat16), h.astype(jnp.bfloat16),
                           preferred_element_type=jnp.float32) + l2b_ref[...]


_K2 = 6400


def kernel(x, edge_index, edge_attr, batch, c1_w1, c1_b1, c1_g, c1_bb, c1_w2, c1_b2, p1_w, c2_w1, c2_b1, c2_g, c2_bb, c2_w2, c2_b2, p2_w, l1_w, l1_b, l2_w, l2_b):
    src, dst = edge_index[0], edge_index[1]
    f32 = jnp.float32

    xt1 = jnp.zeros((_D1, _NP1), f32).at[:3, :N_NODES].set(x.T)
    ea_t = edge_attr.T.reshape(-1)
    c1 = jnp.maximum(jnp.max(xt1, axis=1) + jnp.max(edge_attr, axis=0), 0.0) + EPS
    cb32 = jnp.tile(jnp.broadcast_to(c1[:, None], (_D1, 16)), (8, 1))

    parts = _conv1_aggr_sc(xt1.reshape(-1), ea_t, src, dst, cb32).reshape(32, 2, _NP1)

    p1n = p1_w[None, :]
    n1 = jnp.linalg.norm(p1_w).reshape(1, 1)
    h1t, sc1 = pl.pallas_call(
        _k2_body,
        out_shape=(jax.ShapeDtypeStruct((_D2, _NP1), f32),
                   jax.ShapeDtypeStruct((1, _NP1), f32)),
    )(parts, xt1, c1_w1, c1_b1[:, None], c1_g[:, None], c1_bb[:, None],
      c1_w2, c1_b2[:, None], p1n, n1)

    perm1 = jax.lax.top_k(sc1[0], _K1)[1]

    xnt, src2, dst2, st1 = _pool1_sc(h1t.reshape(-1), sc1[0], perm1, src, dst)
    st1 = st1.reshape(32, _CPT, 2, 16)
    x1max = jnp.max(st1[:, :, 0, :], axis=-1).reshape(_D2)
    x1mean = (jnp.sum(st1[:, :, 1, :], axis=-1) / _K1).reshape(_D2)
    x1c = jnp.concatenate([x1max, x1mean])[:, None]
    c2 = jnp.maximum(x1max, 0.0) + EPS

    aggr2 = _conv2_aggr_sc(xnt, src2, dst2, c2).reshape(_D2, _NP2)

    p2n = p2_w[None, :]
    n2 = jnp.linalg.norm(p2_w).reshape(1, 1)
    h2t, sc2 = pl.pallas_call(
        _k4_body,
        out_shape=(jax.ShapeDtypeStruct((_D2, _NP2), f32),
                   jax.ShapeDtypeStruct((1, _NP2), f32)),
    )(xnt.reshape(_D2, _NP2), aggr2, c2_w1, c2_b1[:, None], c2_g[:, None], c2_bb[:, None],
      c2_w2, c2_b2[:, None], p2n, n2)

    perm2 = jax.lax.top_k(sc2[0], _K2)[1]
    mask2 = jnp.zeros((1, _NP2), f32).at[0, perm2].set(1.0)

    out = pl.pallas_call(
        _k6_body,
        out_shape=jax.ShapeDtypeStruct((2, 1), f32),
    )(h2t, sc2, mask2, x1c, l1_w, l1_b[:, None], l2_w, l2_b[:, None])
    return out.reshape(1, 2)

# --- scband reference (transcript-rebuilt; emitter-appended) ---
"""Pipeline reference for scband-cgcnn-20100446945625 (READ-ONLY COPY).

The authoritative reference and input builder live on the scoring server;
editing this copy changes nothing except your own understanding.
"""

import jax, jax.numpy as jnp
import numpy as np
import math

N_NODES = 10000
N_EDGES = 320000
F_IN = 3
NUM_CLASSES = 2
RATIO = 0.8
EPS = 1e-7

def _lin_init(key, out_c, in_c):
    k1, k2 = jax.random.split(key)
    bound = 1.0 / math.sqrt(in_c)
    w = jax.random.uniform(k1, (out_c, in_c), minval=-bound, maxval=bound, dtype=jnp.float32)
    b = jax.random.uniform(k2, (out_c,), minval=-bound, maxval=bound, dtype=jnp.float32)
    return w, b

def setup_inputs(seed: int = 0):
    key = jax.random.key(seed)
    ks = jax.random.split(key, 16)
    inp = {}
    inp['x'] = jax.random.normal(ks[0], (N_NODES, F_IN), dtype=jnp.float32)
    inp['edge_index'] = jax.random.randint(ks[1], (2, N_EDGES), 0, N_NODES)
    inp['edge_attr'] = jax.random.normal(ks[2], (N_EDGES, 4), dtype=jnp.float32)
    inp['batch'] = jnp.zeros((N_NODES,), dtype=jnp.int32)
    inp['c1_w1'], inp['c1_b1'] = _lin_init(ks[3], 8, 4)
    inp['c1_g'] = jnp.ones((8,), jnp.float32)
    inp['c1_bb'] = jnp.zeros((8,), jnp.float32)
    inp['c1_w2'], inp['c1_b2'] = _lin_init(ks[4], 128, 8)
    inp['p1_w'] = jax.random.normal(ks[5], (128,), dtype=jnp.float32) * 0.1
    inp['c2_w1'], inp['c2_b1'] = _lin_init(ks[6], 256, 128)
    inp['c2_g'] = jnp.ones((256,), jnp.float32)
    inp['c2_bb'] = jnp.zeros((256,), jnp.float32)
    inp['c2_w2'], inp['c2_b2'] = _lin_init(ks[7], 128, 256)
    inp['p2_w'] = jax.random.normal(ks[8], (128,), dtype=jnp.float32) * 0.1
    inp['l1_w'], inp['l1_b'] = _lin_init(ks[9], 128, 256)
    inp['l2_w'], inp['l2_b'] = _lin_init(ks[10], NUM_CLASSES, 128)
    return inp

def _gen_conv(x, src, dst, edge_attr, n_real, w1, b1, g, bb, w2, b2):
    # GENConv: msg = relu(x_j + edge_attr) + eps; softmax aggregation (t=1); mlp(x + aggr)
    d = x.shape[1]
    x_pad = jnp.concatenate([x, jnp.zeros((1, d), x.dtype)], axis=0)  # dummy row for masked edges
    m = x_pad[src]
    if edge_attr is not None:
        m = m + edge_attr
    msg = jax.nn.relu(m) + EPS
    nseg = n_real + 1
    mx = jax.ops.segment_max(msg, dst, num_segments=nseg)
    mx = jnp.where(jnp.isfinite(mx), mx, 0.0)
    ex = jnp.exp(msg - mx[dst])
    den = jax.ops.segment_sum(ex, dst, num_segments=nseg)
    alpha = ex / (den[dst] + 1e-16)
    aggr = jax.ops.segment_sum(alpha * msg, dst, num_segments=nseg)[:n_real]
    out = x + aggr
    # MLP [in, 2*in, out] with BatchNorm (train-mode batch stats) + ReLU on hidden layer
    h = out @ w1.T + b1
    mu = jnp.mean(h, axis=0)
    var = jnp.var(h, axis=0)
    h = (h - mu) / jnp.sqrt(var + 1e-5) * g + bb
    h = jax.nn.relu(h)
    return h @ w2.T + b2

def _topk_pool(x, src, dst, w, n_real):
    # TopKPooling: score = tanh(x@w/|w|), keep top ceil(ratio*N), x' = x[perm]*score[perm]
    k = int(math.ceil(RATIO * n_real))
    score = jnp.tanh((x @ w) / jnp.linalg.norm(w))
    perm = jax.lax.top_k(score, k)[1]
    x_new = x[perm] * score[perm][:, None]
    # filter_adj with fixed shapes: invalid edges routed to dummy node index k
    mask = jnp.zeros((n_real + 1,), dtype=bool).at[perm].set(True)
    new_idx = jnp.full((n_real + 1,), k, dtype=src.dtype).at[perm].set(jnp.arange(k, dtype=src.dtype))
    valid = mask[src] & mask[dst]
    src2 = jnp.where(valid, new_idx[src], k)
    dst2 = jnp.where(valid, new_idx[dst], k)
    return x_new, src2, dst2, k

def _readout(x):
    # single graph (batch all zeros): gmp/gap reduce over all nodes
    return jnp.concatenate([jnp.max(x, axis=0, keepdims=True), jnp.mean(x, axis=0, keepdims=True)], axis=1)

def _forward(x, edge_attr, c1_w1, c1_b1, c1_g, c1_bb, c1_w2, c1_b2, p1_w, c2_w1, c2_b1, c2_g, c2_bb, c2_w2, c2_b2, p2_w, l1_w, l1_b, l2_w, l2_b, edge_index, batch):
    x = jnp.concatenate([x, jnp.zeros((x.shape[0], 1), x.dtype)], axis=1)
    src, dst = edge_index[0], edge_index[1]
    h = jax.nn.relu(_gen_conv(x, src, dst, edge_attr, N_NODES, c1_w1, c1_b1, c1_g, c1_bb, c1_w2, c1_b2))
    h, src, dst, k1 = _topk_pool(h, src, dst, p1_w, N_NODES)
    x1 = _readout(h)
    h = jax.nn.relu(_gen_conv(h, src, dst, None, k1, c2_w1, c2_b1, c2_g, c2_bb, c2_w2, c2_b2))
    h, src, dst, k2 = _topk_pool(h, src, dst, p2_w, k1)
    x2 = _readout(h)
    z = x1 + x2
    z = jax.nn.relu(z @ l1_w.T + l1_b)
    return z @ l2_w.T + l2_b

def reference(x, edge_index, edge_attr, batch, c1_w1, c1_b1, c1_g, c1_bb, c1_w2, c1_b2, p1_w, c2_w1, c2_b1, c2_g, c2_bb, c2_w2, c2_b2, p2_w, l1_w, l1_b, l2_w, l2_b):
    return _forward(x, edge_attr, c1_w1, c1_b1, c1_g, c1_bb, c1_w2, c1_b2, p1_w, c2_w1, c2_b1, c2_g, c2_bb, c2_w2, c2_b2, p2_w, l1_w, l1_b, l2_w, l2_b, edge_index, batch)

if __name__ == "__main__":
    import jax
    _d = setup_inputs()
    print(jax.jit(kernel)(*tuple(_d.values())))

</pallas_src>

<mosaic_0001>
#map = affine_map<(d0, d1) -> (0)>
module attributes {stable_mosaic.version = 14 : i64} {
  func.func @_conv2_body(%arg0: i32, %arg1: i32, %arg2: memref<1026048xf32, #tpu.memory_space<hbm>>, %arg3: memref<320000xi32, #tpu.memory_space<hbm>>, %arg4: memref<320000xi32, #tpu.memory_space<hbm>>, %arg5: memref<128xf32, #tpu.memory_space<hbm>>, %arg6: memref<1026048xf32, #tpu.memory_space<hbm>>, %arg7: memref<32064xf32, #tpu.memory_space<vmem>>, %arg8: memref<8000xi32, #tpu.memory_space<vmem>>, %arg9: memref<8000xi32, #tpu.memory_space<vmem>>, %arg10: memref<128xf32, #tpu.memory_space<vmem>>, %arg11: memref<32064xf32, #tpu.memory_space<vmem>>, %arg12: memref<32064xf32, #tpu.memory_space<vmem>>) attributes {dimension_semantics = [#tpu.dimension_semantics<core_parallel>, #tpu.dimension_semantics<subcore_parallel>], iteration_bounds = array<i64: 2, 16>, scalar_prefetch = 0 : i64, scratch_operands = 6 : i64, tpu.core_type = #tpu.core_type<sc_vector_subcore>, window_params = [{transform_indices = #map}, {transform_indices = #map}, {transform_indices = #map}, {transform_indices = #map}, {transform_indices = #map}]} {
    %mul3A = arith.constant 2 : i32
    %mul3A_0 = arith.muli %arg1, %mul3A : i32
    %add3A = arith.addi %mul3A_0, %arg0 : i32
    %mul3A_1 = arith.constant 4 : i32
    %mul3A_2 = arith.muli %add3A, %mul3A_1 : i32
    %mul3A_3 = arith.constant 8016 : i32
    %mul3A_4 = arith.muli %mul3A_2, %mul3A_3 : i32
    %multiple_of3A = tpu.assume_multiple %mul3A_4, 8 : i32
    "tpu.region"() ({
      %run_scoped3A = tpu.sem_alloc : memref<!tpu.dma_semaphore, #tpu.memory_space<semaphore_mem>>
      %dma_start3A = tpu.memref_slice %arg2[%multiple_of3A] : memref<1026048xf32, #tpu.memory_space<hbm>> -> memref<32064xf32, #tpu.memory_space<hbm>>
      %dma_start3A_170 = tpu.memref_slice %arg2[%multiple_of3A] : memref<1026048xf32, #tpu.memory_space<hbm>> -> memref<32064xf32, #tpu.memory_space<hbm>>
      tpu.enqueue_dma source(%dma_start3A_170 : memref<32064xf32, #tpu.memory_space<hbm>>) target(%arg7 : memref<32064xf32, #tpu.memory_space<vmem>>) target_semaphore(%run_scoped3A : memref<!tpu.dma_semaphore, #tpu.memory_space<semaphore_mem>>)
      %dma_wait3A = tpu.memref_slice %arg2[%multiple_of3A] : memref<1026048xf32, #tpu.memory_space<hbm>> -> memref<32064xf32, #tpu.memory_space<hbm>>
      %dma_wait3A_171 = tpu.memref_slice %arg2[%multiple_of3A] : memref<1026048xf32, #tpu.memory_space<hbm>> -> memref<32064xf32, #tpu.memory_space<hbm>>
      tpu.wait_dma2 semaphore(%run_scoped3A : memref<!tpu.dma_semaphore, #tpu.memory_space<semaphore_mem>>) src(%dma_wait3A_171 : memref<32064xf32, #tpu.memory_space<hbm>>) dst(%arg7 : memref<32064xf32, #tpu.memory_space<vmem>>)
      tpu.yield
    }) : () -> ()
    "tpu.region"() ({
      %run_scoped3A = tpu.sem_alloc : memref<!tpu.dma_semaphore, #tpu.memory_space<semaphore_mem>>
      tpu.enqueue_dma source(%arg5 : memref<128xf32, #tpu.memory_space<hbm>>) target(%arg10 : memref<128xf32, #tpu.memory_space<vmem>>) target_semaphore(%run_scoped3A : memref<!tpu.dma_semaphore, #tpu.memory_space<semaphore_mem>>)
      tpu.wait_dma2 semaphore(%run_scoped3A : memref<!tpu.dma_semaphore, #tpu.memory_space<semaphore_mem>>) src(%arg5 : memref<128xf32, #tpu.memory_space<hbm>>) dst(%arg10 : memref<128xf32, #tpu.memory_space<vmem>>)
      tpu.yield
    }) : () -> ()
    %broadcast_in_dim3A = arith.constant 0 : i32
    %broadcast_in_dim3A_5 = vector.broadcast %broadcast_in_dim3A : i32 to vector<16xi32>
    %add3A_6 = arith.constant 0 : i32
    %add3A_7 = arith.addi %mul3A_2, %add3A_6 : i32
    %add3A_8 = vector.broadcast %add3A_7 : i32 to vector<16xi32>
    %add3A_9 = arith.addi %broadcast_in_dim3A_5, %add3A_8 : vector<16xi32>
    %gather3A = tpu.vector_load_idx %arg10[%add3A_9] : memref<128xf32, #tpu.memory_space<vmem>>[vector<16xi32>], vector<16xf32>,
    %broadcast_in_dim3A_10 = arith.constant 0 : i32
    %broadcast_in_dim3A_11 = vector.broadcast %broadcast_in_dim3A_10 : i32 to vector<16xi32>
    %add3A_12 = arith.constant 1 : i32
    %add3A_13 = arith.addi %mul3A_2, %add3A_12 : i32
    %add3A_14 = vector.broadcast %add3A_13 : i32 to vector<16xi32>
    %add3A_15 = arith.addi %broadcast_in_dim3A_11, %add3A_14 : vector<16xi32>
    %gather3A_16 = tpu.vector_load_idx %arg10[%add3A_15] : memref<128xf32, #tpu.memory_space<vmem>>[vector<16xi32>], vector<16xf32>,
    %broadcast_in_dim3A_17 = arith.constant 0 : i32
    %broadcast_in_dim3A_18 = vector.broadcast %broadcast_in_dim3A_17 : i32 to vector<16xi32>
    %add3A_19 = arith.constant 2 : i32
    %add3A_20 = arith.addi %mul3A_2, %add3A_19 : i32
    %add3A_21 = vector.broadcast %add3A_20 : i32 to vector<16xi32>
    %add3A_22 = arith.addi %broadcast_in_dim3A_18, %add3A_21 : vector<16xi32>
    %gather3A_23 = tpu.vector_load_idx %arg10[%add3A_22] : memref<128xf32, #tpu.memory_space<vmem>>[vector<16xi32>], vector<16xf32>,
    %broadcast_in_dim3A_24 = arith.constant 0 : i32
    %broadcast_in_dim3A_25 = vector.broadcast %broadcast_in_dim3A_24 : i32 to vector<16xi32>
    %add3A_26 = arith.constant 3 : i32
    %add3A_27 = arith.addi %mul3A_2, %add3A_26 : i32
    %add3A_28 = vector.broadcast %add3A_27 : i32 to vector<16xi32>
    %add3A_29 = arith.addi %broadcast_in_dim3A_25, %add3A_28 : vector<16xi32>
    %gather3A_30 = tpu.vector_load_idx %arg10[%add3A_29] : memref<128xf32, #tpu.memory_space<vmem>>[vector<16xi32>], vector<16xf32>,
    %scan3A = arith.constant 0 : i32
    %scan3A_31 = arith.constant 0 : i32
    %scan3A_32 = arith.constant 2000 : i32
    %scan3A_33 = arith.addi %scan3A_31, %scan3A_32 : i32
    %scan3A_34 = arith.constant 8 : i32
    %scan3A_35 = scf.for %scan3A_170 = %scan3A_31 to %scan3A_33 step %scan3A_34 iter_args(%scan3A_171 = %scan3A) -> (i32)  : i32 {
      %mul3A_172 = arith.constant 16 : i32
      %mul3A_173 = arith.muli %scan3A_170, %mul3A_172 : i32
      %multiple_of3A_174 = tpu.assume_multiple %mul3A_173, 8 : i32
      %broadcast_in_dim3A_175 = arith.constant 0.000000e+00 : f32
      %broadcast_in_dim3A_176 = vector.broadcast %broadcast_in_dim3A_175 : f32 to vector<16xf32>
      %swap3A_177 = arith.index_cast %multiple_of3A_174 : i32 to index
      %swap3A_178 = tpu.vector_load %arg11[%swap3A_177] {strides = array<i32>} : memref<32064xf32, #tpu.memory_space<vmem>>, vector<16xf32>,
      tpu.vector_store %arg11[%swap3A_177], %broadcast_in_dim3A_176 {strides = array<i32>} : memref<32064xf32, #tpu.memory_space<vmem>>, vector<16xf32>,
      %broadcast_in_dim3A_179 = arith.constant 0.000000e+00 : f32
      %broadcast_in_dim3A_180 = vector.broadcast %broadcast_in_dim3A_179 : f32 to vector<16xf32>
      %swap3A_181 = arith.index_cast %multiple_of3A_174 : i32 to index
      %swap3A_182 = tpu.vector_load %arg12[%swap3A_181] {strides = array<i32>} : memref<32064xf32, #tpu.memory_space<vmem>>, vector<16xf32>,
      tpu.vector_store %arg12[%swap3A_181], %broadcast_in_dim3A_180 {strides = array<i32>} : memref<32064xf32, #tpu.memory_space<vmem>>, vector<16xf32>,
      %scan3A_183 = arith.constant 0 : i32
      %scan3A_184 = arith.constant 1 : i32
      %scan3A_185 = arith.addi %scan3A_170, %scan3A_184 : i32
      %mul3A_186 = arith.constant 16 : i32
      %mul3A_187 = arith.muli %scan3A_185, %mul3A_186 : i32
      %multiple_of3A_188 = tpu.assume_multiple %mul3A_187, 8 : i32
      %broadcast_in_dim3A_189 = arith.constant 0.000000e+00 : f32
      %broadcast_in_dim3A_190 = vector.broadcast %broadcast_in_dim3A_189 : f32 to vector<16xf32>
      %swap3A_191 = arith.index_cast %multiple_of3A_188 : i32 to index
      %swap3A_192 = tpu.vector_load %arg11[%swap3A_191] {strides = array<i32>} : memref<32064xf32, #tpu.memory_space<vmem>>, vector<16xf32>,
      tpu.vector_store %arg11[%swap3A_191], %broadcast_in_dim3A_190 {strides = array<i32>} : memref<32064xf32, #tpu.memory_space<vmem>>, vector<16xf32>,
      %broadcast_in_dim3A_193 = arith.constant 0.000000e+00 : f32
      %broadcast_in_dim3A_194 = vector.broadcast %broadcast_in_dim3A_193 : f32 to vector<16xf32>
      %swap3A_195 = arith.index_cast %multiple_of3A_188 : i32 to index
      %swap3A_196 = tpu.vector_load %arg12[%swap3A_195] {strides = array<i32>} : memref<32064xf32, #tpu.memory_space<vmem>>, vector<16xf32>,
      tpu.vector_store %arg12[%swap3A_195], %broadcast_in_dim3A_194 {strides = array<i32>} : memref<32064xf32, #tpu.memory_space<vmem>>, vector<16xf32>,
      %scan3A_197 = arith.constant 0 : i32
      %scan3A_198 = arith.constant 2 : i32
      %scan3A_199 = arith.addi %scan3A_170, %scan3A_198 : i32
      %mul3A_200 = arith.constant 16 : i32
      %mul3A_201 = arith.muli %scan3A_199, %mul3A_200 : i32
      %multiple_of3A_202 = tpu.assume_multiple %mul3A_201, 8 : i32
      %broadcast_in_dim3A_203 = arith.constant 0.000000e+00 : f32
      %broadcast_in_dim3A_204 = vector.broadcast %broadcast_in_dim3A_203 : f32 to vector<16xf32>
      %swap3A_205 = arith.index_cast %multiple_of3A_202 : i32 to index
      %swap3A_206 = tpu.vector_load %arg11[%swap3A_205] {strides = array<i32>} : memref<32064xf32, #tpu.memory_space<vmem>>, vector<16xf32>,
      tpu.vector_store %arg11[%swap3A_205], %broadcast_in_dim3A_204 {strides = array<i32>} : memref<32064xf32, #tpu.memory_space<vmem>>, vector<16xf32>,
      %broadcast_in_dim3A_207 = arith.constant 0.000000e+00 : f32
      %broadcast_in_dim3A_208 = vector.broadcast %broadcast_in_dim3A_207 : f32 to vector<16xf32>
      %swap3A_209 = arith.index_cast %multiple_of3A_202 : i32 to index
      %swap3A_210 = tpu.vector_load %arg12[%swap3A_209] {strides = array<i32>} : memref<32064xf32, #tpu.memory_space<vmem>>, vector<16xf32>,
      tpu.vector_store %arg12[%swap3A_209], %broadcast_in_dim3A_208 {strides = array<i32>} : memref<32064xf32, #tpu.memory_space<vmem>>, vector<16xf32>,
      %scan3A_211 = arith.constant 0 : i32
      %scan3A_212 = arith.constant 3 : i32
      %scan3A_213 = arith.addi %scan3A_170, %scan3A_212 : i32
      %mul3A_214 = arith.constant 16 : i32
      %mul3A_215 = arith.muli %scan3A_213, %mul3A_214 : i32
      %multiple_of3A_216 = tpu.assume_multiple %mul3A_215, 8 : i32
      %broadcast_in_dim3A_217 = arith.constant 0.000000e+00 : f32
      %broadcast_in_dim3A_218 = vector.broadcast %broadcast_in_dim3A_217 : f32 to vector<16xf32>
      %swap3A_219 = arith.index_cast %multiple_of3A_216 : i32 to index
      %swap3A_220 = tpu.vector_load %arg11[%swap3A_219] {strides = array<i32>} : memref<32064xf32, #tpu.memory_space<vmem>>, vector<16xf32>,
      tpu.vector_store %arg11[%swap3A_219], %broadcast_in_dim3A_218 {strides = array<i32>} : memref<32064xf32, #tpu.memory_space<vmem>>, vector<16xf32>,
      %broadcast_in_dim3A_221 = arith.constant 0.000000e+00 : f32
      %broadcast_in_dim3A_222 = vector.broadcast %broadcast_in_dim3A_221 : f32 to vector<16xf32>
      %swap3A_223 = arith.index_cast %multiple_of3A_216 : i32 to index
      %swap3A_224 = tpu.vector_load %arg12[%swap3A_223] {strides = array<i32>} : memref<32064xf32, #tpu.memory_space<vmem>>, vector<16xf32>,
      tpu.vector_store %arg12[%swap3A_223], %broadcast_in_dim3A_222 {strides = array<i32>} : memref<32064xf32, #tpu.memory_space<vmem>>, vector<16xf32>,
      %scan3A_225 = arith.constant 0 : i32
      %scan3A_226 = arith.constant 4 : i32
      %scan3A_227 = arith.addi %scan3A_170, %scan3A_226 : i32
      %mul3A_228 = arith.constant 16 : i32
      %mul3A_229 = arith.muli %scan3A_227, %mul3A_228 : i32
      %multiple_of3A_230 = tpu.assume_multiple %mul3A_229, 8 : i32
      %broadcast_in_dim3A_231 = arith.constant 0.000000e+00 : f32
      %broadcast_in_dim3A_232 = vector.broadcast %broadcast_in_dim3A_231 : f32 to vector<16xf32>
      %swap3A_233 = arith.index_cast %multiple_of3A_230 : i32 to index
      %swap3A_234 = tpu.vector_load %arg11[%swap3A_233] {strides = array<i32>} : memref<32064xf32, #tpu.memory_space<vmem>>, vector<16xf32>,
      tpu.vector_store %arg11[%swap3A_233], %broadcast_in_dim3A_232 {strides = array<i32>} : memref<32064xf32, #tpu.memory_space<vmem>>, vector<16xf32>,
      %broadcast_in_dim3A_235 = arith.constant 0.000000e+00 : f32
      %broadcast_in_dim3A_236 = vector.broadcast %broadcast_in_dim3A_235 : f32 to vector<16xf32>
      %swap3A_237 = arith.index_cast %multiple_of3A_230 : i32 to index
      %swap3A_238 = tpu.vector_load %arg12[%swap3A_237] {strides = array<i32>} : memref<32064xf32, #tpu.memory_space<vmem>>, vector<16xf32>,
      tpu.vector_store %arg12[%swap3A_237], %broadcast_in_dim3A_236 {strides = array<i32>} : memref<32064xf32, #tpu.memory_space<vmem>>, vector<16xf32>,
      %scan3A_239 = arith.constant 0 : i32
      %scan3A_240 = arith.constant 5 : i32
      %scan3A_241 = arith.addi %scan3A_170, %scan3A_240 : i32
      %mul3A_242 = arith.constant 16 : i32
      %mul3A_243 = arith.muli %scan3A_241, %mul3A_242 : i32
      %multiple_of3A_244 = tpu.assume_multiple %mul3A_243, 8 : i32
      %broadcast_in_dim3A_245 = arith.constant 0.000000e+00 : f32
      %broadcast_in_dim3A_246 = vector.broadcast %broadcast_in_dim3A_245 : f32 to vector<16xf32>
      %swap3A_247 = arith.index_cast %multiple_of3A_244 : i32 to index
      %swap3A_248 = tpu.vector_load %arg11[%swap3A_247] {strides = array<i32>} : memref<32064xf32, #tpu.memory_space<vmem>>, vector<16xf32>,
      tpu.vector_store %arg11[%swap3A_247], %broadcast_in_dim3A_246 {strides = array<i32>} : memref<32064xf32, #tpu.memory_space<vmem>>, vector<16xf32>,
      %broadcast_in_dim3A_249 = arith.constant 0.000000e+00 : f32
      %broadcast_in_dim3A_250 = vector.broadcast %broadcast_in_dim3A_249 : f32 to vector<16xf32>
      %swap3A_251 = arith.index_cast %multiple_of3A_244 : i32 to index
      %swap3A_252 = tpu.vector_load %arg12[%swap3A_251] {strides = array<i32>} : memref<32064xf32, #tpu.memory_space<vmem>>, vector<16xf32>,
      tpu.vector_store %arg12[%swap3A_251], %broadcast_in_dim3A_250 {strides = array<i32>} : memref<32064xf32, #tpu.memory_space<vmem>>, vector<16xf32>,
      %scan3A_253 = arith.constant 0 : i32
      %scan3A_254 = arith.constant 6 : i32
      %scan3A_255 = arith.addi %scan3A_170, %scan3A_254 : i32
      %mul3A_256 = arith.constant 16 : i32
      %mul3A_257 = arith.muli %scan3A_255, %mul3A_256 : i32
      %multiple_of3A_258 = tpu.assume_multiple %mul3A_257, 8 : i32
      %broadcast_in_dim3A_259 = arith.constant 0.000000e+00 : f32
      %broadcast_in_dim3A_260 = vector.broadcast %broadcast_in_dim3A_259 : f32 to vector<16xf32>
      %swap3A_261 = arith.index_cast %multiple_of3A_258 : i32 to index
      %swap3A_262 = tpu.vector_load %arg11[%swap3A_261] {strides = array<i32>} : memref<32064xf32, #tpu.memory_space<vmem>>, vector<16xf32>,
      tpu.vector_store %arg11[%swap3A_261], %broadcast_in_dim3A_260 {strides = array<i32>} : memref<32064xf32, #tpu.memory_space<vmem>>, vector<16xf32>,
      %broadcast_in_dim3A_263 = arith.constant 0.000000e+00 : f32
      %broadcast_in_dim3A_264 = vector.broadcast %broadcast_in_dim3A_263 : f32 to vector<16xf32>
      %swap3A_265 = arith.index_cast %multiple_of3A_258 : i32 to index
      %swap3A_266 = tpu.vector_load %arg12[%swap3A_265] {strides = array<i32>} : memref<32064xf32, #tpu.memory_space<vmem>>, vector<16xf32>,
      tpu.vector_store %arg12[%swap3A_265], %broadcast_in_dim3A_264 {strides = array<i32>} : memref<32064xf32, #tpu.memory_space<vmem>>, vector<16xf32>,
      %scan3A_267 = arith.constant 0 : i32
      %scan3A_268 = arith.constant 7 : i32
      %scan3A_269 = arith.addi %scan3A_170, %scan3A_268 : i32
      %mul3A_270 = arith.constant 16 : i32
      %mul3A_271 = arith.muli %scan3A_269, %mul3A_270 : i32
      %multiple_of3A_272 = tpu.assume_multiple %mul3A_271, 8 : i32
      %broadcast_in_dim3A_273 = arith.constant 0.000000e+00 : f32
      %broadcast_in_dim3A_274 = vector.broadcast %broadcast_in_dim3A_273 : f32 to vector<16xf32>
      %swap3A_275 = arith.index_cast %multiple_of3A_272 : i32 to index
      %swap3A_276 = tpu.vector_load %arg11[%swap3A_275] {strides = array<i32>} : memref<32064xf32, #tpu.memory_space<vmem>>, vector<16xf32>,
      tpu.vector_store %arg11[%swap3A_275], %broadcast_in_dim3A_274 {strides = array<i32>} : memref<32064xf32, #tpu.memory_space<vmem>>, vector<16xf32>,
      %broadcast_in_dim3A_277 = arith.constant 0.000000e+00 : f32
      %broadcast_in_dim3A_278 = vector.broadcast %broadcast_in_dim3A_277 : f32 to vector<16xf32>
      %swap3A_279 = arith.index_cast %multiple_of3A_272 : i32 to index
      %swap3A_280 = tpu.vector_load %arg12[%swap3A_279] {strides = array<i32>} : memref<32064xf32, #tpu.memory_space<vmem>>, vector<16xf32>,
      tpu.vector_store %arg12[%swap3A_279], %broadcast_in_dim3A_278 {strides = array<i32>} : memref<32064xf32, #tpu.memory_space<vmem>>, vector<16xf32>,
      %scan3A_281 = arith.constant 0 : i32
      scf.yield %scan3A_281 : i32
    }
    %scan3A_36 = arith.constant 2000 : i32
    %scan3A_37 = arith.addi %scan3A_31, %scan3A_36 : i32
    %mul3A_38 = arith.constant 16 : i32
    %mul3A_39 = arith.muli %scan3A_37, %mul3A_38 : i32
    %multiple_of3A_40 = tpu.assume_multiple %mul3A_39, 8 : i32
    %broadcast_in_dim3A_41 = arith.constant 0.000000e+00 : f32
    %broadcast_in_dim3A_42 = vector.broadcast %broadcast_in_dim3A_41 : f32 to vector<16xf32>
    %swap3A = arith.index_cast %multiple_of3A_40 : i32 to index
    %swap3A_43 = tpu.vector_load %arg11[%swap3A] {strides = array<i32>} : memref<32064xf32, #tpu.memory_space<vmem>>, vector<16xf32>,
    tpu.vector_store %arg11[%swap3A], %broadcast_in_dim3A_42 {strides = array<i32>} : memref<32064xf32, #tpu.memory_space<vmem>>, vector<16xf32>,
    %broadcast_in_dim3A_44 = arith.constant 0.000000e+00 : f32
    %broadcast_in_dim3A_45 = vector.broadcast %broadcast_in_dim3A_44 : f32 to vector<16xf32>
    %swap3A_46 = arith.index_cast %multiple_of3A_40 : i32 to index
    %swap3A_47 = tpu.vector_load %arg12[%swap3A_46] {strides = array<i32>} : memref<32064xf32, #tpu.memory_space<vmem>>, vector<16xf32>,
    tpu.vector_store %arg12[%swap3A_46], %broadcast_in_dim3A_45 {strides = array<i32>} : memref<32064xf32, #tpu.memory_space<vmem>>, vector<16xf32>,
    %scan3A_48 = arith.constant 0 : i32
    %scan3A_49 = arith.constant 2001 : i32
    %scan3A_50 = arith.addi %scan3A_31, %scan3A_49 : i32
    %mul3A_51 = arith.constant 16 : i32
    %mul3A_52 = arith.muli %scan3A_50, %mul3A_51 : i32
    %multiple_of3A_53 = tpu.assume_multiple %mul3A_52, 8 : i32
    %broadcast_in_dim3A_54 = arith.constant 0.000000e+00 : f32
    %broadcast_in_dim3A_55 = vector.broadcast %broadcast_in_dim3A_54 : f32 to vector<16xf32>
    %swap3A_56 = arith.index_cast %multiple_of3A_53 : i32 to index
    %swap3A_57 = tpu.vector_load %arg11[%swap3A_56] {strides = array<i32>} : memref<32064xf32, #tpu.memory_space<vmem>>, vector<16xf32>,
    tpu.vector_store %arg11[%swap3A_56], %broadcast_in_dim3A_55 {strides = array<i32>} : memref<32064xf32, #tpu.memory_space<vmem>>, vector<16xf32>,
    %broadcast_in_dim3A_58 = arith.constant 0.000000e+00 : f32
    %broadcast_in_dim3A_59 = vector.broadcast %broadcast_in_dim3A_58 : f32 to vector<16xf32>
    %swap3A_60 = arith.index_cast %multiple_of3A_53 : i32 to index
    %swap3A_61 = tpu.vector_load %arg12[%swap3A_60] {strides = array<i32>} : memref<32064xf32, #tpu.memory_space<vmem>>, vector<16xf32>,
    tpu.vector_store %arg12[%swap3A_60], %broadcast_in_dim3A_59 {strides = array<i32>} : memref<32064xf32, #tpu.memory_space<vmem>>, vector<16xf32>,
    %scan3A_62 = arith.constant 0 : i32
    %scan3A_63 = arith.constant 2002 : i32
    %scan3A_64 = arith.addi %scan3A_31, %scan3A_63 : i32
    %mul3A_65 = arith.constant 16 : i32
    %mul3A_66 = arith.muli %scan3A_64, %mul3A_65 : i32
    %multiple_of3A_67 = tpu.assume_multiple %mul3A_66, 8 : i32
    %broadcast_in_dim3A_68 = arith.constant 0.000000e+00 : f32
    %broadcast_in_dim3A_69 = vector.broadcast %broadcast_in_dim3A_68 : f32 to vector<16xf32>
    %swap3A_70 = arith.index_cast %multiple_of3A_67 : i32 to index
    %swap3A_71 = tpu.vector_load %arg11[%swap3A_70] {strides = array<i32>} : memref<32064xf32, #tpu.memory_space<vmem>>, vector<16xf32>,
    tpu.vector_store %arg11[%swap3A_70], %broadcast_in_dim3A_69 {strides = array<i32>} : memref<32064xf32, #tpu.memory_space<vmem>>, vector<16xf32>,
    %broadcast_in_dim3A_72 = arith.constant 0.000000e+00 : f32
    %broadcast_in_dim3A_73 = vector.broadcast %broadcast_in_dim3A_72 : f32 to vector<16xf32>
    %swap3A_74 = arith.index_cast %multiple_of3A_67 : i32 to index
    %swap3A_75 = tpu.vector_load %arg12[%swap3A_74] {strides = array<i32>} : memref<32064xf32, #tpu.memory_space<vmem>>, vector<16xf32>,
    tpu.vector_store %arg12[%swap3A_74], %broadcast_in_dim3A_73 {strides = array<i32>} : memref<32064xf32, #tpu.memory_space<vmem>>, vector<16xf32>,
    %scan3A_76 = arith.constant 0 : i32
    %scan3A_77 = arith.constant 2003 : i32
    %scan3A_78 = arith.addi %scan3A_31, %scan3A_77 : i32
    %mul3A_79 = arith.constant 16 : i32
    %mul3A_80 = arith.muli %scan3A_78, %mul3A_79 : i32
    %multiple_of3A_81 = tpu.assume_multiple %mul3A_80, 8 : i32
    %broadcast_in_dim3A_82 = arith.constant 0.000000e+00 : f32
    %broadcast_in_dim3A_83 = vector.broadcast %broadcast_in_dim3A_82 : f32 to vector<16xf32>
    %swap3A_84 = arith.index_cast %multiple_of3A_81 : i32 to index
    %swap3A_85 = tpu.vector_load %arg11[%swap3A_84] {strides = array<i32>} : memref<32064xf32, #tpu.memory_space<vmem>>, vector<16xf32>,
    tpu.vector_store %arg11[%swap3A_84], %broadcast_in_dim3A_83 {strides = array<i32>} : memref<32064xf32, #tpu.memory_space<vmem>>, vector<16xf32>,
    %broadcast_in_dim3A_86 = arith.constant 0.000000e+00 : f32
    %broadcast_in_dim3A_87 = vector.broadcast %broadcast_in_dim3A_86 : f32 to vector<16xf32>
    %swap3A_88 = arith.index_cast %multiple_of3A_81 : i32 to index
    %swap3A_89 = tpu.vector_load %arg12[%swap3A_88] {strides = array<i32>} : memref<32064xf32, #tpu.memory_space<vmem>>, vector<16xf32>,
    tpu.vector_store %arg12[%swap3A_88], %broadcast_in_dim3A_87 {strides = array<i32>} : memref<32064xf32, #tpu.memory_space<vmem>>, vector<16xf32>,
    %scan3A_90 = arith.constant 0 : i32
    %scan3A_91 = arith.constant 2004 : i32
    %scan3A_92 = arith.constant 0 : i32
    %scan3A_93 = arith.constant 0 : i32
    %scan3A_94 = arith.constant 40 : i32
    %scan3A_95 = arith.addi %scan3A_93, %scan3A_94 : i32
    %scan3A_96 = arith.constant 1 : i32
    %scan3A_97 = scf.for %scan3A_170 = %scan3A_93 to %scan3A_95 step %scan3A_96 iter_args(%scan3A_171 = %scan3A_92) -> (i32)  : i32 {
      %mul3A_172 = arith.constant 8000 : i32
      %mul3A_173 = arith.muli %scan3A_170, %mul3A_172 : i32
      %multiple_of3A_174 = tpu.assume_multiple %mul3A_173, 8 : i32
      "tpu.region"() ({
        %run_scoped3A = tpu.sem_alloc : memref<!tpu.dma_semaphore, #tpu.memory_space<semaphore_mem>>
        %dma_start3A = tpu.memref_slice %arg3[%multiple_of3A_174] : memref<320000xi32, #tpu.memory_space<hbm>> -> memref<8000xi32, #tpu.memory_space<hbm>>
        %dma_start3A_180 = tpu.memref_slice %arg3[%multiple_of3A_174] : memref<320000xi32, #tpu.memory_space<hbm>> -> memref<8000xi32, #tpu.memory_space<hbm>>
        tpu.enqueue_dma source(%dma_start3A_180 : memref<8000xi32, #tpu.memory_space<hbm>>) target(%arg8 : memref<8000xi32, #tpu.memory_space<vmem>>) target_semaphore(%run_scoped3A : memref<!tpu.dma_semaphore, #tpu.memory_space<semaphore_mem>>)
        %dma_wait3A = tpu.memref_slice %arg3[%multiple_of3A_174] : memref<320000xi32, #tpu.memory_space<hbm>> -> memref<8000xi32, #tpu.memory_space<hbm>>
        %dma_wait3A_181 = tpu.memref_slice %arg3[%multiple_of3A_174] : memref<320000xi32, #tpu.memory_space<hbm>> -> memref<8000xi32, #tpu.memory_space<hbm>>
        tpu.wait_dma2 semaphore(%run_scoped3A : memref<!tpu.dma_semaphore, #tpu.memory_space<semaphore_mem>>) src(%dma_wait3A_181 : memref<8000xi32, #tpu.memory_space<hbm>>) dst(%arg8 : memref<8000xi32, #tpu.memory_space<vmem>>)
        tpu.yield
      }) : () -> ()
      "tpu.region"() ({
        %run_scoped3A = tpu.sem_alloc : memref<!tpu.dma_semaphore, #tpu.memory_space<semaphore_mem>>
        %dma_start3A = tpu.memref_slice %arg4[%multiple_of3A_174] : memref<320000xi32, #tpu.memory_space<hbm>> -> memref<8000xi32, #tpu.memory_space<hbm>>
        %dma_start3A_180 = tpu.memref_slice %arg4[%multiple_of3A_174] : memref<320000xi32, #tpu.memory_space<hbm>> -> memref<8000xi32, #tpu.memory_space<hbm>>
        tpu.enqueue_dma source(%dma_start3A_180 : memref<8000xi32, #tpu.memory_space<hbm>>) target(%arg9 : memref<8000xi32, #tpu.memory_space<vmem>>) target_semaphore(%run_scoped3A : memref<!tpu.dma_semaphore, #tpu.memory_space<semaphore_mem>>)
        %dma_wait3A = tpu.memref_slice %arg4[%multiple_of3A_174] : memref<320000xi32, #tpu.memory_space<hbm>> -> memref<8000xi32, #tpu.memory_space<hbm>>
        %dma_wait3A_181 = tpu.memref_slice %arg4[%multiple_of3A_174] : memref<320000xi32, #tpu.memory_space<hbm>> -> memref<8000xi32, #tpu.memory_space<hbm>>
        tpu.wait_dma2 semaphore(%run_scoped3A : memref<!tpu.dma_semaphore, #tpu.memory_space<semaphore_mem>>) src(%dma_wait3A_181 : memref<8000xi32, #tpu.memory_space<hbm>>) dst(%arg9 : memref<8000xi32, #tpu.memory_space<vmem>>)
        tpu.yield
      }) : () -> ()
      %parallel_loop3A = arith.constant 0 : i32
      %parallel_loop3A_175 = arith.constant 500 : i32
      %parallel_loop3A_176 = arith.constant 1 : i32
      %parallel_loop3A_177 = arith.constant 0 : i32
      %parallel_loop3A_178 = scf.for %parallel_loop3A_180 = %parallel_loop3A to %parallel_loop3A_175 step %parallel_loop3A_176 iter_args(%parallel_loop3A_181 = %parallel_loop3A_177) -> (i32)  : i32 {
        %parallel_loop3A_182 = arith.constant 16 : i32
        %parallel_loop3A_183 = arith.muli %parallel_loop3A_180, %parallel_loop3A_182 : i32
        %parallel_loop3A_184 = tpu.assume_multiple %parallel_loop3A_183, 8 : i32
        %parallel_loop3A_185 = arith.index_cast %parallel_loop3A_184 : i32 to index
        %parallel_loop3A_186 = tpu.vector_load %arg8[%parallel_loop3A_185] {strides = array<i32>} : memref<8000xi32, #tpu.memory_space<vmem>>, vector<16xi32>,
        %parallel_loop3A_187 = arith.index_cast %parallel_loop3A_184 : i32 to index
        %parallel_loop3A_188 = tpu.vector_load %arg9[%parallel_loop3A_187] {strides = array<i32>} : memref<8000xi32, #tpu.memory_space<vmem>>, vector<16xi32>,
        %parallel_loop3A_189 = arith.constant 0 : i32
        %parallel_loop3A_190 = vector.broadcast %parallel_loop3A_189 : i32 to vector<16xi32>
        %parallel_loop3A_191 = arith.addi %parallel_loop3A_186, %parallel_loop3A_190 : vector<16xi32>
        %parallel_loop3A_192 = tpu.vector_load_idx %arg7[%parallel_loop3A_191] : memref<32064xf32, #tpu.memory_space<vmem>>[vector<16xi32>], vector<16xf32>,
        %parallel_loop3A_193 = arith.constant 0.000000e+00 : f32
        %parallel_loop3A_194 = vector.broadcast %parallel_loop3A_193 : f32 to vector<16xf32>
        %parallel_loop3A_195 = arith.maximumf %parallel_loop3A_192, %parallel_loop3A_194 : vector<16xf32>
        %parallel_loop3A_196 = arith.constant 1.000000e-07 : f32
        %parallel_loop3A_197 = vector.broadcast %parallel_loop3A_196 : f32 to vector<16xf32>
        %parallel_loop3A_198 = arith.addf %parallel_loop3A_195, %parallel_loop3A_197 : vector<16xf32>
        %parallel_loop3A_199 = arith.subf %parallel_loop3A_198, %gather3A : vector<16xf32>
        %parallel_loop3A_200 = math.exp %parallel_loop3A_199 : vector<16xf32>
        %parallel_loop3A_201 = arith.constant 0 : i32
        %parallel_loop3A_202 = vector.broadcast %parallel_loop3A_201 : i32 to vector<16xi32>
        %parallel_loop3A_203 = arith.addi %parallel_loop3A_188, %parallel_loop3A_202 : vector<16xi32>
        tpu.vector_store_idx %arg11[%parallel_loop3A_203], %parallel_loop3A_200 {add = true} : memref<32064xf32, #tpu.memory_space<vmem>>[vector<16xi32>], vector<16xf32>,
        %parallel_loop3A_204 = arith.mulf %parallel_loop3A_200, %parallel_loop3A_198 : vector<16xf32>
        tpu.vector_store_idx %arg12[%parallel_loop3A_203], %parallel_loop3A_204 {add = true} : memref<32064xf32, #tpu.memory_space<vmem>>[vector<16xi32>], vector<16xf32>,
        %parallel_loop3A_205 = arith.constant 8016 : i32
        %parallel_loop3A_206 = vector.broadcast %parallel_loop3A_205 : i32 to vector<16xi32>
        %parallel_loop3A_207 = arith.addi %parallel_loop3A_186, %parallel_loop3A_206 : vector<16xi32>
        %parallel_loop3A_208 = tpu.vector_load_idx %arg7[%parallel_loop3A_207] : memref<32064xf32, #tpu.memory_space<vmem>>[vector<16xi32>], vector<16xf32>,
        %parallel_loop3A_209 = arith.constant 0.000000e+00 : f32
        %parallel_loop3A_210 = vector.broadcast %parallel_loop3A_209 : f32 to vector<16xf32>
        %parallel_loop3A_211 = arith.maximumf %parallel_loop3A_208, %parallel_loop3A_210 : vector<16xf32>
        %parallel_loop3A_212 = arith.constant 1.000000e-07 : f32
        %parallel_loop3A_213 = vector.broadcast %parallel_loop3A_212 : f32 to vector<16xf32>
        %parallel_loop3A_214 = arith.addf %parallel_loop3A_211, %parallel_loop3A_213 : vector<16xf32>
        %parallel_loop3A_215 = arith.subf %parallel_loop3A_214, %gather3A_16 : vector<16xf32>
        %parallel_loop3A_216 = math.exp %parallel_loop3A_215 : vector<16xf32>
        %parallel_loop3A_217 = arith.constant 8016 : i32
        %parallel_loop3A_218 = vector.broadcast %parallel_loop3A_217 : i32 to vector<16xi32>
        %parallel_loop3A_219 = arith.addi %parallel_loop3A_188, %parallel_loop3A_218 : vector<16xi32>
        tpu.vector_store_idx %arg11[%parallel_loop3A_219], %parallel_loop3A_216 {add = true} : memref<32064xf32, #tpu.memory_space<vmem>>[vector<16xi32>], vector<16xf32>,
        %parallel_loop3A_220 = arith.mulf %parallel_loop3A_216, %parallel_loop3A_214 : vector<16xf32>
        tpu.vector_store_idx %arg12[%parallel_loop3A_219], %parallel_loop3A_220 {add = true} : memref<32064xf32, #tpu.memory_space<vmem>>[vector<16xi32>], vector<16xf32>,
        %parallel_loop3A_221 = arith.constant 16032 : i32
        %parallel_loop3A_222 = vector.broadcast %parallel_loop3A_221 : i32 to vector<16xi32>
        %parallel_loop3A_223 = arith.addi %parallel_loop3A_186, %parallel_loop3A_222 : vector<16xi32>
        %parallel_loop3A_224 = tpu.vector_load_idx %arg7[%parallel_loop3A_223] : memref<32064xf32, #tpu.memory_space<vmem>>[vector<16xi32>], vector<16xf32>,
        %parallel_loop3A_225 = arith.constant 0.000000e+00 : f32
        %parallel_loop3A_226 = vector.broadcast %parallel_loop3A_225 : f32 to vector<16xf32>
        %parallel_loop3A_227 = arith.maximumf %parallel_loop3A_224, %parallel_loop3A_226 : vector<16xf32>
        %parallel_loop3A_228 = arith.constant 1.000000e-07 : f32
        %parallel_loop3A_229 = vector.broadcast %parallel_loop3A_228 : f32 to vector<16xf32>
        %parallel_loop3A_230 = arith.addf %parallel_loop3A_227, %parallel_loop3A_229 : vector<16xf32>
        %parallel_loop3A_231 = arith.subf %parallel_loop3A_230, %gather3A_23 : vector<16xf32>
        %parallel_loop3A_232 = math.exp %parallel_loop3A_231 : vector<16xf32>
        %parallel_loop3A_233 = arith.constant 16032 : i32
        %parallel_loop3A_234 = vector.broadcast %parallel_loop3A_233 : i32 to vector<16xi32>
        %parallel_loop3A_235 = arith.addi %parallel_loop3A_188, %parallel_loop3A_234 : vector<16xi32>
        tpu.vector_store_idx %arg11[%parallel_loop3A_235], %parallel_loop3A_232 {add = true} : memref<32064xf32, #tpu.memory_space<vmem>>[vector<16xi32>], vector<16xf32>,
        %parallel_loop3A_236 = arith.mulf %parallel_loop3A_232, %parallel_loop3A_230 : vector<16xf32>
        tpu.vector_store_idx %arg12[%parallel_loop3A_235], %parallel_loop3A_236 {add = true} : memref<32064xf32, #tpu.memory_space<vmem>>[vector<16xi32>], vector<16xf32>,
        %parallel_loop3A_237 = arith.constant 24048 : i32
        %parallel_loop3A_238 = vector.broadcast %parallel_loop3A_237 : i32 to vector<16xi32>
        %parallel_loop3A_239 = arith.addi %parallel_loop3A_186, %parallel_loop3A_238 : vector<16xi32>
        %parallel_loop3A_240 = tpu.vector_load_idx %arg7[%parallel_loop3A_239] : memref<32064xf32, #tpu.memory_space<vmem>>[vector<16xi32>], vector<16xf32>,
        %parallel_loop3A_241 = arith.constant 0.000000e+00 : f32
        %parallel_loop3A_242 = vector.broadcast %parallel_loop3A_241 : f32 to vector<16xf32>
        %parallel_loop3A_243 = arith.maximumf %parallel_loop3A_240, %parallel_loop3A_242 : vector<16xf32>
        %parallel_loop3A_244 = arith.constant 1.000000e-07 : f32
        %parallel_loop3A_245 = vector.broadcast %parallel_loop3A_244 : f32 to vector<16xf32>
        %parallel_loop3A_246 = arith.addf %parallel_loop3A_243, %parallel_loop3A_245 : vector<16xf32>
        %parallel_loop3A_247 = arith.subf %parallel_loop3A_246, %gather3A_30 : vector<16xf32>
        %parallel_loop3A_248 = math.exp %parallel_loop3A_247 : vector<16xf32>
        %parallel_loop3A_249 = arith.constant 24048 : i32
        %parallel_loop3A_250 = vector.broadcast %parallel_loop3A_249 : i32 to vector<16xi32>
        %parallel_loop3A_251 = arith.addi %parallel_loop3A_188, %parallel_loop3A_250 : vector<16xi32>
        tpu.vector_store_idx %arg11[%parallel_loop3A_251], %parallel_loop3A_248 {add = true} : memref<32064xf32, #tpu.memory_space<vmem>>[vector<16xi32>], vector<16xf32>,
        %parallel_loop3A_252 = arith.mulf %parallel_loop3A_248, %parallel_loop3A_246 : vector<16xf32>
        tpu.vector_store_idx %arg12[%parallel_loop3A_251], %parallel_loop3A_252 {add = true} : memref<32064xf32, #tpu.memory_space<vmem>>[vector<16xi32>], vector<16xf32>,
        scf.yield %parallel_loop3A_181 : i32
      } {sc.loop_unroll_factor = 4 : i64, sc.parallel_access}
      %scan3A_179 = arith.constant 0 : i32
      scf.yield %scan3A_179 : i32
    }
    %scan3A_98 = arith.constant 40 : i32
    %scan3A_99 = arith.constant 0 : i32
    %scan3A_100 = arith.constant 0 : i32
    %scan3A_101 = arith.constant 2000 : i32
    %scan3A_102 = arith.addi %scan3A_100, %scan3A_101 : i32
    %scan3A_103 = arith.constant 8 : i32
    %scan3A_104 = scf.for %scan3A_170 = %scan3A_100 to %scan3A_102 step %scan3A_103 iter_args(%scan3A_171 = %scan3A_99) -> (i32)  : i32 {
      %mul3A_172 = arith.constant 16 : i32
      %mul3A_173 = arith.muli %scan3A_170, %mul3A_172 : i32
      %multiple_of3A_174 = tpu.assume_multiple %mul3A_173, 8 : i32
      %get3A_175 = arith.index_cast %multiple_of3A_174 : i32 to index
      %get3A_176 = tpu.vector_load %arg12[%get3A_175] {strides = array<i32>} : memref<32064xf32, #tpu.memory_space<vmem>>, vector<16xf32>,
      %get3A_177 = arith.index_cast %multiple_of3A_174 : i32 to index
      %get3A_178 = tpu.vector_load %arg11[%get3A_177] {strides = array<i32>} : memref<32064xf32, #tpu.memory_space<vmem>>, vector<16xf32>,
      %max3A_179 = arith.constant 1.000000e-30 : f32
      %max3A_180 = vector.broadcast %max3A_179 : f32 to vector<16xf32>
      %max3A_181 = arith.maximumf %get3A_178, %max3A_180 : vector<16xf32>
      %div3A_182 = arith.divf %get3A_176, %max3A_181 : vector<16xf32>
      %swap3A_183 = arith.index_cast %multiple_of3A_174 : i32 to index
      %swap3A_184 = tpu.vector_load %arg12[%swap3A_183] {strides = array<i32>} : memref<32064xf32, #tpu.memory_space<vmem>>, vector<16xf32>,
      tpu.vector_store %arg12[%swap3A_183], %div3A_182 {strides = array<i32>} : memref<32064xf32, #tpu.memory_space<vmem>>, vector<16xf32>,
      %scan3A_185 = arith.constant 0 : i32
      %scan3A_186 = arith.constant 1 : i32
      %scan3A_187 = arith.addi %scan3A_170, %scan3A_186 : i32
      %mul3A_188 = arith.constant 16 : i32
      %mul3A_189 = arith.muli %scan3A_187, %mul3A_188 : i32
      %multiple_of3A_190 = tpu.assume_multiple %mul3A_189, 8 : i32
      %get3A_191 = arith.index_cast %multiple_of3A_190 : i32 to index
      %get3A_192 = tpu.vector_load %arg12[%get3A_191] {strides = array<i32>} : memref<32064xf32, #tpu.memory_space<vmem>>, vector<16xf32>,
      %get3A_193 = arith.index_cast %multiple_of3A_190 : i32 to index
      %get3A_194 = tpu.vector_load %arg11[%get3A_193] {strides = array<i32>} : memref<32064xf32, #tpu.memory_space<vmem>>, vector<16xf32>,
      %max3A_195 = arith.constant 1.000000e-30 : f32
      %max3A_196 = vector.broadcast %max3A_195 : f32 to vector<16xf32>
      %max3A_197 = arith.maximumf %get3A_194, %max3A_196 : vector<16xf32>
      %div3A_198 = arith.divf %get3A_192, %max3A_197 : vector<16xf32>
      %swap3A_199 = arith.index_cast %multiple_of3A_190 : i32 to index
      %swap3A_200 = tpu.vector_load %arg12[%swap3A_199] {strides = array<i32>} : memref<32064xf32, #tpu.memory_space<vmem>>, vector<16xf32>,
      tpu.vector_store %arg12[%swap3A_199], %div3A_198 {strides = array<i32>} : memref<32064xf32, #tpu.memory_space<vmem>>, vector<16xf32>,
      %scan3A_201 = arith.constant 0 : i32
      %scan3A_202 = arith.constant 2 : i32
      %scan3A_203 = arith.addi %scan3A_170, %scan3A_202 : i32
      %mul3A_204 = arith.constant 16 : i32
      %mul3A_205 = arith.muli %scan3A_203, %mul3A_204 : i32
      %multiple_of3A_206 = tpu.assume_multiple %mul3A_205, 8 : i32
      %get3A_207 = arith.index_cast %multiple_of3A_206 : i32 to index
      %get3A_208 = tpu.vector_load %arg12[%get3A_207] {strides = array<i32>} : memref<32064xf32, #tpu.memory_space<vmem>>, vector<16xf32>,
      %get3A_209 = arith.index_cast %multiple_of3A_206 : i32 to index
      %get3A_210 = tpu.vector_load %arg11[%get3A_209] {strides = array<i32>} : memref<32064xf32, #tpu.memory_space<vmem>>, vector<16xf32>,
      %max3A_211 = arith.constant 1.000000e-30 : f32
      %max3A_212 = vector.broadcast %max3A_211 : f32 to vector<16xf32>
      %max3A_213 = arith.maximumf %get3A_210, %max3A_212 : vector<16xf32>
      %div3A_214 = arith.divf %get3A_208, %max3A_213 : vector<16xf32>
      %swap3A_215 = arith.index_cast %multiple_of3A_206 : i32 to index
      %swap3A_216 = tpu.vector_load %arg12[%swap3A_215] {strides = array<i32>} : memref<32064xf32, #tpu.memory_space<vmem>>, vector<16xf32>,
      tpu.vector_store %arg12[%swap3A_215], %div3A_214 {strides = array<i32>} : memref<32064xf32, #tpu.memory_space<vmem>>, vector<16xf32>,
      %scan3A_217 = arith.constant 0 : i32
      %scan3A_218 = arith.constant 3 : i32
      %scan3A_219 = arith.addi %scan3A_170, %scan3A_218 : i32
      %mul3A_220 = arith.constant 16 : i32
      %mul3A_221 = arith.muli %scan3A_219, %mul3A_220 : i32
      %multiple_of3A_222 = tpu.assume_multiple %mul3A_221, 8 : i32
      %get3A_223 = arith.index_cast %multiple_of3A_222 : i32 to index
      %get3A_224 = tpu.vector_load %arg12[%get3A_223] {strides = array<i32>} : memref<32064xf32, #tpu.memory_space<vmem>>, vector<16xf32>,
      %get3A_225 = arith.index_cast %multiple_of3A_222 : i32 to index
      %get3A_226 = tpu.vector_load %arg11[%get3A_225] {strides = array<i32>} : memref<32064xf32, #tpu.memory_space<vmem>>, vector<16xf32>,
      %max3A_227 = arith.constant 1.000000e-30 : f32
      %max3A_228 = vector.broadcast %max3A_227 : f32 to vector<16xf32>
      %max3A_229 = arith.maximumf %get3A_226, %max3A_228 : vector<16xf32>
      %div3A_230 = arith.divf %get3A_224, %max3A_229 : vector<16xf32>
      %swap3A_231 = arith.index_cast %multiple_of3A_222 : i32 to index
      %swap3A_232 = tpu.vector_load %arg12[%swap3A_231] {strides = array<i32>} : memref<32064xf32, #tpu.memory_space<vmem>>, vector<16xf32>,
      tpu.vector_store %arg12[%swap3A_231], %div3A_230 {strides = array<i32>} : memref<32064xf32, #tpu.memory_space<vmem>>, vector<16xf32>,
      %scan3A_233 = arith.constant 0 : i32
      %scan3A_234 = arith.constant 4 : i32
      %scan3A_235 = arith.addi %scan3A_170, %scan3A_234 : i32
      %mul3A_236 = arith.constant 16 : i32
      %mul3A_237 = arith.muli %scan3A_235, %mul3A_236 : i32
      %multiple_of3A_238 = tpu.assume_multiple %mul3A_237, 8 : i32
      %get3A_239 = arith.index_cast %multiple_of3A_238 : i32 to index
      %get3A_240 = tpu.vector_load %arg12[%get3A_239] {strides = array<i32>} : memref<32064xf32, #tpu.memory_space<vmem>>, vector<16xf32>,
      %get3A_241 = arith.index_cast %multiple_of3A_238 : i32 to index
      %get3A_242 = tpu.vector_load %arg11[%get3A_241] {strides = array<i32>} : memref<32064xf32, #tpu.memory_space<vmem>>, vector<16xf32>,
      %max3A_243 = arith.constant 1.000000e-30 : f32
      %max3A_244 = vector.broadcast %max3A_243 : f32 to vector<16xf32>
      %max3A_245 = arith.maximumf %get3A_242, %max3A_244 : vector<16xf32>
      %div3A_246 = arith.divf %get3A_240, %max3A_245 : vector<16xf32>
      %swap3A_247 = arith.index_cast %multiple_of3A_238 : i32 to index
      %swap3A_248 = tpu.vector_load %arg12[%swap3A_247] {strides = array<i32>} : memref<32064xf32, #tpu.memory_space<vmem>>, vector<16xf32>,
      tpu.vector_store %arg12[%swap3A_247], %div3A_246 {strides = array<i32>} : memref<32064xf32, #tpu.memory_space<vmem>>, vector<16xf32>,
      %scan3A_249 = arith.constant 0 : i32
      %scan3A_250 = arith.constant 5 : i32
      %scan3A_251 = arith.addi %scan3A_170, %scan3A_250 : i32
      %mul3A_252 = arith.constant 16 : i32
      %mul3A_253 = arith.muli %scan3A_251, %mul3A_252 : i32
      %multiple_of3A_254 = tpu.assume_multiple %mul3A_253, 8 : i32
      %get3A_255 = arith.index_cast %multiple_of3A_254 : i32 to index
      %get3A_256 = tpu.vector_load %arg12[%get3A_255] {strides = array<i32>} : memref<32064xf32, #tpu.memory_space<vmem>>, vector<16xf32>,
      %get3A_257 = arith.index_cast %multiple_of3A_254 : i32 to index
      %get3A_258 = tpu.vector_load %arg11[%get3A_257] {strides = array<i32>} : memref<32064xf32, #tpu.memory_space<vmem>>, vector<16xf32>,
      %max3A_259 = arith.constant 1.000000e-30 : f32
      %max3A_260 = vector.broadcast %max3A_259 : f32 to vector<16xf32>
      %max3A_261 = arith.maximumf %get3A_258, %max3A_260 : vector<16xf32>
      %div3A_262 = arith.divf %get3A_256, %max3A_261 : vector<16xf32>
      %swap3A_263 = arith.index_cast %multiple_of3A_254 : i32 to index
      %swap3A_264 = tpu.vector_load %arg12[%swap3A_263] {strides = array<i32>} : memref<32064xf32, #tpu.memory_space<vmem>>, vector<16xf32>,
      tpu.vector_store %arg12[%swap3A_263], %div3A_262 {strides = array<i32>} : memref<32064xf32, #tpu.memory_space<vmem>>, vector<16xf32>,
      %scan3A_265 = arith.constant 0 : i32
      %scan3A_266 = arith.constant 6 : i32
      %scan3A_267 = arith.addi %scan3A_170, %scan3A_266 : i32
      %mul3A_268 = arith.constant 16 : i32
      %mul3A_269 = arith.muli %scan3A_267, %mul3A_268 : i32
      %multiple_of3A_270 = tpu.assume_multiple %mul3A_269, 8 : i32
      %get3A_271 = arith.index_cast %multiple_of3A_270 : i32 to index
      %get3A_272 = tpu.vector_load %arg12[%get3A_271] {strides = array<i32>} : memref<32064xf32, #tpu.memory_space<vmem>>, vector<16xf32>,
      %get3A_273 = arith.index_cast %multiple_of3A_270 : i32 to index
      %get3A_274 = tpu.vector_load %arg11[%get3A_273] {strides = array<i32>} : memref<32064xf32, #tpu.memory_space<vmem>>, vector<16xf32>,
      %max3A_275 = arith.constant 1.000000e-30 : f32
      %max3A_276 = vector.broadcast %max3A_275 : f32 to vector<16xf32>
      %max3A_277 = arith.maximumf %get3A_274, %max3A_276 : vector<16xf32>
      %div3A_278 = arith.divf %get3A_272, %max3A_277 : vector<16xf32>
      %swap3A_279 = arith.index_cast %multiple_of3A_270 : i32 to index
      %swap3A_280 = tpu.vector_load %arg12[%swap3A_279] {strides = array<i32>} : memref<32064xf32, #tpu.memory_space<vmem>>, vector<16xf32>,
      tpu.vector_store %arg12[%swap3A_279], %div3A_278 {strides = array<i32>} : memref<32064xf32, #tpu.memory_space<vmem>>, vector<16xf32>,
      %scan3A_281 = arith.constant 0 : i32
      %scan3A_282 = arith.constant 7 : i32
      %scan3A_283 = arith.addi %scan3A_170, %scan3A_282 : i32
      %mul3A_284 = arith.constant 16 : i32
      %mul3A_285 = arith.muli %scan3A_283, %mul3A_284 : i32
      %multiple_of3A_286 = tpu.assume_multiple %mul3A_285, 8 : i32
      %get3A_287 = arith.index_cast %multiple_of3A_286 : i32 to index
      %get3A_288 = tpu.vector_load %arg12[%get3A_287] {strides = array<i32>} : memref<32064xf32, #tpu.memory_space<vmem>>, vector<16xf32>,
      %get3A_289 = arith.index_cast %multiple_of3A_286 : i32 to index
      %get3A_290 = tpu.vector_load %arg11[%get3A_289] {strides = array<i32>} : memref<32064xf32, #tpu.memory_space<vmem>>, vector<16xf32>,
      %max3A_291 = arith.constant 1.000000e-30 : f32
      %max3A_292 = vector.broadcast %max3A_291 : f32 to vector<16xf32>
      %max3A_293 = arith.maximumf %get3A_290, %max3A_292 : vector<16xf32>
      %div3A_294 = arith.divf %get3A_288, %max3A_293 : vector<16xf32>
      %swap3A_295 = arith.index_cast %multiple_of3A_286 : i32 to index
      %swap3A_296 = tpu.vector_load %arg12[%swap3A_295] {strides = array<i32>} : memref<32064xf32, #tpu.memory_space<vmem>>, vector<16xf32>,
      tpu.vector_store %arg12[%swap3A_295], %div3A_294 {strides = array<i32>} : memref<32064xf32, #tpu.memory_space<vmem>>, vector<16xf32>,
      %scan3A_297 = arith.constant 0 : i32
      scf.yield %scan3A_297 : i32
    }
    %scan3A_105 = arith.constant 2000 : i32
    %scan3A_106 = arith.addi %scan3A_100, %scan3A_105 : i32
    %mul3A_107 = arith.constant 16 : i32
    %mul3A_108 = arith.muli %scan3A_106, %mul3A_107 : i32
    %multiple_of3A_109 = tpu.assume_multiple %mul3A_108, 8 : i32
    %get3A = arith.index_cast %multiple_of3A_109 : i32 to index
    %get3A_110 = tpu.vector_load %arg12[%get3A] {strides = array<i32>} : memref<32064xf32, #tpu.memory_space<vmem>>, vector<16xf32>,
    %get3A_111 = arith.index_cast %multiple_of3A_109 : i32 to index
    %get3A_112 = tpu.vector_load %arg11[%get3A_111] {strides = array<i32>} : memref<32064xf32, #tpu.memory_space<vmem>>, vector<16xf32>,
    %max3A = arith.constant 1.000000e-30 : f32
    %max3A_113 = vector.broadcast %max3A : f32 to vector<16xf32>
    %max3A_114 = arith.maximumf %get3A_112, %max3A_113 : vector<16xf32>
    %div3A = arith.divf %get3A_110, %max3A_114 : vector<16xf32>
    %swap3A_115 = arith.index_cast %multiple_of3A_109 : i32 to index
    %swap3A_116 = tpu.vector_load %arg12[%swap3A_115] {strides = array<i32>} : memref<32064xf32, #tpu.memory_space<vmem>>, vector<16xf32>,
    tpu.vector_store %arg12[%swap3A_115], %div3A {strides = array<i32>} : memref<32064xf32, #tpu.memory_space<vmem>>, vector<16xf32>,
    %scan3A_117 = arith.constant 0 : i32
    %scan3A_118 = arith.constant 2001 : i32
    %scan3A_119 = arith.addi %scan3A_100, %scan3A_118 : i32
    %mul3A_120 = arith.constant 16 : i32
    %mul3A_121 = arith.muli %scan3A_119, %mul3A_120 : i32
    %multiple_of3A_122 = tpu.assume_multiple %mul3A_121, 8 : i32
    %get3A_123 = arith.index_cast %multiple_of3A_122 : i32 to index
    %get3A_124 = tpu.vector_load %arg12[%get3A_123] {strides = array<i32>} : memref<32064xf32, #tpu.memory_space<vmem>>, vector<16xf32>,
    %get3A_125 = arith.index_cast %multiple_of3A_122 : i32 to index
    %get3A_126 = tpu.vector_load %arg11[%get3A_125] {strides = array<i32>} : memref<32064xf32, #tpu.memory_space<vmem>>, vector<16xf32>,
    %max3A_127 = arith.constant 1.000000e-30 : f32
    %max3A_128 = vector.broadcast %max3A_127 : f32 to vector<16xf32>
    %max3A_129 = arith.maximumf %get3A_126, %max3A_128 : vector<16xf32>
    %div3A_130 = arith.divf %get3A_124, %max3A_129 : vector<16xf32>
    %swap3A_131 = arith.index_cast %multiple_of3A_122 : i32 to index
    %swap3A_132 = tpu.vector_load %arg12[%swap3A_131] {strides = array<i32>} : memref<32064xf32, #tpu.memory_space<vmem>>, vector<16xf32>,
    tpu.vector_store %arg12[%swap3A_131], %div3A_130 {strides = array<i32>} : memref<32064xf32, #tpu.memory_space<vmem>>, vector<16xf32>,
    %scan3A_133 = arith.constant 0 : i32
    %scan3A_134 = arith.constant 2002 : i32
    %scan3A_135 = arith.addi %scan3A_100, %scan3A_134 : i32
    %mul3A_136 = arith.constant 16 : i32
    %mul3A_137 = arith.muli %scan3A_135, %mul3A_136 : i32
    %multiple_of3A_138 = tpu.assume_multiple %mul3A_137, 8 : i32
    %get3A_139 = arith.index_cast %multiple_of3A_138 : i32 to index
    %get3A_140 = tpu.vector_load %arg12[%get3A_139] {strides = array<i32>} : memref<32064xf32, #tpu.memory_space<vmem>>, vector<16xf32>,
    %get3A_141 = arith.index_cast %multiple_of3A_138 : i32 to index
    %get3A_142 = tpu.vector_load %arg11[%get3A_141] {strides = array<i32>} : memref<32064xf32, #tpu.memory_space<vmem>>, vector<16xf32>,
    %max3A_143 = arith.constant 1.000000e-30 : f32
    %max3A_144 = vector.broadcast %max3A_143 : f32 to vector<16xf32>
    %max3A_145 = arith.maximumf %get3A_142, %max3A_144 : vector<16xf32>
    %div3A_146 = arith.divf %get3A_140, %max3A_145 : vector<16xf32>
    %swap3A_147 = arith.index_cast %multiple_of3A_138 : i32 to index
    %swap3A_148 = tpu.vector_load %arg12[%swap3A_147] {strides = array<i32>} : memref<32064xf32, #tpu.memory_space<vmem>>, vector<16xf32>,
    tpu.vector_store %arg12[%swap3A_147], %div3A_146 {strides = array<i32>} : memref<32064xf32, #tpu.memory_space<vmem>>, vector<16xf32>,
    %scan3A_149 = arith.constant 0 : i32
    %scan3A_150 = arith.constant 2003 : i32
    %scan3A_151 = arith.addi %scan3A_100, %scan3A_150 : i32
    %mul3A_152 = arith.constant 16 : i32
    %mul3A_153 = arith.muli %scan3A_151, %mul3A_152 : i32
    %multiple_of3A_154 = tpu.assume_multiple %mul3A_153, 8 : i32
    %get3A_155 = arith.index_cast %multiple_of3A_154 : i32 to index
    %get3A_156 = tpu.vector_load %arg12[%get3A_155] {strides = array<i32>} : memref<32064xf32, #tpu.memory_space<vmem>>, vector<16xf32>,
    %get3A_157 = arith.index_cast %multiple_of3A_154 : i32 to index
    %get3A_158 = tpu.vector_load %arg11[%get3A_157] {strides = array<i32>} : memref<32064xf32, #tpu.memory_space<vmem>>, vector<16xf32>,
    %max3A_159 = arith.constant 1.000000e-30 : f32
    %max3A_160 = vector.broadcast %max3A_159 : f32 to vector<16xf32>
    %max3A_161 = arith.maximumf %get3A_158, %max3A_160 : vector<16xf32>
    %div3A_162 = arith.divf %get3A_156, %max3A_161 : vector<16xf32>
    %swap3A_163 = arith.index_cast %multiple_of3A_154 : i32 to index
    %swap3A_164 = tpu.vector_load %arg12[%swap3A_163] {strides = array<i32>} : memref<32064xf32, #tpu.memory_space<vmem>>, vector<16xf32>,
    tpu.vector_store %arg12[%swap3A_163], %div3A_162 {strides = array<i32>} : memref<32064xf32, #tpu.memory_space<vmem>>, vector<16xf32>,
    %scan3A_165 = arith.constant 0 : i32
    %scan3A_166 = arith.constant 2004 : i32
    %mul3A_167 = arith.constant 8016 : i32
    %mul3A_168 = arith.muli %mul3A_2, %mul3A_167 : i32
    %multiple_of3A_169 = tpu.assume_multiple %mul3A_168, 8 : i32
    "tpu.region"() ({
      %run_scoped3A = tpu.sem_alloc : memref<!tpu.dma_semaphore, #tpu.memory_space<semaphore_mem>>
      %dma_start3A = tpu.memref_slice %arg6[%multiple_of3A_169] : memref<1026048xf32, #tpu.memory_space<hbm>> -> memref<32064xf32, #tpu.memory_space<hbm>>
      %dma_start3A_170 = tpu.memref_slice %arg6[%multiple_of3A_169] : memref<1026048xf32, #tpu.memory_space<hbm>> -> memref<32064xf32, #tpu.memory_space<hbm>>
      tpu.enqueue_dma source(%arg12 : memref<32064xf32, #tpu.memory_space<vmem>>) target(%dma_start3A_170 : memref<32064xf32, #tpu.memory_space<hbm>>) target_semaphore(%run_scoped3A : memref<!tpu.dma_semaphore, #tpu.memory_space<semaphore_mem>>)
      %dma_wait3A = tpu.memref_slice %arg6[%multiple_of3A_169] : memref<1026048xf32, #tpu.memory_space<hbm>> -> memref<32064xf32, #tpu.memory_space<hbm>>
      %dma_wait3A_171 = tpu.memref_slice %arg6[%multiple_of3A_169] : memref<1026048xf32, #tpu.memory_space<hbm>> -> memref<32064xf32, #tpu.memory_space<hbm>>
      tpu.wait_dma2 semaphore(%run_scoped3A : memref<!tpu.dma_semaphore, #tpu.memory_space<semaphore_mem>>) src(%arg12 : memref<32064xf32, #tpu.memory_space<vmem>>) dst(%dma_wait3A_171 : memref<32064xf32, #tpu.memory_space<hbm>>)
      tpu.yield
    }) : () -> ()
    return
  }
}

#map = affine_map<(d0, d1) -> (0)>
#map1 = affine_map<(d0, d1) -> (0, 0)>
module attributes {stable_mosaic.version = 14 : i64} {
  func.func @_conv1_body(%arg0: i32, %arg1: i32, %arg2: memref<40064xf32, #tpu.memory_space<hbm>>, %arg3: memref<1280000xf32, #tpu.memory_space<hbm>>, %arg4: memref<320000xi32, #tpu.memory_space<hbm>>, %arg5: memref<320000xi32, #tpu.memory_space<hbm>>, %arg6: memref<32x16xf32, #tpu.memory_space<hbm>>, %arg7: memref<641024xf32, #tpu.memory_space<hbm>>, %arg8: memref<10016xf32, #tpu.memory_space<vmem>>, %arg9: memref<8000xi32, #tpu.memory_space<vmem>>, %arg10: memref<8000xi32, #tpu.memory_space<vmem>>, %arg11: memref<8000xf32, #tpu.memory_space<vmem>>, %arg12: memref<16xf32, #tpu.memory_space<vmem>>, %arg13: memref<10016xf32, #tpu.memory_space<vmem>>, %arg14: memref<10016xf32, #tpu.memory_space<vmem>>) attributes {dimension_semantics = [#tpu.dimension_semantics<core_parallel>, #tpu.dimension_semantics<subcore_parallel>], iteration_bounds = array<i64: 2, 16>, scalar_prefetch = 0 : i64, scratch_operands = 7 : i64, tpu.core_type = #tpu.core_type<sc_vector_subcore>, window_params = [{transform_indices = #map}, {transform_indices = #map}, {transform_indices = #map}, {transform_indices = #map}, {transform_indices = #map1}, {transform_indices = #map}]} {
    %mul3A = arith.constant 2 : i32
    %mul3A_0 = arith.muli %arg1, %mul3A : i32
    %add3A = arith.addi %mul3A_0, %arg0 : i32
    %and3A = arith.constant 3 : i32
    %and3A_1 = arith.andi %add3A, %and3A : i32
    %shift_right_logical3A = arith.constant 2 : i32
    %shift_right_logical3A_2 = arith.shrui %add3A, %shift_right_logical3A : i32
    %mul3A_3 = arith.constant 10016 : i32
    %mul3A_4 = arith.muli %and3A_1, %mul3A_3 : i32
    %multiple_of3A = tpu.assume_multiple %mul3A_4, 8 : i32
    "tpu.region"() ({
      %run_scoped3A = tpu.sem_alloc : memref<!tpu.dma_semaphore, #tpu.memory_space<semaphore_mem>>
      %dma_start3A = tpu.memref_slice %arg2[%multiple_of3A] : memref<40064xf32, #tpu.memory_space<hbm>> -> memref<10016xf32, #tpu.memory_space<hbm>>
      %dma_start3A_55 = tpu.memref_slice %arg2[%multiple_of3A] : memref<40064xf32, #tpu.memory_space<hbm>> -> memref<10016xf32, #tpu.memory_space<hbm>>
      tpu.enqueue_dma source(%dma_start3A_55 : memref<10016xf32, #tpu.memory_space<hbm>>) target(%arg8 : memref<10016xf32, #tpu.memory_space<vmem>>) target_semaphore(%run_scoped3A : memref<!tpu.dma_semaphore, #tpu.memory_space<semaphore_mem>>)
      %dma_wait3A = tpu.memref_slice %arg2[%multiple_of3A] : memref<40064xf32, #tpu.memory_space<hbm>> -> memref<10016xf32, #tpu.memory_space<hbm>>
      %dma_wait3A_56 = tpu.memref_slice %arg2[%multiple_of3A] : memref<40064xf32, #tpu.memory_space<hbm>> -> memref<10016xf32, #tpu.memory_space<hbm>>
      tpu.wait_dma2 semaphore(%run_scoped3A : memref<!tpu.dma_semaphore, #tpu.memory_space<semaphore_mem>>) src(%dma_wait3A_56 : memref<10016xf32, #tpu.memory_space<hbm>>) dst(%arg8 : memref<10016xf32, #tpu.memory_space<vmem>>)
      tpu.yield
    }) : () -> ()
    "tpu.region"() ({
      %run_scoped3A = tpu.sem_alloc : memref<!tpu.dma_semaphore, #tpu.memory_space<semaphore_mem>>
      %dma_start3A = arith.constant 0 : i32
      %dma_start3A_55 = tpu.memref_slice %arg6[%add3A, %dma_start3A] : memref<32x16xf32, #tpu.memory_space<hbm>> -> memref<1x16xf32, #tpu.memory_space<hbm>>
      %dma_start3A_56 = tpu.memref_squeeze %dma_start3A_55 : memref<1x16xf32, #tpu.memory_space<hbm>> -> memref<16xf32, #tpu.memory_space<hbm>>
      %dma_start3A_57 = arith.constant 0 : i32
      %dma_start3A_58 = tpu.memref_slice %arg6[%add3A, %dma_start3A_57] : memref<32x16xf32, #tpu.memory_space<hbm>> -> memref<1x16xf32, #tpu.memory_space<hbm>>
      %dma_start3A_59 = tpu.memref_squeeze %dma_start3A_58 : memref<1x16xf32, #tpu.memory_space<hbm>> -> memref<16xf32, #tpu.memory_space<hbm>>
      tpu.enqueue_dma source(%dma_start3A_59 : memref<16xf32, #tpu.memory_space<hbm>>) target(%arg12 : memref<16xf32, #tpu.memory_space<vmem>>) target_semaphore(%run_scoped3A : memref<!tpu.dma_semaphore, #tpu.memory_space<semaphore_mem>>)
      %dma_wait3A = arith.constant 0 : i32
      %dma_wait3A_60 = tpu.memref_slice %arg6[%add3A, %dma_wait3A] : memref<32x16xf32, #tpu.memory_space<hbm>> -> memref<1x16xf32, #tpu.memory_space<hbm>>
      %dma_wait3A_61 = tpu.memref_squeeze %dma_wait3A_60 : memref<1x16xf32, #tpu.memory_space<hbm>> -> memref<16xf32, #tpu.memory_space<hbm>>
      %dma_wait3A_62 = arith.constant 0 : i32
      %dma_wait3A_63 = tpu.memref_slice %arg6[%add3A, %dma_wait3A_62] : memref<32x16xf32, #tpu.memory_space<hbm>> -> memref<1x16xf32, #tpu.memory_space<hbm>>
      %dma_wait3A_64 = tpu.memref_squeeze %dma_wait3A_63 : memref<1x16xf32, #tpu.memory_space<hbm>> -> memref<16xf32, #tpu.memory_space<hbm>>
      tpu.wait_dma2 semaphore(%run_scoped3A : memref<!tpu.dma_semaphore, #tpu.memory_space<semaphore_mem>>) src(%dma_wait3A_64 : memref<16xf32, #tpu.memory_space<hbm>>) dst(%arg12 : memref<16xf32, #tpu.memory_space<vmem>>)
      tpu.yield
    }) : () -> ()
    %get3A = arith.constant 0 : index
    %get3A_5 = tpu.vector_load %arg12[%get3A] {strides = array<i32>} : memref<16xf32, #tpu.memory_space<vmem>>, vector<16xf32>,
    %scan3A = arith.constant 0 : i32
    %scan3A_6 = arith.constant 0 : i32
    %scan3A_7 = arith.constant 624 : i32
    %scan3A_8 = arith.addi %scan3A_6, %scan3A_7 : i32
    %scan3A_9 = arith.constant 8 : i32
    %scan3A_10 = scf.for %scan3A_55 = %scan3A_6 to %scan3A_8 step %scan3A_9 iter_args(%scan3A_56 = %scan3A) -> (i32)  : i32 {
      %mul3A_57 = arith.constant 16 : i32
      %mul3A_58 = arith.muli %scan3A_55, %mul3A_57 : i32
      %multiple_of3A_59 = tpu.assume_multiple %mul3A_58, 8 : i32
      %broadcast_in_dim3A_60 = arith.constant 0.000000e+00 : f32
      %broadcast_in_dim3A_61 = vector.broadcast %broadcast_in_dim3A_60 : f32 to vector<16xf32>
      %swap3A_62 = arith.index_cast %multiple_of3A_59 : i32 to index
      %swap3A_63 = tpu.vector_load %arg13[%swap3A_62] {strides = array<i32>} : memref<10016xf32, #tpu.memory_space<vmem>>, vector<16xf32>,
      tpu.vector_store %arg13[%swap3A_62], %broadcast_in_dim3A_61 {strides = array<i32>} : memref<10016xf32, #tpu.memory_space<vmem>>, vector<16xf32>,
      %broadcast_in_dim3A_64 = arith.constant 0.000000e+00 : f32
      %broadcast_in_dim3A_65 = vector.broadcast %broadcast_in_dim3A_64 : f32 to vector<16xf32>
      %swap3A_66 = arith.index_cast %multiple_of3A_59 : i32 to index
      %swap3A_67 = tpu.vector_load %arg14[%swap3A_66] {strides = array<i32>} : memref<10016xf32, #tpu.memory_space<vmem>>, vector<16xf32>,
      tpu.vector_store %arg14[%swap3A_66], %broadcast_in_dim3A_65 {strides = array<i32>} : memref<10016xf32, #tpu.memory_space<vmem>>, vector<16xf32>,
      %scan3A_68 = arith.constant 0 : i32
      %scan3A_69 = arith.constant 1 : i32
      %scan3A_70 = arith.addi %scan3A_55, %scan3A_69 : i32
      %mul3A_71 = arith.constant 16 : i32
      %mul3A_72 = arith.muli %scan3A_70, %mul3A_71 : i32
      %multiple_of3A_73 = tpu.assume_multiple %mul3A_72, 8 : i32
      %broadcast_in_dim3A_74 = arith.constant 0.000000e+00 : f32
      %broadcast_in_dim3A_75 = vector.broadcast %broadcast_in_dim3A_74 : f32 to vector<16xf32>
      %swap3A_76 = arith.index_cast %multiple_of3A_73 : i32 to index
      %swap3A_77 = tpu.vector_load %arg13[%swap3A_76] {strides = array<i32>} : memref<10016xf32, #tpu.memory_space<vmem>>, vector<16xf32>,
      tpu.vector_store %arg13[%swap3A_76], %broadcast_in_dim3A_75 {strides = array<i32>} : memref<10016xf32, #tpu.memory_space<vmem>>, vector<16xf32>,
      %broadcast_in_dim3A_78 = arith.constant 0.000000e+00 : f32
      %broadcast_in_dim3A_79 = vector.broadcast %broadcast_in_dim3A_78 : f32 to vector<16xf32>
      %swap3A_80 = arith.index_cast %multiple_of3A_73 : i32 to index
      %swap3A_81 = tpu.vector_load %arg14[%swap3A_80] {strides = array<i32>} : memref<10016xf32, #tpu.memory_space<vmem>>, vector<16xf32>,
      tpu.vector_store %arg14[%swap3A_80], %broadcast_in_dim3A_79 {strides = array<i32>} : memref<10016xf32, #tpu.memory_space<vmem>>, vector<16xf32>,
      %scan3A_82 = arith.constant 0 : i32
      %scan3A_83 = arith.constant 2 : i32
      %scan3A_84 = arith.addi %scan3A_55, %scan3A_83 : i32
      %mul3A_85 = arith.constant 16 : i32
      %mul3A_86 = arith.muli %scan3A_84, %mul3A_85 : i32
      %multiple_of3A_87 = tpu.assume_multiple %mul3A_86, 8 : i32
      %broadcast_in_dim3A_88 = arith.constant 0.000000e+00 : f32
      %broadcast_in_dim3A_89 = vector.broadcast %broadcast_in_dim3A_88 : f32 to vector<16xf32>
      %swap3A_90 = arith.index_cast %multiple_of3A_87 : i32 to index
      %swap3A_91 = tpu.vector_load %arg13[%swap3A_90] {strides = array<i32>} : memref<10016xf32, #tpu.memory_space<vmem>>, vector<16xf32>,
      tpu.vector_store %arg13[%swap3A_90], %broadcast_in_dim3A_89 {strides = array<i32>} : memref<10016xf32, #tpu.memory_space<vmem>>, vector<16xf32>,
      %broadcast_in_dim3A_92 = arith.constant 0.000000e+00 : f32
      %broadcast_in_dim3A_93 = vector.broadcast %broadcast_in_dim3A_92 : f32 to vector<16xf32>
      %swap3A_94 = arith.index_cast %multiple_of3A_87 : i32 to index
      %swap3A_95 = tpu.vector_load %arg14[%swap3A_94] {strides = array<i32>} : memref<10016xf32, #tpu.memory_space<vmem>>, vector<16xf32>,
      tpu.vector_store %arg14[%swap3A_94], %broadcast_in_dim3A_93 {strides = array<i32>} : memref<10016xf32, #tpu.memory_space<vmem>>, vector<16xf32>,
      %scan3A_96 = arith.constant 0 : i32
      %scan3A_97 = arith.constant 3 : i32
      %scan3A_98 = arith.addi %scan3A_55, %scan3A_97 : i32
      %mul3A_99 = arith.constant 16 : i32
      %mul3A_100 = arith.muli %scan3A_98, %mul3A_99 : i32
      %multiple_of3A_101 = tpu.assume_multiple %mul3A_100, 8 : i32
      %broadcast_in_dim3A_102 = arith.constant 0.000000e+00 : f32
      %broadcast_in_dim3A_103 = vector.broadcast %broadcast_in_dim3A_102 : f32 to vector<16xf32>
      %swap3A_104 = arith.index_cast %multiple_of3A_101 : i32 to index
      %swap3A_105 = tpu.vector_load %arg13[%swap3A_104] {strides = array<i32>} : memref<10016xf32, #tpu.memory_space<vmem>>, vector<16xf32>,
      tpu.vector_store %arg13[%swap3A_104], %broadcast_in_dim3A_103 {strides = array<i32>} : memref<10016xf32, #tpu.memory_space<vmem>>, vector<16xf32>,
      %broadcast_in_dim3A_106 = arith.constant 0.000000e+00 : f32
      %broadcast_in_dim3A_107 = vector.broadcast %broadcast_in_dim3A_106 : f32 to vector<16xf32>
      %swap3A_108 = arith.index_cast %multiple_of3A_101 : i32 to index
      %swap3A_109 = tpu.vector_load %arg14[%swap3A_108] {strides = array<i32>} : memref<10016xf32, #tpu.memory_space<vmem>>, vector<16xf32>,
      tpu.vector_store %arg14[%swap3A_108], %broadcast_in_dim3A_107 {strides = array<i32>} : memref<10016xf32, #tpu.memory_space<vmem>>, vector<16xf32>,
      %scan3A_110 = arith.constant 0 : i32
      %scan3A_111 = arith.constant 4 : i32
      %scan3A_112 = arith.addi %scan3A_55, %scan3A_111 : i32
      %mul3A_113 = arith.constant 16 : i32
      %mul3A_114 = arith.muli %scan3A_112, %mul3A_113 : i32
      %multiple_of3A_115 = tpu.assume_multiple %mul3A_114, 8 : i32
      %broadcast_in_dim3A_116 = arith.constant 0.000000e+00 : f32
      %broadcast_in_dim3A_117 = vector.broadcast %broadcast_in_dim3A_116 : f32 to vector<16xf32>
      %swap3A_118 = arith.index_cast %multiple_of3A_115 : i32 to index
      %swap3A_119 = tpu.vector_load %arg13[%swap3A_118] {strides = array<i32>} : memref<10016xf32, #tpu.memory_space<vmem>>, vector<16xf32>,
      tpu.vector_store %arg13[%swap3A_118], %broadcast_in_dim3A_117 {strides = array<i32>} : memref<10016xf32, #tpu.memory_space<vmem>>, vector<16xf32>,
      %broadcast_in_dim3A_120 = arith.constant 0.000000e+00 : f32
      %broadcast_in_dim3A_121 = vector.broadcast %broadcast_in_dim3A_120 : f32 to vector<16xf32>
      %swap3A_122 = arith.index_cast %multiple_of3A_115 : i32 to index
      %swap3A_123 = tpu.vector_load %arg14[%swap3A_122] {strides = array<i32>} : memref<10016xf32, #tpu.memory_space<vmem>>, vector<16xf32>,
      tpu.vector_store %arg14[%swap3A_122], %broadcast_in_dim3A_121 {strides = array<i32>} : memref<10016xf32, #tpu.memory_space<vmem>>, vector<16xf32>,
      %scan3A_124 = arith.constant 0 : i32
      %scan3A_125 = arith.constant 5 : i32
      %scan3A_126 = arith.addi %scan3A_55, %scan3A_125 : i32
      %mul3A_127 = arith.constant 16 : i32
      %mul3A_128 = arith.muli %scan3A_126, %mul3A_127 : i32
      %multiple_of3A_129 = tpu.assume_multiple %mul3A_128, 8 : i32
      %broadcast_in_dim3A_130 = arith.constant 0.000000e+00 : f32
      %broadcast_in_dim3A_131 = vector.broadcast %broadcast_in_dim3A_130 : f32 to vector<16xf32>
      %swap3A_132 = arith.index_cast %multiple_of3A_129 : i32 to index
      %swap3A_133 = tpu.vector_load %arg13[%swap3A_132] {strides = array<i32>} : memref<10016xf32, #tpu.memory_space<vmem>>, vector<16xf32>,
      tpu.vector_store %arg13[%swap3A_132], %broadcast_in_dim3A_131 {strides = array<i32>} : memref<10016xf32, #tpu.memory_space<vmem>>, vector<16xf32>,
      %broadcast_in_dim3A_134 = arith.constant 0.000000e+00 : f32
      %broadcast_in_dim3A_135 = vector.broadcast %broadcast_in_dim3A_134 : f32 to vector<16xf32>
      %swap3A_136 = arith.index_cast %multiple_of3A_129 : i32 to index
      %swap3A_137 = tpu.vector_load %arg14[%swap3A_136] {strides = array<i32>} : memref<10016xf32, #tpu.memory_space<vmem>>, vector<16xf32>,
      tpu.vector_store %arg14[%swap3A_136], %broadcast_in_dim3A_135 {strides = array<i32>} : memref<10016xf32, #tpu.memory_space<vmem>>, vector<16xf32>,
      %scan3A_138 = arith.constant 0 : i32
      %scan3A_139 = arith.constant 6 : i32
      %scan3A_140 = arith.addi %scan3A_55, %scan3A_139 : i32
      %mul3A_141 = arith.constant 16 : i32
      %mul3A_142 = arith.muli %scan3A_140, %mul3A_141 : i32
      %multiple_of3A_143 = tpu.assume_multiple %mul3A_142, 8 : i32
      %broadcast_in_dim3A_144 = arith.constant 0.000000e+00 : f32
      %broadcast_in_dim3A_145 = vector.broadcast %broadcast_in_dim3A_144 : f32 to vector<16xf32>
      %swap3A_146 = arith.index_cast %multiple_of3A_143 : i32 to index
      %swap3A_147 = tpu.vector_load %arg13[%swap3A_146] {strides = array<i32>} : memref<10016xf32, #tpu.memory_space<vmem>>, vector<16xf32>,
      tpu.vector_store %arg13[%swap3A_146], %broadcast_in_dim3A_145 {strides = array<i32>} : memref<10016xf32, #tpu.memory_space<vmem>>, vector<16xf32>,
      %broadcast_in_dim3A_148 = arith.constant 0.000000e+00 : f32
      %broadcast_in_dim3A_149 = vector.broadcast %broadcast_in_dim3A_148 : f32 to vector<16xf32>
      %swap3A_150 = arith.index_cast %multiple_of3A_143 : i32 to index
      %swap3A_151 = tpu.vector_load %arg14[%swap3A_150] {strides = array<i32>} : memref<10016xf32, #tpu.memory_space<vmem>>, vector<16xf32>,
      tpu.vector_store %arg14[%swap3A_150], %broadcast_in_dim3A_149 {strides = array<i32>} : memref<10016xf32, #tpu.memory_space<vmem>>, vector<16xf32>,
      %scan3A_152 = arith.constant 0 : i32
      %scan3A_153 = arith.constant 7 : i32
      %scan3A_154 = arith.addi %scan3A_55, %scan3A_153 : i32
      %mul3A_155 = arith.constant 16 : i32
      %mul3A_156 = arith.muli %scan3A_154, %mul3A_155 : i32
      %multiple_of3A_157 = tpu.assume_multiple %mul3A_156, 8 : i32
      %broadcast_in_dim3A_158 = arith.constant 0.000000e+00 : f32
      %broadcast_in_dim3A_159 = vector.broadcast %broadcast_in_dim3A_158 : f32 to vector<16xf32>
      %swap3A_160 = arith.index_cast %multiple_of3A_157 : i32 to index
      %swap3A_161 = tpu.vector_load %arg13[%swap3A_160] {strides = array<i32>} : memref<10016xf32, #tpu.memory_space<vmem>>, vector<16xf32>,
      tpu.vector_store %arg13[%swap3A_160], %broadcast_in_dim3A_159 {strides = array<i32>} : memref<10016xf32, #tpu.memory_space<vmem>>, vector<16xf32>,
      %broadcast_in_dim3A_162 = arith.constant 0.000000e+00 : f32
      %broadcast_in_dim3A_163 = vector.broadcast %broadcast_in_dim3A_162 : f32 to vector<16xf32>
      %swap3A_164 = arith.index_cast %multiple_of3A_157 : i32 to index
      %swap3A_165 = tpu.vector_load %arg14[%swap3A_164] {strides = array<i32>} : memref<10016xf32, #tpu.memory_space<vmem>>, vector<16xf32>,
      tpu.vector_store %arg14[%swap3A_164], %broadcast_in_dim3A_163 {strides = array<i32>} : memref<10016xf32, #tpu.memory_space<vmem>>, vector<16xf32>,
      %scan3A_166 = arith.constant 0 : i32
      scf.yield %scan3A_166 : i32
    }
    %scan3A_11 = arith.constant 624 : i32
    %scan3A_12 = arith.addi %scan3A_6, %scan3A_11 : i32
    %mul3A_13 = arith.constant 16 : i32
    %mul3A_14 = arith.muli %scan3A_12, %mul3A_13 : i32
    %multiple_of3A_15 = tpu.assume_multiple %mul3A_14, 8 : i32
    %broadcast_in_dim3A = arith.constant 0.000000e+00 : f32
    %broadcast_in_dim3A_16 = vector.broadcast %broadcast_in_dim3A : f32 to vector<16xf32>
    %swap3A = arith.index_cast %multiple_of3A_15 : i32 to index
    %swap3A_17 = tpu.vector_load %arg13[%swap3A] {strides = array<i32>} : memref<10016xf32, #tpu.memory_space<vmem>>, vector<16xf32>,
    tpu.vector_store %arg13[%swap3A], %broadcast_in_dim3A_16 {strides = array<i32>} : memref<10016xf32, #tpu.memory_space<vmem>>, vector<16xf32>,
    %broadcast_in_dim3A_18 = arith.constant 0.000000e+00 : f32
    %broadcast_in_dim3A_19 = vector.broadcast %broadcast_in_dim3A_18 : f32 to vector<16xf32>
    %swap3A_20 = arith.index_cast %multiple_of3A_15 : i32 to index
    %swap3A_21 = tpu.vector_load %arg14[%swap3A_20] {strides = array<i32>} : memref<10016xf32, #tpu.memory_space<vmem>>, vector<16xf32>,
    tpu.vector_store %arg14[%swap3A_20], %broadcast_in_dim3A_19 {strides = array<i32>} : memref<10016xf32, #tpu.memory_space<vmem>>, vector<16xf32>,
    %scan3A_22 = arith.constant 0 : i32
    %scan3A_23 = arith.constant 625 : i32
    %scan3A_24 = arith.addi %scan3A_6, %scan3A_23 : i32
    %mul3A_25 = arith.constant 16 : i32
    %mul3A_26 = arith.muli %scan3A_24, %mul3A_25 : i32
    %multiple_of3A_27 = tpu.assume_multiple %mul3A_26, 8 : i32
    %broadcast_in_dim3A_28 = arith.constant 0.000000e+00 : f32
    %broadcast_in_dim3A_29 = vector.broadcast %broadcast_in_dim3A_28 : f32 to vector<16xf32>
    %swap3A_30 = arith.index_cast %multiple_of3A_27 : i32 to index
    %swap3A_31 = tpu.vector_load %arg13[%swap3A_30] {strides = array<i32>} : memref<10016xf32, #tpu.memory_space<vmem>>, vector<16xf32>,
    tpu.vector_store %arg13[%swap3A_30], %broadcast_in_dim3A_29 {strides = array<i32>} : memref<10016xf32, #tpu.memory_space<vmem>>, vector<16xf32>,
    %broadcast_in_dim3A_32 = arith.constant 0.000000e+00 : f32
    %broadcast_in_dim3A_33 = vector.broadcast %broadcast_in_dim3A_32 : f32 to vector<16xf32>
    %swap3A_34 = arith.index_cast %multiple_of3A_27 : i32 to index
    %swap3A_35 = tpu.vector_load %arg14[%swap3A_34] {strides = array<i32>} : memref<10016xf32, #tpu.memory_space<vmem>>, vector<16xf32>,
    tpu.vector_store %arg14[%swap3A_34], %broadcast_in_dim3A_33 {strides = array<i32>} : memref<10016xf32, #tpu.memory_space<vmem>>, vector<16xf32>,
    %scan3A_36 = arith.constant 0 : i32
    %scan3A_37 = arith.constant 626 : i32
    %mul3A_38 = arith.constant 40000 : i32
    %mul3A_39 = arith.muli %shift_right_logical3A_2, %mul3A_38 : i32
    %scan3A_40 = arith.constant 0 : i32
    %scan3A_41 = arith.constant 0 : i32
    %scan3A_42 = arith.constant 5 : i32
    %scan3A_43 = arith.addi %scan3A_41, %scan3A_42 : i32
    %scan3A_44 = arith.constant 1 : i32
    %scan3A_45 = scf.for %scan3A_55 = %scan3A_41 to %scan3A_43 step %scan3A_44 iter_args(%scan3A_56 = %scan3A_40) -> (i32)  : i32 {
      %mul3A_57 = arith.constant 8000 : i32
      %mul3A_58 = arith.muli %scan3A_55, %mul3A_57 : i32
      %add3A_59 = arith.addi %mul3A_39, %mul3A_58 : i32
      %multiple_of3A_60 = tpu.assume_multiple %add3A_59, 8 : i32
      "tpu.region"() ({
        %run_scoped3A = tpu.sem_alloc : memref<!tpu.dma_semaphore, #tpu.memory_space<semaphore_mem>>
        %dma_start3A = tpu.memref_slice %arg4[%multiple_of3A_60] : memref<320000xi32, #tpu.memory_space<hbm>> -> memref<8000xi32, #tpu.memory_space<hbm>>
        %dma_start3A_71 = tpu.memref_slice %arg4[%multiple_of3A_60] : memref<320000xi32, #tpu.memory_space<hbm>> -> memref<8000xi32, #tpu.memory_space<hbm>>
        tpu.enqueue_dma source(%dma_start3A_71 : memref<8000xi32, #tpu.memory_space<hbm>>) target(%arg9 : memref<8000xi32, #tpu.memory_space<vmem>>) target_semaphore(%run_scoped3A : memref<!tpu.dma_semaphore, #tpu.memory_space<semaphore_mem>>)
        %dma_wait3A = tpu.memref_slice %arg4[%multiple_of3A_60] : memref<320000xi32, #tpu.memory_space<hbm>> -> memref<8000xi32, #tpu.memory_space<hbm>>
        %dma_wait3A_72 = tpu.memref_slice %arg4[%multiple_of3A_60] : memref<320000xi32, #tpu.memory_space<hbm>> -> memref<8000xi32, #tpu.memory_space<hbm>>
        tpu.wait_dma2 semaphore(%run_scoped3A : memref<!tpu.dma_semaphore, #tpu.memory_space<semaphore_mem>>) src(%dma_wait3A_72 : memref<8000xi32, #tpu.memory_space<hbm>>) dst(%arg9 : memref<8000xi32, #tpu.memory_space<vmem>>)
        tpu.yield
      }) : () -> ()
      %multiple_of3A_61 = tpu.assume_multiple %add3A_59, 8 : i32
      "tpu.region"() ({
        %run_scoped3A = tpu.sem_alloc : memref<!tpu.dma_semaphore, #tpu.memory_space<semaphore_mem>>
        %dma_start3A = tpu.memref_slice %arg5[%multiple_of3A_61] : memref<320000xi32, #tpu.memory_space<hbm>> -> memref<8000xi32, #tpu.memory_space<hbm>>
        %dma_start3A_71 = tpu.memref_slice %arg5[%multiple_of3A_61] : memref<320000xi32, #tpu.memory_space<hbm>> -> memref<8000xi32, #tpu.memory_space<hbm>>
        tpu.enqueue_dma source(%dma_start3A_71 : memref<8000xi32, #tpu.memory_space<hbm>>) target(%arg10 : memref<8000xi32, #tpu.memory_space<vmem>>) target_semaphore(%run_scoped3A : memref<!tpu.dma_semaphore, #tpu.memory_space<semaphore_mem>>)
        %dma_wait3A = tpu.memref_slice %arg5[%multiple_of3A_61] : memref<320000xi32, #tpu.memory_space<hbm>> -> memref<8000xi32, #tpu.memory_space<hbm>>
        %dma_wait3A_72 = tpu.memref_slice %arg5[%multiple_of3A_61] : memref<320000xi32, #tpu.memory_space<hbm>> -> memref<8000xi32, #tpu.memory_space<hbm>>
        tpu.wait_dma2 semaphore(%run_scoped3A : memref<!tpu.dma_semaphore, #tpu.memory_space<semaphore_mem>>) src(%dma_wait3A_72 : memref<8000xi32, #tpu.memory_space<hbm>>) dst(%arg10 : memref<8000xi32, #tpu.memory_space<vmem>>)
        tpu.yield
      }) : () -> ()
      %mul3A_62 = arith.constant 320000 : i32
      %mul3A_63 = arith.muli %and3A_1, %mul3A_62 : i32
      %add3A_64 = arith.addi %mul3A_63, %add3A_59 : i32
      %multiple_of3A_65 = tpu.assume_multiple %add3A_64, 8 : i32
      "tpu.region"() ({
        %run_scoped3A = tpu.sem_alloc : memref<!tpu.dma_semaphore, #tpu.memory_space<semaphore_mem>>
        %dma_start3A = tpu.memref_slice %arg3[%multiple_of3A_65] : memref<1280000xf32, #tpu.memory_space<hbm>> -> memref<8000xf32, #tpu.memory_space<hbm>>
        %dma_start3A_71 = tpu.memref_slice %arg3[%multiple_of3A_65] : memref<1280000xf32, #tpu.memory_space<hbm>> -> memref<8000xf32, #tpu.memory_space<hbm>>
        tpu.enqueue_dma source(%dma_start3A_71 : memref<8000xf32, #tpu.memory_space<hbm>>) target(%arg11 : memref<8000xf32, #tpu.memory_space<vmem>>) target_semaphore(%run_scoped3A : memref<!tpu.dma_semaphore, #tpu.memory_space<semaphore_mem>>)
        %dma_wait3A = tpu.memref_slice %arg3[%multiple_of3A_65] : memref<1280000xf32, #tpu.memory_space<hbm>> -> memref<8000xf32, #tpu.memory_space<hbm>>
        %dma_wait3A_72 = tpu.memref_slice %arg3[%multiple_of3A_65] : memref<1280000xf32, #tpu.memory_space<hbm>> -> memref<8000xf32, #tpu.memory_space<hbm>>
        tpu.wait_dma2 semaphore(%run_scoped3A : memref<!tpu.dma_semaphore, #tpu.memory_space<semaphore_mem>>) src(%dma_wait3A_72 : memref<8000xf32, #tpu.memory_space<hbm>>) dst(%arg11 : memref<8000xf32, #tpu.memory_space<vmem>>)
        tpu.yield
      }) : () -> ()
      %parallel_loop3A = arith.constant 0 : i32
      %parallel_loop3A_66 = arith.constant 500 : i32
      %parallel_loop3A_67 = arith.constant 1 : i32
      %parallel_loop3A_68 = arith.constant 0 : i32
      %parallel_loop3A_69 = scf.for %parallel_loop3A_71 = %parallel_loop3A to %parallel_loop3A_66 step %parallel_loop3A_67 iter_args(%parallel_loop3A_72 = %parallel_loop3A_68) -> (i32)  : i32 {
        %parallel_loop3A_73 = arith.constant 16 : i32
        %parallel_loop3A_74 = arith.muli %parallel_loop3A_71, %parallel_loop3A_73 : i32
        %parallel_loop3A_75 = tpu.assume_multiple %parallel_loop3A_74, 8 : i32
        %parallel_loop3A_76 = arith.index_cast %parallel_loop3A_75 : i32 to index
        %parallel_loop3A_77 = tpu.vector_load %arg9[%parallel_loop3A_76] {strides = array<i32>} : memref<8000xi32, #tpu.memory_space<vmem>>, vector<16xi32>,
        %parallel_loop3A_78 = arith.index_cast %parallel_loop3A_75 : i32 to index
        %parallel_loop3A_79 = tpu.vector_load %arg10[%parallel_loop3A_78] {strides = array<i32>} : memref<8000xi32, #tpu.memory_space<vmem>>, vector<16xi32>,
        %parallel_loop3A_80 = arith.index_cast %parallel_loop3A_75 : i32 to index
        %parallel_loop3A_81 = tpu.vector_load %arg11[%parallel_loop3A_80] {strides = array<i32>} : memref<8000xf32, #tpu.memory_space<vmem>>, vector<16xf32>,
        %parallel_loop3A_82 = tpu.vector_load_idx %arg8[%parallel_loop3A_77] : memref<10016xf32, #tpu.memory_space<vmem>>[vector<16xi32>], vector<16xf32>,
        %parallel_loop3A_83 = arith.addf %parallel_loop3A_82, %parallel_loop3A_81 : vector<16xf32>
        %parallel_loop3A_84 = arith.constant 0.000000e+00 : f32
        %parallel_loop3A_85 = vector.broadcast %parallel_loop3A_84 : f32 to vector<16xf32>
        %parallel_loop3A_86 = arith.maximumf %parallel_loop3A_83, %parallel_loop3A_85 : vector<16xf32>
        %parallel_loop3A_87 = arith.constant 1.000000e-07 : f32
        %parallel_loop3A_88 = vector.broadcast %parallel_loop3A_87 : f32 to vector<16xf32>
        %parallel_loop3A_89 = arith.addf %parallel_loop3A_86, %parallel_loop3A_88 : vector<16xf32>
        %parallel_loop3A_90 = arith.subf %parallel_loop3A_89, %get3A_5 : vector<16xf32>
        %parallel_loop3A_91 = arith.constant 1.44269502 : f32
        %parallel_loop3A_92 = vector.broadcast %parallel_loop3A_91 : f32 to vector<16xf32>
        %parallel_loop3A_93 = arith.mulf %parallel_loop3A_90, %parallel_loop3A_92 : vector<16xf32>
        %parallel_loop3A_94 = arith.constant -1.250000e+02 : f32
        %parallel_loop3A_95 = vector.broadcast %parallel_loop3A_94 : f32 to vector<16xf32>
        %parallel_loop3A_96 = arith.maximumf %parallel_loop3A_93, %parallel_loop3A_95 : vector<16xf32>
        %parallel_loop3A_97 = arith.constant 0x4B400000 : f32
        %parallel_loop3A_98 = vector.broadcast %parallel_loop3A_97 : f32 to vector<16xf32>
        %parallel_loop3A_99 = arith.addf %parallel_loop3A_96, %parallel_loop3A_98 : vector<16xf32>
        %parallel_loop3A_100 = vector.bitcast %parallel_loop3A_99 : vector<16xf32> to vector<16xi32>
        %parallel_loop3A_101 = arith.constant 1262485504 : i32
        %parallel_loop3A_102 = vector.broadcast %parallel_loop3A_101 : i32 to vector<16xi32>
        %parallel_loop3A_103 = arith.subi %parallel_loop3A_100, %parallel_loop3A_102 : vector<16xi32>
        %parallel_loop3A_104 = arith.constant 0x4B400000 : f32
        %parallel_loop3A_105 = vector.broadcast %parallel_loop3A_104 : f32 to vector<16xf32>
        %parallel_loop3A_106 = arith.subf %parallel_loop3A_99, %parallel_loop3A_105 : vector<16xf32>
        %parallel_loop3A_107 = arith.subf %parallel_loop3A_96, %parallel_loop3A_106 : vector<16xf32>
        %parallel_loop3A_108 = arith.constant 0.00133335579 : f32
        %parallel_loop3A_109 = vector.broadcast %parallel_loop3A_108 : f32 to vector<16xf32>
        %parallel_loop3A_110 = arith.mulf %parallel_loop3A_109, %parallel_loop3A_107 : vector<16xf32>
        %parallel_loop3A_111 = arith.constant 0.00961812865 : f32
        %parallel_loop3A_112 = vector.broadcast %parallel_loop3A_111 : f32 to vector<16xf32>
        %parallel_loop3A_113 = arith.addf %parallel_loop3A_110, %parallel_loop3A_112 : vector<16xf32>
        %parallel_loop3A_114 = arith.mulf %parallel_loop3A_113, %parallel_loop3A_107 : vector<16xf32>
        %parallel_loop3A_115 = arith.constant 0.0555041097 : f32
        %parallel_loop3A_116 = vector.broadcast %parallel_loop3A_115 : f32 to vector<16xf32>
        %parallel_loop3A_117 = arith.addf %parallel_loop3A_114, %parallel_loop3A_116 : vector<16xf32>
        %parallel_loop3A_118 = arith.mulf %parallel_loop3A_117, %parallel_loop3A_107 : vector<16xf32>
        %parallel_loop3A_119 = arith.constant 0.240226507 : f32
        %parallel_loop3A_120 = vector.broadcast %parallel_loop3A_119 : f32 to vector<16xf32>
        %parallel_loop3A_121 = arith.addf %parallel_loop3A_118, %parallel_loop3A_120 : vector<16xf32>
        %parallel_loop3A_122 = arith.mulf %parallel_loop3A_121, %parallel_loop3A_107 : vector<16xf32>
        %parallel_loop3A_123 = arith.constant 0.693147182 : f32
        %parallel_loop3A_124 = vector.broadcast %parallel_loop3A_123 : f32 to vector<16xf32>
        %parallel_loop3A_125 = arith.addf %parallel_loop3A_122, %parallel_loop3A_124 : vector<16xf32>
        %parallel_loop3A_126 = arith.mulf %parallel_loop3A_125, %parallel_loop3A_107 : vector<16xf32>
        %parallel_loop3A_127 = arith.constant 1.000000e+00 : f32
        %parallel_loop3A_128 = vector.broadcast %parallel_loop3A_127 : f32 to vector<16xf32>
        %parallel_loop3A_129 = arith.addf %parallel_loop3A_126, %parallel_loop3A_128 : vector<16xf32>
        %parallel_loop3A_130 = arith.constant 127 : i32
        %parallel_loop3A_131 = vector.broadcast %parallel_loop3A_130 : i32 to vector<16xi32>
        %parallel_loop3A_132 = arith.addi %parallel_loop3A_103, %parallel_loop3A_131 : vector<16xi32>
        %parallel_loop3A_133 = arith.constant 23 : i32
        %parallel_loop3A_134 = vector.broadcast %parallel_loop3A_133 : i32 to vector<16xi32>
        %parallel_loop3A_135 = arith.shli %parallel_loop3A_132, %parallel_loop3A_134 : vector<16xi32>
        %parallel_loop3A_136 = vector.bitcast %parallel_loop3A_135 : vector<16xi32> to vector<16xf32>
        %parallel_loop3A_137 = arith.mulf %parallel_loop3A_129, %parallel_loop3A_136 : vector<16xf32>
        tpu.vector_store_idx %arg13[%parallel_loop3A_79], %parallel_loop3A_137 {add = true} : memref<10016xf32, #tpu.memory_space<vmem>>[vector<16xi32>], vector<16xf32>,
        %parallel_loop3A_138 = arith.mulf %parallel_loop3A_137, %parallel_loop3A_89 : vector<16xf32>
        tpu.vector_store_idx %arg14[%parallel_loop3A_79], %parallel_loop3A_138 {add = true} : memref<10016xf32, #tpu.memory_space<vmem>>[vector<16xi32>], vector<16xf32>,
        scf.yield %parallel_loop3A_72 : i32
      } {sc.loop_unroll_factor = 8 : i64, sc.parallel_access}
      %scan3A_70 = arith.constant 0 : i32
      scf.yield %scan3A_70 : i32
    }
    %scan3A_46 = arith.constant 5 : i32
    %mul3A_47 = arith.constant 2 : i32
    %mul3A_48 = arith.muli %add3A, %mul3A_47 : i32
    %mul3A_49 = arith.constant 10016 : i32
    %mul3A_50 = arith.muli %mul3A_48, %mul3A_49 : i32
    %multiple_of3A_51 = tpu.assume_multiple %mul3A_50, 8 : i32
    "tpu.region"() ({
      %run_scoped3A = tpu.sem_alloc : memref<!tpu.dma_semaphore, #tpu.memory_space<semaphore_mem>>
      %dma_start3A = tpu.memref_slice %arg7[%multiple_of3A_51] : memref<641024xf32, #tpu.memory_space<hbm>> -> memref<10016xf32, #tpu.memory_space<hbm>>
      %dma_start3A_55 = tpu.memref_slice %arg7[%multiple_of3A_51] : memref<641024xf32, #tpu.memory_space<hbm>> -> memref<10016xf32, #tpu.memory_space<hbm>>
      tpu.enqueue_dma source(%arg13 : memref<10016xf32, #tpu.memory_space<vmem>>) target(%dma_start3A_55 : memref<10016xf32, #tpu.memory_space<hbm>>) target_semaphore(%run_scoped3A : memref<!tpu.dma_semaphore, #tpu.memory_space<semaphore_mem>>)
      %dma_wait3A = tpu.memref_slice %arg7[%multiple_of3A_51] : memref<641024xf32, #tpu.memory_space<hbm>> -> memref<10016xf32, #tpu.memory_space<hbm>>
      %dma_wait3A_56 = tpu.memref_slice %arg7[%multiple_of3A_51] : memref<641024xf32, #tpu.memory_space<hbm>> -> memref<10016xf32, #tpu.memory_space<hbm>>
      tpu.wait_dma2 semaphore(%run_scoped3A : memref<!tpu.dma_semaphore, #tpu.memory_space<semaphore_mem>>) src(%arg13 : memref<10016xf32, #tpu.memory_space<vmem>>) dst(%dma_wait3A_56 : memref<10016xf32, #tpu.memory_space<hbm>>)
      tpu.yield
    }) : () -> ()
    %add3A_52 = arith.constant 10016 : i32
    %add3A_53 = arith.addi %multiple_of3A_51, %add3A_52 : i32
    %multiple_of3A_54 = tpu.assume_multiple %add3A_53, 8 : i32
    "tpu.region"() ({
      %run_scoped3A = tpu.sem_alloc : memref<!tpu.dma_semaphore, #tpu.memory_space<semaphore_mem>>
      %dma_start3A = tpu.memref_slice %arg7[%multiple_of3A_54] : memref<641024xf32, #tpu.memory_space<hbm>> -> memref<10016xf32, #tpu.memory_space<hbm>>
      %dma_start3A_55 = tpu.memref_slice %arg7[%multiple_of3A_54] : memref<641024xf32, #tpu.memory_space<hbm>> -> memref<10016xf32, #tpu.memory_space<hbm>>
      tpu.enqueue_dma source(%arg14 : memref<10016xf32, #tpu.memory_space<vmem>>) target(%dma_start3A_55 : memref<10016xf32, #tpu.memory_space<hbm>>) target_semaphore(%run_scoped3A : memref<!tpu.dma_semaphore, #tpu.memory_space<semaphore_mem>>)
      %dma_wait3A = tpu.memref_slice %arg7[%multiple_of3A_54] : memref<641024xf32, #tpu.memory_space<hbm>> -> memref<10016xf32, #tpu.memory_space<hbm>>
      %dma_wait3A_56 = tpu.memref_slice %arg7[%multiple_of3A_54] : memref<641024xf32, #tpu.memory_space<hbm>> -> memref<10016xf32, #tpu.memory_space<hbm>>
      tpu.wait_dma2 semaphore(%run_scoped3A : memref<!tpu.dma_semaphore, #tpu.memory_space<semaphore_mem>>) src(%arg14 : memref<10016xf32, #tpu.memory_space<vmem>>) dst(%dma_wait3A_56 : memref<10016xf32, #tpu.memory_space<hbm>>)
      tpu.yield
    }) : () -> ()
    return
  }
}

#map = affine_map<(d0, d1) -> (0)>
#map1 = affine_map<(d0, d1) -> (0, 0)>
module attributes {stable_mosaic.version = 14 : i64} {
  func.func @_pool1_body(%arg0: i32, %arg1: i32, %arg2: memref<1282048xf32, #tpu.memory_space<hbm>>, %arg3: memref<10016xf32, #tpu.memory_space<hbm>>, %arg4: memref<8000xi32, #tpu.memory_space<hbm>>, %arg5: memref<320000xi32, #tpu.memory_space<hbm>>, %arg6: memref<320000xi32, #tpu.memory_space<hbm>>, %arg7: memref<1026048xf32, #tpu.memory_space<hbm>>, %arg8: memref<320000xi32, #tpu.memory_space<hbm>>, %arg9: memref<320000xi32, #tpu.memory_space<hbm>>, %arg10: memref<32x128xf32, #tpu.memory_space<hbm>>, %arg11: memref<40064xf32, #tpu.memory_space<vmem>>, %arg12: memref<10016xf32, #tpu.memory_space<vmem>>, %arg13: memref<8000xi32, #tpu.memory_space<vmem>>, %arg14: memref<10016xi32, #tpu.memory_space<vmem>>, %arg15: memref<32064xf32, #tpu.memory_space<vmem>>, %arg16: memref<2000xi32, #tpu.memory_space<vmem>>, %arg17: memref<2000xi32, #tpu.memory_space<vmem>>, %arg18: memref<2000xi32, #tpu.memory_space<vmem>>, %arg19: memref<2000xi32, #tpu.memory_space<vmem>>, %arg20: memref<128xf32, #tpu.memory_space<vmem>>) attributes {dimension_semantics = [#tpu.dimension_semantics<core_parallel>, #tpu.dimension_semantics<subcore_parallel>], iteration_bounds = array<i64: 2, 16>, scalar_prefetch = 0 : i64, scratch_operands = 10 : i64, tpu.core_type = #tpu.core_type<sc_vector_subcore>, window_params = [{transform_indices = #map}, {transform_indices = #map}, {transform_indices = #map}, {transform_indices = #map}, {transform_indices = #map}, {transform_indices = #map}, {transform_indices = #map}, {transform_indices = #map}, {transform_indices = #map1}]} {
    %mul3A = arith.constant 2 : i32
    %mul3A_0 = arith.muli %arg1, %mul3A : i32
    %add3A = arith.addi %mul3A_0, %arg0 : i32
    %mul3A_1 = arith.constant 4 : i32
    %mul3A_2 = arith.muli %add3A, %mul3A_1 : i32
    %iota3A = tpu.iota {dimensions = array<i32: 0>} : vector<16xi32>
    %mul3A_3 = arith.constant 10016 : i32
    %mul3A_4 = arith.muli %mul3A_2, %mul3A_3 : i32
    %multiple_of3A = tpu.assume_multiple %mul3A_4, 8 : i32
    "tpu.region"() ({
      %run_scoped3A = tpu.sem_alloc : memref<!tpu.dma_semaphore, #tpu.memory_space<semaphore_mem>>
      %dma_start3A = tpu.memref_slice %arg2[%multiple_of3A] : memref<1282048xf32, #tpu.memory_space<hbm>> -> memref<40064xf32, #tpu.memory_space<hbm>>
      %dma_start3A_517 = tpu.memref_slice %arg2[%multiple_of3A] : memref<1282048xf32, #tpu.memory_space<hbm>> -> memref<40064xf32, #tpu.memory_space<hbm>>
      tpu.enqueue_dma source(%dma_start3A_517 : memref<40064xf32, #tpu.memory_space<hbm>>) target(%arg11 : memref<40064xf32, #tpu.memory_space<vmem>>) target_semaphore(%run_scoped3A : memref<!tpu.dma_semaphore, #tpu.memory_space<semaphore_mem>>)
      %dma_wait3A = tpu.memref_slice %arg2[%multiple_of3A] : memref<1282048xf32, #tpu.memory_space<hbm>> -> memref<40064xf32, #tpu.memory_space<hbm>>
      %dma_wait3A_518 = tpu.memref_slice %arg2[%multiple_of3A] : memref<1282048xf32, #tpu.memory_space<hbm>> -> memref<40064xf32, #tpu.memory_space<hbm>>
      tpu.wait_dma2 semaphore(%run_scoped3A : memref<!tpu.dma_semaphore, #tpu.memory_space<semaphore_mem>>) src(%dma_wait3A_518 : memref<40064xf32, #tpu.memory_space<hbm>>) dst(%arg11 : memref<40064xf32, #tpu.memory_space<vmem>>)
      tpu.yield
    }) : () -> ()
    "tpu.region"() ({
      %run_scoped3A = tpu.sem_alloc : memref<!tpu.dma_semaphore, #tpu.memory_space<semaphore_mem>>
      tpu.enqueue_dma source(%arg3 : memref<10016xf32, #tpu.memory_space<hbm>>) target(%arg12 : memref<10016xf32, #tpu.memory_space<vmem>>) target_semaphore(%run_scoped3A : memref<!tpu.dma_semaphore, #tpu.memory_space<semaphore_mem>>)
      tpu.wait_dma2 semaphore(%run_scoped3A : memref<!tpu.dma_semaphore, #tpu.memory_space<semaphore_mem>>) src(%arg3 : memref<10016xf32, #tpu.memory_space<hbm>>) dst(%arg12 : memref<10016xf32, #tpu.memory_space<vmem>>)
      tpu.yield
    }) : () -> ()
    "tpu.region"() ({
      %run_scoped3A = tpu.sem_alloc : memref<!tpu.dma_semaphore, #tpu.memory_space<semaphore_mem>>
      tpu.enqueue_dma source(%arg4 : memref<8000xi32, #tpu.memory_space<hbm>>) target(%arg13 : memref<8000xi32, #tpu.memory_space<vmem>>) target_semaphore(%run_scoped3A : memref<!tpu.dma_semaphore, #tpu.memory_space<semaphore_mem>>)
      tpu.wait_dma2 semaphore(%run_scoped3A : memref<!tpu.dma_semaphore, #tpu.memory_space<semaphore_mem>>) src(%arg4 : memref<8000xi32, #tpu.memory_space<hbm>>) dst(%arg13 : memref<8000xi32, #tpu.memory_space<vmem>>)
      tpu.yield
    }) : () -> ()
    %scan3A = arith.constant 0 : i32
    %scan3A_5 = arith.constant 0 : i32
    %scan3A_6 = arith.constant 624 : i32
    %scan3A_7 = arith.addi %scan3A_5, %scan3A_6 : i32
    %scan3A_8 = arith.constant 8 : i32
    %scan3A_9 = scf.for %scan3A_517 = %scan3A_5 to %scan3A_7 step %scan3A_8 iter_args(%scan3A_518 = %scan3A) -> (i32)  : i32 {
      %broadcast_in_dim3A_519 = arith.constant 8000 : i32
      %broadcast_in_dim3A_520 = vector.broadcast %broadcast_in_dim3A_519 : i32 to vector<16xi32>
      %mul3A_521 = arith.constant 16 : i32
      %mul3A_522 = arith.muli %scan3A_517, %mul3A_521 : i32
      %multiple_of3A_523 = tpu.assume_multiple %mul3A_522, 8 : i32
      %swap3A_524 = arith.index_cast %multiple_of3A_523 : i32 to index
      %swap3A_525 = tpu.vector_load %arg14[%swap3A_524] {strides = array<i32>} : memref<10016xi32, #tpu.memory_space<vmem>>, vector<16xi32>,
      tpu.vector_store %arg14[%swap3A_524], %broadcast_in_dim3A_520 {strides = array<i32>} : memref<10016xi32, #tpu.memory_space<vmem>>, vector<16xi32>,
      %scan3A_526 = arith.constant 0 : i32
      %scan3A_527 = arith.constant 1 : i32
      %scan3A_528 = arith.addi %scan3A_517, %scan3A_527 : i32
      %broadcast_in_dim3A_529 = arith.constant 8000 : i32
      %broadcast_in_dim3A_530 = vector.broadcast %broadcast_in_dim3A_529 : i32 to vector<16xi32>
      %mul3A_531 = arith.constant 16 : i32
      %mul3A_532 = arith.muli %scan3A_528, %mul3A_531 : i32
      %multiple_of3A_533 = tpu.assume_multiple %mul3A_532, 8 : i32
      %swap3A_534 = arith.index_cast %multiple_of3A_533 : i32 to index
      %swap3A_535 = tpu.vector_load %arg14[%swap3A_534] {strides = array<i32>} : memref<10016xi32, #tpu.memory_space<vmem>>, vector<16xi32>,
      tpu.vector_store %arg14[%swap3A_534], %broadcast_in_dim3A_530 {strides = array<i32>} : memref<10016xi32, #tpu.memory_space<vmem>>, vector<16xi32>,
      %scan3A_536 = arith.constant 0 : i32
      %scan3A_537 = arith.constant 2 : i32
      %scan3A_538 = arith.addi %scan3A_517, %scan3A_537 : i32
      %broadcast_in_dim3A_539 = arith.constant 8000 : i32
      %broadcast_in_dim3A_540 = vector.broadcast %broadcast_in_dim3A_539 : i32 to vector<16xi32>
      %mul3A_541 = arith.constant 16 : i32
      %mul3A_542 = arith.muli %scan3A_538, %mul3A_541 : i32
      %multiple_of3A_543 = tpu.assume_multiple %mul3A_542, 8 : i32
      %swap3A_544 = arith.index_cast %multiple_of3A_543 : i32 to index
      %swap3A_545 = tpu.vector_load %arg14[%swap3A_544] {strides = array<i32>} : memref<10016xi32, #tpu.memory_space<vmem>>, vector<16xi32>,
      tpu.vector_store %arg14[%swap3A_544], %broadcast_in_dim3A_540 {strides = array<i32>} : memref<10016xi32, #tpu.memory_space<vmem>>, vector<16xi32>,
      %scan3A_546 = arith.constant 0 : i32
      %scan3A_547 = arith.constant 3 : i32
      %scan3A_548 = arith.addi %scan3A_517, %scan3A_547 : i32
      %broadcast_in_dim3A_549 = arith.constant 8000 : i32
      %broadcast_in_dim3A_550 = vector.broadcast %broadcast_in_dim3A_549 : i32 to vector<16xi32>
      %mul3A_551 = arith.constant 16 : i32
      %mul3A_552 = arith.muli %scan3A_548, %mul3A_551 : i32
      %multiple_of3A_553 = tpu.assume_multiple %mul3A_552, 8 : i32
      %swap3A_554 = arith.index_cast %multiple_of3A_553 : i32 to index
      %swap3A_555 = tpu.vector_load %arg14[%swap3A_554] {strides = array<i32>} : memref<10016xi32, #tpu.memory_space<vmem>>, vector<16xi32>,
      tpu.vector_store %arg14[%swap3A_554], %broadcast_in_dim3A_550 {strides = array<i32>} : memref<10016xi32, #tpu.memory_space<vmem>>, vector<16xi32>,
      %scan3A_556 = arith.constant 0 : i32
      %scan3A_557 = arith.constant 4 : i32
      %scan3A_558 = arith.addi %scan3A_517, %scan3A_557 : i32
      %broadcast_in_dim3A_559 = arith.constant 8000 : i32
      %broadcast_in_dim3A_560 = vector.broadcast %broadcast_in_dim3A_559 : i32 to vector<16xi32>
      %mul3A_561 = arith.constant 16 : i32
      %mul3A_562 = arith.muli %scan3A_558, %mul3A_561 : i32
      %multiple_of3A_563 = tpu.assume_multiple %mul3A_562, 8 : i32
      %swap3A_564 = arith.index_cast %multiple_of3A_563 : i32 to index
      %swap3A_565 = tpu.vector_load %arg14[%swap3A_564] {strides = array<i32>} : memref<10016xi32, #tpu.memory_space<vmem>>, vector<16xi32>,
      tpu.vector_store %arg14[%swap3A_564], %broadcast_in_dim3A_560 {strides = array<i32>} : memref<10016xi32, #tpu.memory_space<vmem>>, vector<16xi32>,
      %scan3A_566 = arith.constant 0 : i32
      %scan3A_567 = arith.constant 5 : i32
      %scan3A_568 = arith.addi %scan3A_517, %scan3A_567 : i32
      %broadcast_in_dim3A_569 = arith.constant 8000 : i32
      %broadcast_in_dim3A_570 = vector.broadcast %broadcast_in_dim3A_569 : i32 to vector<16xi32>
      %mul3A_571 = arith.constant 16 : i32
      %mul3A_572 = arith.muli %scan3A_568, %mul3A_571 : i32
      %multiple_of3A_573 = tpu.assume_multiple %mul3A_572, 8 : i32
      %swap3A_574 = arith.index_cast %multiple_of3A_573 : i32 to index
      %swap3A_575 = tpu.vector_load %arg14[%swap3A_574] {strides = array<i32>} : memref<10016xi32, #tpu.memory_space<vmem>>, vector<16xi32>,
      tpu.vector_store %arg14[%swap3A_574], %broadcast_in_dim3A_570 {strides = array<i32>} : memref<10016xi32, #tpu.memory_space<vmem>>, vector<16xi32>,
      %scan3A_576 = arith.constant 0 : i32
      %scan3A_577 = arith.constant 6 : i32
      %scan3A_578 = arith.addi %scan3A_517, %scan3A_577 : i32
      %broadcast_in_dim3A_579 = arith.constant 8000 : i32
      %broadcast_in_dim3A_580 = vector.broadcast %broadcast_in_dim3A_579 : i32 to vector<16xi32>
      %mul3A_581 = arith.constant 16 : i32
      %mul3A_582 = arith.muli %scan3A_578, %mul3A_581 : i32
      %multiple_of3A_583 = tpu.assume_multiple %mul3A_582, 8 : i32
      %swap3A_584 = arith.index_cast %multiple_of3A_583 : i32 to index
      %swap3A_585 = tpu.vector_load %arg14[%swap3A_584] {strides = array<i32>} : memref<10016xi32, #tpu.memory_space<vmem>>, vector<16xi32>,
      tpu.vector_store %arg14[%swap3A_584], %broadcast_in_dim3A_580 {strides = array<i32>} : memref<10016xi32, #tpu.memory_space<vmem>>, vector<16xi32>,
      %scan3A_586 = arith.constant 0 : i32
      %scan3A_587 = arith.constant 7 : i32
      %scan3A_588 = arith.addi %scan3A_517, %scan3A_587 : i32
      %broadcast_in_dim3A_589 = arith.constant 8000 : i32
      %broadcast_in_dim3A_590 = vector.broadcast %broadcast_in_dim3A_589 : i32 to vector<16xi32>
      %mul3A_591 = arith.constant 16 : i32
      %mul3A_592 = arith.muli %scan3A_588, %mul3A_591 : i32
      %multiple_of3A_593 = tpu.assume_multiple %mul3A_592, 8 : i32
      %swap3A_594 = arith.index_cast %multiple_of3A_593 : i32 to index
      %swap3A_595 = tpu.vector_load %arg14[%swap3A_594] {strides = array<i32>} : memref<10016xi32, #tpu.memory_space<vmem>>, vector<16xi32>,
      tpu.vector_store %arg14[%swap3A_594], %broadcast_in_dim3A_590 {strides = array<i32>} : memref<10016xi32, #tpu.memory_space<vmem>>, vector<16xi32>,
      %scan3A_596 = arith.constant 0 : i32
      scf.yield %scan3A_596 : i32
    }
    %scan3A_10 = arith.constant 624 : i32
    %scan3A_11 = arith.addi %scan3A_5, %scan3A_10 : i32
    %broadcast_in_dim3A = arith.constant 8000 : i32
    %broadcast_in_dim3A_12 = vector.broadcast %broadcast_in_dim3A : i32 to vector<16xi32>
    %mul3A_13 = arith.constant 16 : i32
    %mul3A_14 = arith.muli %scan3A_11, %mul3A_13 : i32
    %multiple_of3A_15 = tpu.assume_multiple %mul3A_14, 8 : i32
    %swap3A = arith.index_cast %multiple_of3A_15 : i32 to index
    %swap3A_16 = tpu.vector_load %arg14[%swap3A] {strides = array<i32>} : memref<10016xi32, #tpu.memory_space<vmem>>, vector<16xi32>,
    tpu.vector_store %arg14[%swap3A], %broadcast_in_dim3A_12 {strides = array<i32>} : memref<10016xi32, #tpu.memory_space<vmem>>, vector<16xi32>,
    %scan3A_17 = arith.constant 0 : i32
    %scan3A_18 = arith.constant 625 : i32
    %scan3A_19 = arith.addi %scan3A_5, %scan3A_18 : i32
    %broadcast_in_dim3A_20 = arith.constant 8000 : i32
    %broadcast_in_dim3A_21 = vector.broadcast %broadcast_in_dim3A_20 : i32 to vector<16xi32>
    %mul3A_22 = arith.constant 16 : i32
    %mul3A_23 = arith.muli %scan3A_19, %mul3A_22 : i32
    %multiple_of3A_24 = tpu.assume_multiple %mul3A_23, 8 : i32
    %swap3A_25 = arith.index_cast %multiple_of3A_24 : i32 to index
    %swap3A_26 = tpu.vector_load %arg14[%swap3A_25] {strides = array<i32>} : memref<10016xi32, #tpu.memory_space<vmem>>, vector<16xi32>,
    tpu.vector_store %arg14[%swap3A_25], %broadcast_in_dim3A_21 {strides = array<i32>} : memref<10016xi32, #tpu.memory_space<vmem>>, vector<16xi32>,
    %scan3A_27 = arith.constant 0 : i32
    %scan3A_28 = arith.constant 626 : i32
    %scan3A_29 = arith.constant 0 : i32
    %scan3A_30 = arith.constant 0 : i32
    %scan3A_31 = arith.constant 496 : i32
    %scan3A_32 = arith.addi %scan3A_30, %scan3A_31 : i32
    %scan3A_33 = arith.constant 8 : i32
    %scan3A_34 = scf.for %scan3A_517 = %scan3A_30 to %scan3A_32 step %scan3A_33 iter_args(%scan3A_518 = %scan3A_29) -> (i32)  : i32 {
      %mul3A_519 = arith.constant 16 : i32
      %mul3A_520 = arith.muli %scan3A_517, %mul3A_519 : i32
      %multiple_of3A_521 = tpu.assume_multiple %mul3A_520, 8 : i32
      %get3A_522 = arith.index_cast %multiple_of3A_521 : i32 to index
      %get3A_523 = tpu.vector_load %arg13[%get3A_522] {strides = array<i32>} : memref<8000xi32, #tpu.memory_space<vmem>>, vector<16xi32>,
      %mul3A_524 = arith.constant 16 : i32
      %mul3A_525 = arith.muli %scan3A_517, %mul3A_524 : i32
      %add3A_526 = vector.broadcast %mul3A_525 : i32 to vector<16xi32>
      %add3A_527 = arith.addi %add3A_526, %iota3A : vector<16xi32>
      tpu.vector_store_idx %arg14[%get3A_523], %add3A_527 : memref<10016xi32, #tpu.memory_space<vmem>>[vector<16xi32>], vector<16xi32>,
      %scan3A_528 = arith.constant 0 : i32
      %scan3A_529 = arith.constant 1 : i32
      %scan3A_530 = arith.addi %scan3A_517, %scan3A_529 : i32
      %mul3A_531 = arith.constant 16 : i32
      %mul3A_532 = arith.muli %scan3A_530, %mul3A_531 : i32
      %multiple_of3A_533 = tpu.assume_multiple %mul3A_532, 8 : i32
      %get3A_534 = arith.index_cast %multiple_of3A_533 : i32 to index
      %get3A_535 = tpu.vector_load %arg13[%get3A_534] {strides = array<i32>} : memref<8000xi32, #tpu.memory_space<vmem>>, vector<16xi32>,
      %mul3A_536 = arith.constant 16 : i32
      %mul3A_537 = arith.muli %scan3A_530, %mul3A_536 : i32
      %add3A_538 = vector.broadcast %mul3A_537 : i32 to vector<16xi32>
      %add3A_539 = arith.addi %add3A_538, %iota3A : vector<16xi32>
      tpu.vector_store_idx %arg14[%get3A_535], %add3A_539 : memref<10016xi32, #tpu.memory_space<vmem>>[vector<16xi32>], vector<16xi32>,
      %scan3A_540 = arith.constant 0 : i32
      %scan3A_541 = arith.constant 2 : i32
      %scan3A_542 = arith.addi %scan3A_517, %scan3A_541 : i32
      %mul3A_543 = arith.constant 16 : i32
      %mul3A_544 = arith.muli %scan3A_542, %mul3A_543 : i32
      %multiple_of3A_545 = tpu.assume_multiple %mul3A_544, 8 : i32
      %get3A_546 = arith.index_cast %multiple_of3A_545 : i32 to index
      %get3A_547 = tpu.vector_load %arg13[%get3A_546] {strides = array<i32>} : memref<8000xi32, #tpu.memory_space<vmem>>, vector<16xi32>,
      %mul3A_548 = arith.constant 16 : i32
      %mul3A_549 = arith.muli %scan3A_542, %mul3A_548 : i32
      %add3A_550 = vector.broadcast %mul3A_549 : i32 to vector<16xi32>
      %add3A_551 = arith.addi %add3A_550, %iota3A : vector<16xi32>
      tpu.vector_store_idx %arg14[%get3A_547], %add3A_551 : memref<10016xi32, #tpu.memory_space<vmem>>[vector<16xi32>], vector<16xi32>,
      %scan3A_552 = arith.constant 0 : i32
      %scan3A_553 = arith.constant 3 : i32
      %scan3A_554 = arith.addi %scan3A_517, %scan3A_553 : i32
      %mul3A_555 = arith.constant 16 : i32
      %mul3A_556 = arith.muli %scan3A_554, %mul3A_555 : i32
      %multiple_of3A_557 = tpu.assume_multiple %mul3A_556, 8 : i32
      %get3A_558 = arith.index_cast %multiple_of3A_557 : i32 to index
      %get3A_559 = tpu.vector_load %arg13[%get3A_558] {strides = array<i32>} : memref<8000xi32, #tpu.memory_space<vmem>>, vector<16xi32>,
      %mul3A_560 = arith.constant 16 : i32
      %mul3A_561 = arith.muli %scan3A_554, %mul3A_560 : i32
      %add3A_562 = vector.broadcast %mul3A_561 : i32 to vector<16xi32>
      %add3A_563 = arith.addi %add3A_562, %iota3A : vector<16xi32>
      tpu.vector_store_idx %arg14[%get3A_559], %add3A_563 : memref<10016xi32, #tpu.memory_space<vmem>>[vector<16xi32>], vector<16xi32>,
      %scan3A_564 = arith.constant 0 : i32
      %scan3A_565 = arith.constant 4 : i32
      %scan3A_566 = arith.addi %scan3A_517, %scan3A_565 : i32
      %mul3A_567 = arith.constant 16 : i32
      %mul3A_568 = arith.muli %scan3A_566, %mul3A_567 : i32
      %multiple_of3A_569 = tpu.assume_multiple %mul3A_568, 8 : i32
      %get3A_570 = arith.index_cast %multiple_of3A_569 : i32 to index
      %get3A_571 = tpu.vector_load %arg13[%get3A_570] {strides = array<i32>} : memref<8000xi32, #tpu.memory_space<vmem>>, vector<16xi32>,
      %mul3A_572 = arith.constant 16 : i32
      %mul3A_573 = arith.muli %scan3A_566, %mul3A_572 : i32
      %add3A_574 = vector.broadcast %mul3A_573 : i32 to vector<16xi32>
      %add3A_575 = arith.addi %add3A_574, %iota3A : vector<16xi32>
      tpu.vector_store_idx %arg14[%get3A_571], %add3A_575 : memref<10016xi32, #tpu.memory_space<vmem>>[vector<16xi32>], vector<16xi32>,
      %scan3A_576 = arith.constant 0 : i32
      %scan3A_577 = arith.constant 5 : i32
      %scan3A_578 = arith.addi %scan3A_517, %scan3A_577 : i32
      %mul3A_579 = arith.constant 16 : i32
      %mul3A_580 = arith.muli %scan3A_578, %mul3A_579 : i32
      %multiple_of3A_581 = tpu.assume_multiple %mul3A_580, 8 : i32
      %get3A_582 = arith.index_cast %multiple_of3A_581 : i32 to index
      %get3A_583 = tpu.vector_load %arg13[%get3A_582] {strides = array<i32>} : memref<8000xi32, #tpu.memory_space<vmem>>, vector<16xi32>,
      %mul3A_584 = arith.constant 16 : i32
      %mul3A_585 = arith.muli %scan3A_578, %mul3A_584 : i32
      %add3A_586 = vector.broadcast %mul3A_585 : i32 to vector<16xi32>
      %add3A_587 = arith.addi %add3A_586, %iota3A : vector<16xi32>
      tpu.vector_store_idx %arg14[%get3A_583], %add3A_587 : memref<10016xi32, #tpu.memory_space<vmem>>[vector<16xi32>], vector<16xi32>,
      %scan3A_588 = arith.constant 0 : i32
      %scan3A_589 = arith.constant 6 : i32
      %scan3A_590 = arith.addi %scan3A_517, %scan3A_589 : i32
      %mul3A_591 = arith.constant 16 : i32
      %mul3A_592 = arith.muli %scan3A_590, %mul3A_591 : i32
      %multiple_of3A_593 = tpu.assume_multiple %mul3A_592, 8 : i32
      %get3A_594 = arith.index_cast %multiple_of3A_593 : i32 to index
      %get3A_595 = tpu.vector_load %arg13[%get3A_594] {strides = array<i32>} : memref<8000xi32, #tpu.memory_space<vmem>>, vector<16xi32>,
      %mul3A_596 = arith.constant 16 : i32
      %mul3A_597 = arith.muli %scan3A_590, %mul3A_596 : i32
      %add3A_598 = vector.broadcast %mul3A_597 : i32 to vector<16xi32>
      %add3A_599 = arith.addi %add3A_598, %iota3A : vector<16xi32>
      tpu.vector_store_idx %arg14[%get3A_595], %add3A_599 : memref<10016xi32, #tpu.memory_space<vmem>>[vector<16xi32>], vector<16xi32>,
      %scan3A_600 = arith.constant 0 : i32
      %scan3A_601 = arith.constant 7 : i32
      %scan3A_602 = arith.addi %scan3A_517, %scan3A_601 : i32
      %mul3A_603 = arith.constant 16 : i32
      %mul3A_604 = arith.muli %scan3A_602, %mul3A_603 : i32
      %multiple_of3A_605 = tpu.assume_multiple %mul3A_604, 8 : i32
      %get3A_606 = arith.index_cast %multiple_of3A_605 : i32 to index
      %get3A_607 = tpu.vector_load %arg13[%get3A_606] {strides = array<i32>} : memref<8000xi32, #tpu.memory_space<vmem>>, vector<16xi32>,
      %mul3A_608 = arith.constant 16 : i32
      %mul3A_609 = arith.muli %scan3A_602, %mul3A_608 : i32
      %add3A_610 = vector.broadcast %mul3A_609 : i32 to vector<16xi32>
      %add3A_611 = arith.addi %add3A_610, %iota3A : vector<16xi32>
      tpu.vector_store_idx %arg14[%get3A_607], %add3A_611 : memref<10016xi32, #tpu.memory_space<vmem>>[vector<16xi32>], vector<16xi32>,
      %scan3A_612 = arith.constant 0 : i32
      scf.yield %scan3A_612 : i32
    }
    %scan3A_35 = arith.constant 496 : i32
    %scan3A_36 = arith.addi %scan3A_30, %scan3A_35 : i32
    %mul3A_37 = arith.constant 16 : i32
    %mul3A_38 = arith.muli %scan3A_36, %mul3A_37 : i32
    %multiple_of3A_39 = tpu.assume_multiple %mul3A_38, 8 : i32
    %get3A = arith.index_cast %multiple_of3A_39 : i32 to index
    %get3A_40 = tpu.vector_load %arg13[%get3A] {strides = array<i32>} : memref<8000xi32, #tpu.memory_space<vmem>>, vector<16xi32>,
    %mul3A_41 = arith.constant 16 : i32
    %mul3A_42 = arith.muli %scan3A_36, %mul3A_41 : i32
    %add3A_43 = vector.broadcast %mul3A_42 : i32 to vector<16xi32>
    %add3A_44 = arith.addi %add3A_43, %iota3A : vector<16xi32>
    tpu.vector_store_idx %arg14[%get3A_40], %add3A_44 : memref<10016xi32, #tpu.memory_space<vmem>>[vector<16xi32>], vector<16xi32>,
    %scan3A_45 = arith.constant 0 : i32
    %scan3A_46 = arith.constant 497 : i32
    %scan3A_47 = arith.addi %scan3A_30, %scan3A_46 : i32
    %mul3A_48 = arith.constant 16 : i32
    %mul3A_49 = arith.muli %scan3A_47, %mul3A_48 : i32
    %multiple_of3A_50 = tpu.assume_multiple %mul3A_49, 8 : i32
    %get3A_51 = arith.index_cast %multiple_of3A_50 : i32 to index
    %get3A_52 = tpu.vector_load %arg13[%get3A_51] {strides = array<i32>} : memref<8000xi32, #tpu.memory_space<vmem>>, vector<16xi32>,
    %mul3A_53 = arith.constant 16 : i32
    %mul3A_54 = arith.muli %scan3A_47, %mul3A_53 : i32
    %add3A_55 = vector.broadcast %mul3A_54 : i32 to vector<16xi32>
    %add3A_56 = arith.addi %add3A_55, %iota3A : vector<16xi32>
    tpu.vector_store_idx %arg14[%get3A_52], %add3A_56 : memref<10016xi32, #tpu.memory_space<vmem>>[vector<16xi32>], vector<16xi32>,
    %scan3A_57 = arith.constant 0 : i32
    %scan3A_58 = arith.constant 498 : i32
    %scan3A_59 = arith.addi %scan3A_30, %scan3A_58 : i32
    %mul3A_60 = arith.constant 16 : i32
    %mul3A_61 = arith.muli %scan3A_59, %mul3A_60 : i32
    %multiple_of3A_62 = tpu.assume_multiple %mul3A_61, 8 : i32
    %get3A_63 = arith.index_cast %multiple_of3A_62 : i32 to index
    %get3A_64 = tpu.vector_load %arg13[%get3A_63] {strides = array<i32>} : memref<8000xi32, #tpu.memory_space<vmem>>, vector<16xi32>,
    %mul3A_65 = arith.constant 16 : i32
    %mul3A_66 = arith.muli %scan3A_59, %mul3A_65 : i32
    %add3A_67 = vector.broadcast %mul3A_66 : i32 to vector<16xi32>
    %add3A_68 = arith.addi %add3A_67, %iota3A : vector<16xi32>
    tpu.vector_store_idx %arg14[%get3A_64], %add3A_68 : memref<10016xi32, #tpu.memory_space<vmem>>[vector<16xi32>], vector<16xi32>,
    %scan3A_69 = arith.constant 0 : i32
    %scan3A_70 = arith.constant 499 : i32
    %scan3A_71 = arith.addi %scan3A_30, %scan3A_70 : i32
    %mul3A_72 = arith.constant 16 : i32
    %mul3A_73 = arith.muli %scan3A_71, %mul3A_72 : i32
    %multiple_of3A_74 = tpu.assume_multiple %mul3A_73, 8 : i32
    %get3A_75 = arith.index_cast %multiple_of3A_74 : i32 to index
    %get3A_76 = tpu.vector_load %arg13[%get3A_75] {strides = array<i32>} : memref<8000xi32, #tpu.memory_space<vmem>>, vector<16xi32>,
    %mul3A_77 = arith.constant 16 : i32
    %mul3A_78 = arith.muli %scan3A_71, %mul3A_77 : i32
    %add3A_79 = vector.broadcast %mul3A_78 : i32 to vector<16xi32>
    %add3A_80 = arith.addi %add3A_79, %iota3A : vector<16xi32>
    tpu.vector_store_idx %arg14[%get3A_76], %add3A_80 : memref<10016xi32, #tpu.memory_space<vmem>>[vector<16xi32>], vector<16xi32>,
    %scan3A_81 = arith.constant 0 : i32
    %scan3A_82 = arith.constant 500 : i32
    %broadcast_in_dim3A_83 = arith.constant -3.400000e+38 : f32
    %broadcast_in_dim3A_84 = vector.broadcast %broadcast_in_dim3A_83 : f32 to vector<16xf32>
    %broadcast_in_dim3A_85 = arith.constant 0.000000e+00 : f32
    %broadcast_in_dim3A_86 = vector.broadcast %broadcast_in_dim3A_85 : f32 to vector<16xf32>
    %scan3A_87 = arith.constant 0 : i32
    %scan3A_88 = arith.constant 496 : i32
    %scan3A_89 = arith.addi %scan3A_87, %scan3A_88 : i32
    %scan3A_90 = arith.constant 8 : i32
    %scan3A_91:2 = scf.for %scan3A_517 = %scan3A_87 to %scan3A_89 step %scan3A_90 iter_args(%scan3A_518 = %broadcast_in_dim3A_84, %scan3A_519 = %broadcast_in_dim3A_86) -> (vector<16xf32>, vector<16xf32>)  : i32 {
      %mul3A_520 = arith.constant 16 : i32
      %mul3A_521 = arith.muli %scan3A_517, %mul3A_520 : i32
      %multiple_of3A_522 = tpu.assume_multiple %mul3A_521, 8 : i32
      %get3A_523 = arith.index_cast %multiple_of3A_522 : i32 to index
      %get3A_524 = tpu.vector_load %arg13[%get3A_523] {strides = array<i32>} : memref<8000xi32, #tpu.memory_space<vmem>>, vector<16xi32>,
      %gather3A_525 = tpu.vector_load_idx %arg12[%get3A_524] : memref<10016xf32, #tpu.memory_space<vmem>>[vector<16xi32>], vector<16xf32>,
      %add3A_526 = arith.constant 0 : i32
      %add3A_527 = vector.broadcast %add3A_526 : i32 to vector<16xi32>
      %add3A_528 = arith.addi %add3A_527, %get3A_524 : vector<16xi32>
      %gather3A_529 = tpu.vector_load_idx %arg11[%add3A_528] : memref<40064xf32, #tpu.memory_space<vmem>>[vector<16xi32>], vector<16xf32>,
      %mul3A_530 = arith.mulf %gather3A_529, %gather3A_525 : vector<16xf32>
      %mul3A_531 = arith.constant 16 : i32
      %mul3A_532 = arith.muli %scan3A_517, %mul3A_531 : i32
      %add3A_533 = arith.constant 0 : i32
      %add3A_534 = arith.addi %add3A_533, %mul3A_532 : i32
      %multiple_of3A_535 = tpu.assume_multiple %add3A_534, 8 : i32
      %swap3A_536 = arith.index_cast %multiple_of3A_535 : i32 to index
      %swap3A_537 = tpu.vector_load %arg15[%swap3A_536] {strides = array<i32>} : memref<32064xf32, #tpu.memory_space<vmem>>, vector<16xf32>,
      tpu.vector_store %arg15[%swap3A_536], %mul3A_530 {strides = array<i32>} : memref<32064xf32, #tpu.memory_space<vmem>>, vector<16xf32>,
      %max3A_538 = arith.maximumf %scan3A_518, %mul3A_530 : vector<16xf32>
      %add3A_539 = arith.addf %scan3A_519, %mul3A_530 : vector<16xf32>
      %scan3A_540 = arith.constant 1 : i32
      %scan3A_541 = arith.addi %scan3A_517, %scan3A_540 : i32
      %mul3A_542 = arith.constant 16 : i32
      %mul3A_543 = arith.muli %scan3A_541, %mul3A_542 : i32
      %multiple_of3A_544 = tpu.assume_multiple %mul3A_543, 8 : i32
      %get3A_545 = arith.index_cast %multiple_of3A_544 : i32 to index
      %get3A_546 = tpu.vector_load %arg13[%get3A_545] {strides = array<i32>} : memref<8000xi32, #tpu.memory_space<vmem>>, vector<16xi32>,
      %gather3A_547 = tpu.vector_load_idx %arg12[%get3A_546] : memref<10016xf32, #tpu.memory_space<vmem>>[vector<16xi32>], vector<16xf32>,
      %add3A_548 = arith.constant 0 : i32
      %add3A_549 = vector.broadcast %add3A_548 : i32 to vector<16xi32>
      %add3A_550 = arith.addi %add3A_549, %get3A_546 : vector<16xi32>
      %gather3A_551 = tpu.vector_load_idx %arg11[%add3A_550] : memref<40064xf32, #tpu.memory_space<vmem>>[vector<16xi32>], vector<16xf32>,
      %mul3A_552 = arith.mulf %gather3A_551, %gather3A_547 : vector<16xf32>
      %mul3A_553 = arith.constant 16 : i32
      %mul3A_554 = arith.muli %scan3A_541, %mul3A_553 : i32
      %add3A_555 = arith.constant 0 : i32
      %add3A_556 = arith.addi %add3A_555, %mul3A_554 : i32
      %multiple_of3A_557 = tpu.assume_multiple %add3A_556, 8 : i32
      %swap3A_558 = arith.index_cast %multiple_of3A_557 : i32 to index
      %swap3A_559 = tpu.vector_load %arg15[%swap3A_558] {strides = array<i32>} : memref<32064xf32, #tpu.memory_space<vmem>>, vector<16xf32>,
      tpu.vector_store %arg15[%swap3A_558], %mul3A_552 {strides = array<i32>} : memref<32064xf32, #tpu.memory_space<vmem>>, vector<16xf32>,
      %max3A_560 = arith.maximumf %max3A_538, %mul3A_552 : vector<16xf32>
      %add3A_561 = arith.addf %add3A_539, %mul3A_552 : vector<16xf32>
      %scan3A_562 = arith.constant 2 : i32
      %scan3A_563 = arith.addi %scan3A_517, %scan3A_562 : i32
      %mul3A_564 = arith.constant 16 : i32
      %mul3A_565 = arith.muli %scan3A_563, %mul3A_564 : i32
      %multiple_of3A_566 = tpu.assume_multiple %mul3A_565, 8 : i32
      %get3A_567 = arith.index_cast %multiple_of3A_566 : i32 to index
      %get3A_568 = tpu.vector_load %arg13[%get3A_567] {strides = array<i32>} : memref<8000xi32, #tpu.memory_space<vmem>>, vector<16xi32>,
      %gather3A_569 = tpu.vector_load_idx %arg12[%get3A_568] : memref<10016xf32, #tpu.memory_space<vmem>>[vector<16xi32>], vector<16xf32>,
      %add3A_570 = arith.constant 0 : i32
      %add3A_571 = vector.broadcast %add3A_570 : i32 to vector<16xi32>
      %add3A_572 = arith.addi %add3A_571, %get3A_568 : vector<16xi32>
      %gather3A_573 = tpu.vector_load_idx %arg11[%add3A_572] : memref<40064xf32, #tpu.memory_space<vmem>>[vector<16xi32>], vector<16xf32>,
      %mul3A_574 = arith.mulf %gather3A_573, %gather3A_569 : vector<16xf32>
      %mul3A_575 = arith.constant 16 : i32
      %mul3A_576 = arith.muli %scan3A_563, %mul3A_575 : i32
      %add3A_577 = arith.constant 0 : i32
      %add3A_578 = arith.addi %add3A_577, %mul3A_576 : i32
      %multiple_of3A_579 = tpu.assume_multiple %add3A_578, 8 : i32
      %swap3A_580 = arith.index_cast %multiple_of3A_579 : i32 to index
      %swap3A_581 = tpu.vector_load %arg15[%swap3A_580] {strides = array<i32>} : memref<32064xf32, #tpu.memory_space<vmem>>, vector<16xf32>,
      tpu.vector_store %arg15[%swap3A_580], %mul3A_574 {strides = array<i32>} : memref<32064xf32, #tpu.memory_space<vmem>>, vector<16xf32>,
      %max3A_582 = arith.maximumf %max3A_560, %mul3A_574 : vector<16xf32>
      %add3A_583 = arith.addf %add3A_561, %mul3A_574 : vector<16xf32>
      %scan3A_584 = arith.constant 3 : i32
      %scan3A_585 = arith.addi %scan3A_517, %scan3A_584 : i32
      %mul3A_586 = arith.constant 16 : i32
      %mul3A_587 = arith.muli %scan3A_585, %mul3A_586 : i32
      %multiple_of3A_588 = tpu.assume_multiple %mul3A_587, 8 : i32
      %get3A_589 = arith.index_cast %multiple_of3A_588 : i32 to index
      %get3A_590 = tpu.vector_load %arg13[%get3A_589] {strides = array<i32>} : memref<8000xi32, #tpu.memory_space<vmem>>, vector<16xi32>,
      %gather3A_591 = tpu.vector_load_idx %arg12[%get3A_590] : memref<10016xf32, #tpu.memory_space<vmem>>[vector<16xi32>], vector<16xf32>,
      %add3A_592 = arith.constant 0 : i32
      %add3A_593 = vector.broadcast %add3A_592 : i32 to vector<16xi32>
      %add3A_594 = arith.addi %add3A_593, %get3A_590 : vector<16xi32>
      %gather3A_595 = tpu.vector_load_idx %arg11[%add3A_594] : memref<40064xf32, #tpu.memory_space<vmem>>[vector<16xi32>], vector<16xf32>,
      %mul3A_596 = arith.mulf %gather3A_595, %gather3A_591 : vector<16xf32>
      %mul3A_597 = arith.constant 16 : i32
      %mul3A_598 = arith.muli %scan3A_585, %mul3A_597 : i32
      %add3A_599 = arith.constant 0 : i32
      %add3A_600 = arith.addi %add3A_599, %mul3A_598 : i32
      %multiple_of3A_601 = tpu.assume_multiple %add3A_600, 8 : i32
      %swap3A_602 = arith.index_cast %multiple_of3A_601 : i32 to index
      %swap3A_603 = tpu.vector_load %arg15[%swap3A_602] {strides = array<i32>} : memref<32064xf32, #tpu.memory_space<vmem>>, vector<16xf32>,
      tpu.vector_store %arg15[%swap3A_602], %mul3A_596 {strides = array<i32>} : memref<32064xf32, #tpu.memory_space<vmem>>, vector<16xf32>,
      %max3A_604 = arith.maximumf %max3A_582, %mul3A_596 : vector<16xf32>
      %add3A_605 = arith.addf %add3A_583, %mul3A_596 : vector<16xf32>
      %scan3A_606 = arith.constant 4 : i32
      %scan3A_607 = arith.addi %scan3A_517, %scan3A_606 : i32
      %mul3A_608 = arith.constant 16 : i32
      %mul3A_609 = arith.muli %scan3A_607, %mul3A_608 : i32
      %multiple_of3A_610 = tpu.assume_multiple %mul3A_609, 8 : i32
      %get3A_611 = arith.index_cast %multiple_of3A_610 : i32 to index
      %get3A_612 = tpu.vector_load %arg13[%get3A_611] {strides = array<i32>} : memref<8000xi32, #tpu.memory_space<vmem>>, vector<16xi32>,
      %gather3A_613 = tpu.vector_load_idx %arg12[%get3A_612] : memref<10016xf32, #tpu.memory_space<vmem>>[vector<16xi32>], vector<16xf32>,
      %add3A_614 = arith.constant 0 : i32
      %add3A_615 = vector.broadcast %add3A_614 : i32 to vector<16xi32>
      %add3A_616 = arith.addi %add3A_615, %get3A_612 : vector<16xi32>
      %gather3A_617 = tpu.vector_load_idx %arg11[%add3A_616] : memref<40064xf32, #tpu.memory_space<vmem>>[vector<16xi32>], vector<16xf32>,
      %mul3A_618 = arith.mulf %gather3A_617, %gather3A_613 : vector<16xf32>
      %mul3A_619 = arith.constant 16 : i32
      %mul3A_620 = arith.muli %scan3A_607, %mul3A_619 : i32
      %add3A_621 = arith.constant 0 : i32
      %add3A_622 = arith.addi %add3A_621, %mul3A_620 : i32
      %multiple_of3A_623 = tpu.assume_multiple %add3A_622, 8 : i32
      %swap3A_624 = arith.index_cast %multiple_of3A_623 : i32 to index
      %swap3A_625 = tpu.vector_load %arg15[%swap3A_624] {strides = array<i32>} : memref<32064xf32, #tpu.memory_space<vmem>>, vector<16xf32>,
      tpu.vector_store %arg15[%swap3A_624], %mul3A_618 {strides = array<i32>} : memref<32064xf32, #tpu.memory_space<vmem>>, vector<16xf32>,
      %max3A_626 = arith.maximumf %max3A_604, %mul3A_618 : vector<16xf32>
      %add3A_627 = arith.addf %add3A_605, %mul3A_618 : vector<16xf32>
      %scan3A_628 = arith.constant 5 : i32
      %scan3A_629 = arith.addi %scan3A_517, %scan3A_628 : i32
      %mul3A_630 = arith.constant 16 : i32
      %mul3A_631 = arith.muli %scan3A_629, %mul3A_630 : i32
      %multiple_of3A_632 = tpu.assume_multiple %mul3A_631, 8 : i32
      %get3A_633 = arith.index_cast %multiple_of3A_632 : i32 to index
      %get3A_634 = tpu.vector_load %arg13[%get3A_633] {strides = array<i32>} : memref<8000xi32, #tpu.memory_space<vmem>>, vector<16xi32>,
      %gather3A_635 = tpu.vector_load_idx %arg12[%get3A_634] : memref<10016xf32, #tpu.memory_space<vmem>>[vector<16xi32>], vector<16xf32>,
      %add3A_636 = arith.constant 0 : i32
      %add3A_637 = vector.broadcast %add3A_636 : i32 to vector<16xi32>
      %add3A_638 = arith.addi %add3A_637, %get3A_634 : vector<16xi32>
      %gather3A_639 = tpu.vector_load_idx %arg11[%add3A_638] : memref<40064xf32, #tpu.memory_space<vmem>>[vector<16xi32>], vector<16xf32>,
      %mul3A_640 = arith.mulf %gather3A_639, %gather3A_635 : vector<16xf32>
      %mul3A_641 = arith.constant 16 : i32
      %mul3A_642 = arith.muli %scan3A_629, %mul3A_641 : i32
      %add3A_643 = arith.constant 0 : i32
      %add3A_644 = arith.addi %add3A_643, %mul3A_642 : i32
      %multiple_of3A_645 = tpu.assume_multiple %add3A_644, 8 : i32
      %swap3A_646 = arith.index_cast %multiple_of3A_645 : i32 to index
      %swap3A_647 = tpu.vector_load %arg15[%swap3A_646] {strides = array<i32>} : memref<32064xf32, #tpu.memory_space<vmem>>, vector<16xf32>,
      tpu.vector_store %arg15[%swap3A_646], %mul3A_640 {strides = array<i32>} : memref<32064xf32, #tpu.memory_space<vmem>>, vector<16xf32>,
      %max3A_648 = arith.maximumf %max3A_626, %mul3A_640 : vector<16xf32>
      %add3A_649 = arith.addf %add3A_627, %mul3A_640 : vector<16xf32>
      %scan3A_650 = arith.constant 6 : i32
      %scan3A_651 = arith.addi %scan3A_517, %scan3A_650 : i32
      %mul3A_652 = arith.constant 16 : i32
      %mul3A_653 = arith.muli %scan3A_651, %mul3A_652 : i32
      %multiple_of3A_654 = tpu.assume_multiple %mul3A_653, 8 : i32
      %get3A_655 = arith.index_cast %multiple_of3A_654 : i32 to index
      %get3A_656 = tpu.vector_load %arg13[%get3A_655] {strides = array<i32>} : memref<8000xi32, #tpu.memory_space<vmem>>, vector<16xi32>,
      %gather3A_657 = tpu.vector_load_idx %arg12[%get3A_656] : memref<10016xf32, #tpu.memory_space<vmem>>[vector<16xi32>], vector<16xf32>,
      %add3A_658 = arith.constant 0 : i32
      %add3A_659 = vector.broadcast %add3A_658 : i32 to vector<16xi32>
      %add3A_660 = arith.addi %add3A_659, %get3A_656 : vector<16xi32>
      %gather3A_661 = tpu.vector_load_idx %arg11[%add3A_660] : memref<40064xf32, #tpu.memory_space<vmem>>[vector<16xi32>], vector<16xf32>,
      %mul3A_662 = arith.mulf %gather3A_661, %gather3A_657 : vector<16xf32>
      %mul3A_663 = arith.constant 16 : i32
      %mul3A_664 = arith.muli %scan3A_651, %mul3A_663 : i32
      %add3A_665 = arith.constant 0 : i32
      %add3A_666 = arith.addi %add3A_665, %mul3A_664 : i32
      %multiple_of3A_667 = tpu.assume_multiple %add3A_666, 8 : i32
      %swap3A_668 = arith.index_cast %multiple_of3A_667 : i32 to index
      %swap3A_669 = tpu.vector_load %arg15[%swap3A_668] {strides = array<i32>} : memref<32064xf32, #tpu.memory_space<vmem>>, vector<16xf32>,
      tpu.vector_store %arg15[%swap3A_668], %mul3A_662 {strides = array<i32>} : memref<32064xf32, #tpu.memory_space<vmem>>, vector<16xf32>,
      %max3A_670 = arith.maximumf %max3A_648, %mul3A_662 : vector<16xf32>
      %add3A_671 = arith.addf %add3A_649, %mul3A_662 : vector<16xf32>
      %scan3A_672 = arith.constant 7 : i32
      %scan3A_673 = arith.addi %scan3A_517, %scan3A_672 : i32
      %mul3A_674 = arith.constant 16 : i32
      %mul3A_675 = arith.muli %scan3A_673, %mul3A_674 : i32
      %multiple_of3A_676 = tpu.assume_multiple %mul3A_675, 8 : i32
      %get3A_677 = arith.index_cast %multiple_of3A_676 : i32 to index
      %get3A_678 = tpu.vector_load %arg13[%get3A_677] {strides = array<i32>} : memref<8000xi32, #tpu.memory_space<vmem>>, vector<16xi32>,
      %gather3A_679 = tpu.vector_load_idx %arg12[%get3A_678] : memref<10016xf32, #tpu.memory_space<vmem>>[vector<16xi32>], vector<16xf32>,
      %add3A_680 = arith.constant 0 : i32
      %add3A_681 = vector.broadcast %add3A_680 : i32 to vector<16xi32>
      %add3A_682 = arith.addi %add3A_681, %get3A_678 : vector<16xi32>
      %gather3A_683 = tpu.vector_load_idx %arg11[%add3A_682] : memref<40064xf32, #tpu.memory_space<vmem>>[vector<16xi32>], vector<16xf32>,
      %mul3A_684 = arith.mulf %gather3A_683, %gather3A_679 : vector<16xf32>
      %mul3A_685 = arith.constant 16 : i32
      %mul3A_686 = arith.muli %scan3A_673, %mul3A_685 : i32
      %add3A_687 = arith.constant 0 : i32
      %add3A_688 = arith.addi %add3A_687, %mul3A_686 : i32
      %multiple_of3A_689 = tpu.assume_multiple %add3A_688, 8 : i32
      %swap3A_690 = arith.index_cast %multiple_of3A_689 : i32 to index
      %swap3A_691 = tpu.vector_load %arg15[%swap3A_690] {strides = array<i32>} : memref<32064xf32, #tpu.memory_space<vmem>>, vector<16xf32>,
      tpu.vector_store %arg15[%swap3A_690], %mul3A_684 {strides = array<i32>} : memref<32064xf32, #tpu.memory_space<vmem>>, vector<16xf32>,
      %max3A_692 = arith.maximumf %max3A_670, %mul3A_684 : vector<16xf32>
      %add3A_693 = arith.addf %add3A_671, %mul3A_684 : vector<16xf32>
      scf.yield %max3A_692, %add3A_693 : vector<16xf32>, vector<16xf32>
    }
    %scan3A_92 = arith.constant 496 : i32
    %scan3A_93 = arith.addi %scan3A_87, %scan3A_92 : i32
    %mul3A_94 = arith.constant 16 : i32
    %mul3A_95 = arith.muli %scan3A_93, %mul3A_94 : i32
    %multiple_of3A_96 = tpu.assume_multiple %mul3A_95, 8 : i32
    %get3A_97 = arith.index_cast %multiple_of3A_96 : i32 to index
    %get3A_98 = tpu.vector_load %arg13[%get3A_97] {strides = array<i32>} : memref<8000xi32, #tpu.memory_space<vmem>>, vector<16xi32>,
    %gather3A = tpu.vector_load_idx %arg12[%get3A_98] : memref<10016xf32, #tpu.memory_space<vmem>>[vector<16xi32>], vector<16xf32>,
    %add3A_99 = arith.constant 0 : i32
    %add3A_100 = vector.broadcast %add3A_99 : i32 to vector<16xi32>
    %add3A_101 = arith.addi %add3A_100, %get3A_98 : vector<16xi32>
    %gather3A_102 = tpu.vector_load_idx %arg11[%add3A_101] : memref<40064xf32, #tpu.memory_space<vmem>>[vector<16xi32>], vector<16xf32>,
    %mul3A_103 = arith.mulf %gather3A_102, %gather3A : vector<16xf32>
    %mul3A_104 = arith.constant 16 : i32
    %mul3A_105 = arith.muli %scan3A_93, %mul3A_104 : i32
    %add3A_106 = arith.constant 0 : i32
    %add3A_107 = arith.addi %add3A_106, %mul3A_105 : i32
    %multiple_of3A_108 = tpu.assume_multiple %add3A_107, 8 : i32
    %swap3A_109 = arith.index_cast %multiple_of3A_108 : i32 to index
    %swap3A_110 = tpu.vector_load %arg15[%swap3A_109] {strides = array<i32>} : memref<32064xf32, #tpu.memory_space<vmem>>, vector<16xf32>,
    tpu.vector_store %arg15[%swap3A_109], %mul3A_103 {strides = array<i32>} : memref<32064xf32, #tpu.memory_space<vmem>>, vector<16xf32>,
    %max3A = arith.maximumf %scan3A_91#0, %mul3A_103 : vector<16xf32>
    %add3A_111 = arith.addf %scan3A_91#1, %mul3A_103 : vector<16xf32>
    %scan3A_112 = arith.constant 497 : i32
    %scan3A_113 = arith.addi %scan3A_87, %scan3A_112 : i32
    %mul3A_114 = arith.constant 16 : i32
    %mul3A_115 = arith.muli %scan3A_113, %mul3A_114 : i32
    %multiple_of3A_116 = tpu.assume_multiple %mul3A_115, 8 : i32
    %get3A_117 = arith.index_cast %multiple_of3A_116 : i32 to index
    %get3A_118 = tpu.vector_load %arg13[%get3A_117] {strides = array<i32>} : memref<8000xi32, #tpu.memory_space<vmem>>, vector<16xi32>,
    %gather3A_119 = tpu.vector_load_idx %arg12[%get3A_118] : memref<10016xf32, #tpu.memory_space<vmem>>[vector<16xi32>], vector<16xf32>,
    %add3A_120 = arith.constant 0 : i32
    %add3A_121 = vector.broadcast %add3A_120 : i32 to vector<16xi32>
    %add3A_122 = arith.addi %add3A_121, %get3A_118 : vector<16xi32>
    %gather3A_123 = tpu.vector_load_idx %arg11[%add3A_122] : memref<40064xf32, #tpu.memory_space<vmem>>[vector<16xi32>], vector<16xf32>,
    %mul3A_124 = arith.mulf %gather3A_123, %gather3A_119 : vector<16xf32>
    %mul3A_125 = arith.constant 16 : i32
    %mul3A_126 = arith.muli %scan3A_113, %mul3A_125 : i32
    %add3A_127 = arith.constant 0 : i32
    %add3A_128 = arith.addi %add3A_127, %mul3A_126 : i32
    %multiple_of3A_129 = tpu.assume_multiple %add3A_128, 8 : i32
    %swap3A_130 = arith.index_cast %multiple_of3A_129 : i32 to index
    %swap3A_131 = tpu.vector_load %arg15[%swap3A_130] {strides = array<i32>} : memref<32064xf32, #tpu.memory_space<vmem>>, vector<16xf32>,
    tpu.vector_store %arg15[%swap3A_130], %mul3A_124 {strides = array<i32>} : memref<32064xf32, #tpu.memory_space<vmem>>, vector<16xf32>,
    %max3A_132 = arith.maximumf %max3A, %mul3A_124 : vector<16xf32>
    %add3A_133 = arith.addf %add3A_111, %mul3A_124 : vector<16xf32>
    %scan3A_134 = arith.constant 498 : i32
    %scan3A_135 = arith.addi %scan3A_87, %scan3A_134 : i32
    %mul3A_136 = arith.constant 16 : i32
    %mul3A_137 = arith.muli %scan3A_135, %mul3A_136 : i32
    %multiple_of3A_138 = tpu.assume_multiple %mul3A_137, 8 : i32
    %get3A_139 = arith.index_cast %multiple_of3A_138 : i32 to index
    %get3A_140 = tpu.vector_load %arg13[%get3A_139] {strides = array<i32>} : memref<8000xi32, #tpu.memory_space<vmem>>, vector<16xi32>,
    %gather3A_141 = tpu.vector_load_idx %arg12[%get3A_140] : memref<10016xf32, #tpu.memory_space<vmem>>[vector<16xi32>], vector<16xf32>,
    %add3A_142 = arith.constant 0 : i32
    %add3A_143 = vector.broadcast %add3A_142 : i32 to vector<16xi32>
    %add3A_144 = arith.addi %add3A_143, %get3A_140 : vector<16xi32>
    %gather3A_145 = tpu.vector_load_idx %arg11[%add3A_144] : memref<40064xf32, #tpu.memory_space<vmem>>[vector<16xi32>], vector<16xf32>,
    %mul3A_146 = arith.mulf %gather3A_145, %gather3A_141 : vector<16xf32>
    %mul3A_147 = arith.constant 16 : i32
    %mul3A_148 = arith.muli %scan3A_135, %mul3A_147 : i32
    %add3A_149 = arith.constant 0 : i32
    %add3A_150 = arith.addi %add3A_149, %mul3A_148 : i32
    %multiple_of3A_151 = tpu.assume_multiple %add3A_150, 8 : i32
    %swap3A_152 = arith.index_cast %multiple_of3A_151 : i32 to index
    %swap3A_153 = tpu.vector_load %arg15[%swap3A_152] {strides = array<i32>} : memref<32064xf32, #tpu.memory_space<vmem>>, vector<16xf32>,
    tpu.vector_store %arg15[%swap3A_152], %mul3A_146 {strides = array<i32>} : memref<32064xf32, #tpu.memory_space<vmem>>, vector<16xf32>,
    %max3A_154 = arith.maximumf %max3A_132, %mul3A_146 : vector<16xf32>
    %add3A_155 = arith.addf %add3A_133, %mul3A_146 : vector<16xf32>
    %scan3A_156 = arith.constant 499 : i32
    %scan3A_157 = arith.addi %scan3A_87, %scan3A_156 : i32
    %mul3A_158 = arith.constant 16 : i32
    %mul3A_159 = arith.muli %scan3A_157, %mul3A_158 : i32
    %multiple_of3A_160 = tpu.assume_multiple %mul3A_159, 8 : i32
    %get3A_161 = arith.index_cast %multiple_of3A_160 : i32 to index
    %get3A_162 = tpu.vector_load %arg13[%get3A_161] {strides = array<i32>} : memref<8000xi32, #tpu.memory_space<vmem>>, vector<16xi32>,
    %gather3A_163 = tpu.vector_load_idx %arg12[%get3A_162] : memref<10016xf32, #tpu.memory_space<vmem>>[vector<16xi32>], vector<16xf32>,
    %add3A_164 = arith.constant 0 : i32
    %add3A_165 = vector.broadcast %add3A_164 : i32 to vector<16xi32>
    %add3A_166 = arith.addi %add3A_165, %get3A_162 : vector<16xi32>
    %gather3A_167 = tpu.vector_load_idx %arg11[%add3A_166] : memref<40064xf32, #tpu.memory_space<vmem>>[vector<16xi32>], vector<16xf32>,
    %mul3A_168 = arith.mulf %gather3A_167, %gather3A_163 : vector<16xf32>
    %mul3A_169 = arith.constant 16 : i32
    %mul3A_170 = arith.muli %scan3A_157, %mul3A_169 : i32
    %add3A_171 = arith.constant 0 : i32
    %add3A_172 = arith.addi %add3A_171, %mul3A_170 : i32
    %multiple_of3A_173 = tpu.assume_multiple %add3A_172, 8 : i32
    %swap3A_174 = arith.index_cast %multiple_of3A_173 : i32 to index
    %swap3A_175 = tpu.vector_load %arg15[%swap3A_174] {strides = array<i32>} : memref<32064xf32, #tpu.memory_space<vmem>>, vector<16xf32>,
    tpu.vector_store %arg15[%swap3A_174], %mul3A_168 {strides = array<i32>} : memref<32064xf32, #tpu.memory_space<vmem>>, vector<16xf32>,
    %max3A_176 = arith.maximumf %max3A_154, %mul3A_168 : vector<16xf32>
    %add3A_177 = arith.addf %add3A_155, %mul3A_168 : vector<16xf32>
    %scan3A_178 = arith.constant 500 : i32
    %broadcast_in_dim3A_179 = arith.constant 0.000000e+00 : f32
    %broadcast_in_dim3A_180 = vector.broadcast %broadcast_in_dim3A_179 : f32 to vector<16xf32>
    %swap3A_181 = arith.constant 8000 : index
    %swap3A_182 = tpu.vector_load %arg15[%swap3A_181] {strides = array<i32>} : memref<32064xf32, #tpu.memory_space<vmem>>, vector<16xf32>,
    tpu.vector_store %arg15[%swap3A_181], %broadcast_in_dim3A_180 {strides = array<i32>} : memref<32064xf32, #tpu.memory_space<vmem>>, vector<16xf32>,
    %swap3A_183 = arith.constant 0 : index
    %swap3A_184 = tpu.vector_load %arg20[%swap3A_183] {strides = array<i32>} : memref<128xf32, #tpu.memory_space<vmem>>, vector<16xf32>,
    tpu.vector_store %arg20[%swap3A_183], %max3A_176 {strides = array<i32>} : memref<128xf32, #tpu.memory_space<vmem>>, vector<16xf32>,
    %swap3A_185 = arith.constant 16 : index
    %swap3A_186 = tpu.vector_load %arg20[%swap3A_185] {strides = array<i32>} : memref<128xf32, #tpu.memory_space<vmem>>, vector<16xf32>,
    tpu.vector_store %arg20[%swap3A_185], %add3A_177 {strides = array<i32>} : memref<128xf32, #tpu.memory_space<vmem>>, vector<16xf32>,
    %broadcast_in_dim3A_187 = arith.constant -3.400000e+38 : f32
    %broadcast_in_dim3A_188 = vector.broadcast %broadcast_in_dim3A_187 : f32 to vector<16xf32>
    %broadcast_in_dim3A_189 = arith.constant 0.000000e+00 : f32
    %broadcast_in_dim3A_190 = vector.broadcast %broadcast_in_dim3A_189 : f32 to vector<16xf32>
    %scan3A_191 = arith.constant 0 : i32
    %scan3A_192 = arith.constant 496 : i32
    %scan3A_193 = arith.addi %scan3A_191, %scan3A_192 : i32
    %scan3A_194 = arith.constant 8 : i32
    %scan3A_195:2 = scf.for %scan3A_517 = %scan3A_191 to %scan3A_193 step %scan3A_194 iter_args(%scan3A_518 = %broadcast_in_dim3A_188, %scan3A_519 = %broadcast_in_dim3A_190) -> (vector<16xf32>, vector<16xf32>)  : i32 {
      %mul3A_520 = arith.constant 16 : i32
      %mul3A_521 = arith.muli %scan3A_517, %mul3A_520 : i32
      %multiple_of3A_522 = tpu.assume_multiple %mul3A_521, 8 : i32
      %get3A_523 = arith.index_cast %multiple_of3A_522 : i32 to index
      %get3A_524 = tpu.vector_load %arg13[%get3A_523] {strides = array<i32>} : memref<8000xi32, #tpu.memory_space<vmem>>, vector<16xi32>,
      %gather3A_525 = tpu.vector_load_idx %arg12[%get3A_524] : memref<10016xf32, #tpu.memory_space<vmem>>[vector<16xi32>], vector<16xf32>,
      %add3A_526 = arith.constant 10016 : i32
      %add3A_527 = vector.broadcast %add3A_526 : i32 to vector<16xi32>
      %add3A_528 = arith.addi %add3A_527, %get3A_524 : vector<16xi32>
      %gather3A_529 = tpu.vector_load_idx %arg11[%add3A_528] : memref<40064xf32, #tpu.memory_space<vmem>>[vector<16xi32>], vector<16xf32>,
      %mul3A_530 = arith.mulf %gather3A_529, %gather3A_525 : vector<16xf32>
      %mul3A_531 = arith.constant 16 : i32
      %mul3A_532 = arith.muli %scan3A_517, %mul3A_531 : i32
      %add3A_533 = arith.constant 8016 : i32
      %add3A_534 = arith.addi %add3A_533, %mul3A_532 : i32
      %multiple_of3A_535 = tpu.assume_multiple %add3A_534, 8 : i32
      %swap3A_536 = arith.index_cast %multiple_of3A_535 : i32 to index
      %swap3A_537 = tpu.vector_load %arg15[%swap3A_536] {strides = array<i32>} : memref<32064xf32, #tpu.memory_space<vmem>>, vector<16xf32>,
      tpu.vector_store %arg15[%swap3A_536], %mul3A_530 {strides = array<i32>} : memref<32064xf32, #tpu.memory_space<vmem>>, vector<16xf32>,
      %max3A_538 = arith.maximumf %scan3A_518, %mul3A_530 : vector<16xf32>
      %add3A_539 = arith.addf %scan3A_519, %mul3A_530 : vector<16xf32>
      %scan3A_540 = arith.constant 1 : i32
      %scan3A_541 = arith.addi %scan3A_517, %scan3A_540 : i32
      %mul3A_542 = arith.constant 16 : i32
      %mul3A_543 = arith.muli %scan3A_541, %mul3A_542 : i32
      %multiple_of3A_544 = tpu.assume_multiple %mul3A_543, 8 : i32
      %get3A_545 = arith.index_cast %multiple_of3A_544 : i32 to index
      %get3A_546 = tpu.vector_load %arg13[%get3A_545] {strides = array<i32>} : memref<8000xi32, #tpu.memory_space<vmem>>, vector<16xi32>,
      %gather3A_547 = tpu.vector_load_idx %arg12[%get3A_546] : memref<10016xf32, #tpu.memory_space<vmem>>[vector<16xi32>], vector<16xf32>,
      %add3A_548 = arith.constant 10016 : i32
      %add3A_549 = vector.broadcast %add3A_548 : i32 to vector<16xi32>
      %add3A_550 = arith.addi %add3A_549, %get3A_546 : vector<16xi32>
      %gather3A_551 = tpu.vector_load_idx %arg11[%add3A_550] : memref<40064xf32, #tpu.memory_space<vmem>>[vector<16xi32>], vector<16xf32>,
      %mul3A_552 = arith.mulf %gather3A_551, %gather3A_547 : vector<16xf32>
      %mul3A_553 = arith.constant 16 : i32
      %mul3A_554 = arith.muli %scan3A_541, %mul3A_553 : i32
      %add3A_555 = arith.constant 8016 : i32
      %add3A_556 = arith.addi %add3A_555, %mul3A_554 : i32
      %multiple_of3A_557 = tpu.assume_multiple %add3A_556, 8 : i32
      %swap3A_558 = arith.index_cast %multiple_of3A_557 : i32 to index
      %swap3A_559 = tpu.vector_load %arg15[%swap3A_558] {strides = array<i32>} : memref<32064xf32, #tpu.memory_space<vmem>>, vector<16xf32>,
      tpu.vector_store %arg15[%swap3A_558], %mul3A_552 {strides = array<i32>} : memref<32064xf32, #tpu.memory_space<vmem>>, vector<16xf32>,
      %max3A_560 = arith.maximumf %max3A_538, %mul3A_552 : vector<16xf32>
      %add3A_561 = arith.addf %add3A_539, %mul3A_552 : vector<16xf32>
      %scan3A_562 = arith.constant 2 : i32
      %scan3A_563 = arith.addi %scan3A_517, %scan3A_562 : i32
      %mul3A_564 = arith.constant 16 : i32
      %mul3A_565 = arith.muli %scan3A_563, %mul3A_564 : i32
      %multiple_of3A_566 = tpu.assume_multiple %mul3A_565, 8 : i32
      %get3A_567 = arith.index_cast %multiple_of3A_566 : i32 to index
      %get3A_568 = tpu.vector_load %arg13[%get3A_567] {strides = array<i32>} : memref<8000xi32, #tpu.memory_space<vmem>>, vector<16xi32>,
      %gather3A_569 = tpu.vector_load_idx %arg12[%get3A_568] : memref<10016xf32, #tpu.memory_space<vmem>>[vector<16xi32>], vector<16xf32>,
      %add3A_570 = arith.constant 10016 : i32
      %add3A_571 = vector.broadcast %add3A_570 : i32 to vector<16xi32>
      %add3A_572 = arith.addi %add3A_571, %get3A_568 : vector<16xi32>
      %gather3A_573 = tpu.vector_load_idx %arg11[%add3A_572] : memref<40064xf32, #tpu.memory_space<vmem>>[vector<16xi32>], vector<16xf32>,
      %mul3A_574 = arith.mulf %gather3A_573, %gather3A_569 : vector<16xf32>
      %mul3A_575 = arith.constant 16 : i32
      %mul3A_576 = arith.muli %scan3A_563, %mul3A_575 : i32
      %add3A_577 = arith.constant 8016 : i32
      %add3A_578 = arith.addi %add3A_577, %mul3A_576 : i32
      %multiple_of3A_579 = tpu.assume_multiple %add3A_578, 8 : i32
      %swap3A_580 = arith.index_cast %multiple_of3A_579 : i32 to index
      %swap3A_581 = tpu.vector_load %arg15[%swap3A_580] {strides = array<i32>} : memref<32064xf32, #tpu.memory_space<vmem>>, vector<16xf32>,
      tpu.vector_store %arg15[%swap3A_580], %mul3A_574 {strides = array<i32>} : memref<32064xf32, #tpu.memory_space<vmem>>, vector<16xf32>,
      %max3A_582 = arith.maximumf %max3A_560, %mul3A_574 : vector<16xf32>
      %add3A_583 = arith.addf %add3A_561, %mul3A_574 : vector<16xf32>
      %scan3A_584 = arith.constant 3 : i32
      %scan3A_585 = arith.addi %scan3A_517, %scan3A_584 : i32
      %mul3A_586 = arith.constant 16 : i32
      %mul3A_587 = arith.muli %scan3A_585, %mul3A_586 : i32
      %multiple_of3A_588 = tpu.assume_multiple %mul3A_587, 8 : i32
      %get3A_589 = arith.index_cast %multiple_of3A_588 : i32 to index
      %get3A_590 = tpu.vector_load %arg13[%get3A_589] {strides = array<i32>} : memref<8000xi32, #tpu.memory_space<vmem>>, vector<16xi32>,
      %gather3A_591 = tpu.vector_load_idx %arg12[%get3A_590] : memref<10016xf32, #tpu.memory_space<vmem>>[vector<16xi32>], vector<16xf32>,
      %add3A_592 = arith.constant 10016 : i32
      %add3A_593 = vector.broadcast %add3A_592 : i32 to vector<16xi32>
      %add3A_594 = arith.addi %add3A_593, %get3A_590 : vector<16xi32>
      %gather3A_595 = tpu.vector_load_idx %arg11[%add3A_594] : memref<40064xf32, #tpu.memory_space<vmem>>[vector<16xi32>], vector<16xf32>,
      %mul3A_596 = arith.mulf %gather3A_595, %gather3A_591 : vector<16xf32>
      %mul3A_597 = arith.constant 16 : i32
      %mul3A_598 = arith.muli %scan3A_585, %mul3A_597 : i32
      %add3A_599 = arith.constant 8016 : i32
      %add3A_600 = arith.addi %add3A_599, %mul3A_598 : i32
      %multiple_of3A_601 = tpu.assume_multiple %add3A_600, 8 : i32
      %swap3A_602 = arith.index_cast %multiple_of3A_601 : i32 to index
      %swap3A_603 = tpu.vector_load %arg15[%swap3A_602] {strides = array<i32>} : memref<32064xf32, #tpu.memory_space<vmem>>, vector<16xf32>,
      tpu.vector_store %arg15[%swap3A_602], %mul3A_596 {strides = array<i32>} : memref<32064xf32, #tpu.memory_space<vmem>>, vector<16xf32>,
      %max3A_604 = arith.maximumf %max3A_582, %mul3A_596 : vector<16xf32>
      %add3A_605 = arith.addf %add3A_583, %mul3A_596 : vector<16xf32>
      %scan3A_606 = arith.constant 4 : i32
      %scan3A_607 = arith.addi %scan3A_517, %scan3A_606 : i32
      %mul3A_608 = arith.constant 16 : i32
      %mul3A_609 = arith.muli %scan3A_607, %mul3A_608 : i32
      %multiple_of3A_610 = tpu.assume_multiple %mul3A_609, 8 : i32
      %get3A_611 = arith.index_cast %multiple_of3A_610 : i32 to index
      %get3A_612 = tpu.vector_load %arg13[%get3A_611] {strides = array<i32>} : memref<8000xi32, #tpu.memory_space<vmem>>, vector<16xi32>,
      %gather3A_613 = tpu.vector_load_idx %arg12[%get3A_612] : memref<10016xf32, #tpu.memory_space<vmem>>[vector<16xi32>], vector<16xf32>,
      %add3A_614 = arith.constant 10016 : i32
      %add3A_615 = vector.broadcast %add3A_614 : i32 to vector<16xi32>
      %add3A_616 = arith.addi %add3A_615, %get3A_612 : vector<16xi32>
      %gather3A_617 = tpu.vector_load_idx %arg11[%add3A_616] : memref<40064xf32, #tpu.memory_space<vmem>>[vector<16xi32>], vector<16xf32>,
      %mul3A_618 = arith.mulf %gather3A_617, %gather3A_613 : vector<16xf32>
      %mul3A_619 = arith.constant 16 : i32
      %mul3A_620 = arith.muli %scan3A_607, %mul3A_619 : i32
      %add3A_621 = arith.constant 8016 : i32
      %add3A_622 = arith.addi %add3A_621, %mul3A_620 : i32
      %multiple_of3A_623 = tpu.assume_multiple %add3A_622, 8 : i32
      %swap3A_624 = arith.index_cast %multiple_of3A_623 : i32 to index
      %swap3A_625 = tpu.vector_load %arg15[%swap3A_624] {strides = array<i32>} : memref<32064xf32, #tpu.memory_space<vmem>>, vector<16xf32>,
      tpu.vector_store %arg15[%swap3A_624], %mul3A_618 {strides = array<i32>} : memref<32064xf32, #tpu.memory_space<vmem>>, vector<16xf32>,
      %max3A_626 = arith.maximumf %max3A_604, %mul3A_618 : vector<16xf32>
      %add3A_627 = arith.addf %add3A_605, %mul3A_618 : vector<16xf32>
      %scan3A_628 = arith.constant 5 : i32
      %scan3A_629 = arith.addi %scan3A_517, %scan3A_628 : i32
      %mul3A_630 = arith.constant 16 : i32
      %mul3A_631 = arith.muli %scan3A_629, %mul3A_630 : i32
      %multiple_of3A_632 = tpu.assume_multiple %mul3A_631, 8 : i32
      %get3A_633 = arith.index_cast %multiple_of3A_632 : i32 to index
      %get3A_634 = tpu.vector_load %arg13[%get3A_633] {strides = array<i32>} : memref<8000xi32, #tpu.memory_space<vmem>>, vector<16xi32>,
      %gather3A_635 = tpu.vector_load_idx %arg12[%get3A_634] : memref<10016xf32, #tpu.memory_space<vmem>>[vector<16xi32>], vector<16xf32>,
      %add3A_636 = arith.constant 10016 : i32
      %add3A_637 = vector.broadcast %add3A_636 : i32 to vector<16xi32>
      %add3A_638 = arith.addi %add3A_637, %get3A_634 : vector<16xi32>
      %gather3A_639 = tpu.vector_load_idx %arg11[%add3A_638] : memref<40064xf32, #tpu.memory_space<vmem>>[vector<16xi32>], vector<16xf32>,
      %mul3A_640 = arith.mulf %gather3A_639, %gather3A_635 : vector<16xf32>
      %mul3A_641 = arith.constant 16 : i32
      %mul3A_642 = arith.muli %scan3A_629, %mul3A_641 : i32
      %add3A_643 = arith.constant 8016 : i32
      %add3A_644 = arith.addi %add3A_643, %mul3A_642 : i32
      %multiple_of3A_645 = tpu.assume_multiple %add3A_644, 8 : i32
      %swap3A_646 = arith.index_cast %multiple_of3A_645 : i32 to index
      %swap3A_647 = tpu.vector_load %arg15[%swap3A_646] {strides = array<i32>} : memref<32064xf32, #tpu.memory_space<vmem>>, vector<16xf32>,
      tpu.vector_store %arg15[%swap3A_646], %mul3A_640 {strides = array<i32>} : memref<32064xf32, #tpu.memory_space<vmem>>, vector<16xf32>,
      %max3A_648 = arith.maximumf %max3A_626, %mul3A_640 : vector<16xf32>
      %add3A_649 = arith.addf %add3A_627, %mul3A_640 : vector<16xf32>
      %scan3A_650 = arith.constant 6 : i32
      %scan3A_651 = arith.addi %scan3A_517, %scan3A_650 : i32
      %mul3A_652 = arith.constant 16 : i32
      %mul3A_653 = arith.muli %scan3A_651, %mul3A_652 : i32
      %multiple_of3A_654 = tpu.assume_multiple %mul3A_653, 8 : i32
      %get3A_655 = arith.index_cast %multiple_of3A_654 : i32 to index
      %get3A_656 = tpu.vector_load %arg13[%get3A_655] {strides = array<i32>} : memref<8000xi32, #tpu.memory_space<vmem>>, vector<16xi32>,
      %gather3A_657 = tpu.vector_load_idx %arg12[%get3A_656] : memref<10016xf32, #tpu.memory_space<vmem>>[vector<16xi32>], vector<16xf32>,
      %add3A_658 = arith.constant 10016 : i32
      %add3A_659 = vector.broadcast %add3A_658 : i32 to vector<16xi32>
      %add3A_660 = arith.addi %add3A_659, %get3A_656 : vector<16xi32>
      %gather3A_661 = tpu.vector_load_idx %arg11[%add3A_660] : memref<40064xf32, #tpu.memory_space<vmem>>[vector<16xi32>], vector<16xf32>,
      %mul3A_662 = arith.mulf %gather3A_661, %gather3A_657 : vector<16xf32>
      %mul3A_663 = arith.constant 16 : i32
      %mul3A_664 = arith.muli %scan3A_651, %mul3A_663 : i32
      %add3A_665 = arith.constant 8016 : i32
      %add3A_666 = arith.addi %add3A_665, %mul3A_664 : i32
      %multiple_of3A_667 = tpu.assume_multiple %add3A_666, 8 : i32
      %swap3A_668 = arith.index_cast %multiple_of3A_667 : i32 to index
      %swap3A_669 = tpu.vector_load %arg15[%swap3A_668] {strides = array<i32>} : memref<32064xf32, #tpu.memory_space<vmem>>, vector<16xf32>,
      tpu.vector_store %arg15[%swap3A_668], %mul3A_662 {strides = array<i32>} : memref<32064xf32, #tpu.memory_space<vmem>>, vector<16xf32>,
      %max3A_670 = arith.maximumf %max3A_648, %mul3A_662 : vector<16xf32>
      %add3A_671 = arith.addf %add3A_649, %mul3A_662 : vector<16xf32>
      %scan3A_672 = arith.constant 7 : i32
      %scan3A_673 = arith.addi %scan3A_517, %scan3A_672 : i32
      %mul3A_674 = arith.constant 16 : i32
      %mul3A_675 = arith.muli %scan3A_673, %mul3A_674 : i32
      %multiple_of3A_676 = tpu.assume_multiple %mul3A_675, 8 : i32
      %get3A_677 = arith.index_cast %multiple_of3A_676 : i32 to index
      %get3A_678 = tpu.vector_load %arg13[%get3A_677] {strides = array<i32>} : memref<8000xi32, #tpu.memory_space<vmem>>, vector<16xi32>,
      %gather3A_679 = tpu.vector_load_idx %arg12[%get3A_678] : memref<10016xf32, #tpu.memory_space<vmem>>[vector<16xi32>], vector<16xf32>,
      %add3A_680 = arith.constant 10016 : i32
      %add3A_681 = vector.broadcast %add3A_680 : i32 to vector<16xi32>
      %add3A_682 = arith.addi %add3A_681, %get3A_678 : vector<16xi32>
      %gather3A_683 = tpu.vector_load_idx %arg11[%add3A_682] : memref<40064xf32, #tpu.memory_space<vmem>>[vector<16xi32>], vector<16xf32>,
      %mul3A_684 = arith.mulf %gather3A_683, %gather3A_679 : vector<16xf32>
      %mul3A_685 = arith.constant 16 : i32
      %mul3A_686 = arith.muli %scan3A_673, %mul3A_685 : i32
      %add3A_687 = arith.constant 8016 : i32
      %add3A_688 = arith.addi %add3A_687, %mul3A_686 : i32
      %multiple_of3A_689 = tpu.assume_multiple %add3A_688, 8 : i32
      %swap3A_690 = arith.index_cast %multiple_of3A_689 : i32 to index
      %swap3A_691 = tpu.vector_load %arg15[%swap3A_690] {strides = array<i32>} : memref<32064xf32, #tpu.memory_space<vmem>>, vector<16xf32>,
      tpu.vector_store %arg15[%swap3A_690], %mul3A_684 {strides = array<i32>} : memref<32064xf32, #tpu.memory_space<vmem>>, vector<16xf32>,
      %max3A_692 = arith.maximumf %max3A_670, %mul3A_684 : vector<16xf32>
      %add3A_693 = arith.addf %add3A_671, %mul3A_684 : vector<16xf32>
      scf.yield %max3A_692, %add3A_693 : vector<16xf32>, vector<16xf32>
    }
    %scan3A_196 = arith.constant 496 : i32
    %scan3A_197 = arith.addi %scan3A_191, %scan3A_196 : i32
    %mul3A_198 = arith.constant 16 : i32
    %mul3A_199 = arith.muli %scan3A_197, %mul3A_198 : i32
    %multiple_of3A_200 = tpu.assume_multiple %mul3A_199, 8 : i32
    %get3A_201 = arith.index_cast %multiple_of3A_200 : i32 to index
    %get3A_202 = tpu.vector_load %arg13[%get3A_201] {strides = array<i32>} : memref<8000xi32, #tpu.memory_space<vmem>>, vector<16xi32>,
    %gather3A_203 = tpu.vector_load_idx %arg12[%get3A_202] : memref<10016xf32, #tpu.memory_space<vmem>>[vector<16xi32>], vector<16xf32>,
    %add3A_204 = arith.constant 10016 : i32
    %add3A_205 = vector.broadcast %add3A_204 : i32 to vector<16xi32>
    %add3A_206 = arith.addi %add3A_205, %get3A_202 : vector<16xi32>
    %gather3A_207 = tpu.vector_load_idx %arg11[%add3A_206] : memref<40064xf32, #tpu.memory_space<vmem>>[vector<16xi32>], vector<16xf32>,
    %mul3A_208 = arith.mulf %gather3A_207, %gather3A_203 : vector<16xf32>
    %mul3A_209 = arith.constant 16 : i32
    %mul3A_210 = arith.muli %scan3A_197, %mul3A_209 : i32
    %add3A_211 = arith.constant 8016 : i32
    %add3A_212 = arith.addi %add3A_211, %mul3A_210 : i32
    %multiple_of3A_213 = tpu.assume_multiple %add3A_212, 8 : i32
    %swap3A_214 = arith.index_cast %multiple_of3A_213 : i32 to index
    %swap3A_215 = tpu.vector_load %arg15[%swap3A_214] {strides = array<i32>} : memref<32064xf32, #tpu.memory_space<vmem>>, vector<16xf32>,
    tpu.vector_store %arg15[%swap3A_214], %mul3A_208 {strides = array<i32>} : memref<32064xf32, #tpu.memory_space<vmem>>, vector<16xf32>,
    %max3A_216 = arith.maximumf %scan3A_195#0, %mul3A_208 : vector<16xf32>
    %add3A_217 = arith.addf %scan3A_195#1, %mul3A_208 : vector<16xf32>
    %scan3A_218 = arith.constant 497 : i32
    %scan3A_219 = arith.addi %scan3A_191, %scan3A_218 : i32
    %mul3A_220 = arith.constant 16 : i32
    %mul3A_221 = arith.muli %scan3A_219, %mul3A_220 : i32
    %multiple_of3A_222 = tpu.assume_multiple %mul3A_221, 8 : i32
    %get3A_223 = arith.index_cast %multiple_of3A_222 : i32 to index
    %get3A_224 = tpu.vector_load %arg13[%get3A_223] {strides = array<i32>} : memref<8000xi32, #tpu.memory_space<vmem>>, vector<16xi32>,
    %gather3A_225 = tpu.vector_load_idx %arg12[%get3A_224] : memref<10016xf32, #tpu.memory_space<vmem>>[vector<16xi32>], vector<16xf32>,
    %add3A_226 = arith.constant 10016 : i32
    %add3A_227 = vector.broadcast %add3A_226 : i32 to vector<16xi32>
    %add3A_228 = arith.addi %add3A_227, %get3A_224 : vector<16xi32>
    %gather3A_229 = tpu.vector_load_idx %arg11[%add3A_228] : memref<40064xf32, #tpu.memory_space<vmem>>[vector<16xi32>], vector<16xf32>,
    %mul3A_230 = arith.mulf %gather3A_229, %gather3A_225 : vector<16xf32>
    %mul3A_231 = arith.constant 16 : i32
    %mul3A_232 = arith.muli %scan3A_219, %mul3A_231 : i32
    %add3A_233 = arith.constant 8016 : i32
    %add3A_234 = arith.addi %add3A_233, %mul3A_232 : i32
    %multiple_of3A_235 = tpu.assume_multiple %add3A_234, 8 : i32
    %swap3A_236 = arith.index_cast %multiple_of3A_235 : i32 to index
    %swap3A_237 = tpu.vector_load %arg15[%swap3A_236] {strides = array<i32>} : memref<32064xf32, #tpu.memory_space<vmem>>, vector<16xf32>,
    tpu.vector_store %arg15[%swap3A_236], %mul3A_230 {strides = array<i32>} : memref<32064xf32, #tpu.memory_space<vmem>>, vector<16xf32>,
    %max3A_238 = arith.maximumf %max3A_216, %mul3A_230 : vector<16xf32>
    %add3A_239 = arith.addf %add3A_217, %mul3A_230 : vector<16xf32>
    %scan3A_240 = arith.constant 498 : i32
    %scan3A_241 = arith.addi %scan3A_191, %scan3A_240 : i32
    %mul3A_242 = arith.constant 16 : i32
    %mul3A_243 = arith.muli %scan3A_241, %mul3A_242 : i32
    %multiple_of3A_244 = tpu.assume_multiple %mul3A_243, 8 : i32
    %get3A_245 = arith.index_cast %multiple_of3A_244 : i32 to index
    %get3A_246 = tpu.vector_load %arg13[%get3A_245] {strides = array<i32>} : memref<8000xi32, #tpu.memory_space<vmem>>, vector<16xi32>,
    %gather3A_247 = tpu.vector_load_idx %arg12[%get3A_246] : memref<10016xf32, #tpu.memory_space<vmem>>[vector<16xi32>], vector<16xf32>,
    %add3A_248 = arith.constant 10016 : i32
    %add3A_249 = vector.broadcast %add3A_248 : i32 to vector<16xi32>
    %add3A_250 = arith.addi %add3A_249, %get3A_246 : vector<16xi32>
    %gather3A_251 = tpu.vector_load_idx %arg11[%add3A_250] : memref<40064xf32, #tpu.memory_space<vmem>>[vector<16xi32>], vector<16xf32>,
    %mul3A_252 = arith.mulf %gather3A_251, %gather3A_247 : vector<16xf32>
    %mul3A_253 = arith.constant 16 : i32
    %mul3A_254 = arith.muli %scan3A_241, %mul3A_253 : i32
    %add3A_255 = arith.constant 8016 : i32
    %add3A_256 = arith.addi %add3A_255, %mul3A_254 : i32
    %multiple_of3A_257 = tpu.assume_multiple %add3A_256, 8 : i32
    %swap3A_258 = arith.index_cast %multiple_of3A_257 : i32 to index
    %swap3A_259 = tpu.vector_load %arg15[%swap3A_258] {strides = array<i32>} : memref<32064xf32, #tpu.memory_space<vmem>>, vector<16xf32>,
    tpu.vector_store %arg15[%swap3A_258], %mul3A_252 {strides = array<i32>} : memref<32064xf32, #tpu.memory_space<vmem>>, vector<16xf32>,
    %max3A_260 = arith.maximumf %max3A_238, %mul3A_252 : vector<16xf32>
    %add3A_261 = arith.addf %add3A_239, %mul3A_252 : vector<16xf32>
    %scan3A_262 = arith.constant 499 : i32
    %scan3A_263 = arith.addi %scan3A_191, %scan3A_262 : i32
    %mul3A_264 = arith.constant 16 : i32
    %mul3A_265 = arith.muli %scan3A_263, %mul3A_264 : i32
    %multiple_of3A_266 = tpu.assume_multiple %mul3A_265, 8 : i32
    %get3A_267 = arith.index_cast %multiple_of3A_266 : i32 to index
    %get3A_268 = tpu.vector_load %arg13[%get3A_267] {strides = array<i32>} : memref<8000xi32, #tpu.memory_space<vmem>>, vector<16xi32>,
    %gather3A_269 = tpu.vector_load_idx %arg12[%get3A_268] : memref<10016xf32, #tpu.memory_space<vmem>>[vector<16xi32>], vector<16xf32>,
    %add3A_270 = arith.constant 10016 : i32
    %add3A_271 = vector.broadcast %add3A_270 : i32 to vector<16xi32>
    %add3A_272 = arith.addi %add3A_271, %get3A_268 : vector<16xi32>
    %gather3A_273 = tpu.vector_load_idx %arg11[%add3A_272] : memref<40064xf32, #tpu.memory_space<vmem>>[vector<16xi32>], vector<16xf32>,
    %mul3A_274 = arith.mulf %gather3A_273, %gather3A_269 : vector<16xf32>
    %mul3A_275 = arith.constant 16 : i32
    %mul3A_276 = arith.muli %scan3A_263, %mul3A_275 : i32
    %add3A_277 = arith.constant 8016 : i32
    %add3A_278 = arith.addi %add3A_277, %mul3A_276 : i32
    %multiple_of3A_279 = tpu.assume_multiple %add3A_278, 8 : i32
    %swap3A_280 = arith.index_cast %multiple_of3A_279 : i32 to index
    %swap3A_281 = tpu.vector_load %arg15[%swap3A_280] {strides = array<i32>} : memref<32064xf32, #tpu.memory_space<vmem>>, vector<16xf32>,
    tpu.vector_store %arg15[%swap3A_280], %mul3A_274 {strides = array<i32>} : memref<32064xf32, #tpu.memory_space<vmem>>, vector<16xf32>,
    %max3A_282 = arith.maximumf %max3A_260, %mul3A_274 : vector<16xf32>
    %add3A_283 = arith.addf %add3A_261, %mul3A_274 : vector<16xf32>
    %scan3A_284 = arith.constant 500 : i32
    %broadcast_in_dim3A_285 = arith.constant 0.000000e+00 : f32
    %broadcast_in_dim3A_286 = vector.broadcast %broadcast_in_dim3A_285 : f32 to vector<16xf32>
    %swap3A_287 = arith.constant 16016 : index
    %swap3A_288 = tpu.vector_load %arg15[%swap3A_287] {strides = array<i32>} : memref<32064xf32, #tpu.memory_space<vmem>>, vector<16xf32>,
    tpu.vector_store %arg15[%swap3A_287], %broadcast_in_dim3A_286 {strides = array<i32>} : memref<32064xf32, #tpu.memory_space<vmem>>, vector<16xf32>,
    %swap3A_289 = arith.constant 32 : index
    %swap3A_290 = tpu.vector_load %arg20[%swap3A_289] {strides = array<i32>} : memref<128xf32, #tpu.memory_space<vmem>>, vector<16xf32>,
    tpu.vector_store %arg20[%swap3A_289], %max3A_282 {strides = array<i32>} : memref<128xf32, #tpu.memory_space<vmem>>, vector<16xf32>,
    %swap3A_291 = arith.constant 48 : index
    %swap3A_292 = tpu.vector_load %arg20[%swap3A_291] {strides = array<i32>} : memref<128xf32, #tpu.memory_space<vmem>>, vector<16xf32>,
    tpu.vector_store %arg20[%swap3A_291], %add3A_283 {strides = array<i32>} : memref<128xf32, #tpu.memory_space<vmem>>, vector<16xf32>,
    %broadcast_in_dim3A_293 = arith.constant -3.400000e+38 : f32
    %broadcast_in_dim3A_294 = vector.broadcast %broadcast_in_dim3A_293 : f32 to vector<16xf32>
    %broadcast_in_dim3A_295 = arith.constant 0.000000e+00 : f32
    %broadcast_in_dim3A_296 = vector.broadcast %broadcast_in_dim3A_295 : f32 to vector<16xf32>
    %scan3A_297 = arith.constant 0 : i32
    %scan3A_298 = arith.constant 496 : i32
    %scan3A_299 = arith.addi %scan3A_297, %scan3A_298 : i32
    %scan3A_300 = arith.constant 8 : i32
    %scan3A_301:2 = scf.for %scan3A_517 = %scan3A_297 to %scan3A_299 step %scan3A_300 iter_args(%scan3A_518 = %broadcast_in_dim3A_294, %scan3A_519 = %broadcast_in_dim3A_296) -> (vector<16xf32>, vector<16xf32>)  : i32 {
      %mul3A_520 = arith.constant 16 : i32
      %mul3A_521 = arith.muli %scan3A_517, %mul3A_520 : i32
      %multiple_of3A_522 = tpu.assume_multiple %mul3A_521, 8 : i32
      %get3A_523 = arith.index_cast %multiple_of3A_522 : i32 to index
      %get3A_524 = tpu.vector_load %arg13[%get3A_523] {strides = array<i32>} : memref<8000xi32, #tpu.memory_space<vmem>>, vector<16xi32>,
      %gather3A_525 = tpu.vector_load_idx %arg12[%get3A_524] : memref<10016xf32, #tpu.memory_space<vmem>>[vector<16xi32>], vector<16xf32>,
      %add3A_526 = arith.constant 20032 : i32
      %add3A_527 = vector.broadcast %add3A_526 : i32 to vector<16xi32>
      %add3A_528 = arith.addi %add3A_527, %get3A_524 : vector<16xi32>
      %gather3A_529 = tpu.vector_load_idx %arg11[%add3A_528] : memref<40064xf32, #tpu.memory_space<vmem>>[vector<16xi32>], vector<16xf32>,
      %mul3A_530 = arith.mulf %gather3A_529, %gather3A_525 : vector<16xf32>
      %mul3A_531 = arith.constant 16 : i32
      %mul3A_532 = arith.muli %scan3A_517, %mul3A_531 : i32
      %add3A_533 = arith.constant 16032 : i32
      %add3A_534 = arith.addi %add3A_533, %mul3A_532 : i32
      %multiple_of3A_535 = tpu.assume_multiple %add3A_534, 8 : i32
      %swap3A_536 = arith.index_cast %multiple_of3A_535 : i32 to index
      %swap3A_537 = tpu.vector_load %arg15[%swap3A_536] {strides = array<i32>} : memref<32064xf32, #tpu.memory_space<vmem>>, vector<16xf32>,
      tpu.vector_store %arg15[%swap3A_536], %mul3A_530 {strides = array<i32>} : memref<32064xf32, #tpu.memory_space<vmem>>, vector<16xf32>,
      %max3A_538 = arith.maximumf %scan3A_518, %mul3A_530 : vector<16xf32>
      %add3A_539 = arith.addf %scan3A_519, %mul3A_530 : vector<16xf32>
      %scan3A_540 = arith.constant 1 : i32
      %scan3A_541 = arith.addi %scan3A_517, %scan3A_540 : i32
      %mul3A_542 = arith.constant 16 : i32
      %mul3A_543 = arith.muli %scan3A_541, %mul3A_542 : i32
      %multiple_of3A_544 = tpu.assume_multiple %mul3A_543, 8 : i32
      %get3A_545 = arith.index_cast %multiple_of3A_544 : i32 to index
      %get3A_546 = tpu.vector_load %arg13[%get3A_545] {strides = array<i32>} : memref<8000xi32, #tpu.memory_space<vmem>>, vector<16xi32>,
      %gather3A_547 = tpu.vector_load_idx %arg12[%get3A_546] : memref<10016xf32, #tpu.memory_space<vmem>>[vector<16xi32>], vector<16xf32>,
      %add3A_548 = arith.constant 20032 : i32
      %add3A_549 = vector.broadcast %add3A_548 : i32 to vector<16xi32>
      %add3A_550 = arith.addi %add3A_549, %get3A_546 : vector<16xi32>
      %gather3A_551 = tpu.vector_load_idx %arg11[%add3A_550] : memref<40064xf32, #tpu.memory_space<vmem>>[vector<16xi32>], vector<16xf32>,
      %mul3A_552 = arith.mulf %gather3A_551, %gather3A_547 : vector<16xf32>
      %mul3A_553 = arith.constant 16 : i32
      %mul3A_554 = arith.muli %scan3A_541, %mul3A_553 : i32
      %add3A_555 = arith.constant 16032 : i32
      %add3A_556 = arith.addi %add3A_555, %mul3A_554 : i32
      %multiple_of3A_557 = tpu.assume_multiple %add3A_556, 8 : i32
      %swap3A_558 = arith.index_cast %multiple_of3A_557 : i32 to index
      %swap3A_559 = tpu.vector_load %arg15[%swap3A_558] {strides = array<i32>} : memref<32064xf32, #tpu.memory_space<vmem>>, vector<16xf32>,
      tpu.vector_store %arg15[%swap3A_558], %mul3A_552 {strides = array<i32>} : memref<32064xf32, #tpu.memory_space<vmem>>, vector<16xf32>,
      %max3A_560 = arith.maximumf %max3A_538, %mul3A_552 : vector<16xf32>
      %add3A_561 = arith.addf %add3A_539, %mul3A_552 : vector<16xf32>
      %scan3A_562 = arith.constant 2 : i32
      %scan3A_563 = arith.addi %scan3A_517, %scan3A_562 : i32
      %mul3A_564 = arith.constant 16 : i32
      %mul3A_565 = arith.muli %scan3A_563, %mul3A_564 : i32
      %multiple_of3A_566 = tpu.assume_multiple %mul3A_565, 8 : i32
      %get3A_567 = arith.index_cast %multiple_of3A_566 : i32 to index
      %get3A_568 = tpu.vector_load %arg13[%get3A_567] {strides = array<i32>} : memref<8000xi32, #tpu.memory_space<vmem>>, vector<16xi32>,
      %gather3A_569 = tpu.vector_load_idx %arg12[%get3A_568] : memref<10016xf32, #tpu.memory_space<vmem>>[vector<16xi32>], vector<16xf32>,
      %add3A_570 = arith.constant 20032 : i32
      %add3A_571 = vector.broadcast %add3A_570 : i32 to vector<16xi32>
      %add3A_572 = arith.addi %add3A_571, %get3A_568 : vector<16xi32>
      %gather3A_573 = tpu.vector_load_idx %arg11[%add3A_572] : memref<40064xf32, #tpu.memory_space<vmem>>[vector<16xi32>], vector<16xf32>,
      %mul3A_574 = arith.mulf %gather3A_573, %gather3A_569 : vector<16xf32>
      %mul3A_575 = arith.constant 16 : i32
      %mul3A_576 = arith.muli %scan3A_563, %mul3A_575 : i32
      %add3A_577 = arith.constant 16032 : i32
      %add3A_578 = arith.addi %add3A_577, %mul3A_576 : i32
      %multiple_of3A_579 = tpu.assume_multiple %add3A_578, 8 : i32
      %swap3A_580 = arith.index_cast %multiple_of3A_579 : i32 to index
      %swap3A_581 = tpu.vector_load %arg15[%swap3A_580] {strides = array<i32>} : memref<32064xf32, #tpu.memory_space<vmem>>, vector<16xf32>,
      tpu.vector_store %arg15[%swap3A_580], %mul3A_574 {strides = array<i32>} : memref<32064xf32, #tpu.memory_space<vmem>>, vector<16xf32>,
      %max3A_582 = arith.maximumf %max3A_560, %mul3A_574 : vector<16xf32>
      %add3A_583 = arith.addf %add3A_561, %mul3A_574 : vector<16xf32>
      %scan3A_584 = arith.constant 3 : i32
      %scan3A_585 = arith.addi %scan3A_517, %scan3A_584 : i32
      %mul3A_586 = arith.constant 16 : i32
      %mul3A_587 = arith.muli %scan3A_585, %mul3A_586 : i32
      %multiple_of3A_588 = tpu.assume_multiple %mul3A_587, 8 : i32
      %get3A_589 = arith.index_cast %multiple_of3A_588 : i32 to index
      %get3A_590 = tpu.vector_load %arg13[%get3A_589] {strides = array<i32>} : memref<8000xi32, #tpu.memory_space<vmem>>, vector<16xi32>,
      %gather3A_591 = tpu.vector_load_idx %arg12[%get3A_590] : memref<10016xf32, #tpu.memory_space<vmem>>[vector<16xi32>], vector<16xf32>,
      %add3A_592 = arith.constant 20032 : i32
      %add3A_593 = vector.broadcast %add3A_592 : i32 to vector<16xi32>
      %add3A_594 = arith.addi %add3A_593, %get3A_590 : vector<16xi32>
      %gather3A_595 = tpu.vector_load_idx %arg11[%add3A_594] : memref<40064xf32, #tpu.memory_space<vmem>>[vector<16xi32>], vector<16xf32>,
      %mul3A_596 = arith.mulf %gather3A_595, %gather3A_591 : vector<16xf32>
      %mul3A_597 = arith.constant 16 : i32
      %mul3A_598 = arith.muli %scan3A_585, %mul3A_597 : i32
      %add3A_599 = arith.constant 16032 : i32
      %add3A_600 = arith.addi %add3A_599, %mul3A_598 : i32
      %multiple_of3A_601 = tpu.assume_multiple %add3A_600, 8 : i32
      %swap3A_602 = arith.index_cast %multiple_of3A_601 : i32 to index
      %swap3A_603 = tpu.vector_load %arg15[%swap3A_602] {strides = array<i32>} : memref<32064xf32, #tpu.memory_space<vmem>>, vector<16xf32>,
      tpu.vector_store %arg15[%swap3A_602], %mul3A_596 {strides = array<i32>} : memref<32064xf32, #tpu.memory_space<vmem>>, vector<16xf32>,
      %max3A_604 = arith.maximumf %max3A_582, %mul3A_596 : vector<16xf32>
      %add3A_605 = arith.addf %add3A_583, %mul3A_596 : vector<16xf32>
      %scan3A_606 = arith.constant 4 : i32
      %scan3A_607 = arith.addi %scan3A_517, %scan3A_606 : i32
      %mul3A_608 = arith.constant 16 : i32
      %mul3A_609 = arith.muli %scan3A_607, %mul3A_608 : i32
      %multiple_of3A_610 = tpu.assume_multiple %mul3A_609, 8 : i32
      %get3A_611 = arith.index_cast %multiple_of3A_610 : i32 to index
      %get3A_612 = tpu.vector_load %arg13[%get3A_611] {strides = array<i32>} : memref<8000xi32, #tpu.memory_space<vmem>>, vector<16xi32>,
      %gather3A_613 = tpu.vector_load_idx %arg12[%get3A_612] : memref<10016xf32, #tpu.memory_space<vmem>>[vector<16xi32>], vector<16xf32>,
      %add3A_614 = arith.constant 20032 : i32
      %add3A_615 = vector.broadcast %add3A_614 : i32 to vector<16xi32>
      %add3A_616 = arith.addi %add3A_615, %get3A_612 : vector<16xi32>
      %gather3A_617 = tpu.vector_load_idx %arg11[%add3A_616] : memref<40064xf32, #tpu.memory_space<vmem>>[vector<16xi32>], vector<16xf32>,
      %mul3A_618 = arith.mulf %gather3A_617, %gather3A_613 : vector<16xf32>
      %mul3A_619 = arith.constant 16 : i32
      %mul3A_620 = arith.muli %scan3A_607, %mul3A_619 : i32
      %add3A_621 = arith.constant 16032 : i32
      %add3A_622 = arith.addi %add3A_621, %mul3A_620 : i32
      %multiple_of3A_623 = tpu.assume_multiple %add3A_622, 8 : i32
      %swap3A_624 = arith.index_cast %multiple_of3A_623 : i32 to index
      %swap3A_625 = tpu.vector_load %arg15[%swap3A_624] {strides = array<i32>} : memref<32064xf32, #tpu.memory_space<vmem>>, vector<16xf32>,
      tpu.vector_store %arg15[%swap3A_624], %mul3A_618 {strides = array<i32>} : memref<32064xf32, #tpu.memory_space<vmem>>, vector<16xf32>,
      %max3A_626 = arith.maximumf %max3A_604, %mul3A_618 : vector<16xf32>
      %add3A_627 = arith.addf %add3A_605, %mul3A_618 : vector<16xf32>
      %scan3A_628 = arith.constant 5 : i32
      %scan3A_629 = arith.addi %scan3A_517, %scan3A_628 : i32
      %mul3A_630 = arith.constant 16 : i32
      %mul3A_631 = arith.muli %scan3A_629, %mul3A_630 : i32
      %multiple_of3A_632 = tpu.assume_multiple %mul3A_631, 8 : i32
      %get3A_633 = arith.index_cast %multiple_of3A_632 : i32 to index
      %get3A_634 = tpu.vector_load %arg13[%get3A_633] {strides = array<i32>} : memref<8000xi32, #tpu.memory_space<vmem>>, vector<16xi32>,
      %gather3A_635 = tpu.vector_load_idx %arg12[%get3A_634] : memref<10016xf32, #tpu.memory_space<vmem>>[vector<16xi32>], vector<16xf32>,
      %add3A_636 = arith.constant 20032 : i32
      %add3A_637 = vector.broadcast %add3A_636 : i32 to vector<16xi32>
      %add3A_638 = arith.addi %add3A_637, %get3A_634 : vector<16xi32>
      %gather3A_639 = tpu.vector_load_idx %arg11[%add3A_638] : memref<40064xf32, #tpu.memory_space<vmem>>[vector<16xi32>], vector<16xf32>,
      %mul3A_640 = arith.mulf %gather3A_639, %gather3A_635 : vector<16xf32>
      %mul3A_641 = arith.constant 16 : i32
      %mul3A_642 = arith.muli %scan3A_629, %mul3A_641 : i32
      %add3A_643 = arith.constant 16032 : i32
      %add3A_644 = arith.addi %add3A_643, %mul3A_642 : i32
      %multiple_of3A_645 = tpu.assume_multiple %add3A_644, 8 : i32
      %swap3A_646 = arith.index_cast %multiple_of3A_645 : i32 to index
      %swap3A_647 = tpu.vector_load %arg15[%swap3A_646] {strides = array<i32>} : memref<32064xf32, #tpu.memory_space<vmem>>, vector<16xf32>,
      tpu.vector_store %arg15[%swap3A_646], %mul3A_640 {strides = array<i32>} : memref<32064xf32, #tpu.memory_space<vmem>>, vector<16xf32>,
      %max3A_648 = arith.maximumf %max3A_626, %mul3A_640 : vector<16xf32>
      %add3A_649 = arith.addf %add3A_627, %mul3A_640 : vector<16xf32>
      %scan3A_650 = arith.constant 6 : i32
      %scan3A_651 = arith.addi %scan3A_517, %scan3A_650 : i32
      %mul3A_652 = arith.constant 16 : i32
      %mul3A_653 = arith.muli %scan3A_651, %mul3A_652 : i32
      %multiple_of3A_654 = tpu.assume_multiple %mul3A_653, 8 : i32
      %get3A_655 = arith.index_cast %multiple_of3A_654 : i32 to index
      %get3A_656 = tpu.vector_load %arg13[%get3A_655] {strides = array<i32>} : memref<8000xi32, #tpu.memory_space<vmem>>, vector<16xi32>,
      %gather3A_657 = tpu.vector_load_idx %arg12[%get3A_656] : memref<10016xf32, #tpu.memory_space<vmem>>[vector<16xi32>], vector<16xf32>,
      %add3A_658 = arith.constant 20032 : i32
      %add3A_659 = vector.broadcast %add3A_658 : i32 to vector<16xi32>
      %add3A_660 = arith.addi %add3A_659, %get3A_656 : vector<16xi32>
      %gather3A_661 = tpu.vector_load_idx %arg11[%add3A_660] : memref<40064xf32, #tpu.memory_space<vmem>>[vector<16xi32>], vector<16xf32>,
      %mul3A_662 = arith.mulf %gather3A_661, %gather3A_657 : vector<16xf32>
      %mul3A_663 = arith.constant 16 : i32
      %mul3A_664 = arith.muli %scan3A_651, %mul3A_663 : i32
      %add3A_665 = arith.constant 16032 : i32
      %add3A_666 = arith.addi %add3A_665, %mul3A_664 : i32
      %multiple_of3A_667 = tpu.assume_multiple %add3A_666, 8 : i32
      %swap3A_668 = arith.index_cast %multiple_of3A_667 : i32 to index
      %swap3A_669 = tpu.vector_load %arg15[%swap3A_668] {strides = array<i32>} : memref<32064xf32, #tpu.memory_space<vmem>>, vector<16xf32>,
      tpu.vector_store %arg15[%swap3A_668], %mul3A_662 {strides = array<i32>} : memref<32064xf32, #tpu.memory_space<vmem>>, vector<16xf32>,
      %max3A_670 = arith.maximumf %max3A_648, %mul3A_662 : vector<16xf32>
      %add3A_671 = arith.addf %add3A_649, %mul3A_662 : vector<16xf32>
      %scan3A_672 = arith.constant 7 : i32
      %scan3A_673 = arith.addi %scan3A_517, %scan3A_672 : i32
      %mul3A_674 = arith.constant 16 : i32
      %mul3A_675 = arith.muli %scan3A_673, %mul3A_674 : i32
      %multiple_of3A_676 = tpu.assume_multiple %mul3A_675, 8 : i32
      %get3A_677 = arith.index_cast %multiple_of3A_676 : i32 to index
      %get3A_678 = tpu.vector_load %arg13[%get3A_677] {strides = array<i32>} : memref<8000xi32, #tpu.memory_space<vmem>>, vector<16xi32>,
      %gather3A_679 = tpu.vector_load_idx %arg12[%get3A_678] : memref<10016xf32, #tpu.memory_space<vmem>>[vector<16xi32>], vector<16xf32>,
      %add3A_680 = arith.constant 20032 : i32
      %add3A_681 = vector.broadcast %add3A_680 : i32 to vector<16xi32>
      %add3A_682 = arith.addi %add3A_681, %get3A_678 : vector<16xi32>
      %gather3A_683 = tpu.vector_load_idx %arg11[%add3A_682] : memref<40064xf32, #tpu.memory_space<vmem>>[vector<16xi32>], vector<16xf32>,
      %mul3A_684 = arith.mulf %gather3A_683, %gather3A_679 : vector<16xf32>
      %mul3A_685 = arith.constant 16 : i32
      %mul3A_686 = arith.muli %scan3A_673, %mul3A_685 : i32
      %add3A_687 = arith.constant 16032 : i32
      %add3A_688 = arith.addi %add3A_687, %mul3A_686 : i32
      %multiple_of3A_689 = tpu.assume_multiple %add3A_688, 8 : i32
      %swap3A_690 = arith.index_cast %multiple_of3A_689 : i32 to index
      %swap3A_691 = tpu.vector_load %arg15[%swap3A_690] {strides = array<i32>} : memref<32064xf32, #tpu.memory_space<vmem>>, vector<16xf32>,
      tpu.vector_store %arg15[%swap3A_690], %mul3A_684 {strides = array<i32>} : memref<32064xf32, #tpu.memory_space<vmem>>, vector<16xf32>,
      %max3A_692 = arith.maximumf %max3A_670, %mul3A_684 : vector<16xf32>
      %add3A_693 = arith.addf %add3A_671, %mul3A_684 : vector<16xf32>
      scf.yield %max3A_692, %add3A_693 : vector<16xf32>, vector<16xf32>
    }
    %scan3A_302 = arith.constant 496 : i32
    %scan3A_303 = arith.addi %scan3A_297, %scan3A_302 : i32
    %mul3A_304 = arith.constant 16 : i32
    %mul3A_305 = arith.muli %scan3A_303, %mul3A_304 : i32
    %multiple_of3A_306 = tpu.assume_multiple %mul3A_305, 8 : i32
    %get3A_307 = arith.index_cast %multiple_of3A_306 : i32 to index
    %get3A_308 = tpu.vector_load %arg13[%get3A_307] {strides = array<i32>} : memref<8000xi32, #tpu.memory_space<vmem>>, vector<16xi32>,
    %gather3A_309 = tpu.vector_load_idx %arg12[%get3A_308] : memref<10016xf32, #tpu.memory_space<vmem>>[vector<16xi32>], vector<16xf32>,
    %add3A_310 = arith.constant 20032 : i32
    %add3A_311 = vector.broadcast %add3A_310 : i32 to vector<16xi32>
    %add3A_312 = arith.addi %add3A_311, %get3A_308 : vector<16xi32>
    %gather3A_313 = tpu.vector_load_idx %arg11[%add3A_312] : memref<40064xf32, #tpu.memory_space<vmem>>[vector<16xi32>], vector<16xf32>,
    %mul3A_314 = arith.mulf %gather3A_313, %gather3A_309 : vector<16xf32>
    %mul3A_315 = arith.constant 16 : i32
    %mul3A_316 = arith.muli %scan3A_303, %mul3A_315 : i32
    %add3A_317 = arith.constant 16032 : i32
    %add3A_318 = arith.addi %add3A_317, %mul3A_316 : i32
    %multiple_of3A_319 = tpu.assume_multiple %add3A_318, 8 : i32
    %swap3A_320 = arith.index_cast %multiple_of3A_319 : i32 to index
    %swap3A_321 = tpu.vector_load %arg15[%swap3A_320] {strides = array<i32>} : memref<32064xf32, #tpu.memory_space<vmem>>, vector<16xf32>,
    tpu.vector_store %arg15[%swap3A_320], %mul3A_314 {strides = array<i32>} : memref<32064xf32, #tpu.memory_space<vmem>>, vector<16xf32>,
    %max3A_322 = arith.maximumf %scan3A_301#0, %mul3A_314 : vector<16xf32>
    %add3A_323 = arith.addf %scan3A_301#1, %mul3A_314 : vector<16xf32>
    %scan3A_324 = arith.constant 497 : i32
    %scan3A_325 = arith.addi %scan3A_297, %scan3A_324 : i32
    %mul3A_326 = arith.constant 16 : i32
    %mul3A_327 = arith.muli %scan3A_325, %mul3A_326 : i32
    %multiple_of3A_328 = tpu.assume_multiple %mul3A_327, 8 : i32
    %get3A_329 = arith.index_cast %multiple_of3A_328 : i32 to index
    %get3A_330 = tpu.vector_load %arg13[%get3A_329] {strides = array<i32>} : memref<8000xi32, #tpu.memory_space<vmem>>, vector<16xi32>,
    %gather3A_331 = tpu.vector_load_idx %arg12[%get3A_330] : memref<10016xf32, #tpu.memory_space<vmem>>[vector<16xi32>], vector<16xf32>,
    %add3A_332 = arith.constant 20032 : i32
    %add3A_333 = vector.broadcast %add3A_332 : i32 to vector<16xi32>
    %add3A_334 = arith.addi %add3A_333, %get3A_330 : vector<16xi32>
    %gather3A_335 = tpu.vector_load_idx %arg11[%add3A_334] : memref<40064xf32, #tpu.memory_space<vmem>>[vector<16xi32>], vector<16xf32>,
    %mul3A_336 = arith.mulf %gather3A_335, %gather3A_331 : vector<16xf32>
    %mul3A_337 = arith.constant 16 : i32
    %mul3A_338 = arith.muli %scan3A_325, %mul3A_337 : i32
    %add3A_339 = arith.constant 16032 : i32
    %add3A_340 = arith.addi %add3A_339, %mul3A_338 : i32
    %multiple_of3A_341 = tpu.assume_multiple %add3A_340, 8 : i32
    %swap3A_342 = arith.index_cast %multiple_of3A_341 : i32 to index
    %swap3A_343 = tpu.vector_load %arg15[%swap3A_342] {strides = array<i32>} : memref<32064xf32, #tpu.memory_space<vmem>>, vector<16xf32>,
    tpu.vector_store %arg15[%swap3A_342], %mul3A_336 {strides = array<i32>} : memref<32064xf32, #tpu.memory_space<vmem>>, vector<16xf32>,
    %max3A_344 = arith.maximumf %max3A_322, %mul3A_336 : vector<16xf32>
    %add3A_345 = arith.addf %add3A_323, %mul3A_336 : vector<16xf32>
    %scan3A_346 = arith.constant 498 : i32
    %scan3A_347 = arith.addi %scan3A_297, %scan3A_346 : i32
    %mul3A_348 = arith.constant 16 : i32
    %mul3A_349 = arith.muli %scan3A_347, %mul3A_348 : i32
    %multiple_of3A_350 = tpu.assume_multiple %mul3A_349, 8 : i32
    %get3A_351 = arith.index_cast %multiple_of3A_350 : i32 to index
    %get3A_352 = tpu.vector_load %arg13[%get3A_351] {strides = array<i32>} : memref<8000xi32, #tpu.memory_space<vmem>>, vector<16xi32>,
    %gather3A_353 = tpu.vector_load_idx %arg12[%get3A_352] : memref<10016xf32, #tpu.memory_space<vmem>>[vector<16xi32>], vector<16xf32>,
    %add3A_354 = arith.constant 20032 : i32
    %add3A_355 = vector.broadcast %add3A_354 : i32 to vector<16xi32>
    %add3A_356 = arith.addi %add3A_355, %get3A_352 : vector<16xi32>
    %gather3A_357 = tpu.vector_load_idx %arg11[%add3A_356] : memref<40064xf32, #tpu.memory_space<vmem>>[vector<16xi32>], vector<16xf32>,
    %mul3A_358 = arith.mulf %gather3A_357, %gather3A_353 : vector<16xf32>
    %mul3A_359 = arith.constant 16 : i32
    %mul3A_360 = arith.muli %scan3A_347, %mul3A_359 : i32
    %add3A_361 = arith.constant 16032 : i32
    %add3A_362 = arith.addi %add3A_361, %mul3A_360 : i32
    %multiple_of3A_363 = tpu.assume_multiple %add3A_362, 8 : i32
    %swap3A_364 = arith.index_cast %multiple_of3A_363 : i32 to index
    %swap3A_365 = tpu.vector_load %arg15[%swap3A_364] {strides = array<i32>} : memref<32064xf32, #tpu.memory_space<vmem>>, vector<16xf32>,
    tpu.vector_store %arg15[%swap3A_364], %mul3A_358 {strides = array<i32>} : memref<32064xf32, #tpu.memory_space<vmem>>, vector<16xf32>,
    %max3A_366 = arith.maximumf %max3A_344, %mul3A_358 : vector<16xf32>
    %add3A_367 = arith.addf %add3A_345, %mul3A_358 : vector<16xf32>
    %scan3A_368 = arith.constant 499 : i32
    %scan3A_369 = arith.addi %scan3A_297, %scan3A_368 : i32
    %mul3A_370 = arith.constant 16 : i32
    %mul3A_371 = arith.muli %scan3A_369, %mul3A_370 : i32
    %multiple_of3A_372 = tpu.assume_multiple %mul3A_371, 8 : i32
    %get3A_373 = arith.index_cast %multiple_of3A_372 : i32 to index
    %get3A_374 = tpu.vector_load %arg13[%get3A_373] {strides = array<i32>} : memref<8000xi32, #tpu.memory_space<vmem>>, vector<16xi32>,
    %gather3A_375 = tpu.vector_load_idx %arg12[%get3A_374] : memref<10016xf32, #tpu.memory_space<vmem>>[vector<16xi32>], vector<16xf32>,
    %add3A_376 = arith.constant 20032 : i32
    %add3A_377 = vector.broadcast %add3A_376 : i32 to vector<16xi32>
    %add3A_378 = arith.addi %add3A_377, %get3A_374 : vector<16xi32>
    %gather3A_379 = tpu.vector_load_idx %arg11[%add3A_378] : memref<40064xf32, #tpu.memory_space<vmem>>[vector<16xi32>], vector<16xf32>,
    %mul3A_380 = arith.mulf %gather3A_379, %gather3A_375 : vector<16xf32>
    %mul3A_381 = arith.constant 16 : i32
    %mul3A_382 = arith.muli %scan3A_369, %mul3A_381 : i32
    %add3A_383 = arith.constant 16032 : i32
    %add3A_384 = arith.addi %add3A_383, %mul3A_382 : i32
    %multiple_of3A_385 = tpu.assume_multiple %add3A_384, 8 : i32
    %swap3A_386 = arith.index_cast %multiple_of3A_385 : i32 to index
    %swap3A_387 = tpu.vector_load %arg15[%swap3A_386] {strides = array<i32>} : memref<32064xf32, #tpu.memory_space<vmem>>, vector<16xf32>,
    tpu.vector_store %arg15[%swap3A_386], %mul3A_380 {strides = array<i32>} : memref<32064xf32, #tpu.memory_space<vmem>>, vector<16xf32>,
    %max3A_388 = arith.maximumf %max3A_366, %mul3A_380 : vector<16xf32>
    %add3A_389 = arith.addf %add3A_367, %mul3A_380 : vector<16xf32>
    %scan3A_390 = arith.constant 500 : i32
    %broadcast_in_dim3A_391 = arith.constant 0.000000e+00 : f32
    %broadcast_in_dim3A_392 = vector.broadcast %broadcast_in_dim3A_391 : f32 to vector<16xf32>
    %swap3A_393 = arith.constant 24032 : index
    %swap3A_394 = tpu.vector_load %arg15[%swap3A_393] {strides = array<i32>} : memref<32064xf32, #tpu.memory_space<vmem>>, vector<16xf32>,
    tpu.vector_store %arg15[%swap3A_393], %broadcast_in_dim3A_392 {strides = array<i32>} : memref<32064xf32, #tpu.memory_space<vmem>>, vector<16xf32>,
    %swap3A_395 = arith.constant 64 : index
    %swap3A_396 = tpu.vector_load %arg20[%swap3A_395] {strides = array<i32>} : memref<128xf32, #tpu.memory_space<vmem>>, vector<16xf32>,
    tpu.vector_store %arg20[%swap3A_395], %max3A_388 {strides = array<i32>} : memref<128xf32, #tpu.memory_space<vmem>>, vector<16xf32>,
    %swap3A_397 = arith.constant 80 : index
    %swap3A_398 = tpu.vector_load %arg20[%swap3A_397] {strides = array<i32>} : memref<128xf32, #tpu.memory_space<vmem>>, vector<16xf32>,
    tpu.vector_store %arg20[%swap3A_397], %add3A_389 {strides = array<i32>} : memref<128xf32, #tpu.memory_space<vmem>>, vector<16xf32>,
    %broadcast_in_dim3A_399 = arith.constant -3.400000e+38 : f32
    %broadcast_in_dim3A_400 = vector.broadcast %broadcast_in_dim3A_399 : f32 to vector<16xf32>
    %broadcast_in_dim3A_401 = arith.constant 0.000000e+00 : f32
    %broadcast_in_dim3A_402 = vector.broadcast %broadcast_in_dim3A_401 : f32 to vector<16xf32>
    %scan3A_403 = arith.constant 0 : i32
    %scan3A_404 = arith.constant 496 : i32
    %scan3A_405 = arith.addi %scan3A_403, %scan3A_404 : i32
    %scan3A_406 = arith.constant 8 : i32
    %scan3A_407:2 = scf.for %scan3A_517 = %scan3A_403 to %scan3A_405 step %scan3A_406 iter_args(%scan3A_518 = %broadcast_in_dim3A_400, %scan3A_519 = %broadcast_in_dim3A_402) -> (vector<16xf32>, vector<16xf32>)  : i32 {
      %mul3A_520 = arith.constant 16 : i32
      %mul3A_521 = arith.muli %scan3A_517, %mul3A_520 : i32
      %multiple_of3A_522 = tpu.assume_multiple %mul3A_521, 8 : i32
      %get3A_523 = arith.index_cast %multiple_of3A_522 : i32 to index
      %get3A_524 = tpu.vector_load %arg13[%get3A_523] {strides = array<i32>} : memref<8000xi32, #tpu.memory_space<vmem>>, vector<16xi32>,
      %gather3A_525 = tpu.vector_load_idx %arg12[%get3A_524] : memref<10016xf32, #tpu.memory_space<vmem>>[vector<16xi32>], vector<16xf32>,
      %add3A_526 = arith.constant 30048 : i32
      %add3A_527 = vector.broadcast %add3A_526 : i32 to vector<16xi32>
      %add3A_528 = arith.addi %add3A_527, %get3A_524 : vector<16xi32>
      %gather3A_529 = tpu.vector_load_idx %arg11[%add3A_528] : memref<40064xf32, #tpu.memory_space<vmem>>[vector<16xi32>], vector<16xf32>,
      %mul3A_530 = arith.mulf %gather3A_529, %gather3A_525 : vector<16xf32>
      %mul3A_531 = arith.constant 16 : i32
      %mul3A_532 = arith.muli %scan3A_517, %mul3A_531 : i32
      %add3A_533 = arith.constant 24048 : i32
      %add3A_534 = arith.addi %add3A_533, %mul3A_532 : i32
      %multiple_of3A_535 = tpu.assume_multiple %add3A_534, 8 : i32
      %swap3A_536 = arith.index_cast %multiple_of3A_535 : i32 to index
      %swap3A_537 = tpu.vector_load %arg15[%swap3A_536] {strides = array<i32>} : memref<32064xf32, #tpu.memory_space<vmem>>, vector<16xf32>,
      tpu.vector_store %arg15[%swap3A_536], %mul3A_530 {strides = array<i32>} : memref<32064xf32, #tpu.memory_space<vmem>>, vector<16xf32>,
      %max3A_538 = arith.maximumf %scan3A_518, %mul3A_530 : vector<16xf32>
      %add3A_539 = arith.addf %scan3A_519, %mul3A_530 : vector<16xf32>
      %scan3A_540 = arith.constant 1 : i32
      %scan3A_541 = arith.addi %scan3A_517, %scan3A_540 : i32
      %mul3A_542 = arith.constant 16 : i32
      %mul3A_543 = arith.muli %scan3A_541, %mul3A_542 : i32
      %multiple_of3A_544 = tpu.assume_multiple %mul3A_543, 8 : i32
      %get3A_545 = arith.index_cast %multiple_of3A_544 : i32 to index
      %get3A_546 = tpu.vector_load %arg13[%get3A_545] {strides = array<i32>} : memref<8000xi32, #tpu.memory_space<vmem>>, vector<16xi32>,
      %gather3A_547 = tpu.vector_load_idx %arg12[%get3A_546] : memref<10016xf32, #tpu.memory_space<vmem>>[vector<16xi32>], vector<16xf32>,
      %add3A_548 = arith.constant 30048 : i32
      %add3A_549 = vector.broadcast %add3A_548 : i32 to vector<16xi32>
      %add3A_550 = arith.addi %add3A_549, %get3A_546 : vector<16xi32>
      %gather3A_551 = tpu.vector_load_idx %arg11[%add3A_550] : memref<40064xf32, #tpu.memory_space<vmem>>[vector<16xi32>], vector<16xf32>,
      %mul3A_552 = arith.mulf %gather3A_551, %gather3A_547 : vector<16xf32>
      %mul3A_553 = arith.constant 16 : i32
      %mul3A_554 = arith.muli %scan3A_541, %mul3A_553 : i32
      %add3A_555 = arith.constant 24048 : i32
      %add3A_556 = arith.addi %add3A_555, %mul3A_554 : i32
      %multiple_of3A_557 = tpu.assume_multiple %add3A_556, 8 : i32
      %swap3A_558 = arith.index_cast %multiple_of3A_557 : i32 to index
      %swap3A_559 = tpu.vector_load %arg15[%swap3A_558] {strides = array<i32>} : memref<32064xf32, #tpu.memory_space<vmem>>, vector<16xf32>,
      tpu.vector_store %arg15[%swap3A_558], %mul3A_552 {strides = array<i32>} : memref<32064xf32, #tpu.memory_space<vmem>>, vector<16xf32>,
      %max3A_560 = arith.maximumf %max3A_538, %mul3A_552 : vector<16xf32>
      %add3A_561 = arith.addf %add3A_539, %mul3A_552 : vector<16xf32>
      %scan3A_562 = arith.constant 2 : i32
      %scan3A_563 = arith.addi %scan3A_517, %scan3A_562 : i32
      %mul3A_564 = arith.constant 16 : i32
      %mul3A_565 = arith.muli %scan3A_563, %mul3A_564 : i32
      %multiple_of3A_566 = tpu.assume_multiple %mul3A_565, 8 : i32
      %get3A_567 = arith.index_cast %multiple_of3A_566 : i32 to index
      %get3A_568 = tpu.vector_load %arg13[%get3A_567] {strides = array<i32>} : memref<8000xi32, #tpu.memory_space<vmem>>, vector<16xi32>,
      %gather3A_569 = tpu.vector_load_idx %arg12[%get3A_568] : memref<10016xf32, #tpu.memory_space<vmem>>[vector<16xi32>], vector<16xf32>,
      %add3A_570 = arith.constant 30048 : i32
      %add3A_571 = vector.broadcast %add3A_570 : i32 to vector<16xi32>
      %add3A_572 = arith.addi %add3A_571, %get3A_568 : vector<16xi32>
      %gather3A_573 = tpu.vector_load_idx %arg11[%add3A_572] : memref<40064xf32, #tpu.memory_space<vmem>>[vector<16xi32>], vector<16xf32>,
      %mul3A_574 = arith.mulf %gather3A_573, %gather3A_569 : vector<16xf32>
      %mul3A_575 = arith.constant 16 : i32
      %mul3A_576 = arith.muli %scan3A_563, %mul3A_575 : i32
      %add3A_577 = arith.constant 24048 : i32
      %add3A_578 = arith.addi %add3A_577, %mul3A_576 : i32
      %multiple_of3A_579 = tpu.assume_multiple %add3A_578, 8 : i32
      %swap3A_580 = arith.index_cast %multiple_of3A_579 : i32 to index
      %swap3A_581 = tpu.vector_load %arg15[%swap3A_580] {strides = array<i32>} : memref<32064xf32, #tpu.memory_space<vmem>>, vector<16xf32>,
      tpu.vector_store %arg15[%swap3A_580], %mul3A_574 {strides = array<i32>} : memref<32064xf32, #tpu.memory_space<vmem>>, vector<16xf32>,
      %max3A_582 = arith.maximumf %max3A_560, %mul3A_574 : vector<16xf32>
      %add3A_583 = arith.addf %add3A_561, %mul3A_574 : vector<16xf32>
      %scan3A_584 = arith.constant 3 : i32
      %scan3A_585 = arith.addi %scan3A_517, %scan3A_584 : i32
      %mul3A_586 = arith.constant 16 : i32
      %mul3A_587 = arith.muli %scan3A_585, %mul3A_586 : i32
      %multiple_of3A_588 = tpu.assume_multiple %mul3A_587, 8 : i32
      %get3A_589 = arith.index_cast %multiple_of3A_588 : i32 to index
      %get3A_590 = tpu.vector_load %arg13[%get3A_589] {strides = array<i32>} : memref<8000xi32, #tpu.memory_space<vmem>>, vector<16xi32>,
      %gather3A_591 = tpu.vector_load_idx %arg12[%get3A_590] : memref<10016xf32, #tpu.memory_space<vmem>>[vector<16xi32>], vector<16xf32>,
      %add3A_592 = arith.constant 30048 : i32
      %add3A_593 = vector.broadcast %add3A_592 : i32 to vector<16xi32>
      %add3A_594 = arith.addi %add3A_593, %get3A_590 : vector<16xi32>
      %gather3A_595 = tpu.vector_load_idx %arg11[%add3A_594] : memref<40064xf32, #tpu.memory_space<vmem>>[vector<16xi32>], vector<16xf32>,
      %mul3A_596 = arith.mulf %gather3A_595, %gather3A_591 : vector<16xf32>
      %mul3A_597 = arith.constant 16 : i32
      %mul3A_598 = arith.muli %scan3A_585, %mul3A_597 : i32
      %add3A_599 = arith.constant 24048 : i32
      %add3A_600 = arith.addi %add3A_599, %mul3A_598 : i32
      %multiple_of3A_601 = tpu.assume_multiple %add3A_600, 8 : i32
      %swap3A_602 = arith.index_cast %multiple_of3A_601 : i32 to index
      %swap3A_603 = tpu.vector_load %arg15[%swap3A_602] {strides = array<i32>} : memref<32064xf32, #tpu.memory_space<vmem>>, vector<16xf32>,
      tpu.vector_store %arg15[%swap3A_602], %mul3A_596 {strides = array<i32>} : memref<32064xf32, #tpu.memory_space<vmem>>, vector<16xf32>,
      %max3A_604 = arith.maximumf %max3A_582, %mul3A_596 : vector<16xf32>
      %add3A_605 = arith.addf %add3A_583, %mul3A_596 : vector<16xf32>
      %scan3A_606 = arith.constant 4 : i32
      %scan3A_607 = arith.addi %scan3A_517, %scan3A_606 : i32
      %mul3A_608 = arith.constant 16 : i32
      %mul3A_609 = arith.muli %scan3A_607, %mul3A_608 : i32
      %multiple_of3A_610 = tpu.assume_multiple %mul3A_609, 8 : i32
      %get3A_611 = arith.index_cast %multiple_of3A_610 : i32 to index
      %get3A_612 = tpu.vector_load %arg13[%get3A_611] {strides = array<i32>} : memref<8000xi32, #tpu.memory_space<vmem>>, vector<16xi32>,
      %gather3A_613 = tpu.vector_load_idx %arg12[%get3A_612] : memref<10016xf32, #tpu.memory_space<vmem>>[vector<16xi32>], vector<16xf32>,
      %add3A_614 = arith.constant 30048 : i32
      %add3A_615 = vector.broadcast %add3A_614 : i32 to vector<16xi32>
      %add3A_616 = arith.addi %add3A_615, %get3A_612 : vector<16xi32>
      %gather3A_617 = tpu.vector_load_idx %arg11[%add3A_616] : memref<40064xf32, #tpu.memory_space<vmem>>[vector<16xi32>], vector<16xf32>,
      %mul3A_618 = arith.mulf %gather3A_617, %gather3A_613 : vector<16xf32>
      %mul3A_619 = arith.constant 16 : i32
      %mul3A_620 = arith.muli %scan3A_607, %mul3A_619 : i32
      %add3A_621 = arith.constant 24048 : i32
      %add3A_622 = arith.addi %add3A_621, %mul3A_620 : i32
      %multiple_of3A_623 = tpu.assume_multiple %add3A_622, 8 : i32
      %swap3A_624 = arith.index_cast %multiple_of3A_623 : i32 to index
      %swap3A_625 = tpu.vector_load %arg15[%swap3A_624] {strides = array<i32>} : memref<32064xf32, #tpu.memory_space<vmem>>, vector<16xf32>,
      tpu.vector_store %arg15[%swap3A_624], %mul3A_618 {strides = array<i32>} : memref<32064xf32, #tpu.memory_space<vmem>>, vector<16xf32>,
      %max3A_626 = arith.maximumf %max3A_604, %mul3A_618 : vector<16xf32>
      %add3A_627 = arith.addf %add3A_605, %mul3A_618 : vector<16xf32>
      %scan3A_628 = arith.constant 5 : i32
      %scan3A_629 = arith.addi %scan3A_517, %scan3A_628 : i32
      %mul3A_630 = arith.constant 16 : i32
      %mul3A_631 = arith.muli %scan3A_629, %mul3A_630 : i32
      %multiple_of3A_632 = tpu.assume_multiple %mul3A_631, 8 : i32
      %get3A_633 = arith.index_cast %multiple_of3A_632 : i32 to index
      %get3A_634 = tpu.vector_load %arg13[%get3A_633] {strides = array<i32>} : memref<8000xi32, #tpu.memory_space<vmem>>, vector<16xi32>,
      %gather3A_635 = tpu.vector_load_idx %arg12[%get3A_634] : memref<10016xf32, #tpu.memory_space<vmem>>[vector<16xi32>], vector<16xf32>,
      %add3A_636 = arith.constant 30048 : i32
      %add3A_637 = vector.broadcast %add3A_636 : i32 to vector<16xi32>
      %add3A_638 = arith.addi %add3A_637, %get3A_634 : vector<16xi32>
      %gather3A_639 = tpu.vector_load_idx %arg11[%add3A_638] : memref<40064xf32, #tpu.memory_space<vmem>>[vector<16xi32>], vector<16xf32>,
      %mul3A_640 = arith.mulf %gather3A_639, %gather3A_635 : vector<16xf32>
      %mul3A_641 = arith.constant 16 : i32
      %mul3A_642 = arith.muli %scan3A_629, %mul3A_641 : i32
      %add3A_643 = arith.constant 24048 : i32
      %add3A_644 = arith.addi %add3A_643, %mul3A_642 : i32
      %multiple_of3A_645 = tpu.assume_multiple %add3A_644, 8 : i32
      %swap3A_646 = arith.index_cast %multiple_of3A_645 : i32 to index
      %swap3A_647 = tpu.vector_load %arg15[%swap3A_646] {strides = array<i32>} : memref<32064xf32, #tpu.memory_space<vmem>>, vector<16xf32>,
      tpu.vector_store %arg15[%swap3A_646], %mul3A_640 {strides = array<i32>} : memref<32064xf32, #tpu.memory_space<vmem>>, vector<16xf32>,
      %max3A_648 = arith.maximumf %max3A_626, %mul3A_640 : vector<16xf32>
      %add3A_649 = arith.addf %add3A_627, %mul3A_640 : vector<16xf32>
      %scan3A_650 = arith.constant 6 : i32
      %scan3A_651 = arith.addi %scan3A_517, %scan3A_650 : i32
      %mul3A_652 = arith.constant 16 : i32
      %mul3A_653 = arith.muli %scan3A_651, %mul3A_652 : i32
      %multiple_of3A_654 = tpu.assume_multiple %mul3A_653, 8 : i32
      %get3A_655 = arith.index_cast %multiple_of3A_654 : i32 to index
      %get3A_656 = tpu.vector_load %arg13[%get3A_655] {strides = array<i32>} : memref<8000xi32, #tpu.memory_space<vmem>>, vector<16xi32>,
      %gather3A_657 = tpu.vector_load_idx %arg12[%get3A_656] : memref<10016xf32, #tpu.memory_space<vmem>>[vector<16xi32>], vector<16xf32>,
      %add3A_658 = arith.constant 30048 : i32
      %add3A_659 = vector.broadcast %add3A_658 : i32 to vector<16xi32>
      %add3A_660 = arith.addi %add3A_659, %get3A_656 : vector<16xi32>
      %gather3A_661 = tpu.vector_load_idx %arg11[%add3A_660] : memref<40064xf32, #tpu.memory_space<vmem>>[vector<16xi32>], vector<16xf32>,
      %mul3A_662 = arith.mulf %gather3A_661, %gather3A_657 : vector<16xf32>
      %mul3A_663 = arith.constant 16 : i32
      %mul3A_664 = arith.muli %scan3A_651, %mul3A_663 : i32
      %add3A_665 = arith.constant 24048 : i32
      %add3A_666 = arith.addi %add3A_665, %mul3A_664 : i32
      %multiple_of3A_667 = tpu.assume_multiple %add3A_666, 8 : i32
      %swap3A_668 = arith.index_cast %multiple_of3A_667 : i32 to index
      %swap3A_669 = tpu.vector_load %arg15[%swap3A_668] {strides = array<i32>} : memref<32064xf32, #tpu.memory_space<vmem>>, vector<16xf32>,
      tpu.vector_store %arg15[%swap3A_668], %mul3A_662 {strides = array<i32>} : memref<32064xf32, #tpu.memory_space<vmem>>, vector<16xf32>,
      %max3A_670 = arith.maximumf %max3A_648, %mul3A_662 : vector<16xf32>
      %add3A_671 = arith.addf %add3A_649, %mul3A_662 : vector<16xf32>
      %scan3A_672 = arith.constant 7 : i32
      %scan3A_673 = arith.addi %scan3A_517, %scan3A_672 : i32
      %mul3A_674 = arith.constant 16 : i32
      %mul3A_675 = arith.muli %scan3A_673, %mul3A_674 : i32
      %multiple_of3A_676 = tpu.assume_multiple %mul3A_675, 8 : i32
      %get3A_677 = arith.index_cast %multiple_of3A_676 : i32 to index
      %get3A_678 = tpu.vector_load %arg13[%get3A_677] {strides = array<i32>} : memref<8000xi32, #tpu.memory_space<vmem>>, vector<16xi32>,
      %gather3A_679 = tpu.vector_load_idx %arg12[%get3A_678] : memref<10016xf32, #tpu.memory_space<vmem>>[vector<16xi32>], vector<16xf32>,
      %add3A_680 = arith.constant 30048 : i32
      %add3A_681 = vector.broadcast %add3A_680 : i32 to vector<16xi32>
      %add3A_682 = arith.addi %add3A_681, %get3A_678 : vector<16xi32>
      %gather3A_683 = tpu.vector_load_idx %arg11[%add3A_682] : memref<40064xf32, #tpu.memory_space<vmem>>[vector<16xi32>], vector<16xf32>,
      %mul3A_684 = arith.mulf %gather3A_683, %gather3A_679 : vector<16xf32>
      %mul3A_685 = arith.constant 16 : i32
      %mul3A_686 = arith.muli %scan3A_673, %mul3A_685 : i32
      %add3A_687 = arith.constant 24048 : i32
      %add3A_688 = arith.addi %add3A_687, %mul3A_686 : i32
      %multiple_of3A_689 = tpu.assume_multiple %add3A_688, 8 : i32
      %swap3A_690 = arith.index_cast %multiple_of3A_689 : i32 to index
      %swap3A_691 = tpu.vector_load %arg15[%swap3A_690] {strides = array<i32>} : memref<32064xf32, #tpu.memory_space<vmem>>, vector<16xf32>,
      tpu.vector_store %arg15[%swap3A_690], %mul3A_684 {strides = array<i32>} : memref<32064xf32, #tpu.memory_space<vmem>>, vector<16xf32>,
      %max3A_692 = arith.maximumf %max3A_670, %mul3A_684 : vector<16xf32>
      %add3A_693 = arith.addf %add3A_671, %mul3A_684 : vector<16xf32>
      scf.yield %max3A_692, %add3A_693 : vector<16xf32>, vector<16xf32>
    }
    %scan3A_408 = arith.constant 496 : i32
    %scan3A_409 = arith.addi %scan3A_403, %scan3A_408 : i32
    %mul3A_410 = arith.constant 16 : i32
    %mul3A_411 = arith.muli %scan3A_409, %mul3A_410 : i32
    %multiple_of3A_412 = tpu.assume_multiple %mul3A_411, 8 : i32
    %get3A_413 = arith.index_cast %multiple_of3A_412 : i32 to index
    %get3A_414 = tpu.vector_load %arg13[%get3A_413] {strides = array<i32>} : memref<8000xi32, #tpu.memory_space<vmem>>, vector<16xi32>,
    %gather3A_415 = tpu.vector_load_idx %arg12[%get3A_414] : memref<10016xf32, #tpu.memory_space<vmem>>[vector<16xi32>], vector<16xf32>,
    %add3A_416 = arith.constant 30048 : i32
    %add3A_417 = vector.broadcast %add3A_416 : i32 to vector<16xi32>
    %add3A_418 = arith.addi %add3A_417, %get3A_414 : vector<16xi32>
    %gather3A_419 = tpu.vector_load_idx %arg11[%add3A_418] : memref<40064xf32, #tpu.memory_space<vmem>>[vector<16xi32>], vector<16xf32>,
    %mul3A_420 = arith.mulf %gather3A_419, %gather3A_415 : vector<16xf32>
    %mul3A_421 = arith.constant 16 : i32
    %mul3A_422 = arith.muli %scan3A_409, %mul3A_421 : i32
    %add3A_423 = arith.constant 24048 : i32
    %add3A_424 = arith.addi %add3A_423, %mul3A_422 : i32
    %multiple_of3A_425 = tpu.assume_multiple %add3A_424, 8 : i32
    %swap3A_426 = arith.index_cast %multiple_of3A_425 : i32 to index
    %swap3A_427 = tpu.vector_load %arg15[%swap3A_426] {strides = array<i32>} : memref<32064xf32, #tpu.memory_space<vmem>>, vector<16xf32>,
    tpu.vector_store %arg15[%swap3A_426], %mul3A_420 {strides = array<i32>} : memref<32064xf32, #tpu.memory_space<vmem>>, vector<16xf32>,
    %max3A_428 = arith.maximumf %scan3A_407#0, %mul3A_420 : vector<16xf32>
    %add3A_429 = arith.addf %scan3A_407#1, %mul3A_420 : vector<16xf32>
    %scan3A_430 = arith.constant 497 : i32
    %scan3A_431 = arith.addi %scan3A_403, %scan3A_430 : i32
    %mul3A_432 = arith.constant 16 : i32
    %mul3A_433 = arith.muli %scan3A_431, %mul3A_432 : i32
    %multiple_of3A_434 = tpu.assume_multiple %mul3A_433, 8 : i32
    %get3A_435 = arith.index_cast %multiple_of3A_434 : i32 to index
    %get3A_436 = tpu.vector_load %arg13[%get3A_435] {strides = array<i32>} : memref<8000xi32, #tpu.memory_space<vmem>>, vector<16xi32>,
    %gather3A_437 = tpu.vector_load_idx %arg12[%get3A_436] : memref<10016xf32, #tpu.memory_space<vmem>>[vector<16xi32>], vector<16xf32>,
    %add3A_438 = arith.constant 30048 : i32
    %add3A_439 = vector.broadcast %add3A_438 : i32 to vector<16xi32>
    %add3A_440 = arith.addi %add3A_439, %get3A_436 : vector<16xi32>
    %gather3A_441 = tpu.vector_load_idx %arg11[%add3A_440] : memref<40064xf32, #tpu.memory_space<vmem>>[vector<16xi32>], vector<16xf32>,
    %mul3A_442 = arith.mulf %gather3A_441, %gather3A_437 : vector<16xf32>
    %mul3A_443 = arith.constant 16 : i32
    %mul3A_444 = arith.muli %scan3A_431, %mul3A_443 : i32
    %add3A_445 = arith.constant 24048 : i32
    %add3A_446 = arith.addi %add3A_445, %mul3A_444 : i32
    %multiple_of3A_447 = tpu.assume_multiple %add3A_446, 8 : i32
    %swap3A_448 = arith.index_cast %multiple_of3A_447 : i32 to index
    %swap3A_449 = tpu.vector_load %arg15[%swap3A_448] {strides = array<i32>} : memref<32064xf32, #tpu.memory_space<vmem>>, vector<16xf32>,
    tpu.vector_store %arg15[%swap3A_448], %mul3A_442 {strides = array<i32>} : memref<32064xf32, #tpu.memory_space<vmem>>, vector<16xf32>,
    %max3A_450 = arith.maximumf %max3A_428, %mul3A_442 : vector<16xf32>
    %add3A_451 = arith.addf %add3A_429, %mul3A_442 : vector<16xf32>
    %scan3A_452 = arith.constant 498 : i32
    %scan3A_453 = arith.addi %scan3A_403, %scan3A_452 : i32
    %mul3A_454 = arith.constant 16 : i32
    %mul3A_455 = arith.muli %scan3A_453, %mul3A_454 : i32
    %multiple_of3A_456 = tpu.assume_multiple %mul3A_455, 8 : i32
    %get3A_457 = arith.index_cast %multiple_of3A_456 : i32 to index
    %get3A_458 = tpu.vector_load %arg13[%get3A_457] {strides = array<i32>} : memref<8000xi32, #tpu.memory_space<vmem>>, vector<16xi32>,
    %gather3A_459 = tpu.vector_load_idx %arg12[%get3A_458] : memref<10016xf32, #tpu.memory_space<vmem>>[vector<16xi32>], vector<16xf32>,
    %add3A_460 = arith.constant 30048 : i32
    %add3A_461 = vector.broadcast %add3A_460 : i32 to vector<16xi32>
    %add3A_462 = arith.addi %add3A_461, %get3A_458 : vector<16xi32>
    %gather3A_463 = tpu.vector_load_idx %arg11[%add3A_462] : memref<40064xf32, #tpu.memory_space<vmem>>[vector<16xi32>], vector<16xf32>,
    %mul3A_464 = arith.mulf %gather3A_463, %gather3A_459 : vector<16xf32>
    %mul3A_465 = arith.constant 16 : i32
    %mul3A_466 = arith.muli %scan3A_453, %mul3A_465 : i32
    %add3A_467 = arith.constant 24048 : i32
    %add3A_468 = arith.addi %add3A_467, %mul3A_466 : i32
    %multiple_of3A_469 = tpu.assume_multiple %add3A_468, 8 : i32
    %swap3A_470 = arith.index_cast %multiple_of3A_469 : i32 to index
    %swap3A_471 = tpu.vector_load %arg15[%swap3A_470] {strides = array<i32>} : memref<32064xf32, #tpu.memory_space<vmem>>, vector<16xf32>,
    tpu.vector_store %arg15[%swap3A_470], %mul3A_464 {strides = array<i32>} : memref<32064xf32, #tpu.memory_space<vmem>>, vector<16xf32>,
    %max3A_472 = arith.maximumf %max3A_450, %mul3A_464 : vector<16xf32>
    %add3A_473 = arith.addf %add3A_451, %mul3A_464 : vector<16xf32>
    %scan3A_474 = arith.constant 499 : i32
    %scan3A_475 = arith.addi %scan3A_403, %scan3A_474 : i32
    %mul3A_476 = arith.constant 16 : i32
    %mul3A_477 = arith.muli %scan3A_475, %mul3A_476 : i32
    %multiple_of3A_478 = tpu.assume_multiple %mul3A_477, 8 : i32
    %get3A_479 = arith.index_cast %multiple_of3A_478 : i32 to index
    %get3A_480 = tpu.vector_load %arg13[%get3A_479] {strides = array<i32>} : memref<8000xi32, #tpu.memory_space<vmem>>, vector<16xi32>,
    %gather3A_481 = tpu.vector_load_idx %arg12[%get3A_480] : memref<10016xf32, #tpu.memory_space<vmem>>[vector<16xi32>], vector<16xf32>,
    %add3A_482 = arith.constant 30048 : i32
    %add3A_483 = vector.broadcast %add3A_482 : i32 to vector<16xi32>
    %add3A_484 = arith.addi %add3A_483, %get3A_480 : vector<16xi32>
    %gather3A_485 = tpu.vector_load_idx %arg11[%add3A_484] : memref<40064xf32, #tpu.memory_space<vmem>>[vector<16xi32>], vector<16xf32>,
    %mul3A_486 = arith.mulf %gather3A_485, %gather3A_481 : vector<16xf32>
    %mul3A_487 = arith.constant 16 : i32
    %mul3A_488 = arith.muli %scan3A_475, %mul3A_487 : i32
    %add3A_489 = arith.constant 24048 : i32
    %add3A_490 = arith.addi %add3A_489, %mul3A_488 : i32
    %multiple_of3A_491 = tpu.assume_multiple %add3A_490, 8 : i32
    %swap3A_492 = arith.index_cast %multiple_of3A_491 : i32 to index
    %swap3A_493 = tpu.vector_load %arg15[%swap3A_492] {strides = array<i32>} : memref<32064xf32, #tpu.memory_space<vmem>>, vector<16xf32>,
    tpu.vector_store %arg15[%swap3A_492], %mul3A_486 {strides = array<i32>} : memref<32064xf32, #tpu.memory_space<vmem>>, vector<16xf32>,
    %max3A_494 = arith.maximumf %max3A_472, %mul3A_486 : vector<16xf32>
    %add3A_495 = arith.addf %add3A_473, %mul3A_486 : vector<16xf32>
    %scan3A_496 = arith.constant 500 : i32
    %broadcast_in_dim3A_497 = arith.constant 0.000000e+00 : f32
    %broadcast_in_dim3A_498 = vector.broadcast %broadcast_in_dim3A_497 : f32 to vector<16xf32>
    %swap3A_499 = arith.constant 32048 : index
    %swap3A_500 = tpu.vector_load %arg15[%swap3A_499] {strides = array<i32>} : memref<32064xf32, #tpu.memory_space<vmem>>, vector<16xf32>,
    tpu.vector_store %arg15[%swap3A_499], %broadcast_in_dim3A_498 {strides = array<i32>} : memref<32064xf32, #tpu.memory_space<vmem>>, vector<16xf32>,
    %swap3A_501 = arith.constant 96 : index
    %swap3A_502 = tpu.vector_load %arg20[%swap3A_501] {strides = array<i32>} : memref<128xf32, #tpu.memory_space<vmem>>, vector<16xf32>,
    tpu.vector_store %arg20[%swap3A_501], %max3A_494 {strides = array<i32>} : memref<128xf32, #tpu.memory_space<vmem>>, vector<16xf32>,
    %swap3A_503 = arith.constant 112 : index
    %swap3A_504 = tpu.vector_load %arg20[%swap3A_503] {strides = array<i32>} : memref<128xf32, #tpu.memory_space<vmem>>, vector<16xf32>,
    tpu.vector_store %arg20[%swap3A_503], %add3A_495 {strides = array<i32>} : memref<128xf32, #tpu.memory_space<vmem>>, vector<16xf32>,
    %mul3A_505 = arith.constant 8016 : i32
    %mul3A_506 = arith.muli %mul3A_2, %mul3A_505 : i32
    %multiple_of3A_507 = tpu.assume_multiple %mul3A_506, 8 : i32
    "tpu.region"() ({
      %run_scoped3A = tpu.sem_alloc : memref<!tpu.dma_semaphore, #tpu.memory_space<semaphore_mem>>
      %dma_start3A = tpu.memref_slice %arg7[%multiple_of3A_507] : memref<1026048xf32, #tpu.memory_space<hbm>> -> memref<32064xf32, #tpu.memory_space<hbm>>
      %dma_start3A_517 = tpu.memref_slice %arg7[%multiple_of3A_507] : memref<1026048xf32, #tpu.memory_space<hbm>> -> memref<32064xf32, #tpu.memory_space<hbm>>
      tpu.enqueue_dma source(%arg15 : memref<32064xf32, #tpu.memory_space<vmem>>) target(%dma_start3A_517 : memref<32064xf32, #tpu.memory_space<hbm>>) target_semaphore(%run_scoped3A : memref<!tpu.dma_semaphore, #tpu.memory_space<semaphore_mem>>)
      %dma_wait3A = tpu.memref_slice %arg7[%multiple_of3A_507] : memref<1026048xf32, #tpu.memory_space<hbm>> -> memref<32064xf32, #tpu.memory_space<hbm>>
      %dma_wait3A_518 = tpu.memref_slice %arg7[%multiple_of3A_507] : memref<1026048xf32, #tpu.memory_space<hbm>> -> memref<32064xf32, #tpu.memory_space<hbm>>
      tpu.wait_dma2 semaphore(%run_scoped3A : memref<!tpu.dma_semaphore, #tpu.memory_space<semaphore_mem>>) src(%arg15 : memref<32064xf32, #tpu.memory_space<vmem>>) dst(%dma_wait3A_518 : memref<32064xf32, #tpu.memory_space<hbm>>)
      tpu.yield
    }) : () -> ()
    "tpu.region"() ({
      %run_scoped3A = tpu.sem_alloc : memref<!tpu.dma_semaphore, #tpu.memory_space<semaphore_mem>>
      %dma_start3A = arith.constant 0 : i32
      %dma_start3A_517 = tpu.memref_slice %arg10[%add3A, %dma_start3A] : memref<32x128xf32, #tpu.memory_space<hbm>> -> memref<1x128xf32, #tpu.memory_space<hbm>>
      %dma_start3A_518 = tpu.memref_squeeze %dma_start3A_517 : memref<1x128xf32, #tpu.memory_space<hbm>> -> memref<128xf32, #tpu.memory_space<hbm>>
      %dma_start3A_519 = arith.constant 0 : i32
      %dma_start3A_520 = tpu.memref_slice %arg10[%add3A, %dma_start3A_519] : memref<32x128xf32, #tpu.memory_space<hbm>> -> memref<1x128xf32, #tpu.memory_space<hbm>>
      %dma_start3A_521 = tpu.memref_squeeze %dma_start3A_520 : memref<1x128xf32, #tpu.memory_space<hbm>> -> memref<128xf32, #tpu.memory_space<hbm>>
      tpu.enqueue_dma source(%arg20 : memref<128xf32, #tpu.memory_space<vmem>>) target(%dma_start3A_521 : memref<128xf32, #tpu.memory_space<hbm>>) target_semaphore(%run_scoped3A : memref<!tpu.dma_semaphore, #tpu.memory_space<semaphore_mem>>)
      %dma_wait3A = arith.constant 0 : i32
      %dma_wait3A_522 = tpu.memref_slice %arg10[%add3A, %dma_wait3A] : memref<32x128xf32, #tpu.memory_space<hbm>> -> memref<1x128xf32, #tpu.memory_space<hbm>>
      %dma_wait3A_523 = tpu.memref_squeeze %dma_wait3A_522 : memref<1x128xf32, #tpu.memory_space<hbm>> -> memref<128xf32, #tpu.memory_space<hbm>>
      %dma_wait3A_524 = arith.constant 0 : i32
      %dma_wait3A_525 = tpu.memref_slice %arg10[%add3A, %dma_wait3A_524] : memref<32x128xf32, #tpu.memory_space<hbm>> -> memref<1x128xf32, #tpu.memory_space<hbm>>
      %dma_wait3A_526 = tpu.memref_squeeze %dma_wait3A_525 : memref<1x128xf32, #tpu.memory_space<hbm>> -> memref<128xf32, #tpu.memory_space<hbm>>
      tpu.wait_dma2 semaphore(%run_scoped3A : memref<!tpu.dma_semaphore, #tpu.memory_space<semaphore_mem>>) src(%arg20 : memref<128xf32, #tpu.memory_space<vmem>>) dst(%dma_wait3A_526 : memref<128xf32, #tpu.memory_space<hbm>>)
      tpu.yield
    }) : () -> ()
    %mul3A_508 = arith.constant 10000 : i32
    %mul3A_509 = arith.muli %add3A, %mul3A_508 : i32
    %scan3A_510 = arith.constant 0 : i32
    %scan3A_511 = arith.constant 0 : i32
    %scan3A_512 = arith.constant 5 : i32
    %scan3A_513 = arith.addi %scan3A_511, %scan3A_512 : i32
    %scan3A_514 = arith.constant 1 : i32
    %scan3A_515 = scf.for %scan3A_517 = %scan3A_511 to %scan3A_513 step %scan3A_514 iter_args(%scan3A_518 = %scan3A_510) -> (i32)  : i32 {
      %mul3A_519 = arith.constant 2000 : i32
      %mul3A_520 = arith.muli %scan3A_517, %mul3A_519 : i32
      %add3A_521 = arith.addi %mul3A_509, %mul3A_520 : i32
      %multiple_of3A_522 = tpu.assume_multiple %add3A_521, 8 : i32
      "tpu.region"() ({
        %run_scoped3A = tpu.sem_alloc : memref<!tpu.dma_semaphore, #tpu.memory_space<semaphore_mem>>
        %dma_start3A = tpu.memref_slice %arg5[%multiple_of3A_522] : memref<320000xi32, #tpu.memory_space<hbm>> -> memref<2000xi32, #tpu.memory_space<hbm>>
        %dma_start3A_672 = tpu.memref_slice %arg5[%multiple_of3A_522] : memref<320000xi32, #tpu.memory_space<hbm>> -> memref<2000xi32, #tpu.memory_space<hbm>>
        tpu.enqueue_dma source(%dma_start3A_672 : memref<2000xi32, #tpu.memory_space<hbm>>) target(%arg16 : memref<2000xi32, #tpu.memory_space<vmem>>) target_semaphore(%run_scoped3A : memref<!tpu.dma_semaphore, #tpu.memory_space<semaphore_mem>>)
        %dma_wait3A = tpu.memref_slice %arg5[%multiple_of3A_522] : memref<320000xi32, #tpu.memory_space<hbm>> -> memref<2000xi32, #tpu.memory_space<hbm>>
        %dma_wait3A_673 = tpu.memref_slice %arg5[%multiple_of3A_522] : memref<320000xi32, #tpu.memory_space<hbm>> -> memref<2000xi32, #tpu.memory_space<hbm>>
        tpu.wait_dma2 semaphore(%run_scoped3A : memref<!tpu.dma_semaphore, #tpu.memory_space<semaphore_mem>>) src(%dma_wait3A_673 : memref<2000xi32, #tpu.memory_space<hbm>>) dst(%arg16 : memref<2000xi32, #tpu.memory_space<vmem>>)
        tpu.yield
      }) : () -> ()
      "tpu.region"() ({
        %run_scoped3A = tpu.sem_alloc : memref<!tpu.dma_semaphore, #tpu.memory_space<semaphore_mem>>
        %dma_start3A = tpu.memref_slice %arg6[%multiple_of3A_522] : memref<320000xi32, #tpu.memory_space<hbm>> -> memref<2000xi32, #tpu.memory_space<hbm>>
        %dma_start3A_672 = tpu.memref_slice %arg6[%multiple_of3A_522] : memref<320000xi32, #tpu.memory_space<hbm>> -> memref<2000xi32, #tpu.memory_space<hbm>>
        tpu.enqueue_dma source(%dma_start3A_672 : memref<2000xi32, #tpu.memory_space<hbm>>) target(%arg17 : memref<2000xi32, #tpu.memory_space<vmem>>) target_semaphore(%run_scoped3A : memref<!tpu.dma_semaphore, #tpu.memory_space<semaphore_mem>>)
        %dma_wait3A = tpu.memref_slice %arg6[%multiple_of3A_522] : memref<320000xi32, #tpu.memory_space<hbm>> -> memref<2000xi32, #tpu.memory_space<hbm>>
        %dma_wait3A_673 = tpu.memref_slice %arg6[%multiple_of3A_522] : memref<320000xi32, #tpu.memory_space<hbm>> -> memref<2000xi32, #tpu.memory_space<hbm>>
        tpu.wait_dma2 semaphore(%run_scoped3A : memref<!tpu.dma_semaphore, #tpu.memory_space<semaphore_mem>>) src(%dma_wait3A_673 : memref<2000xi32, #tpu.memory_space<hbm>>) dst(%arg17 : memref<2000xi32, #tpu.memory_space<vmem>>)
        tpu.yield
      }) : () -> ()
      %scan3A_523 = arith.constant 0 : i32
      %scan3A_524 = arith.constant 0 : i32
      %scan3A_525 = arith.constant 120 : i32
      %scan3A_526 = arith.addi %scan3A_524, %scan3A_525 : i32
      %scan3A_527 = arith.constant 8 : i32
      %scan3A_528 = scf.for %scan3A_672 = %scan3A_524 to %scan3A_526 step %scan3A_527 iter_args(%scan3A_673 = %scan3A_523) -> (i32)  : i32 {
        %mul3A_674 = arith.constant 16 : i32
        %mul3A_675 = arith.muli %scan3A_672, %mul3A_674 : i32
        %multiple_of3A_676 = tpu.assume_multiple %mul3A_675, 8 : i32
        %get3A_677 = arith.index_cast %multiple_of3A_676 : i32 to index
        %get3A_678 = tpu.vector_load %arg16[%get3A_677] {strides = array<i32>} : memref<2000xi32, #tpu.memory_space<vmem>>, vector<16xi32>,
        %gather3A_679 = tpu.vector_load_idx %arg14[%get3A_678] : memref<10016xi32, #tpu.memory_space<vmem>>[vector<16xi32>], vector<16xi32>,
        %get3A_680 = arith.index_cast %multiple_of3A_676 : i32 to index
        %get3A_681 = tpu.vector_load %arg17[%get3A_680] {strides = array<i32>} : memref<2000xi32, #tpu.memory_space<vmem>>, vector<16xi32>,
        %gather3A_682 = tpu.vector_load_idx %arg14[%get3A_681] : memref<10016xi32, #tpu.memory_space<vmem>>[vector<16xi32>], vector<16xi32>,
        %eq3A_683 = arith.constant 8000 : i32
        %eq3A_684 = vector.broadcast %eq3A_683 : i32 to vector<16xi32>
        %eq3A_685 = arith.cmpi eq, %gather3A_679, %eq3A_684 : vector<16xi32>
        %eq3A_686 = arith.constant 8000 : i32
        %eq3A_687 = vector.broadcast %eq3A_686 : i32 to vector<16xi32>
        %eq3A_688 = arith.cmpi eq, %gather3A_682, %eq3A_687 : vector<16xi32>
        %or3A_689 = arith.ori %eq3A_685, %eq3A_688 : vector<16xi1>
        %jit3A_690 = arith.constant 8000 : i32
        %broadcast_in_dim3A_691 = vector.broadcast %jit3A_690 : i32 to vector<16xi32>
        %select_n3A_692 = arith.select %or3A_689, %broadcast_in_dim3A_691, %gather3A_679 : vector<16xi1>, vector<16xi32>
        %swap3A_693 = arith.index_cast %multiple_of3A_676 : i32 to index
        %swap3A_694 = tpu.vector_load %arg18[%swap3A_693] {strides = array<i32>} : memref<2000xi32, #tpu.memory_space<vmem>>, vector<16xi32>,
        tpu.vector_store %arg18[%swap3A_693], %select_n3A_692 {strides = array<i32>} : memref<2000xi32, #tpu.memory_space<vmem>>, vector<16xi32>,
        %jit3A_695 = arith.constant 8000 : i32
        %broadcast_in_dim3A_696 = vector.broadcast %jit3A_695 : i32 to vector<16xi32>
        %select_n3A_697 = arith.select %or3A_689, %broadcast_in_dim3A_696, %gather3A_682 : vector<16xi1>, vector<16xi32>
        %swap3A_698 = arith.index_cast %multiple_of3A_676 : i32 to index
        %swap3A_699 = tpu.vector_load %arg19[%swap3A_698] {strides = array<i32>} : memref<2000xi32, #tpu.memory_space<vmem>>, vector<16xi32>,
        tpu.vector_store %arg19[%swap3A_698], %select_n3A_697 {strides = array<i32>} : memref<2000xi32, #tpu.memory_space<vmem>>, vector<16xi32>,
        %scan3A_700 = arith.constant 0 : i32
        %scan3A_701 = arith.constant 1 : i32
        %scan3A_702 = arith.addi %scan3A_672, %scan3A_701 : i32
        %mul3A_703 = arith.constant 16 : i32
        %mul3A_704 = arith.muli %scan3A_702, %mul3A_703 : i32
        %multiple_of3A_705 = tpu.assume_multiple %mul3A_704, 8 : i32
        %get3A_706 = arith.index_cast %multiple_of3A_705 : i32 to index
        %get3A_707 = tpu.vector_load %arg16[%get3A_706] {strides = array<i32>} : memref<2000xi32, #tpu.memory_space<vmem>>, vector<16xi32>,
        %gather3A_708 = tpu.vector_load_idx %arg14[%get3A_707] : memref<10016xi32, #tpu.memory_space<vmem>>[vector<16xi32>], vector<16xi32>,
        %get3A_709 = arith.index_cast %multiple_of3A_705 : i32 to index
        %get3A_710 = tpu.vector_load %arg17[%get3A_709] {strides = array<i32>} : memref<2000xi32, #tpu.memory_space<vmem>>, vector<16xi32>,
        %gather3A_711 = tpu.vector_load_idx %arg14[%get3A_710] : memref<10016xi32, #tpu.memory_space<vmem>>[vector<16xi32>], vector<16xi32>,
        %eq3A_712 = arith.constant 8000 : i32
        %eq3A_713 = vector.broadcast %eq3A_712 : i32 to vector<16xi32>
        %eq3A_714 = arith.cmpi eq, %gather3A_708, %eq3A_713 : vector<16xi32>
        %eq3A_715 = arith.constant 8000 : i32
        %eq3A_716 = vector.broadcast %eq3A_715 : i32 to vector<16xi32>
        %eq3A_717 = arith.cmpi eq, %gather3A_711, %eq3A_716 : vector<16xi32>
        %or3A_718 = arith.ori %eq3A_714, %eq3A_717 : vector<16xi1>
        %jit3A_719 = arith.constant 8000 : i32
        %broadcast_in_dim3A_720 = vector.broadcast %jit3A_719 : i32 to vector<16xi32>
        %select_n3A_721 = arith.select %or3A_718, %broadcast_in_dim3A_720, %gather3A_708 : vector<16xi1>, vector<16xi32>
        %swap3A_722 = arith.index_cast %multiple_of3A_705 : i32 to index
        %swap3A_723 = tpu.vector_load %arg18[%swap3A_722] {strides = array<i32>} : memref<2000xi32, #tpu.memory_space<vmem>>, vector<16xi32>,
        tpu.vector_store %arg18[%swap3A_722], %select_n3A_721 {strides = array<i32>} : memref<2000xi32, #tpu.memory_space<vmem>>, vector<16xi32>,
        %jit3A_724 = arith.constant 8000 : i32
        %broadcast_in_dim3A_725 = vector.broadcast %jit3A_724 : i32 to vector<16xi32>
        %select_n3A_726 = arith.select %or3A_718, %broadcast_in_dim3A_725, %gather3A_711 : vector<16xi1>, vector<16xi32>
        %swap3A_727 = arith.index_cast %multiple_of3A_705 : i32 to index
        %swap3A_728 = tpu.vector_load %arg19[%swap3A_727] {strides = array<i32>} : memref<2000xi32, #tpu.memory_space<vmem>>, vector<16xi32>,
        tpu.vector_store %arg19[%swap3A_727], %select_n3A_726 {strides = array<i32>} : memref<2000xi32, #tpu.memory_space<vmem>>, vector<16xi32>,
        %scan3A_729 = arith.constant 0 : i32
        %scan3A_730 = arith.constant 2 : i32
        %scan3A_731 = arith.addi %scan3A_672, %scan3A_730 : i32
        %mul3A_732 = arith.constant 16 : i32
        %mul3A_733 = arith.muli %scan3A_731, %mul3A_732 : i32
        %multiple_of3A_734 = tpu.assume_multiple %mul3A_733, 8 : i32
        %get3A_735 = arith.index_cast %multiple_of3A_734 : i32 to index
        %get3A_736 = tpu.vector_load %arg16[%get3A_735] {strides = array<i32>} : memref<2000xi32, #tpu.memory_space<vmem>>, vector<16xi32>,
        %gather3A_737 = tpu.vector_load_idx %arg14[%get3A_736] : memref<10016xi32, #tpu.memory_space<vmem>>[vector<16xi32>], vector<16xi32>,
        %get3A_738 = arith.index_cast %multiple_of3A_734 : i32 to index
        %get3A_739 = tpu.vector_load %arg17[%get3A_738] {strides = array<i32>} : memref<2000xi32, #tpu.memory_space<vmem>>, vector<16xi32>,
        %gather3A_740 = tpu.vector_load_idx %arg14[%get3A_739] : memref<10016xi32, #tpu.memory_space<vmem>>[vector<16xi32>], vector<16xi32>,
        %eq3A_741 = arith.constant 8000 : i32
        %eq3A_742 = vector.broadcast %eq3A_741 : i32 to vector<16xi32>
        %eq3A_743 = arith.cmpi eq, %gather3A_737, %eq3A_742 : vector<16xi32>
        %eq3A_744 = arith.constant 8000 : i32
        %eq3A_745 = vector.broadcast %eq3A_744 : i32 to vector<16xi32>
        %eq3A_746 = arith.cmpi eq, %gather3A_740, %eq3A_745 : vector<16xi32>
        %or3A_747 = arith.ori %eq3A_743, %eq3A_746 : vector<16xi1>
        %jit3A_748 = arith.constant 8000 : i32
        %broadcast_in_dim3A_749 = vector.broadcast %jit3A_748 : i32 to vector<16xi32>
        %select_n3A_750 = arith.select %or3A_747, %broadcast_in_dim3A_749, %gather3A_737 : vector<16xi1>, vector<16xi32>
        %swap3A_751 = arith.index_cast %multiple_of3A_734 : i32 to index
        %swap3A_752 = tpu.vector_load %arg18[%swap3A_751] {strides = array<i32>} : memref<2000xi32, #tpu.memory_space<vmem>>, vector<16xi32>,
        tpu.vector_store %arg18[%swap3A_751], %select_n3A_750 {strides = array<i32>} : memref<2000xi32, #tpu.memory_space<vmem>>, vector<16xi32>,
        %jit3A_753 = arith.constant 8000 : i32
        %broadcast_in_dim3A_754 = vector.broadcast %jit3A_753 : i32 to vector<16xi32>
        %select_n3A_755 = arith.select %or3A_747, %broadcast_in_dim3A_754, %gather3A_740 : vector<16xi1>, vector<16xi32>
        %swap3A_756 = arith.index_cast %multiple_of3A_734 : i32 to index
        %swap3A_757 = tpu.vector_load %arg19[%swap3A_756] {strides = array<i32>} : memref<2000xi32, #tpu.memory_space<vmem>>, vector<16xi32>,
        tpu.vector_store %arg19[%swap3A_756], %select_n3A_755 {strides = array<i32>} : memref<2000xi32, #tpu.memory_space<vmem>>, vector<16xi32>,
        %scan3A_758 = arith.constant 0 : i32
        %scan3A_759 = arith.constant 3 : i32
        %scan3A_760 = arith.addi %scan3A_672, %scan3A_759 : i32
        %mul3A_761 = arith.constant 16 : i32
        %mul3A_762 = arith.muli %scan3A_760, %mul3A_761 : i32
        %multiple_of3A_763 = tpu.assume_multiple %mul3A_762, 8 : i32
        %get3A_764 = arith.index_cast %multiple_of3A_763 : i32 to index
        %get3A_765 = tpu.vector_load %arg16[%get3A_764] {strides = array<i32>} : memref<2000xi32, #tpu.memory_space<vmem>>, vector<16xi32>,
        %gather3A_766 = tpu.vector_load_idx %arg14[%get3A_765] : memref<10016xi32, #tpu.memory_space<vmem>>[vector<16xi32>], vector<16xi32>,
        %get3A_767 = arith.index_cast %multiple_of3A_763 : i32 to index
        %get3A_768 = tpu.vector_load %arg17[%get3A_767] {strides = array<i32>} : memref<2000xi32, #tpu.memory_space<vmem>>, vector<16xi32>,
        %gather3A_769 = tpu.vector_load_idx %arg14[%get3A_768] : memref<10016xi32, #tpu.memory_space<vmem>>[vector<16xi32>], vector<16xi32>,
        %eq3A_770 = arith.constant 8000 : i32
        %eq3A_771 = vector.broadcast %eq3A_770 : i32 to vector<16xi32>
        %eq3A_772 = arith.cmpi eq, %gather3A_766, %eq3A_771 : vector<16xi32>
        %eq3A_773 = arith.constant 8000 : i32
        %eq3A_774 = vector.broadcast %eq3A_773 : i32 to vector<16xi32>
        %eq3A_775 = arith.cmpi eq, %gather3A_769, %eq3A_774 : vector<16xi32>
        %or3A_776 = arith.ori %eq3A_772, %eq3A_775 : vector<16xi1>
        %jit3A_777 = arith.constant 8000 : i32
        %broadcast_in_dim3A_778 = vector.broadcast %jit3A_777 : i32 to vector<16xi32>
        %select_n3A_779 = arith.select %or3A_776, %broadcast_in_dim3A_778, %gather3A_766 : vector<16xi1>, vector<16xi32>
        %swap3A_780 = arith.index_cast %multiple_of3A_763 : i32 to index
        %swap3A_781 = tpu.vector_load %arg18[%swap3A_780] {strides = array<i32>} : memref<2000xi32, #tpu.memory_space<vmem>>, vector<16xi32>,
        tpu.vector_store %arg18[%swap3A_780], %select_n3A_779 {strides = array<i32>} : memref<2000xi32, #tpu.memory_space<vmem>>, vector<16xi32>,
        %jit3A_782 = arith.constant 8000 : i32
        %broadcast_in_dim3A_783 = vector.broadcast %jit3A_782 : i32 to vector<16xi32>
        %select_n3A_784 = arith.select %or3A_776, %broadcast_in_dim3A_783, %gather3A_769 : vector<16xi1>, vector<16xi32>
        %swap3A_785 = arith.index_cast %multiple_of3A_763 : i32 to index
        %swap3A_786 = tpu.vector_load %arg19[%swap3A_785] {strides = array<i32>} : memref<2000xi32, #tpu.memory_space<vmem>>, vector<16xi32>,
        tpu.vector_store %arg19[%swap3A_785], %select_n3A_784 {strides = array<i32>} : memref<2000xi32, #tpu.memory_space<vmem>>, vector<16xi32>,
        %scan3A_787 = arith.constant 0 : i32
        %scan3A_788 = arith.constant 4 : i32
        %scan3A_789 = arith.addi %scan3A_672, %scan3A_788 : i32
        %mul3A_790 = arith.constant 16 : i32
        %mul3A_791 = arith.muli %scan3A_789, %mul3A_790 : i32
        %multiple_of3A_792 = tpu.assume_multiple %mul3A_791, 8 : i32
        %get3A_793 = arith.index_cast %multiple_of3A_792 : i32 to index
        %get3A_794 = tpu.vector_load %arg16[%get3A_793] {strides = array<i32>} : memref<2000xi32, #tpu.memory_space<vmem>>, vector<16xi32>,
        %gather3A_795 = tpu.vector_load_idx %arg14[%get3A_794] : memref<10016xi32, #tpu.memory_space<vmem>>[vector<16xi32>], vector<16xi32>,
        %get3A_796 = arith.index_cast %multiple_of3A_792 : i32 to index
        %get3A_797 = tpu.vector_load %arg17[%get3A_796] {strides = array<i32>} : memref<2000xi32, #tpu.memory_space<vmem>>, vector<16xi32>,
        %gather3A_798 = tpu.vector_load_idx %arg14[%get3A_797] : memref<10016xi32, #tpu.memory_space<vmem>>[vector<16xi32>], vector<16xi32>,
        %eq3A_799 = arith.constant 8000 : i32
        %eq3A_800 = vector.broadcast %eq3A_799 : i32 to vector<16xi32>
        %eq3A_801 = arith.cmpi eq, %gather3A_795, %eq3A_800 : vector<16xi32>
        %eq3A_802 = arith.constant 8000 : i32
        %eq3A_803 = vector.broadcast %eq3A_802 : i32 to vector<16xi32>
        %eq3A_804 = arith.cmpi eq, %gather3A_798, %eq3A_803 : vector<16xi32>
        %or3A_805 = arith.ori %eq3A_801, %eq3A_804 : vector<16xi1>
        %jit3A_806 = arith.constant 8000 : i32
        %broadcast_in_dim3A_807 = vector.broadcast %jit3A_806 : i32 to vector<16xi32>
        %select_n3A_808 = arith.select %or3A_805, %broadcast_in_dim3A_807, %gather3A_795 : vector<16xi1>, vector<16xi32>
        %swap3A_809 = arith.index_cast %multiple_of3A_792 : i32 to index
        %swap3A_810 = tpu.vector_load %arg18[%swap3A_809] {strides = array<i32>} : memref<2000xi32, #tpu.memory_space<vmem>>, vector<16xi32>,
        tpu.vector_store %arg18[%swap3A_809], %select_n3A_808 {strides = array<i32>} : memref<2000xi32, #tpu.memory_space<vmem>>, vector<16xi32>,
        %jit3A_811 = arith.constant 8000 : i32
        %broadcast_in_dim3A_812 = vector.broadcast %jit3A_811 : i32 to vector<16xi32>
        %select_n3A_813 = arith.select %or3A_805, %broadcast_in_dim3A_812, %gather3A_798 : vector<16xi1>, vector<16xi32>
        %swap3A_814 = arith.index_cast %multiple_of3A_792 : i32 to index
        %swap3A_815 = tpu.vector_load %arg19[%swap3A_814] {strides = array<i32>} : memref<2000xi32, #tpu.memory_space<vmem>>, vector<16xi32>,
        tpu.vector_store %arg19[%swap3A_814], %select_n3A_813 {strides = array<i32>} : memref<2000xi32, #tpu.memory_space<vmem>>, vector<16xi32>,
        %scan3A_816 = arith.constant 0 : i32
        %scan3A_817 = arith.constant 5 : i32
        %scan3A_818 = arith.addi %scan3A_672, %scan3A_817 : i32
        %mul3A_819 = arith.constant 16 : i32
        %mul3A_820 = arith.muli %scan3A_818, %mul3A_819 : i32
        %multiple_of3A_821 = tpu.assume_multiple %mul3A_820, 8 : i32
        %get3A_822 = arith.index_cast %multiple_of3A_821 : i32 to index
        %get3A_823 = tpu.vector_load %arg16[%get3A_822] {strides = array<i32>} : memref<2000xi32, #tpu.memory_space<vmem>>, vector<16xi32>,
        %gather3A_824 = tpu.vector_load_idx %arg14[%get3A_823] : memref<10016xi32, #tpu.memory_space<vmem>>[vector<16xi32>], vector<16xi32>,
        %get3A_825 = arith.index_cast %multiple_of3A_821 : i32 to index
        %get3A_826 = tpu.vector_load %arg17[%get3A_825] {strides = array<i32>} : memref<2000xi32, #tpu.memory_space<vmem>>, vector<16xi32>,
        %gather3A_827 = tpu.vector_load_idx %arg14[%get3A_826] : memref<10016xi32, #tpu.memory_space<vmem>>[vector<16xi32>], vector<16xi32>,
        %eq3A_828 = arith.constant 8000 : i32
        %eq3A_829 = vector.broadcast %eq3A_828 : i32 to vector<16xi32>
        %eq3A_830 = arith.cmpi eq, %gather3A_824, %eq3A_829 : vector<16xi32>
        %eq3A_831 = arith.constant 8000 : i32
        %eq3A_832 = vector.broadcast %eq3A_831 : i32 to vector<16xi32>
        %eq3A_833 = arith.cmpi eq, %gather3A_827, %eq3A_832 : vector<16xi32>
        %or3A_834 = arith.ori %eq3A_830, %eq3A_833 : vector<16xi1>
        %jit3A_835 = arith.constant 8000 : i32
        %broadcast_in_dim3A_836 = vector.broadcast %jit3A_835 : i32 to vector<16xi32>
        %select_n3A_837 = arith.select %or3A_834, %broadcast_in_dim3A_836, %gather3A_824 : vector<16xi1>, vector<16xi32>
        %swap3A_838 = arith.index_cast %multiple_of3A_821 : i32 to index
        %swap3A_839 = tpu.vector_load %arg18[%swap3A_838] {strides = array<i32>} : memref<2000xi32, #tpu.memory_space<vmem>>, vector<16xi32>,
        tpu.vector_store %arg18[%swap3A_838], %select_n3A_837 {strides = array<i32>} : memref<2000xi32, #tpu.memory_space<vmem>>, vector<16xi32>,
        %jit3A_840 = arith.constant 8000 : i32
        %broadcast_in_dim3A_841 = vector.broadcast %jit3A_840 : i32 to vector<16xi32>
        %select_n3A_842 = arith.select %or3A_834, %broadcast_in_dim3A_841, %gather3A_827 : vector<16xi1>, vector<16xi32>
        %swap3A_843 = arith.index_cast %multiple_of3A_821 : i32 to index
        %swap3A_844 = tpu.vector_load %arg19[%swap3A_843] {strides = array<i32>} : memref<2000xi32, #tpu.memory_space<vmem>>, vector<16xi32>,
        tpu.vector_store %arg19[%swap3A_843], %select_n3A_842 {strides = array<i32>} : memref<2000xi32, #tpu.memory_space<vmem>>, vector<16xi32>,
        %scan3A_845 = arith.constant 0 : i32
        %scan3A_846 = arith.constant 6 : i32
        %scan3A_847 = arith.addi %scan3A_672, %scan3A_846 : i32
        %mul3A_848 = arith.constant 16 : i32
        %mul3A_849 = arith.muli %scan3A_847, %mul3A_848 : i32
        %multiple_of3A_850 = tpu.assume_multiple %mul3A_849, 8 : i32
        %get3A_851 = arith.index_cast %multiple_of3A_850 : i32 to index
        %get3A_852 = tpu.vector_load %arg16[%get3A_851] {strides = array<i32>} : memref<2000xi32, #tpu.memory_space<vmem>>, vector<16xi32>,
        %gather3A_853 = tpu.vector_load_idx %arg14[%get3A_852] : memref<10016xi32, #tpu.memory_space<vmem>>[vector<16xi32>], vector<16xi32>,
        %get3A_854 = arith.index_cast %multiple_of3A_850 : i32 to index
        %get3A_855 = tpu.vector_load %arg17[%get3A_854] {strides = array<i32>} : memref<2000xi32, #tpu.memory_space<vmem>>, vector<16xi32>,
        %gather3A_856 = tpu.vector_load_idx %arg14[%get3A_855] : memref<10016xi32, #tpu.memory_space<vmem>>[vector<16xi32>], vector<16xi32>,
        %eq3A_857 = arith.constant 8000 : i32
        %eq3A_858 = vector.broadcast %eq3A_857 : i32 to vector<16xi32>
        %eq3A_859 = arith.cmpi eq, %gather3A_853, %eq3A_858 : vector<16xi32>
        %eq3A_860 = arith.constant 8000 : i32
        %eq3A_861 = vector.broadcast %eq3A_860 : i32 to vector<16xi32>
        %eq3A_862 = arith.cmpi eq, %gather3A_856, %eq3A_861 : vector<16xi32>
        %or3A_863 = arith.ori %eq3A_859, %eq3A_862 : vector<16xi1>
        %jit3A_864 = arith.constant 8000 : i32
        %broadcast_in_dim3A_865 = vector.broadcast %jit3A_864 : i32 to vector<16xi32>
        %select_n3A_866 = arith.select %or3A_863, %broadcast_in_dim3A_865, %gather3A_853 : vector<16xi1>, vector<16xi32>
        %swap3A_867 = arith.index_cast %multiple_of3A_850 : i32 to index
        %swap3A_868 = tpu.vector_load %arg18[%swap3A_867] {strides = array<i32>} : memref<2000xi32, #tpu.memory_space<vmem>>, vector<16xi32>,
        tpu.vector_store %arg18[%swap3A_867], %select_n3A_866 {strides = array<i32>} : memref<2000xi32, #tpu.memory_space<vmem>>, vector<16xi32>,
        %jit3A_869 = arith.constant 8000 : i32
        %broadcast_in_dim3A_870 = vector.broadcast %jit3A_869 : i32 to vector<16xi32>
        %select_n3A_871 = arith.select %or3A_863, %broadcast_in_dim3A_870, %gather3A_856 : vector<16xi1>, vector<16xi32>
        %swap3A_872 = arith.index_cast %multiple_of3A_850 : i32 to index
        %swap3A_873 = tpu.vector_load %arg19[%swap3A_872] {strides = array<i32>} : memref<2000xi32, #tpu.memory_space<vmem>>, vector<16xi32>,
        tpu.vector_store %arg19[%swap3A_872], %select_n3A_871 {strides = array<i32>} : memref<2000xi32, #tpu.memory_space<vmem>>, vector<16xi32>,
        %scan3A_874 = arith.constant 0 : i32
        %scan3A_875 = arith.constant 7 : i32
        %scan3A_876 = arith.addi %scan3A_672, %scan3A_875 : i32
        %mul3A_877 = arith.constant 16 : i32
        %mul3A_878 = arith.muli %scan3A_876, %mul3A_877 : i32
        %multiple_of3A_879 = tpu.assume_multiple %mul3A_878, 8 : i32
        %get3A_880 = arith.index_cast %multiple_of3A_879 : i32 to index
        %get3A_881 = tpu.vector_load %arg16[%get3A_880] {strides = array<i32>} : memref<2000xi32, #tpu.memory_space<vmem>>, vector<16xi32>,
        %gather3A_882 = tpu.vector_load_idx %arg14[%get3A_881] : memref<10016xi32, #tpu.memory_space<vmem>>[vector<16xi32>], vector<16xi32>,
        %get3A_883 = arith.index_cast %multiple_of3A_879 : i32 to index
        %get3A_884 = tpu.vector_load %arg17[%get3A_883] {strides = array<i32>} : memref<2000xi32, #tpu.memory_space<vmem>>, vector<16xi32>,
        %gather3A_885 = tpu.vector_load_idx %arg14[%get3A_884] : memref<10016xi32, #tpu.memory_space<vmem>>[vector<16xi32>], vector<16xi32>,
        %eq3A_886 = arith.constant 8000 : i32
        %eq3A_887 = vector.broadcast %eq3A_886 : i32 to vector<16xi32>
        %eq3A_888 = arith.cmpi eq, %gather3A_882, %eq3A_887 : vector<16xi32>
        %eq3A_889 = arith.constant 8000 : i32
        %eq3A_890 = vector.broadcast %eq3A_889 : i32 to vector<16xi32>
        %eq3A_891 = arith.cmpi eq, %gather3A_885, %eq3A_890 : vector<16xi32>
        %or3A_892 = arith.ori %eq3A_888, %eq3A_891 : vector<16xi1>
        %jit3A_893 = arith.constant 8000 : i32
        %broadcast_in_dim3A_894 = vector.broadcast %jit3A_893 : i32 to vector<16xi32>
        %select_n3A_895 = arith.select %or3A_892, %broadcast_in_dim3A_894, %gather3A_882 : vector<16xi1>, vector<16xi32>
        %swap3A_896 = arith.index_cast %multiple_of3A_879 : i32 to index
        %swap3A_897 = tpu.vector_load %arg18[%swap3A_896] {strides = array<i32>} : memref<2000xi32, #tpu.memory_space<vmem>>, vector<16xi32>,
        tpu.vector_store %arg18[%swap3A_896], %select_n3A_895 {strides = array<i32>} : memref<2000xi32, #tpu.memory_space<vmem>>, vector<16xi32>,
        %jit3A_898 = arith.constant 8000 : i32
        %broadcast_in_dim3A_899 = vector.broadcast %jit3A_898 : i32 to vector<16xi32>
        %select_n3A_900 = arith.select %or3A_892, %broadcast_in_dim3A_899, %gather3A_885 : vector<16xi1>, vector<16xi32>
        %swap3A_901 = arith.index_cast %multiple_of3A_879 : i32 to index
        %swap3A_902 = tpu.vector_load %arg19[%swap3A_901] {strides = array<i32>} : memref<2000xi32, #tpu.memory_space<vmem>>, vector<16xi32>,
        tpu.vector_store %arg19[%swap3A_901], %select_n3A_900 {strides = array<i32>} : memref<2000xi32, #tpu.memory_space<vmem>>, vector<16xi32>,
        %scan3A_903 = arith.constant 0 : i32
        scf.yield %scan3A_903 : i32
      }
      %scan3A_529 = arith.constant 120 : i32
      %scan3A_530 = arith.addi %scan3A_524, %scan3A_529 : i32
      %mul3A_531 = arith.constant 16 : i32
      %mul3A_532 = arith.muli %scan3A_530, %mul3A_531 : i32
      %multiple_of3A_533 = tpu.assume_multiple %mul3A_532, 8 : i32
      %get3A_534 = arith.index_cast %multiple_of3A_533 : i32 to index
      %get3A_535 = tpu.vector_load %arg16[%get3A_534] {strides = array<i32>} : memref<2000xi32, #tpu.memory_space<vmem>>, vector<16xi32>,
      %gather3A_536 = tpu.vector_load_idx %arg14[%get3A_535] : memref<10016xi32, #tpu.memory_space<vmem>>[vector<16xi32>], vector<16xi32>,
      %get3A_537 = arith.index_cast %multiple_of3A_533 : i32 to index
      %get3A_538 = tpu.vector_load %arg17[%get3A_537] {strides = array<i32>} : memref<2000xi32, #tpu.memory_space<vmem>>, vector<16xi32>,
      %gather3A_539 = tpu.vector_load_idx %arg14[%get3A_538] : memref<10016xi32, #tpu.memory_space<vmem>>[vector<16xi32>], vector<16xi32>,
      %eq3A = arith.constant 8000 : i32
      %eq3A_540 = vector.broadcast %eq3A : i32 to vector<16xi32>
      %eq3A_541 = arith.cmpi eq, %gather3A_536, %eq3A_540 : vector<16xi32>
      %eq3A_542 = arith.constant 8000 : i32
      %eq3A_543 = vector.broadcast %eq3A_542 : i32 to vector<16xi32>
      %eq3A_544 = arith.cmpi eq, %gather3A_539, %eq3A_543 : vector<16xi32>
      %or3A = arith.ori %eq3A_541, %eq3A_544 : vector<16xi1>
      %jit3A = arith.constant 8000 : i32
      %broadcast_in_dim3A_545 = vector.broadcast %jit3A : i32 to vector<16xi32>
      %select_n3A = arith.select %or3A, %broadcast_in_dim3A_545, %gather3A_536 : vector<16xi1>, vector<16xi32>
      %swap3A_546 = arith.index_cast %multiple_of3A_533 : i32 to index
      %swap3A_547 = tpu.vector_load %arg18[%swap3A_546] {strides = array<i32>} : memref<2000xi32, #tpu.memory_space<vmem>>, vector<16xi32>,
      tpu.vector_store %arg18[%swap3A_546], %select_n3A {strides = array<i32>} : memref<2000xi32, #tpu.memory_space<vmem>>, vector<16xi32>,
      %jit3A_548 = arith.constant 8000 : i32
      %broadcast_in_dim3A_549 = vector.broadcast %jit3A_548 : i32 to vector<16xi32>
      %select_n3A_550 = arith.select %or3A, %broadcast_in_dim3A_549, %gather3A_539 : vector<16xi1>, vector<16xi32>
      %swap3A_551 = arith.index_cast %multiple_of3A_533 : i32 to index
      %swap3A_552 = tpu.vector_load %arg19[%swap3A_551] {strides = array<i32>} : memref<2000xi32, #tpu.memory_space<vmem>>, vector<16xi32>,
      tpu.vector_store %arg19[%swap3A_551], %select_n3A_550 {strides = array<i32>} : memref<2000xi32, #tpu.memory_space<vmem>>, vector<16xi32>,
      %scan3A_553 = arith.constant 0 : i32
      %scan3A_554 = arith.constant 121 : i32
      %scan3A_555 = arith.addi %scan3A_524, %scan3A_554 : i32
      %mul3A_556 = arith.constant 16 : i32
      %mul3A_557 = arith.muli %scan3A_555, %mul3A_556 : i32
      %multiple_of3A_558 = tpu.assume_multiple %mul3A_557, 8 : i32
      %get3A_559 = arith.index_cast %multiple_of3A_558 : i32 to index
      %get3A_560 = tpu.vector_load %arg16[%get3A_559] {strides = array<i32>} : memref<2000xi32, #tpu.memory_space<vmem>>, vector<16xi32>,
      %gather3A_561 = tpu.vector_load_idx %arg14[%get3A_560] : memref<10016xi32, #tpu.memory_space<vmem>>[vector<16xi32>], vector<16xi32>,
      %get3A_562 = arith.index_cast %multiple_of3A_558 : i32 to index
      %get3A_563 = tpu.vector_load %arg17[%get3A_562] {strides = array<i32>} : memref<2000xi32, #tpu.memory_space<vmem>>, vector<16xi32>,
      %gather3A_564 = tpu.vector_load_idx %arg14[%get3A_563] : memref<10016xi32, #tpu.memory_space<vmem>>[vector<16xi32>], vector<16xi32>,
      %eq3A_565 = arith.constant 8000 : i32
      %eq3A_566 = vector.broadcast %eq3A_565 : i32 to vector<16xi32>
      %eq3A_567 = arith.cmpi eq, %gather3A_561, %eq3A_566 : vector<16xi32>
      %eq3A_568 = arith.constant 8000 : i32
      %eq3A_569 = vector.broadcast %eq3A_568 : i32 to vector<16xi32>
      %eq3A_570 = arith.cmpi eq, %gather3A_564, %eq3A_569 : vector<16xi32>
      %or3A_571 = arith.ori %eq3A_567, %eq3A_570 : vector<16xi1>
      %jit3A_572 = arith.constant 8000 : i32
      %broadcast_in_dim3A_573 = vector.broadcast %jit3A_572 : i32 to vector<16xi32>
      %select_n3A_574 = arith.select %or3A_571, %broadcast_in_dim3A_573, %gather3A_561 : vector<16xi1>, vector<16xi32>
      %swap3A_575 = arith.index_cast %multiple_of3A_558 : i32 to index
      %swap3A_576 = tpu.vector_load %arg18[%swap3A_575] {strides = array<i32>} : memref<2000xi32, #tpu.memory_space<vmem>>, vector<16xi32>,
      tpu.vector_store %arg18[%swap3A_575], %select_n3A_574 {strides = array<i32>} : memref<2000xi32, #tpu.memory_space<vmem>>, vector<16xi32>,
      %jit3A_577 = arith.constant 8000 : i32
      %broadcast_in_dim3A_578 = vector.broadcast %jit3A_577 : i32 to vector<16xi32>
      %select_n3A_579 = arith.select %or3A_571, %broadcast_in_dim3A_578, %gather3A_564 : vector<16xi1>, vector<16xi32>
      %swap3A_580 = arith.index_cast %multiple_of3A_558 : i32 to index
      %swap3A_581 = tpu.vector_load %arg19[%swap3A_580] {strides = array<i32>} : memref<2000xi32, #tpu.memory_space<vmem>>, vector<16xi32>,
      tpu.vector_store %arg19[%swap3A_580], %select_n3A_579 {strides = array<i32>} : memref<2000xi32, #tpu.memory_space<vmem>>, vector<16xi32>,
      %scan3A_582 = arith.constant 0 : i32
      %scan3A_583 = arith.constant 122 : i32
      %scan3A_584 = arith.addi %scan3A_524, %scan3A_583 : i32
      %mul3A_585 = arith.constant 16 : i32
      %mul3A_586 = arith.muli %scan3A_584, %mul3A_585 : i32
      %multiple_of3A_587 = tpu.assume_multiple %mul3A_586, 8 : i32
      %get3A_588 = arith.index_cast %multiple_of3A_587 : i32 to index
      %get3A_589 = tpu.vector_load %arg16[%get3A_588] {strides = array<i32>} : memref<2000xi32, #tpu.memory_space<vmem>>, vector<16xi32>,
      %gather3A_590 = tpu.vector_load_idx %arg14[%get3A_589] : memref<10016xi32, #tpu.memory_space<vmem>>[vector<16xi32>], vector<16xi32>,
      %get3A_591 = arith.index_cast %multiple_of3A_587 : i32 to index
      %get3A_592 = tpu.vector_load %arg17[%get3A_591] {strides = array<i32>} : memref<2000xi32, #tpu.memory_space<vmem>>, vector<16xi32>,
      %gather3A_593 = tpu.vector_load_idx %arg14[%get3A_592] : memref<10016xi32, #tpu.memory_space<vmem>>[vector<16xi32>], vector<16xi32>,
      %eq3A_594 = arith.constant 8000 : i32
      %eq3A_595 = vector.broadcast %eq3A_594 : i32 to vector<16xi32>
      %eq3A_596 = arith.cmpi eq, %gather3A_590, %eq3A_595 : vector<16xi32>
      %eq3A_597 = arith.constant 8000 : i32
      %eq3A_598 = vector.broadcast %eq3A_597 : i32 to vector<16xi32>
      %eq3A_599 = arith.cmpi eq, %gather3A_593, %eq3A_598 : vector<16xi32>
      %or3A_600 = arith.ori %eq3A_596, %eq3A_599 : vector<16xi1>
      %jit3A_601 = arith.constant 8000 : i32
      %broadcast_in_dim3A_602 = vector.broadcast %jit3A_601 : i32 to vector<16xi32>
      %select_n3A_603 = arith.select %or3A_600, %broadcast_in_dim3A_602, %gather3A_590 : vector<16xi1>, vector<16xi32>
      %swap3A_604 = arith.index_cast %multiple_of3A_587 : i32 to index
      %swap3A_605 = tpu.vector_load %arg18[%swap3A_604] {strides = array<i32>} : memref<2000xi32, #tpu.memory_space<vmem>>, vector<16xi32>,
      tpu.vector_store %arg18[%swap3A_604], %select_n3A_603 {strides = array<i32>} : memref<2000xi32, #tpu.memory_space<vmem>>, vector<16xi32>,
      %jit3A_606 = arith.constant 8000 : i32
      %broadcast_in_dim3A_607 = vector.broadcast %jit3A_606 : i32 to vector<16xi32>
      %select_n3A_608 = arith.select %or3A_600, %broadcast_in_dim3A_607, %gather3A_593 : vector<16xi1>, vector<16xi32>
      %swap3A_609 = arith.index_cast %multiple_of3A_587 : i32 to index
      %swap3A_610 = tpu.vector_load %arg19[%swap3A_609] {strides = array<i32>} : memref<2000xi32, #tpu.memory_space<vmem>>, vector<16xi32>,
      tpu.vector_store %arg19[%swap3A_609], %select_n3A_608 {strides = array<i32>} : memref<2000xi32, #tpu.memory_space<vmem>>, vector<16xi32>,
      %scan3A_611 = arith.constant 0 : i32
      %scan3A_612 = arith.constant 123 : i32
      %scan3A_613 = arith.addi %scan3A_524, %scan3A_612 : i32
      %mul3A_614 = arith.constant 16 : i32
      %mul3A_615 = arith.muli %scan3A_613, %mul3A_614 : i32
      %multiple_of3A_616 = tpu.assume_multiple %mul3A_615, 8 : i32
      %get3A_617 = arith.index_cast %multiple_of3A_616 : i32 to index
      %get3A_618 = tpu.vector_load %arg16[%get3A_617] {strides = array<i32>} : memref<2000xi32, #tpu.memory_space<vmem>>, vector<16xi32>,
      %gather3A_619 = tpu.vector_load_idx %arg14[%get3A_618] : memref<10016xi32, #tpu.memory_space<vmem>>[vector<16xi32>], vector<16xi32>,
      %get3A_620 = arith.index_cast %multiple_of3A_616 : i32 to index
      %get3A_621 = tpu.vector_load %arg17[%get3A_620] {strides = array<i32>} : memref<2000xi32, #tpu.memory_space<vmem>>, vector<16xi32>,
      %gather3A_622 = tpu.vector_load_idx %arg14[%get3A_621] : memref<10016xi32, #tpu.memory_space<vmem>>[vector<16xi32>], vector<16xi32>,
      %eq3A_623 = arith.constant 8000 : i32
      %eq3A_624 = vector.broadcast %eq3A_623 : i32 to vector<16xi32>
      %eq3A_625 = arith.cmpi eq, %gather3A_619, %eq3A_624 : vector<16xi32>
      %eq3A_626 = arith.constant 8000 : i32
      %eq3A_627 = vector.broadcast %eq3A_626 : i32 to vector<16xi32>
      %eq3A_628 = arith.cmpi eq, %gather3A_622, %eq3A_627 : vector<16xi32>
      %or3A_629 = arith.ori %eq3A_625, %eq3A_628 : vector<16xi1>
      %jit3A_630 = arith.constant 8000 : i32
      %broadcast_in_dim3A_631 = vector.broadcast %jit3A_630 : i32 to vector<16xi32>
      %select_n3A_632 = arith.select %or3A_629, %broadcast_in_dim3A_631, %gather3A_619 : vector<16xi1>, vector<16xi32>
      %swap3A_633 = arith.index_cast %multiple_of3A_616 : i32 to index
      %swap3A_634 = tpu.vector_load %arg18[%swap3A_633] {strides = array<i32>} : memref<2000xi32, #tpu.memory_space<vmem>>, vector<16xi32>,
      tpu.vector_store %arg18[%swap3A_633], %select_n3A_632 {strides = array<i32>} : memref<2000xi32, #tpu.memory_space<vmem>>, vector<16xi32>,
      %jit3A_635 = arith.constant 8000 : i32
      %broadcast_in_dim3A_636 = vector.broadcast %jit3A_635 : i32 to vector<16xi32>
      %select_n3A_637 = arith.select %or3A_629, %broadcast_in_dim3A_636, %gather3A_622 : vector<16xi1>, vector<16xi32>
      %swap3A_638 = arith.index_cast %multiple_of3A_616 : i32 to index
      %swap3A_639 = tpu.vector_load %arg19[%swap3A_638] {strides = array<i32>} : memref<2000xi32, #tpu.memory_space<vmem>>, vector<16xi32>,
      tpu.vector_store %arg19[%swap3A_638], %select_n3A_637 {strides = array<i32>} : memref<2000xi32, #tpu.memory_space<vmem>>, vector<16xi32>,
      %scan3A_640 = arith.constant 0 : i32
      %scan3A_641 = arith.constant 124 : i32
      %scan3A_642 = arith.addi %scan3A_524, %scan3A_641 : i32
      %mul3A_643 = arith.constant 16 : i32
      %mul3A_644 = arith.muli %scan3A_642, %mul3A_643 : i32
      %multiple_of3A_645 = tpu.assume_multiple %mul3A_644, 8 : i32
      %get3A_646 = arith.index_cast %multiple_of3A_645 : i32 to index
      %get3A_647 = tpu.vector_load %arg16[%get3A_646] {strides = array<i32>} : memref<2000xi32, #tpu.memory_space<vmem>>, vector<16xi32>,
      %gather3A_648 = tpu.vector_load_idx %arg14[%get3A_647] : memref<10016xi32, #tpu.memory_space<vmem>>[vector<16xi32>], vector<16xi32>,
      %get3A_649 = arith.index_cast %multiple_of3A_645 : i32 to index
      %get3A_650 = tpu.vector_load %arg17[%get3A_649] {strides = array<i32>} : memref<2000xi32, #tpu.memory_space<vmem>>, vector<16xi32>,
      %gather3A_651 = tpu.vector_load_idx %arg14[%get3A_650] : memref<10016xi32, #tpu.memory_space<vmem>>[vector<16xi32>], vector<16xi32>,
      %eq3A_652 = arith.constant 8000 : i32
      %eq3A_653 = vector.broadcast %eq3A_652 : i32 to vector<16xi32>
      %eq3A_654 = arith.cmpi eq, %gather3A_648, %eq3A_653 : vector<16xi32>
      %eq3A_655 = arith.constant 8000 : i32
      %eq3A_656 = vector.broadcast %eq3A_655 : i32 to vector<16xi32>
      %eq3A_657 = arith.cmpi eq, %gather3A_651, %eq3A_656 : vector<16xi32>
      %or3A_658 = arith.ori %eq3A_654, %eq3A_657 : vector<16xi1>
      %jit3A_659 = arith.constant 8000 : i32
      %broadcast_in_dim3A_660 = vector.broadcast %jit3A_659 : i32 to vector<16xi32>
      %select_n3A_661 = arith.select %or3A_658, %broadcast_in_dim3A_660, %gather3A_648 : vector<16xi1>, vector<16xi32>
      %swap3A_662 = arith.index_cast %multiple_of3A_645 : i32 to index
      %swap3A_663 = tpu.vector_load %arg18[%swap3A_662] {strides = array<i32>} : memref<2000xi32, #tpu.memory_space<vmem>>, vector<16xi32>,
      tpu.vector_store %arg18[%swap3A_662], %select_n3A_661 {strides = array<i32>} : memref<2000xi32, #tpu.memory_space<vmem>>, vector<16xi32>,
      %jit3A_664 = arith.constant 8000 : i32
      %broadcast_in_dim3A_665 = vector.broadcast %jit3A_664 : i32 to vector<16xi32>
      %select_n3A_666 = arith.select %or3A_658, %broadcast_in_dim3A_665, %gather3A_651 : vector<16xi1>, vector<16xi32>
      %swap3A_667 = arith.index_cast %multiple_of3A_645 : i32 to index
      %swap3A_668 = tpu.vector_load %arg19[%swap3A_667] {strides = array<i32>} : memref<2000xi32, #tpu.memory_space<vmem>>, vector<16xi32>,
      tpu.vector_store %arg19[%swap3A_667], %select_n3A_666 {strides = array<i32>} : memref<2000xi32, #tpu.memory_space<vmem>>, vector<16xi32>,
      %scan3A_669 = arith.constant 0 : i32
      %scan3A_670 = arith.constant 125 : i32
      "tpu.region"() ({
        %run_scoped3A = tpu.sem_alloc : memref<!tpu.dma_semaphore, #tpu.memory_space<semaphore_mem>>
        %dma_start3A = tpu.memref_slice %arg8[%multiple_of3A_522] : memref<320000xi32, #tpu.memory_space<hbm>> -> memref<2000xi32, #tpu.memory_space<hbm>>
        %dma_start3A_672 = tpu.memref_slice %arg8[%multiple_of3A_522] : memref<320000xi32, #tpu.memory_space<hbm>> -> memref<2000xi32, #tpu.memory_space<hbm>>
        tpu.enqueue_dma source(%arg18 : memref<2000xi32, #tpu.memory_space<vmem>>) target(%dma_start3A_672 : memref<2000xi32, #tpu.memory_space<hbm>>) target_semaphore(%run_scoped3A : memref<!tpu.dma_semaphore, #tpu.memory_space<semaphore_mem>>)
        %dma_wait3A = tpu.memref_slice %arg8[%multiple_of3A_522] : memref<320000xi32, #tpu.memory_space<hbm>> -> memref<2000xi32, #tpu.memory_space<hbm>>
        %dma_wait3A_673 = tpu.memref_slice %arg8[%multiple_of3A_522] : memref<320000xi32, #tpu.memory_space<hbm>> -> memref<2000xi32, #tpu.memory_space<hbm>>
        tpu.wait_dma2 semaphore(%run_scoped3A : memref<!tpu.dma_semaphore, #tpu.memory_space<semaphore_mem>>) src(%arg18 : memref<2000xi32, #tpu.memory_space<vmem>>) dst(%dma_wait3A_673 : memref<2000xi32, #tpu.memory_space<hbm>>)
        tpu.yield
      }) : () -> ()
      "tpu.region"() ({
        %run_scoped3A = tpu.sem_alloc : memref<!tpu.dma_semaphore, #tpu.memory_space<semaphore_mem>>
        %dma_start3A = tpu.memref_slice %arg9[%multiple_of3A_522] : memref<320000xi32, #tpu.memory_space<hbm>> -> memref<2000xi32, #tpu.memory_space<hbm>>
        %dma_start3A_672 = tpu.memref_slice %arg9[%multiple_of3A_522] : memref<320000xi32, #tpu.memory_space<hbm>> -> memref<2000xi32, #tpu.memory_space<hbm>>
        tpu.enqueue_dma source(%arg19 : memref<2000xi32, #tpu.memory_space<vmem>>) target(%dma_start3A_672 : memref<2000xi32, #tpu.memory_space<hbm>>) target_semaphore(%run_scoped3A : memref<!tpu.dma_semaphore, #tpu.memory_space<semaphore_mem>>)
        %dma_wait3A = tpu.memref_slice %arg9[%multiple_of3A_522] : memref<320000xi32, #tpu.memory_space<hbm>> -> memref<2000xi32, #tpu.memory_space<hbm>>
        %dma_wait3A_673 = tpu.memref_slice %arg9[%multiple_of3A_522] : memref<320000xi32, #tpu.memory_space<hbm>> -> memref<2000xi32, #tpu.memory_space<hbm>>
        tpu.wait_dma2 semaphore(%run_scoped3A : memref<!tpu.dma_semaphore, #tpu.memory_space<semaphore_mem>>) src(%arg19 : memref<2000xi32, #tpu.memory_space<vmem>>) dst(%dma_wait3A_673 : memref<2000xi32, #tpu.memory_space<hbm>>)
        tpu.yield
      }) : () -> ()
      %scan3A_671 = arith.constant 0 : i32
      scf.yield %scan3A_671 : i32
    }
    %scan3A_516 = arith.constant 5 : i32
    return
  }
}

module attributes {stable_mosaic.version = 14 : i64} {
  func.func @_k2_body(%arg0: memref<32x2x10016xf32, #tpu.memory_space<vmem>>, %arg1: memref<4x10016xf32, #tpu.memory_space<vmem>>, %arg2: memref<8x4xf32, #tpu.memory_space<vmem>>, %arg3: memref<8x1xf32, #tpu.memory_space<vmem>>, %arg4: memref<8x1xf32, #tpu.memory_space<vmem>>, %arg5: memref<8x1xf32, #tpu.memory_space<vmem>>, %arg6: memref<128x8xf32, #tpu.memory_space<vmem>>, %arg7: memref<128x1xf32, #tpu.memory_space<vmem>>, %arg8: memref<1x128xf32, #tpu.memory_space<vmem>>, %arg9: memref<1x1xf32, #tpu.memory_space<vmem>>, %arg10: memref<128x10016xf32, #tpu.memory_space<vmem>>, %arg11: memref<1x10016xf32, #tpu.memory_space<vmem>>) attributes {dimension_semantics = [], scalar_prefetch = 0 : i64, scratch_operands = 0 : i64, tpu.core_type = #tpu.core_type<tc>} {
    %get3A = arith.constant 0 : index
    %get3A_0 = arith.constant 0 : index
    %get3A_1 = arith.constant 0 : index
    %get3A_2 = vector.load %arg0[%get3A, %get3A_0, %get3A_1] : memref<32x2x10016xf32, #tpu.memory_space<vmem>>, vector<32x2x10016xf32>
    %reshape3A = vector.shape_cast %get3A_2 : vector<32x2x10016xf32> to vector<8x4x2x10016xf32>
    %reduce_sum3A = arith.constant dense<0.000000e+00> : vector<4x2x10016xf32>
    %reduce_sum3A_3 = vector.multi_reduction <add>, %reshape3A, %reduce_sum3A [0] : vector<8x4x2x10016xf32> to vector<4x2x10016xf32>
    %slice3A = vector.extract_strided_slice %reduce_sum3A_3 {offsets = [0, 1, 0], sizes = [4, 1, 10016], strides = [1, 1, 1]} : vector<4x2x10016xf32> to vector<4x1x10016xf32>
    %squeeze3A = vector.shape_cast %slice3A : vector<4x1x10016xf32> to vector<4x10016xf32>
    %slice3A_4 = vector.extract_strided_slice %reduce_sum3A_3 {offsets = [0, 0, 0], sizes = [4, 1, 10016], strides = [1, 1, 1]} : vector<4x2x10016xf32> to vector<4x1x10016xf32>
    %squeeze3A_5 = vector.shape_cast %slice3A_4 : vector<4x1x10016xf32> to vector<4x10016xf32>
    %max3A = arith.constant 1.000000e-30 : f32
    %max3A_6 = vector.broadcast %max3A : f32 to vector<4x10016xf32>
    %max3A_7 = arith.maximumf %squeeze3A_5, %max3A_6 : vector<4x10016xf32>
    %div3A = arith.divf %squeeze3A, %max3A_7 : vector<4x10016xf32>
    %get3A_8 = arith.constant 0 : index
    %get3A_9 = arith.constant 0 : index
    %get3A_10 = vector.load %arg1[%get3A_8, %get3A_9] : memref<4x10016xf32, #tpu.memory_space<vmem>>, vector<4x10016xf32>
    %add3A = arith.addf %get3A_10, %div3A : vector<4x10016xf32>
    %get3A_11 = arith.constant 0 : index
    %get3A_12 = arith.constant 0 : index
    %get3A_13 = vector.load %arg2[%get3A_11, %get3A_12] : memref<8x4xf32, #tpu.memory_space<vmem>>, vector<8x4xf32>
    %convert_element_type3A = arith.truncf %get3A_13 : vector<8x4xf32> to vector<8x4xbf16>
    %convert_element_type3A_14 = arith.truncf %add3A : vector<4x10016xf32> to vector<4x10016xbf16>
    %dot_general3A = arith.constant dense<0.000000e+00> : vector<8x10016xf32>
    %dot_general3A_15 = tpu.matmul %convert_element_type3A, %convert_element_type3A_14, %dot_general3A {dimension_numbers = #tpu.dot_dimension_numbers<[1], [0], [0], [1], [0, 0, 1, 1], [], []>, transpose_lhs_hint = false} : vector<8x4xbf16>, vector<4x10016xbf16>, vector<8x10016xf32> -> vector<8x10016xf32>
    %get3A_16 = arith.constant 0 : index
    %get3A_17 = arith.constant 0 : index
    %get3A_18 = vector.load %arg3[%get3A_16, %get3A_17] : memref<8x1xf32, #tpu.memory_space<vmem>>, vector<8x1xf32>
    %add3A_19 = vector.broadcast %get3A_18 : vector<8x1xf32> to vector<8x10016xf32>
    %add3A_20 = arith.addf %dot_general3A_15, %add3A_19 : vector<8x10016xf32>
    %iota3A = tpu.iota {dimensions = array<i32: 1>} : vector<1x10016xi32>
    %lt3A = arith.constant 10000 : i32
    %lt3A_21 = vector.broadcast %lt3A : i32 to vector<1x10016xi32>
    %lt3A_22 = arith.cmpi slt, %iota3A, %lt3A_21 : vector<1x10016xi32>
    %jit3A = arith.constant 0.000000e+00 : f32
    %broadcast_in_dim3A = vector.shape_cast %lt3A_22 : vector<1x10016xi1> to vector<1x10016xi1>
    %broadcast_in_dim3A_23 = vector.broadcast %broadcast_in_dim3A : vector<1x10016xi1> to vector<8x10016xi1>
    %broadcast_in_dim3A_24 = vector.broadcast %jit3A : f32 to vector<8x10016xf32>
    %select_n3A = arith.select %broadcast_in_dim3A_23, %add3A_20, %broadcast_in_dim3A_24 : vector<8x10016xi1>, vector<8x10016xf32>
    %reduce_sum3A_25 = arith.constant dense<0.000000e+00> : vector<8xf32>
    %reduce_sum3A_26 = vector.multi_reduction <add>, %select_n3A, %reduce_sum3A_25 [1] : vector<8x10016xf32> to vector<8xf32>
    %broadcast_in_dim3A_27 = vector.shape_cast %reduce_sum3A_26 : vector<8xf32> to vector<8x1xf32>
    %div3A_28 = arith.constant 1.000000e+04 : f32
    %div3A_29 = vector.broadcast %div3A_28 : f32 to vector<8x1xf32>
    %div3A_30 = arith.divf %broadcast_in_dim3A_27, %div3A_29 : vector<8x1xf32>
    %sub3A = vector.broadcast %div3A_30 : vector<8x1xf32> to vector<8x10016xf32>
    %sub3A_31 = arith.subf %add3A_20, %sub3A : vector<8x10016xf32>
    %jit3A_32 = arith.constant 0.000000e+00 : f32
    %broadcast_in_dim3A_33 = vector.shape_cast %lt3A_22 : vector<1x10016xi1> to vector<1x10016xi1>
    %broadcast_in_dim3A_34 = vector.broadcast %broadcast_in_dim3A_33 : vector<1x10016xi1> to vector<8x10016xi1>
    %broadcast_in_dim3A_35 = vector.broadcast %jit3A_32 : f32 to vector<8x10016xf32>
    %select_n3A_36 = arith.select %broadcast_in_dim3A_34, %sub3A_31, %broadcast_in_dim3A_35 : vector<8x10016xi1>, vector<8x10016xf32>
    %mul3A = arith.mulf %select_n3A_36, %select_n3A_36 : vector<8x10016xf32>
    %reduce_sum3A_37 = arith.constant dense<0.000000e+00> : vector<8xf32>
    %reduce_sum3A_38 = vector.multi_reduction <add>, %mul3A, %reduce_sum3A_37 [1] : vector<8x10016xf32> to vector<8xf32>
    %broadcast_in_dim3A_39 = vector.shape_cast %reduce_sum3A_38 : vector<8xf32> to vector<8x1xf32>
    %div3A_40 = arith.constant 1.000000e+04 : f32
    %div3A_41 = vector.broadcast %div3A_40 : f32 to vector<8x1xf32>
    %div3A_42 = arith.divf %broadcast_in_dim3A_39, %div3A_41 : vector<8x1xf32>
    %add3A_43 = arith.constant 9.99999974E-6 : f32
    %add3A_44 = vector.broadcast %add3A_43 : f32 to vector<8x1xf32>
    %add3A_45 = arith.addf %div3A_42, %add3A_44 : vector<8x1xf32>
    %rsqrt3A = math.rsqrt %add3A_45 : vector<8x1xf32>
    %mul3A_46 = arith.constant 5.000000e-01 : f32
    %mul3A_47 = vector.broadcast %mul3A_46 : f32 to vector<8x1xf32>
    %mul3A_48 = arith.mulf %mul3A_47, %add3A_45 : vector<8x1xf32>
    %mul3A_49 = arith.mulf %mul3A_48, %rsqrt3A : vector<8x1xf32>
    %mul3A_50 = arith.mulf %mul3A_49, %rsqrt3A : vector<8x1xf32>
    %sub3A_51 = arith.constant 1.500000e+00 : f32
    %sub3A_52 = vector.broadcast %sub3A_51 : f32 to vector<8x1xf32>
    %sub3A_53 = arith.subf %sub3A_52, %mul3A_50 : vector<8x1xf32>
    %mul3A_54 = arith.mulf %rsqrt3A, %sub3A_53 : vector<8x1xf32>
    %sub3A_55 = vector.broadcast %div3A_30 : vector<8x1xf32> to vector<8x10016xf32>
    %sub3A_56 = arith.subf %add3A_20, %sub3A_55 : vector<8x10016xf32>
    %mul3A_57 = vector.broadcast %mul3A_54 : vector<8x1xf32> to vector<8x10016xf32>
    %mul3A_58 = arith.mulf %sub3A_56, %mul3A_57 : vector<8x10016xf32>
    %get3A_59 = arith.constant 0 : index
    %get3A_60 = arith.constant 0 : index
    %get3A_61 = vector.load %arg4[%get3A_59, %get3A_60] : memref<8x1xf32, #tpu.memory_space<vmem>>, vector<8x1xf32>
    %mul3A_62 = vector.broadcast %get3A_61 : vector<8x1xf32> to vector<8x10016xf32>
    %mul3A_63 = arith.mulf %mul3A_58, %mul3A_62 : vector<8x10016xf32>
    %get3A_64 = arith.constant 0 : index
    %get3A_65 = arith.constant 0 : index
    %get3A_66 = vector.load %arg5[%get3A_64, %get3A_65] : memref<8x1xf32, #tpu.memory_space<vmem>>, vector<8x1xf32>
    %add3A_67 = vector.broadcast %get3A_66 : vector<8x1xf32> to vector<8x10016xf32>
    %add3A_68 = arith.addf %mul3A_63, %add3A_67 : vector<8x10016xf32>
    %max3A_69 = arith.constant 0.000000e+00 : f32
    %max3A_70 = vector.broadcast %max3A_69 : f32 to vector<8x10016xf32>
    %max3A_71 = arith.maximumf %add3A_68, %max3A_70 : vector<8x10016xf32>
    %get3A_72 = arith.constant 0 : index
    %get3A_73 = arith.constant 0 : index
    %get3A_74 = vector.load %arg6[%get3A_72, %get3A_73] : memref<128x8xf32, #tpu.memory_space<vmem>>, vector<128x8xf32>
    %convert_element_type3A_75 = arith.truncf %get3A_74 : vector<128x8xf32> to vector<128x8xbf16>
    %convert_element_type3A_76 = arith.truncf %max3A_71 : vector<8x10016xf32> to vector<8x10016xbf16>
    %dot_general3A_77 = arith.constant dense<0.000000e+00> : vector<128x10016xf32>
    %dot_general3A_78 = tpu.matmul %convert_element_type3A_75, %convert_element_type3A_76, %dot_general3A_77 {dimension_numbers = #tpu.dot_dimension_numbers<[1], [0], [0], [1], [0, 0, 1, 1], [], []>, transpose_lhs_hint = false} : vector<128x8xbf16>, vector<8x10016xbf16>, vector<128x10016xf32> -> vector<128x10016xf32>
    %get3A_79 = arith.constant 0 : index
    %get3A_80 = arith.constant 0 : index
    %get3A_81 = vector.load %arg7[%get3A_79, %get3A_80] : memref<128x1xf32, #tpu.memory_space<vmem>>, vector<128x1xf32>
    %add3A_82 = vector.broadcast %get3A_81 : vector<128x1xf32> to vector<128x10016xf32>
    %add3A_83 = arith.addf %dot_general3A_78, %add3A_82 : vector<128x10016xf32>
    %max3A_84 = arith.constant 0.000000e+00 : f32
    %max3A_85 = vector.broadcast %max3A_84 : f32 to vector<128x10016xf32>
    %max3A_86 = arith.maximumf %add3A_83, %max3A_85 : vector<128x10016xf32>
    %swap3A = arith.constant 0 : index
    %swap3A_87 = arith.constant 0 : index
    %swap3A_88 = vector.load %arg10[%swap3A, %swap3A_87] : memref<128x10016xf32, #tpu.memory_space<vmem>>, vector<128x10016xf32>
    tpu.vector_store %arg10[%swap3A, %swap3A_87], %max3A_86 {strides = array<i32>} : memref<128x10016xf32, #tpu.memory_space<vmem>>, vector<128x10016xf32>,
    %get3A_89 = arith.constant 0 : index
    %get3A_90 = arith.constant 0 : index
    %get3A_91 = vector.load %arg8[%get3A_89, %get3A_90] : memref<1x128xf32, #tpu.memory_space<vmem>>, vector<1x128xf32>
    %convert_element_type3A_92 = arith.truncf %get3A_91 : vector<1x128xf32> to vector<1x128xbf16>
    %convert_element_type3A_93 = arith.truncf %max3A_86 : vector<128x10016xf32> to vector<128x10016xbf16>
    %dot_general3A_94 = arith.constant dense<0.000000e+00> : vector<1x10016xf32>
    %dot_general3A_95 = tpu.matmul %convert_element_type3A_92, %convert_element_type3A_93, %dot_general3A_94 {dimension_numbers = #tpu.dot_dimension_numbers<[1], [0], [0], [1], [0, 0, 1, 1], [], []>, transpose_lhs_hint = false} : vector<1x128xbf16>, vector<128x10016xbf16>, vector<1x10016xf32> -> vector<1x10016xf32>
    %get3A_96 = arith.constant 0 : index
    %get3A_97 = arith.constant 0 : index
    %get3A_98 = vector.load %arg9[%get3A_96, %get3A_97] : memref<1x1xf32, #tpu.memory_space<vmem>>, vector<1x1xf32>
    %div3A_99 = vector.broadcast %get3A_98 : vector<1x1xf32> to vector<1x10016xf32>
    %div3A_100 = arith.divf %dot_general3A_95, %div3A_99 : vector<1x10016xf32>
    %tanh3A = math.tanh %div3A_100 : vector<1x10016xf32>
    %jit3A_101 = arith.constant -1.000000e+30 : f32
    %broadcast_in_dim3A_102 = vector.broadcast %jit3A_101 : f32 to vector<1x10016xf32>
    %select_n3A_103 = arith.select %lt3A_22, %tanh3A, %broadcast_in_dim3A_102 : vector<1x10016xi1>, vector<1x10016xf32>
    %swap3A_104 = arith.constant 0 : index
    %swap3A_105 = arith.constant 0 : index
    %swap3A_106 = vector.load %arg11[%swap3A_104, %swap3A_105] : memref<1x10016xf32, #tpu.memory_space<vmem>>, vector<1x10016xf32>
    tpu.vector_store %arg11[%swap3A_104, %swap3A_105], %select_n3A_103 {strides = array<i32>} : memref<1x10016xf32, #tpu.memory_space<vmem>>, vector<1x10016xf32>,
    return
  }
}

module attributes {stable_mosaic.version = 14 : i64} {
  func.func @_k4_body(%arg0: memref<128x8016xf32, #tpu.memory_space<vmem>>, %arg1: memref<128x8016xf32, #tpu.memory_space<vmem>>, %arg2: memref<256x128xf32, #tpu.memory_space<vmem>>, %arg3: memref<256x1xf32, #tpu.memory_space<vmem>>, %arg4: memref<256x1xf32, #tpu.memory_space<vmem>>, %arg5: memref<256x1xf32, #tpu.memory_space<vmem>>, %arg6: memref<128x256xf32, #tpu.memory_space<vmem>>, %arg7: memref<128x1xf32, #tpu.memory_space<vmem>>, %arg8: memref<1x128xf32, #tpu.memory_space<vmem>>, %arg9: memref<1x1xf32, #tpu.memory_space<vmem>>, %arg10: memref<128x8016xf32, #tpu.memory_space<vmem>>, %arg11: memref<1x8016xf32, #tpu.memory_space<vmem>>) attributes {dimension_semantics = [], scalar_prefetch = 0 : i64, scratch_operands = 0 : i64, tpu.core_type = #tpu.core_type<tc>} {
    %get3A = arith.constant 0 : index
    %get3A_0 = arith.constant 0 : index
    %get3A_1 = vector.load %arg0[%get3A, %get3A_0] : memref<128x8016xf32, #tpu.memory_space<vmem>>, vector<128x8016xf32>
    %get3A_2 = arith.constant 0 : index
    %get3A_3 = arith.constant 0 : index
    %get3A_4 = vector.load %arg1[%get3A_2, %get3A_3] : memref<128x8016xf32, #tpu.memory_space<vmem>>, vector<128x8016xf32>
    %add3A = arith.addf %get3A_1, %get3A_4 : vector<128x8016xf32>
    %get3A_5 = arith.constant 0 : index
    %get3A_6 = arith.constant 0 : index
    %get3A_7 = vector.load %arg2[%get3A_5, %get3A_6] : memref<256x128xf32, #tpu.memory_space<vmem>>, vector<256x128xf32>
    %convert_element_type3A = arith.truncf %get3A_7 : vector<256x128xf32> to vector<256x128xbf16>
    %convert_element_type3A_8 = arith.truncf %add3A : vector<128x8016xf32> to vector<128x8016xbf16>
    %dot_general3A = arith.constant dense<0.000000e+00> : vector<256x8016xf32>
    %dot_general3A_9 = tpu.matmul %convert_element_type3A, %convert_element_type3A_8, %dot_general3A {dimension_numbers = #tpu.dot_dimension_numbers<[1], [0], [0], [1], [0, 0, 1, 1], [], []>, transpose_lhs_hint = false} : vector<256x128xbf16>, vector<128x8016xbf16>, vector<256x8016xf32> -> vector<256x8016xf32>
    %get3A_10 = arith.constant 0 : index
    %get3A_11 = arith.constant 0 : index
    %get3A_12 = vector.load %arg3[%get3A_10, %get3A_11] : memref<256x1xf32, #tpu.memory_space<vmem>>, vector<256x1xf32>
    %add3A_13 = vector.broadcast %get3A_12 : vector<256x1xf32> to vector<256x8016xf32>
    %add3A_14 = arith.addf %dot_general3A_9, %add3A_13 : vector<256x8016xf32>
    %iota3A = tpu.iota {dimensions = array<i32: 1>} : vector<1x8016xi32>
    %lt3A = arith.constant 8000 : i32
    %lt3A_15 = vector.broadcast %lt3A : i32 to vector<1x8016xi32>
    %lt3A_16 = arith.cmpi slt, %iota3A, %lt3A_15 : vector<1x8016xi32>
    %jit3A = arith.constant 0.000000e+00 : f32
    %broadcast_in_dim3A = vector.shape_cast %lt3A_16 : vector<1x8016xi1> to vector<1x8016xi1>
    %broadcast_in_dim3A_17 = vector.broadcast %broadcast_in_dim3A : vector<1x8016xi1> to vector<256x8016xi1>
    %broadcast_in_dim3A_18 = vector.broadcast %jit3A : f32 to vector<256x8016xf32>
    %select_n3A = arith.select %broadcast_in_dim3A_17, %add3A_14, %broadcast_in_dim3A_18 : vector<256x8016xi1>, vector<256x8016xf32>
    %reduce_sum3A = arith.constant dense<0.000000e+00> : vector<256xf32>
    %reduce_sum3A_19 = vector.multi_reduction <add>, %select_n3A, %reduce_sum3A [1] : vector<256x8016xf32> to vector<256xf32>
    %broadcast_in_dim3A_20 = vector.shape_cast %reduce_sum3A_19 : vector<256xf32> to vector<256x1xf32>
    %div3A = arith.constant 8.000000e+03 : f32
    %div3A_21 = vector.broadcast %div3A : f32 to vector<256x1xf32>
    %div3A_22 = arith.divf %broadcast_in_dim3A_20, %div3A_21 : vector<256x1xf32>
    %sub3A = vector.broadcast %div3A_22 : vector<256x1xf32> to vector<256x8016xf32>
    %sub3A_23 = arith.subf %add3A_14, %sub3A : vector<256x8016xf32>
    %jit3A_24 = arith.constant 0.000000e+00 : f32
    %broadcast_in_dim3A_25 = vector.shape_cast %lt3A_16 : vector<1x8016xi1> to vector<1x8016xi1>
    %broadcast_in_dim3A_26 = vector.broadcast %broadcast_in_dim3A_25 : vector<1x8016xi1> to vector<256x8016xi1>
    %broadcast_in_dim3A_27 = vector.broadcast %jit3A_24 : f32 to vector<256x8016xf32>
    %select_n3A_28 = arith.select %broadcast_in_dim3A_26, %sub3A_23, %broadcast_in_dim3A_27 : vector<256x8016xi1>, vector<256x8016xf32>
    %mul3A = arith.mulf %select_n3A_28, %select_n3A_28 : vector<256x8016xf32>
    %reduce_sum3A_29 = arith.constant dense<0.000000e+00> : vector<256xf32>
    %reduce_sum3A_30 = vector.multi_reduction <add>, %mul3A, %reduce_sum3A_29 [1] : vector<256x8016xf32> to vector<256xf32>
    %broadcast_in_dim3A_31 = vector.shape_cast %reduce_sum3A_30 : vector<256xf32> to vector<256x1xf32>
    %div3A_32 = arith.constant 8.000000e+03 : f32
    %div3A_33 = vector.broadcast %div3A_32 : f32 to vector<256x1xf32>
    %div3A_34 = arith.divf %broadcast_in_dim3A_31, %div3A_33 : vector<256x1xf32>
    %add3A_35 = arith.constant 9.99999974E-6 : f32
    %add3A_36 = vector.broadcast %add3A_35 : f32 to vector<256x1xf32>
    %add3A_37 = arith.addf %div3A_34, %add3A_36 : vector<256x1xf32>
    %rsqrt3A = math.rsqrt %add3A_37 : vector<256x1xf32>
    %mul3A_38 = arith.constant 5.000000e-01 : f32
    %mul3A_39 = vector.broadcast %mul3A_38 : f32 to vector<256x1xf32>
    %mul3A_40 = arith.mulf %mul3A_39, %add3A_37 : vector<256x1xf32>
    %mul3A_41 = arith.mulf %mul3A_40, %rsqrt3A : vector<256x1xf32>
    %mul3A_42 = arith.mulf %mul3A_41, %rsqrt3A : vector<256x1xf32>
    %sub3A_43 = arith.constant 1.500000e+00 : f32
    %sub3A_44 = vector.broadcast %sub3A_43 : f32 to vector<256x1xf32>
    %sub3A_45 = arith.subf %sub3A_44, %mul3A_42 : vector<256x1xf32>
    %mul3A_46 = arith.mulf %rsqrt3A, %sub3A_45 : vector<256x1xf32>
    %sub3A_47 = vector.broadcast %div3A_22 : vector<256x1xf32> to vector<256x8016xf32>
    %sub3A_48 = arith.subf %add3A_14, %sub3A_47 : vector<256x8016xf32>
    %mul3A_49 = vector.broadcast %mul3A_46 : vector<256x1xf32> to vector<256x8016xf32>
    %mul3A_50 = arith.mulf %sub3A_48, %mul3A_49 : vector<256x8016xf32>
    %get3A_51 = arith.constant 0 : index
    %get3A_52 = arith.constant 0 : index
    %get3A_53 = vector.load %arg4[%get3A_51, %get3A_52] : memref<256x1xf32, #tpu.memory_space<vmem>>, vector<256x1xf32>
    %mul3A_54 = vector.broadcast %get3A_53 : vector<256x1xf32> to vector<256x8016xf32>
    %mul3A_55 = arith.mulf %mul3A_50, %mul3A_54 : vector<256x8016xf32>
    %get3A_56 = arith.constant 0 : index
    %get3A_57 = arith.constant 0 : index
    %get3A_58 = vector.load %arg5[%get3A_56, %get3A_57] : memref<256x1xf32, #tpu.memory_space<vmem>>, vector<256x1xf32>
    %add3A_59 = vector.broadcast %get3A_58 : vector<256x1xf32> to vector<256x8016xf32>
    %add3A_60 = arith.addf %mul3A_55, %add3A_59 : vector<256x8016xf32>
    %max3A = arith.constant 0.000000e+00 : f32
    %max3A_61 = vector.broadcast %max3A : f32 to vector<256x8016xf32>
    %max3A_62 = arith.maximumf %add3A_60, %max3A_61 : vector<256x8016xf32>
    %get3A_63 = arith.constant 0 : index
    %get3A_64 = arith.constant 0 : index
    %get3A_65 = vector.load %arg6[%get3A_63, %get3A_64] : memref<128x256xf32, #tpu.memory_space<vmem>>, vector<128x256xf32>
    %convert_element_type3A_66 = arith.truncf %get3A_65 : vector<128x256xf32> to vector<128x256xbf16>
    %convert_element_type3A_67 = arith.truncf %max3A_62 : vector<256x8016xf32> to vector<256x8016xbf16>
    %dot_general3A_68 = arith.constant dense<0.000000e+00> : vector<128x8016xf32>
    %dot_general3A_69 = tpu.matmul %convert_element_type3A_66, %convert_element_type3A_67, %dot_general3A_68 {dimension_numbers = #tpu.dot_dimension_numbers<[1], [0], [0], [1], [0, 0, 1, 1], [], []>, transpose_lhs_hint = false} : vector<128x256xbf16>, vector<256x8016xbf16>, vector<128x8016xf32> -> vector<128x8016xf32>
    %get3A_70 = arith.constant 0 : index
    %get3A_71 = arith.constant 0 : index
    %get3A_72 = vector.load %arg7[%get3A_70, %get3A_71] : memref<128x1xf32, #tpu.memory_space<vmem>>, vector<128x1xf32>
    %add3A_73 = vector.broadcast %get3A_72 : vector<128x1xf32> to vector<128x8016xf32>
    %add3A_74 = arith.addf %dot_general3A_69, %add3A_73 : vector<128x8016xf32>
    %max3A_75 = arith.constant 0.000000e+00 : f32
    %max3A_76 = vector.broadcast %max3A_75 : f32 to vector<128x8016xf32>
    %max3A_77 = arith.maximumf %add3A_74, %max3A_76 : vector<128x8016xf32>
    %swap3A = arith.constant 0 : index
    %swap3A_78 = arith.constant 0 : index
    %swap3A_79 = vector.load %arg10[%swap3A, %swap3A_78] : memref<128x8016xf32, #tpu.memory_space<vmem>>, vector<128x8016xf32>
    tpu.vector_store %arg10[%swap3A, %swap3A_78], %max3A_77 {strides = array<i32>} : memref<128x8016xf32, #tpu.memory_space<vmem>>, vector<128x8016xf32>,
    %get3A_80 = arith.constant 0 : index
    %get3A_81 = arith.constant 0 : index
    %get3A_82 = vector.load %arg8[%get3A_80, %get3A_81] : memref<1x128xf32, #tpu.memory_space<vmem>>, vector<1x128xf32>
    %convert_element_type3A_83 = arith.truncf %get3A_82 : vector<1x128xf32> to vector<1x128xbf16>
    %convert_element_type3A_84 = arith.truncf %max3A_77 : vector<128x8016xf32> to vector<128x8016xbf16>
    %dot_general3A_85 = arith.constant dense<0.000000e+00> : vector<1x8016xf32>
    %dot_general3A_86 = tpu.matmul %convert_element_type3A_83, %convert_element_type3A_84, %dot_general3A_85 {dimension_numbers = #tpu.dot_dimension_numbers<[1], [0], [0], [1], [0, 0, 1, 1], [], []>, transpose_lhs_hint = false} : vector<1x128xbf16>, vector<128x8016xbf16>, vector<1x8016xf32> -> vector<1x8016xf32>
    %get3A_87 = arith.constant 0 : index
    %get3A_88 = arith.constant 0 : index
    %get3A_89 = vector.load %arg9[%get3A_87, %get3A_88] : memref<1x1xf32, #tpu.memory_space<vmem>>, vector<1x1xf32>
    %div3A_90 = vector.broadcast %get3A_89 : vector<1x1xf32> to vector<1x8016xf32>
    %div3A_91 = arith.divf %dot_general3A_86, %div3A_90 : vector<1x8016xf32>
    %tanh3A = math.tanh %div3A_91 : vector<1x8016xf32>
    %jit3A_92 = arith.constant -1.000000e+30 : f32
    %broadcast_in_dim3A_93 = vector.broadcast %jit3A_92 : f32 to vector<1x8016xf32>
    %select_n3A_94 = arith.select %lt3A_16, %tanh3A, %broadcast_in_dim3A_93 : vector<1x8016xi1>, vector<1x8016xf32>
    %swap3A_95 = arith.constant 0 : index
    %swap3A_96 = arith.constant 0 : index
    %swap3A_97 = vector.load %arg11[%swap3A_95, %swap3A_96] : memref<1x8016xf32, #tpu.memory_space<vmem>>, vector<1x8016xf32>
    tpu.vector_store %arg11[%swap3A_95, %swap3A_96], %select_n3A_94 {strides = array<i32>} : memref<1x8016xf32, #tpu.memory_space<vmem>>, vector<1x8016xf32>,
    return
  }
}

module attributes {stable_mosaic.version = 14 : i64} {
  func.func @_k6_body(%arg0: memref<128x8016xf32, #tpu.memory_space<vmem>>, %arg1: memref<1x8016xf32, #tpu.memory_space<vmem>>, %arg2: memref<1x8016xf32, #tpu.memory_space<vmem>>, %arg3: memref<256x1xf32, #tpu.memory_space<vmem>>, %arg4: memref<128x256xf32, #tpu.memory_space<vmem>>, %arg5: memref<128x1xf32, #tpu.memory_space<vmem>>, %arg6: memref<2x128xf32, #tpu.memory_space<vmem>>, %arg7: memref<2x1xf32, #tpu.memory_space<vmem>>, %arg8: memref<2x1xf32, #tpu.memory_space<vmem>>) attributes {dimension_semantics = [], scalar_prefetch = 0 : i64, scratch_operands = 0 : i64, tpu.core_type = #tpu.core_type<tc>} {
    %get3A = arith.constant 0 : index
    %get3A_0 = arith.constant 0 : index
    %get3A_1 = vector.load %arg0[%get3A, %get3A_0] : memref<128x8016xf32, #tpu.memory_space<vmem>>, vector<128x8016xf32>
    %get3A_2 = arith.constant 0 : index
    %get3A_3 = arith.constant 0 : index
    %get3A_4 = vector.load %arg1[%get3A_2, %get3A_3] : memref<1x8016xf32, #tpu.memory_space<vmem>>, vector<1x8016xf32>
    %mul3A = vector.broadcast %get3A_4 : vector<1x8016xf32> to vector<128x8016xf32>
    %mul3A_5 = arith.mulf %get3A_1, %mul3A : vector<128x8016xf32>
    %get3A_6 = arith.constant 0 : index
    %get3A_7 = arith.constant 0 : index
    %get3A_8 = vector.load %arg2[%get3A_6, %get3A_7] : memref<1x8016xf32, #tpu.memory_space<vmem>>, vector<1x8016xf32>
    %gt3A = arith.constant 0.000000e+00 : f32
    %gt3A_9 = vector.broadcast %gt3A : f32 to vector<1x8016xf32>
    %gt3A_10 = arith.cmpf ogt, %get3A_8, %gt3A_9 : vector<1x8016xf32>
    %jit3A = arith.constant -3.400000e+38 : f32
    %broadcast_in_dim3A = vector.shape_cast %gt3A_10 : vector<1x8016xi1> to vector<1x8016xi1>
    %broadcast_in_dim3A_11 = vector.broadcast %broadcast_in_dim3A : vector<1x8016xi1> to vector<128x8016xi1>
    %broadcast_in_dim3A_12 = vector.broadcast %jit3A : f32 to vector<128x8016xf32>
    %select_n3A = arith.select %broadcast_in_dim3A_11, %mul3A_5, %broadcast_in_dim3A_12 : vector<128x8016xi1>, vector<128x8016xf32>
    %reduce_max3A = arith.constant dense<0xFF800000> : vector<128xf32>
    %reduce_max3A_13 = vector.multi_reduction <maximumf>, %select_n3A, %reduce_max3A [1] : vector<128x8016xf32> to vector<128xf32>
    %broadcast_in_dim3A_14 = vector.shape_cast %reduce_max3A_13 : vector<128xf32> to vector<128x1xf32>
    %mul3A_15 = vector.broadcast %get3A_8 : vector<1x8016xf32> to vector<128x8016xf32>
    %mul3A_16 = arith.mulf %mul3A_5, %mul3A_15 : vector<128x8016xf32>
    %reduce_sum3A = arith.constant dense<0.000000e+00> : vector<128xf32>
    %reduce_sum3A_17 = vector.multi_reduction <add>, %mul3A_16, %reduce_sum3A [1] : vector<128x8016xf32> to vector<128xf32>
    %broadcast_in_dim3A_18 = vector.shape_cast %reduce_sum3A_17 : vector<128xf32> to vector<128x1xf32>
    %div3A = arith.constant 6.400000e+03 : f32
    %div3A_19 = vector.broadcast %div3A : f32 to vector<128x1xf32>
    %div3A_20 = arith.divf %broadcast_in_dim3A_18, %div3A_19 : vector<128x1xf32>
    %get3A_21 = arith.constant 0 : index
    %get3A_22 = arith.constant 0 : index
    %get3A_23 = vector.load %arg3[%get3A_21, %get3A_22] : memref<256x1xf32, #tpu.memory_space<vmem>>, vector<256x1xf32>
    %concatenate3A = tpu.concatenate %broadcast_in_dim3A_14, %div3A_20 in 0 : vector<128x1xf32>, vector<128x1xf32> -> vector<256x1xf32>
    %add3A = arith.addf %get3A_23, %concatenate3A : vector<256x1xf32>
    %get3A_24 = arith.constant 0 : index
    %get3A_25 = arith.constant 0 : index
    %get3A_26 = vector.load %arg4[%get3A_24, %get3A_25] : memref<128x256xf32, #tpu.memory_space<vmem>>, vector<128x256xf32>
    %convert_element_type3A = arith.truncf %get3A_26 : vector<128x256xf32> to vector<128x256xbf16>
    %convert_element_type3A_27 = arith.truncf %add3A : vector<256x1xf32> to vector<256x1xbf16>
    %dot_general3A = arith.constant dense<0.000000e+00> : vector<128x1xf32>
    %dot_general3A_28 = tpu.matmul %convert_element_type3A, %convert_element_type3A_27, %dot_general3A {dimension_numbers = #tpu.dot_dimension_numbers<[1], [0], [0], [1], [0, 0, 1, 1], [], []>, transpose_lhs_hint = false} : vector<128x256xbf16>, vector<256x1xbf16>, vector<128x1xf32> -> vector<128x1xf32>
    %get3A_29 = arith.constant 0 : index
    %get3A_30 = arith.constant 0 : index
    %get3A_31 = vector.load %arg5[%get3A_29, %get3A_30] : memref<128x1xf32, #tpu.memory_space<vmem>>, vector<128x1xf32>
    %add3A_32 = arith.addf %dot_general3A_28, %get3A_31 : vector<128x1xf32>
    %max3A = arith.constant 0.000000e+00 : f32
    %max3A_33 = vector.broadcast %max3A : f32 to vector<128x1xf32>
    %max3A_34 = arith.maximumf %add3A_32, %max3A_33 : vector<128x1xf32>
    %get3A_35 = arith.constant 0 : index
    %get3A_36 = arith.constant 0 : index
    %get3A_37 = vector.load %arg6[%get3A_35, %get3A_36] : memref<2x128xf32, #tpu.memory_space<vmem>>, vector<2x128xf32>
    %convert_element_type3A_38 = arith.truncf %get3A_37 : vector<2x128xf32> to vector<2x128xbf16>
    %convert_element_type3A_39 = arith.truncf %max3A_34 : vector<128x1xf32> to vector<128x1xbf16>
    %dot_general3A_40 = arith.constant dense<0.000000e+00> : vector<2x1xf32>
    %dot_general3A_41 = tpu.matmul %convert_element_type3A_38, %convert_element_type3A_39, %dot_general3A_40 {dimension_numbers = #tpu.dot_dimension_numbers<[1], [0], [0], [1], [0, 0, 1, 1], [], []>, transpose_lhs_hint = false} : vector<2x128xbf16>, vector<128x1xbf16>, vector<2x1xf32> -> vector<2x1xf32>
    %get3A_42 = arith.constant 0 : index
    %get3A_43 = arith.constant 0 : index
    %get3A_44 = vector.load %arg7[%get3A_42, %get3A_43] : memref<2x1xf32, #tpu.memory_space<vmem>>, vector<2x1xf32>
    %add3A_45 = arith.addf %dot_general3A_41, %get3A_44 : vector<2x1xf32>
    %swap3A = arith.constant 0 : index
    %swap3A_46 = arith.constant 0 : index
    %swap3A_47 = vector.load %arg8[%swap3A, %swap3A_46] : memref<2x1xf32, #tpu.memory_space<vmem>>, vector<2x1xf32>
    tpu.vector_store %arg8[%swap3A, %swap3A_46], %add3A_45 {strides = array<i32>} : memref<2x1xf32, #tpu.memory_space<vmem>>, vector<2x1xf32>,
    return
  }
}

</mosaic_0001>

<sc_bundles>
// kernel: kernel.11.cloned.1.call-start
scs
__scs_entry_jumppad:
0x0: {  	(pc) =	sbr.rel $0x88, $3  }
0x1: {  	(tag) =	ssettag $0x0;
	lr =	simm.s32 $0x1  }
0x2: {  	[smem:$0x3F8C] =	sst lr;
	_ =	strace $0xD0000000  }
0x3: {  	_ = 	snop  }
0x4: {  	_ = 	snop  }
0x5: {  	_ = 	snop  }
0x6: {  	_ = 	snop  }
0x7: {  	_ = 	snop  }
__scs_overlays_trampoline_lowered:
0x8: {  	[smem:$0x3F9B] =	sst s0  }
0x9: {  	[smem:$0x3F9C] =	sst s1  }
0xa: {  	[smem:$0x3F9D] =	sst s2  }
0xb: {  	[smem:$0x3F9E] =	sst s3  }
0xc: {  	[smem:$0x3F9F] =	sst s4  }
0xd: {  	[smem:$0x3FA0] =	sst s5  }
0xe: {  	[smem:$0x3FA1] =	sst s6  }
0xf: {  	[smem:$0x3FA2] =	sst s7  }
0x10: {  	[smem:$0x3FA3] =	sst s8  }
0x11: {  	[smem:$0x3FA4] =	sst s9;
	s0 =	simm.s32 @!p0 $0x0  }
0x12: {  	s1 =	sld [smem:$0x3F8A];
	s0 =	simm.s32 @p0 $0x1  }
0x13: {  	[smem:$0x3FA5] =	sst s0;
	s0 =	simm.s32 @!p1 $0x0  }
0x14: {  	s2 =	sld [smem:$0x3F89];
	s0 =	simm.s32 @p1 $0x1  }
0x15: {  	[smem:$0x3FA6] =	sst s0;
	s0 =	simm.s32 @!p2 $0x0  }
0x16: {  	s3 =	sld [smem:$0x3FDB];
	s0 =	simm.s32 @p2 $0x1  }
0x17: {  	s4 =	simm.s32 $0x1BF5;
	[smem:$0x3FA8] =	sst s0  }
0x18: {  	s0 =	sld [smem:$0x3F8B];
	_ =	swait.ge [sflag:s4], $0x0  }
0x19: {  	s7 =	sld [smem:$0x3F8C]  }
0x1a: {  	s8 =	sadd.s32 $0xFFFFE003, lr  }
0x1b: {  	s9 =	sadd.s32 $0xFFFFFEF7, lr;
	s5 =	simm.s32 $0xFFFFFFFF;
	p2 =	slt.u32 s8, $0xFFFFF086  }
0x1c: {  	p1 =	slt.u32 s9, $0xF7A;
	s5 =	simm.s32 @!p2 $0x0  }
0x1d: {  	s5 =	simm.s32 @p1 $0x1;
	p0 =	seq.s32 s7, s2  }
0x1e: {  	s7 =	smul.u32 @!p0 $0xF7A, s2;
	p2 =	seq.s32 @!p0 s5, $0x0  }
0x1f: {  	s9 =	smul.u32 $0xF7A, s1;
	s8 =	simm.s32 @!p0 $0x1BF5;
	p2 =	por !p2, p0  }
0x20: {  	[sflag:s8] =	ssyncset.s32 @!p0 $0xFFFFF086;
	s6 =	sadd.s32 @!p0 s3, s7;
	s7 =	simm.s32 @!p0 $0x108  }
0x21: {  	s3 =	sadd.s32 s3, s9;
	s6 =	sadd.s32 @!p0 $0x88, s6;
	s7 =	simm.s32 @p2 $0x1082  }
0x22: {  	[simem:s7], [sflag:s8] =	dma.local @!p0 [hbm:s6], $0xF7A  }
0x23: {  	s9 =	sor.u32 $0xD0000000, s2;
	s6 =	simm.s32 $0x108;
	_ =	swait.ge @!p0 [sflag:s8], $0x0  }
0x24: {  	s3 =	sadd.s32 $0x88, s3;
	s6 =	simm.s32 @!p1 $0x1082;
	[sflag:s4] =	ssyncset.s32 $0xFFFFF086  }
0x25: {  	[simem:s6], [sflag:s4] =	dma.local [hbm:s3], $0xF7A  }
0x26: {  	[smem:$0x3F8C] =	sst s1;
	(tag) =	ssettag s2;
	_ =	strace s9  }
0x27: {  	s1 =	sld [smem:$0x3F9C]  }
0x28: {  	s2 =	sld [smem:$0x3F9D]  }
0x29: {  	s4 =	sld [smem:$0x3F9F]  }
0x2a: {  	p0 =	seq.s32 s5, $0x0;
	s5 =	sld [smem:$0x3FA0]  }
0x2b: {  	s6 =	sld [smem:$0x3FA1]  }
0x2c: {  	s7 =	sld [smem:$0x3FA2]  }
0x2d: {  	s3 =	simm.s32 $0x108;
	s8 =	sld [smem:$0x3FA3]  }
0x2e: {  	s3 =	simm.s32 @!p0 $0x1082;
	s9 =	sld [smem:$0x3FA4]  }
0x2f: {  	lr =	sadd.s32 s0, s3;
	s0 =	sld [smem:$0x3F9B]  }
0x30: {  	s3 =	sld [smem:$0x3F9E]  }
0x31: {  	[smem:$0x3FA7] =	sst s10  }
0x32: {  	s10 =	sld [smem:$0x3FA5];
	_ =	sdelay $0x3  }
0x33: {  	p0 =	seq.s32 s10, $0x1;
	s10 =	sld [smem:$0x3FA7];
	_ =	sdelay $0x3  }
0x34: {  	[smem:$0x3FA7] =	sst s10  }
0x35: {  	s10 =	sld [smem:$0x3FA6];
	_ =	sdelay $0x3  }
0x36: {  	p1 =	seq.s32 s10, $0x1;
	s10 =	sld [smem:$0x3FA7];
	_ =	sdelay $0x3  }
0x37: {  	[smem:$0x3FA7] =	sst s10  }
0x38: {  	s10 =	sld [smem:$0x3FA8]  }
0x39: {  	_ = 	snop;
	(pc) =	sbr.ind lr, $3  }
0x3a: {  	_ = 	snop  }
0x3b: {  	_ = 	snop  }
0x3c: {  	p2 =	seq.s32 s10, $0x1;
	s10 =	sld [smem:$0x3FA7]  }
0x3d: {  	_ =	shalt  }
0x3e: {  	_ =	shalt  }
0x3f: {  	_ =	shalt  }
0x40: {  	_ =	shalt  }
0x41: {  	_ =	shalt  }
0x42: {  	_ =	shalt  }
0x43: {  	_ =	shalt  }
0x44: {  	_ =	shalt  }
0x45: {  	_ =	shalt  }
0x46: {  	_ =	shalt  }
0x47: {  	_ =	shalt  }
0x48: {  	_ =	shalt  }
0x49: {  	_ =	shalt  }
0x4a: {  	_ =	shalt  }
0x4b: {  	_ =	shalt  }
0x4c: {  	_ =	shalt  }
0x4d: {  	_ =	shalt  }
0x4e: {  	_ =	shalt  }
0x4f: {  	_ =	shalt  }
0x50: {  	_ =	shalt  }
0x51: {  	_ =	shalt  }
0x52: {  	_ =	shalt  }
0x53: {  	_ =	shalt  }
0x54: {  	_ =	shalt  }
0x55: {  	_ =	shalt  }
0x56: {  	_ =	shalt  }
0x57: {  	_ =	shalt  }
0x58: {  	_ =	shalt  }
0x59: {  	_ =	shalt  }
0x5a: {  	_ =	shalt  }
0x5b: {  	_ =	shalt  }
0x5c: {  	_ =	shalt  }
0x5d: {  	_ =	shalt  }
0x5e: {  	_ =	shalt  }
0x5f: {  	_ =	shalt  }
0x60: {  	_ =	shalt  }
0x61: {  	_ =	shalt  }
0x62: {  	_ =	shalt  }
0x63: {  	_ =	shalt  }
0x64: {  	_ =	shalt  }
0x65: {  	_ =	shalt  }
0x66: {  	_ =	shalt  }
0x67: {  	_ =	shalt  }
0x68: {  	_ =	shalt  }
0x69: {  	_ =	shalt  }
0x6a: {  	_ =	shalt  }
0x6b: {  	_ =	shalt  }
0x6c: {  	_ =	shalt  }
0x6d: {  	_ =	shalt  }
0x6e: {  	_ =	shalt  }
0x6f: {  	_ =	shalt  }
0x70: {  	_ =	shalt  }
0x71: {  	_ =	shalt  }
0x72: {  	_ =	shalt  }
0x73: {  	_ =	shalt  }
0x74: {  	_ =	shalt  }
0x75: {  	_ =	shalt  }
0x76: {  	_ =	shalt  }
0x77: {  	_ =	shalt  }
0x78: {  	_ =	shalt  }
0x79: {  	_ =	shalt  }
0x7a: {  	_ =	shalt  }
0x7b: {  	_ =	shalt  }
0x7c: {  	_ =	shalt  }
0x7d: {  	_ =	shalt  }
0x7e: {  	_ =	shalt  }
0x7f: {  	_ =	shalt  }
0x80: {  	_ =	shalt  }
0x81: {  	_ =	shalt  }
0x82: {  	_ =	shalt  }
0x83: {  	_ =	shalt  }
0x84: {  	_ =	shalt  }
0x85: {  	_ =	shalt  }
0x86: {  	_ =	shalt  }
0x87: {  	_ =	shalt  }
.Lfunc_end0:
.L_simem_size_0:
called_computation.1_lowered:
.L_overlay_start_0:
0x88: {  	s2 =	sld [smem:$0x3FD9]  }
0x89: {  	s3 =	sld [smem:$0x3FFE];
	_ =	sdelay $0x1  }
0x8a: {  	s1 =	srdreg.scid  }
0x8b: {  	s0 =	sand.u32 $0x1, s1  }
0x8c: {  	s16 =	sshll.u32 s0, $0xA;
	s2 =	sadd.s32 s3, s2  }
0x8d: {  	s2 =	sadd.s32 s2, s16  }
0x8e: {  	[smem:$0x3FB3] =	sst s2  }
0x8f: {  	_ = 	snop  }
0x90: {  	(tm) =	ssettm $0x1  }
0x91: {  	s17 =	sld [smem:$0x3FFB];
	_ =	sdelay $0x3  }
0x92: {  	_ =	strace s17  }
0x93: {  	s2 =	sld [smem:$0x3FFC];
	_ =	sdelay $0x3  }
0x94: {  	_ =	strace s2  }
0x95: {  	s2 =	sld [smem:$0x3FFD];
	_ =	sdelay $0x3  }
0x96: {  	_ =	strace s2  }
0x97: {  	_ =	strace $0x8FFFFFFF  }
0x98: {  	s18 =	sld [smem:$0x3FDB];
	_ =	sdelay $0x1  }
0x99: {  	s19 =	simm.s32 $_scs_section_size  }
0x9a: {  	s4 =	simm.s32 $_size__tile_overlayer_lowered;
	s5 =	simm.s32 $_tile_overlayer_lowered  }
0x9b: {  	s22 =	simm.s32 $0x1BFF;
	s21 =	sshll.u32 s5, $0x1;
	s2 =	sadd.s32 s19, s18  }
0x9c: {  	s6 =	simm.s32 $0x0;
	s20 =	sshll.u32 s4, $0x1;
	s4 =	sadd.s32 s21, s2  }
0x9d: {  	[timem:s6], [sflag:s22] =	dma.local [hbm:s4], s20  }
0x9e: {  	_ =	swait.ge [sflag:s22], s20  }
0x9f: {  	s3 =	ssub.s32 $0x0, s20;
	[sflag:s22] =	ssyncset.done $0x0  }
0xa0: {  	[sflag:s22] =	ssyncadd.s32 s3;
	_ =	sdelay $0x1  }
0xa1: {  	s23 =	simm.s32 $0x1B8B  }
0xa2: {  	_ =	swait.ge [sflag:s23], $0x1  }
0xa3: {  	[sflag:s23] =	ssyncset.done $0x0  }
0xa4: {  	s25 =	simm.s32 $0x1B8E;
	s24 =	sld [smem:$0x3FFE];
	[sflag:s23] =	ssyncadd.s32 $0xFFFFFFFF  }
0xa5: {  	s26 =	simm.s32 $execute0_lowered;
	[smem:$0x3FD2] =	sst s25  }
0xa6: {  	s4 =	sshll.u32 s26, $0x1;
	_ =	strace $0x80000049;
	[dreg:$0x1] =	wrdreg $0xFFFFFFFF  }
0xa7: {  	s28 =	simm.s32 $_size_execute0_lowered;
	s2 =	sadd.s32 s2, s4;
	[dreg:$0x0] =	wrdreg $0x0  }
0xa8: {  	s4 =	sshll.u32 s28, $0x1;
	[dreg:$0x2] =	wrdreg s2  }
0xa9: {  	[dreg:$0x3] =	wrdreg s4  }
0xaa: {  	[dreg:$0x4] =	wrdreg $0xC0  }
0xab: {  	_ =	task [dreg:s6], $0x5FFFF  }
0xac: {  	[dreg:$0x1] =	wrdreg $0xFFFFFFFF  }
0xad: {  	[dreg:$0x0] =	wrdreg $0x60  }
0xae: {  	[dreg:$0x2] =	wrdreg s24  }
0xaf: {  	[dreg:$0x3] =	wrdreg $0x9  }
0xb0: {  	_ =	task.clear_ibuf [dreg:s6], $0x4FFFF;
	_ =	strace $0x90000049  }
0xb1: {  	s29 =	simm.s32 $0x9;
	_ =	strace $0x8000004B  }
0xb2: {  	_ =	swait.ge [sflag:s29], $0x1  }
0xb3: {  	[sflag:s29] =	ssyncadd.s32 $0xFFFFFFFF  }
0xb4: {  	_ =	strace $0x9000004B  }
0xb5: {  	_ =	sfence  }
0xb6: {  	s30 =	sld [smem:$0x0];
	_ =	sdelay $0x2  }
0xb7: {  	s31 =	sshll.u32 s1, $0xD;
	s1 =	sshrl.u32 s1, $0x2  }
0xb8: {  	s3 =	sand.u32 $0x4000, s31;
	s1 =	sadd.s32 s1, s30  }
0xb9: {  	s0 =	sor.u32 s3, s0;
	s1 =	sshll.u32 s1, $0x11  }
0xba: {  	s0 =	sor.u32 s1, s0  }
0xbb: {  	s0 =	sadd.s32 $0x8F2B, s0  }
0xbc: {  	[sflag:s0] =	ssyncadd.remote.s32 $0x1  }
0xbd: {  	_ =	sfence.sel $0xFFFF  }
0xbe: {  	[dreg:$0x0] =	wrdreg $0xFFFFFFFF;
	(pc) =	sbr.abs _section_cstart, $3  }
0xbf: {  	[dreg:$0x1] =	wrdreg $0xFFFFFFFF  }
0xc0: {  	_ =	task.clear_ibuf [dreg:s6], $0x2FFFF;
	_ =	strace $0x9FFFFFFF  }
0xc1: {  	(tm) =	ssettm $0x7FFFFFFF  }
tec
execute0_lowered:
.L_overlay_start_1:
0x0: {  	(tag) =	ssettag $0x1  }
0x1: {  	s1 =	srdreg.scid  }
0x2: {  	s0 =	stileid.u32;
	s2 =	rddreg [dreg:$0x0]  }
0x3: {  	s14 =	simm.s32 $0x1;
	s15 =	simm.s32 $0x9C80;
	s16 =	simm.s32 $0xC400  }
0x4: {  	s17 =	simm.s32 $0xE380;
	s18 =	simm.s32 $0x10B00;
	s19 =	simm.s32 $0x1A880  }
0x5: {  	s20 =	simm.s32 $0x18880;
	s21 =	simm.s32 $0x19080;
	s22 =	simm.s32 $0x19880  }
0x6: {  	s23 =	simm.s32 $0x1A080;
	s24 =	simm.s32 $0x0;
	s1 =	sand.u32 $0x1, s1  }
0x7: {  	s3 =	sshll.u32 s0, $0x1;
	s5 =	sadd.s32 $0x14200, s2;
	s6 =	sadd.s32 $0x9E00, s2  }
0x8: {  	s8 =	sadd.s32 $0x64E00, s2;
	s12 =	sor.u32 s1, s3;
	s3 =	simm.s32 $0x0  }
0x9: {  	s1 =	ssub.s32 $0x2, s1;
	s4 =	smul.u32 $0x1390, s12;
	[smem:$0x7FF] =	sst s3  }
0xa: {  	s7 =	smul.u32 $0xFA8, s12;
	s11 =	sshll.u32 s12, $0x4;
	s13 =	sshrl.u32 s1, $0x1  }
0xb: {  	s12 =	smul.u32 $0x2710, s12;
	_ =	strace $0x8000004A;
	s11 =	sadd.s32 s11, s2  }
0xc: {  	v0 =	vlaneseq.u32;
	s1 =	ssub.s32 s1, s13;
	s9 =	sadd.s32 s4, s2;
	s4 =	sadd.s32 $0x13C00, s2  }
0xd: {  	v1 =	vimm.s32 $0x1F40;
	v6 =	vimm.f32 $0.0e+00;
	v2 =	vor.u32 $0x1F00, v0;
	s10 =	sadd.s32 s7, s2;
	s7 =	sadd.s32 $0x5B000, s2;
	s11 =	sadd.s32 $0x3B800, s11  }
0xe: {  	v3 =	vor.u32 $0x1F10, v0;
	v4 =	vor.u32 $0x1F20, v0;
	v5 =	vor.u32 $0x1F30, v0;
	s13 =	smax.u32 s1, $0x1;
	s9 =	sadd.s32 $0x14600, s9;
	s10 =	sadd.s32 $0x3BA00, s10  }
.LBB2_1:
0xf: {  	[tilespmem:s3], [sflag:$0x1] =	stream.linear.gather [hbm4b:s9+s3], $0x9C80, $0x38;
	[tilespmem:$0x1A900] =	vst v63  }
0x10: {  	_ =	swait.ge [sflag:s14], $0x9C80  }
0x11: {  	[sflag:s14] =	ssyncset.done $0x0  }
0x12: {  	[sflag:s14] =	ssyncadd.s32 $0xFFFF6380  }
0x13: {  	[tilespmem:s15], [sflag:$0x1] =	stream.linear.gather [hbm4b:s4+s3], $0x2780, $0x38;
	[tilespmem:$0x1A900] =	vst v63  }
0x14: {  	_ =	swait.ge [sflag:s14], $0x2780  }
0x15: {  	[sflag:s14] =	ssyncset.done $0x0  }
0x16: {  	[sflag:s14] =	ssyncadd.s32 $0xFFFFD880  }
0x17: {  	[tilespmem:s16], [sflag:$0x1] =	stream.linear.gather [hbm4b:s5+s3], $0x1F80, $0x38;
	[tilespmem:$0x1A900] =	vst v63  }
0x18: {  	_ =	swait.ge [sflag:s14], $0x1F80  }
0x19: {  	[sflag:s14] =	ssyncset.done $0x0  }
0x1a: {  	s1 =	simm.s32 $0xE3C0;
	[sflag:s14] =	ssyncadd.s32 $0xFFFFE080  }
0x1b: {  	[tilespmem:s1+$0xFFFFFFC0] =	vst v1  }
0x1c: {  	[tilespmem:s1+$0x30] =	vst v1  }
0x1d: {  	[tilespmem:s1+$0x20] =	vst v1  }
0x1e: {  	[tilespmem:s1+$0x10] =	vst v1  }
0x1f: {  	[tilespmem:s1+$0x0] =	vst v1  }
0x20: {  	[tilespmem:s1+$0xFFFFFFF0] =	vst v1  }
0x21: {  	s25 =	simm.s32 $0x0;
	[tilespmem:s1+$0xFFFFFFE0] =	vst v1  }
.LBB2_2:
0x22: {  	s25 =	sadd.s32 $0x8, s25;
	[tilespmem:s1+$0xFFFFFFD0] =	vst v1;
	s1 =	sadd.s32 $0x80, s1  }
0x23: {  	[tilespmem:s1+$0xFFFFFFC0] =	vst v1;
	p0 =	slt.u32 s25, $0x268  }
0x24: {  	[tilespmem:s1+$0x30] =	vst v1  }
.Ltmp0:
0x25: {  	[tilespmem:s1+$0x20] =	vst v1;
	(pc) =	sbr.rel @p0 .LBB2_2-.Ltmp0, $4  }
0x26: {  	[tilespmem:s1+$0x10] =	vst v1  }
0x27: {  	[tilespmem:s1+$0x0] =	vst v1  }
0x28: {  	[tilespmem:s1+$0xFFFFFFF0] =	vst v1  }
0x29: {  	[tilespmem:s1+$0xFFFFFFE0] =	vst v1  }
0x2a: {  	[tilespmem:s1+$0xFFFFFFD0] =	vst v1  }
0x2b: {  	[tilespmem:$0x10A80] =	vst v1  }
0x2c: {  	s1 =	simm.s32 $0xFFFFFFF8;
	s25 =	simm.s32 $0x70;
	s26 =	simm.s32 $0xC440;
	[tilespmem:$0x10A90] =	vst v1  }
.LBB2_4:
0x2d: {  	v7 =	vld [tilespmem:s26+$0xFFFFFFC0];
	_ =	sdelay $0x5  }
0x2e: {  	s28 =	sadd.s32 $0xFFFFFF90, s25  }
0x2f: {  	v8 =	vor.u32 s28, v0  }
0x30: {  	[tilespmem:v7+s17+$0x0] =	vst.idx.msk $0xffff, v8  }
0x31: {  	v7 =	vld [tilespmem:s26+$0xFFFFFFD0];
	_ =	sdelay $0x5  }
0x32: {  	s29 =	sadd.s32 $0xFFFFFFA0, s25  }
0x33: {  	v8 =	vor.u32 s29, v0  }
0x34: {  	[tilespmem:v7+s17+$0x0] =	vst.idx.msk $0xffff, v8  }
0x35: {  	v7 =	vld [tilespmem:s26+$0xFFFFFFE0];
	_ =	sdelay $0x5  }
0x36: {  	s30 =	sadd.s32 $0xFFFFFFB0, s25  }
0x37: {  	v8 =	vor.u32 s30, v0  }
0x38: {  	[tilespmem:v7+s17+$0x0] =	vst.idx.msk $0xffff, v8  }
0x39: {  	v7 =	vld [tilespmem:s26+$0xFFFFFFF0];
	_ =	sdelay $0x5  }
0x3a: {  	s31 =	sadd.s32 $0xFFFFFFC0, s25  }
0x3b: {  	v8 =	vor.u32 s31, v0  }
0x3c: {  	[tilespmem:v7+s17+$0x0] =	vst.idx.msk $0xffff, v8  }
0x3d: {  	v7 =	vld [tilespmem:s26+$0x0];
	_ =	sdelay $0x5  }
0x3e: {  	s29 =	sadd.s32 $0xFFFFFFD0, s25  }
0x3f: {  	v8 =	vor.u32 s29, v0  }
0x40: {  	[tilespmem:v7+s17+$0x0] =	vst.idx.msk $0xffff, v8  }
0x41: {  	v7 =	vld [tilespmem:s26+$0x10];
	_ =	sdelay $0x5  }
0x42: {  	s30 =	sadd.s32 $0xFFFFFFE0, s25  }
0x43: {  	v8 =	vor.u32 s30, v0  }
0x44: {  	[tilespmem:v7+s17+$0x0] =	vst.idx.msk $0xffff, v8  }
0x45: {  	v7 =	vld [tilespmem:s26+$0x20];
	_ =	sdelay $0x5  }
0x46: {  	s31 =	sadd.s32 $0xFFFFFFF0, s25  }
0x47: {  	v8 =	vor.u32 s31, v0  }
0x48: {  	[tilespmem:v7+s17+$0x0] =	vst.idx.msk $0xffff, v8  }
0x49: {  	v7 =	vld [tilespmem:s26+$0x30];
	_ =	sdelay $0x1  }
0x4a: {  	s1 =	sadd.s32 $0x8, s1  }
0x4b: {  	p0 =	slt.u32 s1, $0x1E8  }
.Ltmp1:
0x4c: {  	_ = 	snop;
	(pc) =	sbr.rel @p0 .LBB2_4-.Ltmp1, $3  }
0x4d: {  	_ =	sdelay $0x1  }
0x4e: {  	v8 =	vor.u32 s25, v0  }
0x4f: {  	s25 =	sadd.s32 $0x80, s25;
	s26 =	sadd.s32 $0x80, s26;
	[tilespmem:v7+s17+$0x0] =	vst.idx.msk $0xffff, v8  }
0x50: {  	v7 =	vld [tilespmem:$0xE300];
	_ =	sdelay $0x7  }
0x51: {  	[tilespmem:v7+s17+$0x0] =	vst.idx.msk $0xffff, v2  }
0x52: {  	v7 =	vld [tilespmem:$0xE310];
	_ =	sdelay $0x7  }
0x53: {  	[tilespmem:v7+s17+$0x0] =	vst.idx.msk $0xffff, v3  }
0x54: {  	v7 =	vld [tilespmem:$0xE320];
	_ =	sdelay $0x7  }
0x55: {  	[tilespmem:v7+s17+$0x0] =	vst.idx.msk $0xffff, v4  }
0x56: {  	v7 =	vld [tilespmem:$0xE330];
	_ =	sdelay $0x7  }
0x57: {  	v8 =	vimm.f32 $0.0e+00;
	s1 =	simm.s32 $0xFFFFFFF8;
	s25 =	simm.s32 $0xC440;
	s26 =	simm.s32 $0x10B40;
	[tilespmem:v7+s17+$0x0] =	vst.idx.msk $0xffff, v5;
	v7 =	vimm.f32 $-3.399999950e+38  }
.LBB2_6:
0x58: {  	v9 =	vld [tilespmem:s25+$0xFFFFFFC0];
	_ =	sdelay $0x7  }
0x59: {  	v10 =	vld.idx.msk [tilespmem:v9+s15+$0x0], $0xffff  }
0x5a: {  	v9 =	vld.idx.msk [tilespmem:v9+s3+$0x0], $0xffff;
	_ =	sdelay $0x4  }
0x5b: {  	v9 =	vmul.f32 v9, v10;
	_ =	sdelay $0x1  }
0x5c: {  	[tilespmem:s26+$0xFFFFFFC0] =	vst v9  }
0x5d: {  	v10 =	vld [tilespmem:s25+$0xFFFFFFD0];
	_ =	sdelay $0x7  }
0x5e: {  	v11 =	vld.idx.msk [tilespmem:v10+s15+$0x0], $0xffff  }
0x5f: {  	v10 =	vld.idx.msk [tilespmem:v10+s3+$0x0], $0xffff;
	_ =	sdelay $0x4  }
0x60: {  	v10 =	vmul.f32 v10, v11;
	_ =	sdelay $0x1  }
0x61: {  	[tilespmem:s26+$0xFFFFFFD0] =	vst v10  }
0x62: {  	v11 =	vld [tilespmem:s25+$0xFFFFFFE0];
	_ =	sdelay $0x7  }
0x63: {  	v12 =	vld.idx.msk [tilespmem:v11+s15+$0x0], $0xffff  }
0x64: {  	v11 =	vld.idx.msk [tilespmem:v11+s3+$0x0], $0xffff;
	_ =	sdelay $0x4  }
0x65: {  	v11 =	vmul.f32 v11, v12;
	_ =	sdelay $0x1  }
0x66: {  	[tilespmem:s26+$0xFFFFFFE0] =	vst v11  }
0x67: {  	v59 =	vld [tilespmem:s25+$0xFFFFFFF0];
	_ =	sdelay $0x7  }
0x68: {  	v13 =	vld.idx.msk [tilespmem:v59+s15+$0x0], $0xffff  }
0x69: {  	v12 =	vld.idx.msk [tilespmem:v59+s3+$0x0], $0xffff;
	_ =	sdelay $0x4  }
0x6a: {  	v12 =	vmul.f32 v12, v13;
	_ =	sdelay $0x1  }
0x6b: {  	[tilespmem:s26+$0xFFFFFFF0] =	vst v12  }
0x6c: {  	v60 =	vld [tilespmem:s25+$0x0];
	_ =	sdelay $0x7  }
0x6d: {  	v14 =	vld.idx.msk [tilespmem:v60+s15+$0x0], $0xffff  }
0x6e: {  	v13 =	vld.idx.msk [tilespmem:v60+s3+$0x0], $0xffff;
	_ =	sdelay $0x4  }
0x6f: {  	v13 =	vmul.f32 v13, v14;
	_ =	sdelay $0x1  }
0x70: {  	[tilespmem:s26+$0x0] =	vst v13  }
0x71: {  	v61 =	vld [tilespmem:s25+$0x10];
	_ =	sdelay $0x7  }
0x72: {  	v15 =	vld.idx.msk [tilespmem:v61+s15+$0x0], $0xffff  }
0x73: {  	v14 =	vld.idx.msk [tilespmem:v61+s3+$0x0], $0xffff;
	_ =	sdelay $0x4  }
0x74: {  	v14 =	vmul.f32 v14, v15;
	_ =	sdelay $0x1  }
0x75: {  	[tilespmem:s26+$0x10] =	vst v14  }
0x76: {  	v62 =	vld [tilespmem:s25+$0x20];
	_ =	sdelay $0x7  }
0x77: {  	v16 =	vld.idx.msk [tilespmem:v62+s15+$0x0], $0xffff  }
0x78: {  	v15 =	vld.idx.msk [tilespmem:v62+s3+$0x0], $0xffff;
	_ =	sdelay $0x4  }
0x79: {  	v15 =	vmul.f32 v15, v16;
	_ =	sdelay $0x1  }
0x7a: {  	[tilespmem:s26+$0x20] =	vst v15  }
0x7b: {  	v63 =	vld [tilespmem:s25+$0x30];
	_ =	sdelay $0x1  }
0x7c: {  	v8 =	vadd.f32 v9, v8;
	_ =	sdelay $0x1  }
0x7d: {  	v8 =	vadd.f32 v10, v8;
	_ =	sdelay $0x1  }
0x7e: {  	v8 =	vadd.f32 v11, v8;
	_ =	sdelay $0x1  }
0x7f: {  	v8 =	vadd.f32 v12, v8;
	v17 =	vld.idx.msk [tilespmem:v63+s15+$0x0], $0xffff  }
0x80: {  	v7 =	vmax.f32 v7, v9;
	v16 =	vld.idx.msk [tilespmem:v63+s3+$0x0], $0xffff  }
0x81: {  	s1 =	sadd.s32 $0x8, s1;
	v7 =	vmax.f32 v7, v10;
	v8 =	vadd.f32 v13, v8  }
0x82: {  	p0 =	slt.u32 s1, $0x1E8;
	v7 =	vmax.f32 v7, v11  }
.Ltmp2:
0x83: {  	v7 =	vmax.f32 v7, v12;
	v8 =	vadd.f32 v14, v8;
	(pc) =	sbr.rel @p0 .LBB2_6-.Ltmp2, $4  }
0x84: {  	v7 =	vmax.f32 v7, v13  }
0x85: {  	v7 =	vmax.f32 v7, v14;
	v8 =	vadd.f32 v15, v8;
	v9 =	vmul.f32 v16, v17  }
0x86: {  	v7 =	vmax.f32 v7, v15  }
0x87: {  	s25 =	sadd.s32 $0x80, s25;
	[tilespmem:s26+$0x30] =	vst v9;
	v7 =	vmax.f32 v7, v9;
	v8 =	vadd.f32 v9, v8;
	s26 =	sadd.s32 $0x80, s26  }
0x88: {  	v9 =	vld [tilespmem:$0xE300];
	_ =	sdelay $0x6  }
0x89: {  	v11 =	vld [tilespmem:$0xE310]  }
0x8a: {  	v10 =	vld.idx.msk [tilespmem:v9+s15+$0x0], $0xffff  }
0x8b: {  	v9 =	vld.idx.msk [tilespmem:v9+s3+$0x0], $0xffff;
	_ =	sdelay $0x4  }
0x8c: {  	v9 =	vmul.f32 v9, v10;
	_ =	sdelay $0x1  }
0x8d: {  	v12 =	vld [tilespmem:$0xE320];
	[tilespmem:$0x12A00] =	vst v9  }
0x8e: {  	v10 =	vld.idx.msk [tilespmem:v11+s15+$0x0], $0xffff  }
0x8f: {  	v11 =	vld.idx.msk [tilespmem:v11+s3+$0x0], $0xffff;
	_ =	sdelay $0x4  }
0x90: {  	v10 =	vmul.f32 v11, v10;
	_ =	sdelay $0x1  }
0x91: {  	v13 =	vld [tilespmem:$0xE330];
	[tilespmem:$0x12A10] =	vst v10  }
0x92: {  	v11 =	vld.idx.msk [tilespmem:v12+s15+$0x0], $0xffff  }
0x93: {  	v12 =	vld.idx.msk [tilespmem:v12+s3+$0x0], $0xffff;
	_ =	sdelay $0x4  }
0x94: {  	v11 =	vmul.f32 v12, v11;
	_ =	sdelay $0x1  }
0x95: {  	[tilespmem:$0x12A20] =	vst v11  }
0x96: {  	v63 =	vld.idx.msk [tilespmem:v13+s15+$0x0], $0xffff  }
0x97: {  	v13 =	vld.idx.msk [tilespmem:v13+s3+$0x0], $0xffff  }
0x98: {  	v8 =	vadd.f32 v9, v8;
	_ =	sdelay $0x1  }
0x99: {  	v7 =	vmax.f32 v7, v9;
	v8 =	vadd.f32 v10, v8  }
0x9a: {  	v7 =	vmax.f32 v7, v10  }
0x9b: {  	v10 =	vadd.f32 v11, v8;
	v8 =	vimm.f32 $0.0e+00;
	v9 =	vmul.f32 v13, v63  }
0x9c: {  	v7 =	vmax.f32 v7, v11;
	[tilespmem:$0x12A40] =	vst v8  }
0x9d: {  	[tilespmem:$0x12A30] =	vst v9;
	v7 =	vmax.f32 v7, v9;
	v9 =	vadd.f32 v9, v10  }
0x9e: {  	s1 =	simm.s32 $0xFFFFFFF8;
	[tilespmem:$0x1A880] =	vst v7  }
0x9f: {  	s25 =	simm.s32 $0xC440;
	s26 =	simm.s32 $0x12AC0;
	v7 =	vimm.f32 $-3.399999950e+38;
	[tilespmem:$0x1A890] =	vst v9  }
.LBB2_8:
0xa0: {  	v9 =	vld [tilespmem:s25+$0xFFFFFFC0];
	_ =	sdelay $0x4  }
0xa1: {  	v10 =	vadd.s32 $0x2720, v9;
	_ =	sdelay $0x3  }
0xa2: {  	v9 =	vld.idx.msk [tilespmem:v9+s15+$0x0], $0xffff  }
0xa3: {  	v10 =	vld.idx.msk [tilespmem:v10+s3+$0x0], $0xffff;
	_ =	sdelay $0x4  }
0xa4: {  	v9 =	vmul.f32 v10, v9;
	_ =	sdelay $0x1  }
0xa5: {  	[tilespmem:s26+$0xFFFFFF90] =	vst v9  }
0xa6: {  	v10 =	vld [tilespmem:s25+$0xFFFFFFD0];
	_ =	sdelay $0x4  }
0xa7: {  	v11 =	vadd.s32 $0x2720, v10;
	_ =	sdelay $0x3  }
0xa8: {  	v10 =	vld.idx.msk [tilespmem:v10+s15+$0x0], $0xffff  }
0xa9: {  	v11 =	vld.idx.msk [tilespmem:v11+s3+$0x0], $0xffff;
	_ =	sdelay $0x4  }
0xaa: {  	v10 =	vmul.f32 v11, v10;
	_ =	sdelay $0x1  }
0xab: {  	[tilespmem:s26+$0xFFFFFFA0] =	vst v10  }
0xac: {  	v11 =	vld [tilespmem:s25+$0xFFFFFFE0];
	_ =	sdelay $0x4  }
0xad: {  	v12 =	vadd.s32 $0x2720, v11;
	_ =	sdelay $0x3  }
0xae: {  	v11 =	vld.idx.msk [tilespmem:v11+s15+$0x0], $0xffff  }
0xaf: {  	v12 =	vld.idx.msk [tilespmem:v12+s3+$0x0], $0xffff;
	_ =	sdelay $0x4  }
0xb0: {  	v11 =	vmul.f32 v12, v11;
	_ =	sdelay $0x1  }
0xb1: {  	[tilespmem:s26+$0xFFFFFFB0] =	vst v11  }
0xb2: {  	v59 =	vld [tilespmem:s25+$0xFFFFFFF0];
	_ =	sdelay $0x4  }
0xb3: {  	v13 =	vadd.s32 $0x2720, v59;
	_ =	sdelay $0x3  }
0xb4: {  	v12 =	vld.idx.msk [tilespmem:v59+s15+$0x0], $0xffff  }
0xb5: {  	v13 =	vld.idx.msk [tilespmem:v13+s3+$0x0], $0xffff;
	_ =	sdelay $0x4  }
0xb6: {  	v12 =	vmul.f32 v13, v12;
	_ =	sdelay $0x1  }
0xb7: {  	[tilespmem:s26+$0xFFFFFFC0] =	vst v12  }
0xb8: {  	v60 =	vld [tilespmem:s25+$0x0];
	_ =	sdelay $0x4  }
0xb9: {  	v14 =	vadd.s32 $0x2720, v60;
	_ =	sdelay $0x3  }
0xba: {  	v13 =	vld.idx.msk [tilespmem:v60+s15+$0x0], $0xffff  }
0xbb: {  	v14 =	vld.idx.msk [tilespmem:v14+s3+$0x0], $0xffff;
	_ =	sdelay $0x4  }
0xbc: {  	v13 =	vmul.f32 v14, v13;
	_ =	sdelay $0x1  }
0xbd: {  	[tilespmem:s26+$0xFFFFFFD0] =	vst v13  }
0xbe: {  	v61 =	vld [tilespmem:s25+$0x10];
	_ =	sdelay $0x4  }
0xbf: {  	v15 =	vadd.s32 $0x2720, v61;
	_ =	sdelay $0x3  }
0xc0: {  	v14 =	vld.idx.msk [tilespmem:v61+s15+$0x0], $0xffff  }
0xc1: {  	v15 =	vld.idx.msk [tilespmem:v15+s3+$0x0], $0xffff;
	_ =	sdelay $0x4  }
0xc2: {  	v14 =	vmul.f32 v15, v14;
	_ =	sdelay $0x1  }
0xc3: {  	[tilespmem:s26+$0xFFFFFFE0] =	vst v14  }
0xc4: {  	v62 =	vld [tilespmem:s25+$0x20];
	_ =	sdelay $0x4  }
0xc5: {  	v16 =	vadd.s32 $0x2720, v62;
	_ =	sdelay $0x3  }
0xc6: {  	v15 =	vld.idx.msk [tilespmem:v62+s15+$0x0], $0xffff  }
0xc7: {  	v16 =	vld.idx.msk [tilespmem:v16+s3+$0x0], $0xffff;
	_ =	sdelay $0x4  }
0xc8: {  	v15 =	vmul.f32 v16, v15;
	_ =	sdelay $0x1  }
0xc9: {  	[tilespmem:s26+$0xFFFFFFF0] =	vst v15  }
0xca: {  	v63 =	vld [tilespmem:s25+$0x30];
	_ =	sdelay $0x2  }
0xcb: {  	v8 =	vadd.f32 v9, v8;
	_ =	sdelay $0x1  }
0xcc: {  	v8 =	vadd.f32 v10, v8;
	v17 =	vadd.s32 $0x2720, v63;
	_ =	sdelay $0x1  }
0xcd: {  	v8 =	vadd.f32 v11, v8;
	_ =	sdelay $0x1  }
0xce: {  	v8 =	vadd.f32 v12, v8;
	v16 =	vld.idx.msk [tilespmem:v63+s15+$0x0], $0xffff  }
0xcf: {  	v7 =	vmax.f32 v7, v9;
	v17 =	vld.idx.msk [tilespmem:v17+s3+$0x0], $0xffff  }
0xd0: {  	s1 =	sadd.s32 $0x8, s1;
	v7 =	vmax.f32 v7, v10;
	v8 =	vadd.f32 v13, v8  }
0xd1: {  	p0 =	slt.u32 s1, $0x1E8;
	v7 =	vmax.f32 v7, v11  }
.Ltmp3:
0xd2: {  	v7 =	vmax.f32 v7, v12;
	v8 =	vadd.f32 v14, v8;
	(pc) =	sbr.rel @p0 .LBB2_8-.Ltmp3, $4  }
0xd3: {  	v7 =	vmax.f32 v7, v13  }
0xd4: {  	v7 =	vmax.f32 v7, v14;
	v8 =	vadd.f32 v15, v8;
	v9 =	vmul.f32 v17, v16  }
0xd5: {  	v7 =	vmax.f32 v7, v15  }
0xd6: {  	s25 =	sadd.s32 $0x80, s25;
	[tilespmem:s26+$0x0] =	vst v9;
	v7 =	vmax.f32 v7, v9;
	v8 =	vadd.f32 v9, v8;
	s26 =	sadd.s32 $0x80, s26  }
0xd7: {  	v9 =	vld [tilespmem:$0xE300];
	_ =	sdelay $0x4  }
0xd8: {  	v10 =	vadd.s32 $0x2720, v9;
	_ =	sdelay $0x2  }
0xd9: {  	v11 =	vld [tilespmem:$0xE310]  }
0xda: {  	v9 =	vld.idx.msk [tilespmem:v9+s15+$0x0], $0xffff  }
0xdb: {  	v10 =	vld.idx.msk [tilespmem:v10+s3+$0x0], $0xffff;
	_ =	sdelay $0x3  }
0xdc: {  	v12 =	vadd.s32 $0x2720, v11  }
0xdd: {  	v9 =	vmul.f32 v10, v9;
	_ =	sdelay $0x1  }
0xde: {  	v61 =	vld [tilespmem:$0xE320];
	[tilespmem:$0x14950] =	vst v9  }
0xdf: {  	v10 =	vld.idx.msk [tilespmem:v11+s15+$0x0], $0xffff  }
0xe0: {  	v11 =	vld.idx.msk [tilespmem:v12+s3+$0x0], $0xffff;
	_ =	sdelay $0x4  }
0xe1: {  	v10 =	vmul.f32 v11, v10;
	v11 =	vadd.s32 $0x2720, v61;
	_ =	sdelay $0x2  }
0xe2: {  	v13 =	vld [tilespmem:$0xE330];
	[tilespmem:$0x14960] =	vst v10  }
0xe3: {  	v12 =	vld.idx.msk [tilespmem:v61+s15+$0x0], $0xffff  }
0xe4: {  	v11 =	vld.idx.msk [tilespmem:v11+s3+$0x0], $0xffff;
	_ =	sdelay $0x3  }
0xe5: {  	v14 =	vadd.s32 $0x2720, v13  }
0xe6: {  	v11 =	vmul.f32 v11, v12;
	_ =	sdelay $0x1  }
0xe7: {  	[tilespmem:$0x14970] =	vst v11  }
0xe8: {  	v62 =	vld.idx.msk [tilespmem:v13+s15+$0x0], $0xffff  }
0xe9: {  	v63 =	vld.idx.msk [tilespmem:v14+s3+$0x0], $0xffff  }
0xea: {  	v8 =	vadd.f32 v9, v8;
	_ =	sdelay $0x1  }
0xeb: {  	v7 =	vmax.f32 v7, v9;
	v8 =	vadd.f32 v10, v8  }
0xec: {  	v7 =	vmax.f32 v7, v10  }
0xed: {  	v10 =	vadd.f32 v11, v8;
	v8 =	vimm.f32 $0.0e+00;
	v9 =	vmul.f32 v63, v62  }
0xee: {  	v7 =	vmax.f32 v7, v11;
	[tilespmem:$0x14990] =	vst v8  }
0xef: {  	[tilespmem:$0x14980] =	vst v9;
	v7 =	vmax.f32 v7, v9;
	v9 =	vadd.f32 v9, v10  }
0xf0: {  	s1 =	simm.s32 $0xFFFFFFF8;
	[tilespmem:$0x1A8A0] =	vst v7  }
0xf1: {  	s25 =	simm.s32 $0xC440;
	s26 =	simm.s32 $0x14A10;
	v7 =	vimm.f32 $-3.399999950e+38;
	[tilespmem:$0x1A8B0] =	vst v9  }
.LBB2_10:
0xf2: {  	v9 =	vld [tilespmem:s25+$0xFFFFFFC0];
	_ =	sdelay $0x4  }
0xf3: {  	v10 =	vadd.s32 $0x4E40, v9;
	_ =	sdelay $0x3  }
0xf4: {  	v9 =	vld.idx.msk [tilespmem:v9+s15+$0x0], $0xffff  }
0xf5: {  	v10 =	vld.idx.msk [tilespmem:v10+s3+$0x0], $0xffff;
	_ =	sdelay $0x4  }
0xf6: {  	v9 =	vmul.f32 v10, v9;
	_ =	sdelay $0x1  }
0xf7: {  	[tilespmem:s26+$0xFFFFFF90] =	vst v9  }
0xf8: {  	v10 =	vld [tilespmem:s25+$0xFFFFFFD0];
	_ =	sdelay $0x4  }
0xf9: {  	v11 =	vadd.s32 $0x4E40, v10;
	_ =	sdelay $0x3  }
0xfa: {  	v10 =	vld.idx.msk [tilespmem:v10+s15+$0x0], $0xffff  }
0xfb: {  	v11 =	vld.idx.msk [tilespmem:v11+s3+$0x0], $0xffff;
	_ =	sdelay $0x4  }
0xfc: {  	v10 =	vmul.f32 v11, v10;
	_ =	sdelay $0x1  }
0xfd: {  	[tilespmem:s26+$0xFFFFFFA0] =	vst v10  }
0xfe: {  	v11 =	vld [tilespmem:s25+$0xFFFFFFE0];
	_ =	sdelay $0x4  }
0xff: {  	v12 =	vadd.s32 $0x4E40, v11;
	_ =	sdelay $0x3  }
0x100: {  	v11 =	vld.idx.msk [tilespmem:v11+s15+$0x0], $0xffff  }
0x101: {  	v12 =	vld.idx.msk [tilespmem:v12+s3+$0x0], $0xffff;
	_ =	sdelay $0x4  }
0x102: {  	v11 =	vmul.f32 v12, v11;
	_ =	sdelay $0x1  }
0x103: {  	[tilespmem:s26+$0xFFFFFFB0] =	vst v11  }
0x104: {  	v59 =	vld [tilespmem:s25+$0xFFFFFFF0];
	_ =	sdelay $0x4  }
0x105: {  	v13 =	vadd.s32 $0x4E40, v59;
	_ =	sdelay $0x3  }
0x106: {  	v12 =	vld.idx.msk [tilespmem:v59+s15+$0x0], $0xffff  }
0x107: {  	v13 =	vld.idx.msk [tilespmem:v13+s3+$0x0], $0xffff;
	_ =	sdelay $0x4  }
0x108: {  	v12 =	vmul.f32 v13, v12;
	_ =	sdelay $0x1  }
0x109: {  	[tilespmem:s26+$0xFFFFFFC0] =	vst v12  }
0x10a: {  	v60 =	vld [tilespmem:s25+$0x0];
	_ =	sdelay $0x4  }
0x10b: {  	v14 =	vadd.s32 $0x4E40, v60;
	_ =	sdelay $0x3  }
0x10c: {  	v13 =	vld.idx.msk [tilespmem:v60+s15+$0x0], $0xffff  }
0x10d: {  	v14 =	vld.idx.msk [tilespmem:v14+s3+$0x0], $0xffff;
	_ =	sdelay $0x4  }
0x10e: {  	v13 =	vmul.f32 v14, v13;
	_ =	sdelay $0x1  }
0x10f: {  	[tilespmem:s26+$0xFFFFFFD0] =	vst v13  }
0x110: {  	v61 =	vld [tilespmem:s25+$0x10];
	_ =	sdelay $0x4  }
0x111: {  	v15 =	vadd.s32 $0x4E40, v61;
	_ =	sdelay $0x3  }
0x112: {  	v14 =	vld.idx.msk [tilespmem:v61+s15+$0x0], $0xffff  }
0x113: {  	v15 =	vld.idx.msk [tilespmem:v15+s3+$0x0], $0xffff;
	_ =	sdelay $0x4  }
0x114: {  	v14 =	vmul.f32 v15, v14;
	_ =	sdelay $0x1  }
0x115: {  	[tilespmem:s26+$0xFFFFFFE0] =	vst v14  }
0x116: {  	v62 =	vld [tilespmem:s25+$0x20];
	_ =	sdelay $0x4  }
0x117: {  	v16 =	vadd.s32 $0x4E40, v62;
	_ =	sdelay $0x3  }
0x118: {  	v15 =	vld.idx.msk [tilespmem:v62+s15+$0x0], $0xffff  }
0x119: {  	v16 =	vld.idx.msk [tilespmem:v16+s3+$0x0], $0xffff;
	_ =	sdelay $0x4  }
0x11a: {  	v15 =	vmul.f32 v16, v15;
	_ =	sdelay $0x1  }
0x11b: {  	[tilespmem:s26+$0xFFFFFFF0] =	vst v15  }
0x11c: {  	v63 =	vld [tilespmem:s25+$0x30];
	_ =	sdelay $0x2  }
0x11d: {  	v8 =	vadd.f32 v9, v8;
	_ =	sdelay $0x1  }
0x11e: {  	v8 =	vadd.f32 v10, v8;
	v17 =	vadd.s32 $0x4E40, v63;
	_ =	sdelay $0x1  }
0x11f: {  	v8 =	vadd.f32 v11, v8;
	_ =	sdelay $0x1  }
0x120: {  	v8 =	vadd.f32 v12, v8;
	v16 =	vld.idx.msk [tilespmem:v63+s15+$0x0], $0xffff  }
0x121: {  	v7 =	vmax.f32 v7, v9;
	v17 =	vld.idx.msk [tilespmem:v17+s3+$0x0], $0xffff  }
0x122: {  	s1 =	sadd.s32 $0x8, s1;
	v7 =	vmax.f32 v7, v10;
	v8 =	vadd.f32 v13, v8  }
0x123: {  	p0 =	slt.u32 s1, $0x1E8;
	v7 =	vmax.f32 v7, v11  }
.Ltmp4:
0x124: {  	v7 =	vmax.f32 v7, v12;
	v8 =	vadd.f32 v14, v8;
	(pc) =	sbr.rel @p0 .LBB2_10-.Ltmp4, $4  }
0x125: {  	v7 =	vmax.f32 v7, v13  }
0x126: {  	v7 =	vmax.f32 v7, v14;
	v8 =	vadd.f32 v15, v8;
	v9 =	vmul.f32 v17, v16  }
0x127: {  	v7 =	vmax.f32 v7, v15  }
0x128: {  	s25 =	sadd.s32 $0x80, s25;
	[tilespmem:s26+$0x0] =	vst v9;
	v7 =	vmax.f32 v7, v9;
	v8 =	vadd.f32 v9, v8;
	s26 =	sadd.s32 $0x80, s26  }
0x129: {  	v9 =	vld [tilespmem:$0xE300];
	_ =	sdelay $0x4  }
0x12a: {  	v10 =	vadd.s32 $0x4E40, v9;
	_ =	sdelay $0x2  }
0x12b: {  	v11 =	vld [tilespmem:$0xE310]  }
0x12c: {  	s1 =	simm.s32 $0x0;
	v9 =	vld.idx.msk [tilespmem:v9+s15+$0x0], $0xffff  }
0x12d: {  	v10 =	vld.idx.msk [tilespmem:v10+s1+$0x0], $0xffff;
	_ =	sdelay $0x3  }
0x12e: {  	v12 =	vadd.s32 $0x4E40, v11  }
0x12f: {  	v9 =	vmul.f32 v10, v9;
	_ =	sdelay $0x1  }
0x130: {  	[tilespmem:$0x168A0] =	vst v9  }
0x131: {  	v10 =	vld.idx.msk [tilespmem:v11+s15+$0x0], $0xffff  }
0x132: {  	v11 =	vld.idx.msk [tilespmem:v12+s1+$0x0], $0xffff  }
0x133: {  	v12 =	vld [tilespmem:$0xE320];
	_ =	sdelay $0x4  }
0x134: {  	v10 =	vmul.f32 v11, v10;
	v11 =	vadd.s32 $0x4E40, v12;
	_ =	sdelay $0x2  }
0x135: {  	v13 =	vld [tilespmem:$0xE330];
	[tilespmem:$0x168B0] =	vst v10  }
0x136: {  	v12 =	vld.idx.msk [tilespmem:v12+s15+$0x0], $0xffff  }
0x137: {  	v11 =	vld.idx.msk [tilespmem:v11+s1+$0x0], $0xffff;
	_ =	sdelay $0x3  }
0x138: {  	v14 =	vadd.s32 $0x4E40, v13  }
0x139: {  	v11 =	vmul.f32 v11, v12;
	_ =	sdelay $0x1  }
0x13a: {  	[tilespmem:$0x168C0] =	vst v11  }
0x13b: {  	v12 =	vld.idx.msk [tilespmem:v13+s15+$0x0], $0xffff  }
0x13c: {  	v13 =	vld.idx.msk [tilespmem:v14+s1+$0x0], $0xffff  }
0x13d: {  	v8 =	vadd.f32 v9, v8;
	_ =	sdelay $0x1  }
0x13e: {  	v7 =	vmax.f32 v7, v9;
	v8 =	vadd.f32 v10, v8  }
0x13f: {  	v7 =	vmax.f32 v7, v10  }
0x140: {  	v8 =	vadd.f32 v11, v8;
	v14 =	vimm.f32 $0.0e+00;
	v9 =	vmul.f32 v13, v12  }
0x141: {  	v7 =	vmax.f32 v7, v11;
	[tilespmem:$0x168E0] =	vst v14  }
0x142: {  	[tilespmem:$0x168D0] =	vst v9;
	v7 =	vmax.f32 v7, v9;
	v8 =	vadd.f32 v9, v8  }
0x143: {  	[tilespmem:$0x1A8C0] =	vst v7  }
0x144: {  	s25 =	simm.s32 $0x0;
	[tilespmem:$0x1A8D0] =	vst v8  }
0x145: {  	v7 =	vld [tilespmem:s25+$0xC400];
	_ =	sdelay $0x4  }
0x146: {  	v8 =	vadd.s32 $0x7560, v7;
	_ =	sdelay $0x2  }
0x147: {  	v9 =	vld [tilespmem:s25+$0xC410]  }
0x148: {  	v7 =	vld.idx.msk [tilespmem:v7+s15+$0x0], $0xffff  }
0x149: {  	v8 =	vld.idx.msk [tilespmem:v8+s3+$0x0], $0xffff;
	_ =	sdelay $0x3  }
0x14a: {  	v10 =	vadd.s32 $0x7560, v9  }
0x14b: {  	v7 =	vmul.f32 v8, v7;
	_ =	sdelay $0x1  }
0x14c: {  	v11 =	vld [tilespmem:s25+$0xC420];
	[tilespmem:s25+$0x168F0] =	vst v7  }
0x14d: {  	v8 =	vld.idx.msk [tilespmem:v9+s15+$0x0], $0xffff  }
0x14e: {  	v9 =	vld.idx.msk [tilespmem:v10+s3+$0x0], $0xffff;
	_ =	sdelay $0x3  }
0x14f: {  	v10 =	vadd.s32 $0x7560, v11  }
0x150: {  	v8 =	vmul.f32 v9, v8;
	_ =	sdelay $0x1  }
0x151: {  	v9 =	vld [tilespmem:s25+$0xC430];
	[tilespmem:s25+$0x16900] =	vst v8  }
0x152: {  	v11 =	vld.idx.msk [tilespmem:v11+s15+$0x0], $0xffff  }
0x153: {  	v10 =	vld.idx.msk [tilespmem:v10+s3+$0x0], $0xffff;
	_ =	sdelay $0x3  }
0x154: {  	v12 =	vadd.s32 $0x7560, v9  }
0x155: {  	v10 =	vmul.f32 v10, v11;
	_ =	sdelay $0x1  }
0x156: {  	v13 =	vld [tilespmem:s25+$0xC440];
	[tilespmem:s25+$0x16910] =	vst v10  }
0x157: {  	v9 =	vld.idx.msk [tilespmem:v9+s15+$0x0], $0xffff  }
0x158: {  	v11 =	vld.idx.msk [tilespmem:v12+s3+$0x0], $0xffff;
	_ =	sdelay $0x3  }
0x159: {  	v12 =	vadd.s32 $0x7560, v13  }
0x15a: {  	v11 =	vmul.f32 v11, v9;
	_ =	sdelay $0x1  }
0x15b: {  	v9 =	vld [tilespmem:s25+$0xC450];
	[tilespmem:s25+$0x16920] =	vst v11  }
0x15c: {  	v13 =	vld.idx.msk [tilespmem:v13+s15+$0x0], $0xffff  }
0x15d: {  	v12 =	vld.idx.msk [tilespmem:v12+s3+$0x0], $0xffff;
	_ =	sdelay $0x3  }
0x15e: {  	v15 =	vadd.s32 $0x7560, v9  }
0x15f: {  	v12 =	vmul.f32 v12, v13;
	_ =	sdelay $0x1  }
0x160: {  	v16 =	vld [tilespmem:s25+$0xC460];
	[tilespmem:s25+$0x16930] =	vst v12  }
0x161: {  	v9 =	vld.idx.msk [tilespmem:v9+s15+$0x0], $0xffff  }
0x162: {  	v13 =	vld.idx.msk [tilespmem:v15+s3+$0x0], $0xffff;
	_ =	sdelay $0x3  }
0x163: {  	v15 =	vadd.s32 $0x7560, v16  }
0x164: {  	v13 =	vmul.f32 v13, v9;
	_ =	sdelay $0x1  }
0x165: {  	v17 =	vld [tilespmem:s25+$0xC470];
	[tilespmem:s25+$0x16940] =	vst v13  }
0x166: {  	v14 =	vadd.f32 v7, v14;
	v9 =	vld.idx.msk [tilespmem:v16+s15+$0x0], $0xffff  }
0x167: {  	v15 =	vld.idx.msk [tilespmem:v15+s3+$0x0], $0xffff  }
0x168: {  	v14 =	vadd.f32 v8, v14;
	_ =	sdelay $0x1  }
0x169: {  	v18 =	vadd.f32 v10, v14;
	_ =	sdelay $0x1  }
0x16a: {  	v14 =	vmul.f32 v15, v9;
	v15 =	vadd.f32 v11, v18;
	v18 =	vadd.s32 $0x7560, v17;
	_ =	sdelay $0x2  }
0x16b: {  	s29 =	simm.s32 $0x80  }
0x16c: {  	s26 =	simm.s32 $0x8;
	s28 =	simm.s32 $0x200;
	v16 =	vld [tilespmem:s29+$0xC400];
	v9 =	vimm.f32 $-3.399999950e+38;
	[tilespmem:s25+$0x16950] =	vst v14  }
.LBB2_12:
0x16d: {  	s26 =	sadd.s32 $0x8, s26;
	v18 =	vld.idx.msk [tilespmem:v18+s3+$0x0], $0xffff  }
0x16e: {  	p0 =	slt.u32 s26, $0x1E8;
	v17 =	vld.idx.msk [tilespmem:v17+s15+$0x0], $0xffff  }
0x16f: {  	v7 =	vmax.f32 v9, v7;
	v9 =	vadd.f32 v12, v15  }
0x170: {  	v7 =	vmax.f32 v7, v8  }
0x171: {  	v7 =	vmax.f32 v7, v10;
	v9 =	vadd.f32 v13, v9;
	v8 =	vadd.s32 $0x7560, v16  }
0x172: {  	v7 =	vmax.f32 v7, v11  }
0x173: {  	v7 =	vmax.f32 v7, v12;
	v10 =	vadd.f32 v14, v9  }
0x174: {  	v7 =	vmax.f32 v7, v13;
	v11 =	vmul.f32 v18, v17  }
0x175: {  	v7 =	vmax.f32 v7, v14  }
0x176: {  	v9 =	vmax.f32 v7, v11;
	v12 =	vld [tilespmem:s29+$0xC410];
	[tilespmem:s25+$0x16960] =	vst v11;
	v11 =	vadd.f32 v11, v10;
	s25 =	smov.u32 s29  }
0x177: {  	v7 =	vld.idx.msk [tilespmem:v8+s3+$0x0], $0xffff  }
0x178: {  	v8 =	vld.idx.msk [tilespmem:v16+s15+$0x0], $0xffff;
	_ =	sdelay $0x4  }
0x179: {  	v10 =	vadd.s32 $0x7560, v12  }
0x17a: {  	v7 =	vmul.f32 v7, v8;
	_ =	sdelay $0x1  }
0x17b: {  	[tilespmem:s25+$0x168F0] =	vst v7;
	v13 =	vld [tilespmem:s25+$0xC420]  }
0x17c: {  	v8 =	vld.idx.msk [tilespmem:v12+s15+$0x0], $0xffff  }
0x17d: {  	v10 =	vld.idx.msk [tilespmem:v10+s3+$0x0], $0xffff;
	_ =	sdelay $0x4  }
0x17e: {  	v12 =	vadd.s32 $0x7560, v13  }
0x17f: {  	v8 =	vmul.f32 v10, v8;
	_ =	sdelay $0x1  }
0x180: {  	[tilespmem:s25+$0x16900] =	vst v8;
	v14 =	vld [tilespmem:s25+$0xC430]  }
0x181: {  	v10 =	vld.idx.msk [tilespmem:v13+s15+$0x0], $0xffff  }
0x182: {  	v12 =	vld.idx.msk [tilespmem:v12+s3+$0x0], $0xffff;
	_ =	sdelay $0x4  }
0x183: {  	v13 =	vadd.s32 $0x7560, v14  }
0x184: {  	v10 =	vmul.f32 v12, v10;
	_ =	sdelay $0x1  }
0x185: {  	[tilespmem:s25+$0x16910] =	vst v10;
	v12 =	vld [tilespmem:s25+$0xC440]  }
0x186: {  	v14 =	vld.idx.msk [tilespmem:v14+s15+$0x0], $0xffff  }
0x187: {  	v13 =	vld.idx.msk [tilespmem:v13+s3+$0x0], $0xffff;
	_ =	sdelay $0x1  }
0x188: {  	v11 =	vadd.f32 v7, v11;
	_ =	sdelay $0x1  }
0x189: {  	v11 =	vadd.f32 v8, v11  }
0x18a: {  	v16 =	vadd.s32 $0x7560, v12  }
0x18b: {  	v15 =	vadd.f32 v10, v11;
	v11 =	vmul.f32 v13, v14;
	_ =	sdelay $0x1  }
0x18c: {  	v15 =	vadd.f32 v11, v15;
	[tilespmem:s25+$0x16920] =	vst v11;
	v13 =	vld [tilespmem:s25+$0xC450]  }
0x18d: {  	v12 =	vld.idx.msk [tilespmem:v12+s15+$0x0], $0xffff  }
0x18e: {  	v14 =	vld.idx.msk [tilespmem:v16+s3+$0x0], $0xffff;
	_ =	sdelay $0x4  }
0x18f: {  	v16 =	vadd.s32 $0x7560, v13  }
0x190: {  	v12 =	vmul.f32 v14, v12;
	_ =	sdelay $0x1  }
0x191: {  	[tilespmem:s25+$0x16930] =	vst v12;
	v14 =	vld [tilespmem:s25+$0xC460]  }
0x192: {  	v13 =	vld.idx.msk [tilespmem:v13+s15+$0x0], $0xffff  }
0x193: {  	v16 =	vld.idx.msk [tilespmem:v16+s3+$0x0], $0xffff;
	_ =	sdelay $0x4  }
0x194: {  	v18 =	vadd.s32 $0x7560, v14  }
0x195: {  	v13 =	vmul.f32 v16, v13;
	_ =	sdelay $0x1  }
0x196: {  	[tilespmem:s25+$0x16940] =	vst v13;
	v17 =	vld [tilespmem:s25+$0xC470]  }
0x197: {  	v14 =	vld.idx.msk [tilespmem:v14+s15+$0x0], $0xffff  }
0x198: {  	v16 =	vld.idx.msk [tilespmem:v18+s3+$0x0], $0xffff;
	_ =	sdelay $0x3  }
.Ltmp5:
0x199: {  	v18 =	vadd.s32 $0x7560, v17;
	(pc) =	sbr.rel @p0 .LBB2_12-.Ltmp5, $4  }
0x19a: {  	_ = 	snop  }
0x19b: {  	s28 =	sadd.s32 $0x200, s28;
	v14 =	vmul.f32 v16, v14  }
0x19c: {  	s29 =	sshra.s32 s28, $0x2  }
0x19d: {  	v16 =	vld [tilespmem:s29+$0xC400];
	[tilespmem:s25+$0x16950] =	vst v14  }
0x19e: {  	_ =	sdelay $0x3  }
0x19f: {  	v18 =	vld.idx.msk [tilespmem:v18+s3+$0x0], $0xffff  }
0x1a0: {  	v17 =	vld.idx.msk [tilespmem:v17+s15+$0x0], $0xffff;
	_ =	sdelay $0x3  }
0x1a1: {  	v19 =	vadd.s32 $0x7560, v16  }
0x1a2: {  	v17 =	vmul.f32 v18, v17;
	_ =	sdelay $0x1  }
0x1a3: {  	v44 =	vld [tilespmem:s29+$0xC410];
	[tilespmem:s25+$0x16960] =	vst v17  }
0x1a4: {  	v45 =	vld.idx.msk [tilespmem:v16+s15+$0x0], $0xffff  }
0x1a5: {  	v19 =	vld.idx.msk [tilespmem:v19+s3+$0x0], $0xffff;
	_ =	sdelay $0x3  }
0x1a6: {  	v20 =	vadd.s32 $0x7560, v44  }
0x1a7: {  	v16 =	vmul.f32 v19, v45;
	_ =	sdelay $0x1  }
0x1a8: {  	v46 =	vld [tilespmem:s29+$0xC420];
	[tilespmem:s29+$0x168F0] =	vst v16  }
0x1a9: {  	v18 =	vld.idx.msk [tilespmem:v44+s15+$0x0], $0xffff  }
0x1aa: {  	v20 =	vld.idx.msk [tilespmem:v20+s3+$0x0], $0xffff;
	_ =	sdelay $0x3  }
0x1ab: {  	v21 =	vadd.s32 $0x7560, v46  }
0x1ac: {  	v18 =	vmul.f32 v20, v18;
	_ =	sdelay $0x1  }
0x1ad: {  	v47 =	vld [tilespmem:s29+$0xC430];
	[tilespmem:s29+$0x16900] =	vst v18  }
0x1ae: {  	v19 =	vld.idx.msk [tilespmem:v46+s15+$0x0], $0xffff  }
0x1af: {  	v21 =	vld.idx.msk [tilespmem:v21+s3+$0x0], $0xffff;
	_ =	sdelay $0x3  }
0x1b0: {  	v22 =	vadd.s32 $0x7560, v47  }
0x1b1: {  	v19 =	vmul.f32 v21, v19;
	_ =	sdelay $0x1  }
0x1b2: {  	v48 =	vld [tilespmem:s29+$0xC440];
	[tilespmem:s29+$0x16910] =	vst v19  }
0x1b3: {  	v20 =	vld.idx.msk [tilespmem:v47+s15+$0x0], $0xffff  }
0x1b4: {  	v22 =	vld.idx.msk [tilespmem:v22+s3+$0x0], $0xffff;
	_ =	sdelay $0x3  }
0x1b5: {  	v23 =	vadd.s32 $0x7560, v48  }
0x1b6: {  	v20 =	vmul.f32 v22, v20;
	_ =	sdelay $0x1  }
0x1b7: {  	v49 =	vld [tilespmem:s29+$0xC450];
	[tilespmem:s29+$0x16920] =	vst v20  }
0x1b8: {  	v21 =	vld.idx.msk [tilespmem:v48+s15+$0x0], $0xffff  }
0x1b9: {  	v23 =	vld.idx.msk [tilespmem:v23+s3+$0x0], $0xffff;
	_ =	sdelay $0x3  }
0x1ba: {  	v24 =	vadd.s32 $0x7560, v49  }
0x1bb: {  	v21 =	vmul.f32 v23, v21;
	_ =	sdelay $0x1  }
0x1bc: {  	v50 =	vld [tilespmem:s29+$0xC460];
	[tilespmem:s29+$0x16930] =	vst v21  }
0x1bd: {  	v22 =	vld.idx.msk [tilespmem:v49+s15+$0x0], $0xffff  }
0x1be: {  	v24 =	vld.idx.msk [tilespmem:v24+s3+$0x0], $0xffff;
	_ =	sdelay $0x3  }
0x1bf: {  	v25 =	vadd.s32 $0x7560, v50  }
0x1c0: {  	v22 =	vmul.f32 v24, v22;
	_ =	sdelay $0x1  }
0x1c1: {  	v51 =	vld [tilespmem:s29+$0xC470];
	[tilespmem:s29+$0x16940] =	vst v22  }
0x1c2: {  	v23 =	vld.idx.msk [tilespmem:v50+s15+$0x0], $0xffff  }
0x1c3: {  	v25 =	vld.idx.msk [tilespmem:v25+s3+$0x0], $0xffff;
	_ =	sdelay $0x2  }
0x1c4: {  	v26 =	vadd.s32 $0x7560, v51;
	_ =	sdelay $0x1  }
0x1c5: {  	v23 =	vmul.f32 v25, v23;
	_ =	sdelay $0x1  }
0x1c6: {  	[tilespmem:s29+$0x16950] =	vst v23  }
0x1c7: {  	v52 =	vld.idx.msk [tilespmem:v26+s3+$0x0], $0xffff  }
0x1c8: {  	v24 =	vld.idx.msk [tilespmem:v51+s15+$0x0], $0xffff;
	_ =	sdelay $0x4  }
0x1c9: {  	v24 =	vmul.f32 v52, v24;
	_ =	sdelay $0x1  }
0x1ca: {  	[tilespmem:s29+$0x16960] =	vst v24  }
0x1cb: {  	v53 =	vld [tilespmem:$0xE300];
	_ =	sdelay $0x4  }
0x1cc: {  	v54 =	vadd.s32 $0x7560, v53;
	_ =	sdelay $0x2  }
0x1cd: {  	v27 =	vld [tilespmem:$0xE310]  }
0x1ce: {  	s25 =	simm.s32 $0x0;
	v25 =	vld.idx.msk [tilespmem:v53+s15+$0x0], $0xffff  }
0x1cf: {  	v26 =	vld.idx.msk [tilespmem:v54+s25+$0x0], $0xffff;
	_ =	sdelay $0x3  }
0x1d0: {  	v15 =	vadd.f32 v12, v15;
	v28 =	vadd.s32 $0x7560, v27  }
0x1d1: {  	v25 =	vmul.f32 v26, v25  }
0x1d2: {  	v15 =	vadd.f32 v13, v15  }
0x1d3: {  	v57 =	vld [tilespmem:$0xE320];
	[tilespmem:$0x187F0] =	vst v25  }
0x1d4: {  	v15 =	vadd.f32 v14, v15;
	v55 =	vld.idx.msk [tilespmem:v27+s15+$0x0], $0xffff  }
0x1d5: {  	v56 =	vld.idx.msk [tilespmem:v28+s25+$0x0], $0xffff  }
0x1d6: {  	v15 =	vadd.f32 v17, v15;
	_ =	sdelay $0x1  }
0x1d7: {  	v15 =	vadd.f32 v16, v15  }
0x1d8: {  	v58 =	vadd.s32 $0x7560, v57  }
0x1d9: {  	v15 =	vadd.f32 v18, v15;
	v26 =	vmul.f32 v56, v55  }
0x1da: {  	v7 =	vmax.f32 v9, v7  }
0x1db: {  	v7 =	vmax.f32 v7, v8;
	v8 =	vadd.f32 v19, v15;
	v60 =	vld [tilespmem:$0xE330];
	[tilespmem:$0x18800] =	vst v26  }
0x1dc: {  	v7 =	vmax.f32 v7, v10;
	v59 =	vld.idx.msk [tilespmem:v57+s15+$0x0], $0xffff  }
0x1dd: {  	v7 =	vmax.f32 v7, v11;
	v8 =	vadd.f32 v20, v8;
	v61 =	vld.idx.msk [tilespmem:v58+s25+$0x0], $0xffff  }
0x1de: {  	v7 =	vmax.f32 v7, v12  }
0x1df: {  	v7 =	vmax.f32 v7, v13;
	v8 =	vadd.f32 v21, v8  }
0x1e0: {  	v7 =	vmax.f32 v7, v14  }
0x1e1: {  	v7 =	vmax.f32 v7, v17;
	v8 =	vadd.f32 v22, v8;
	v62 =	vadd.s32 $0x7560, v60  }
0x1e2: {  	v7 =	vmax.f32 v7, v16;
	v9 =	vmul.f32 v61, v59  }
0x1e3: {  	v7 =	vmax.f32 v7, v18;
	v8 =	vadd.f32 v23, v8  }
0x1e4: {  	v7 =	vmax.f32 v7, v19;
	[tilespmem:$0x18810] =	vst v9  }
0x1e5: {  	v7 =	vmax.f32 v7, v20;
	v8 =	vadd.f32 v24, v8;
	v63 =	vld.idx.msk [tilespmem:v60+s15+$0x0], $0xffff  }
0x1e6: {  	v7 =	vmax.f32 v7, v21;
	v11 =	vld.idx.msk [tilespmem:v62+s25+$0x0], $0xffff  }
0x1e7: {  	v7 =	vmax.f32 v7, v22;
	v8 =	vadd.f32 v25, v8  }
0x1e8: {  	v7 =	vmax.f32 v7, v23  }
0x1e9: {  	v7 =	vmax.f32 v7, v24;
	v8 =	vadd.f32 v26, v8  }
0x1ea: {  	v7 =	vmax.f32 v7, v25  }
0x1eb: {  	v7 =	vmax.f32 v7, v26;
	v8 =	vadd.f32 v9, v8;
	v10 =	vmul.f32 v11, v63  }
0x1ec: {  	v7 =	vmax.f32 v7, v9;
	[tilespmem:$0x18830] =	vst v6  }
0x1ed: {  	[tilespmem:$0x18820] =	vst v10;
	v7 =	vmax.f32 v7, v10;
	v8 =	vadd.f32 v10, v8  }
0x1ee: {  	[tilespmem:$0x1A8E0] =	vst v7  }
0x1ef: {  	[tilespmem:$0x1A8F0] =	vst v8  }
0x1f0: {  	[hbm4b:s10+s25] =	stream.linear.scatter [tilespmem:s18], [sflag:$0x1], $0x7D40, $0x38;
	[tilespmem:$0x1A900] =	vst v63  }
0x1f1: {  	_ =	swait.ge [sflag:s14], $0x7D40  }
0x1f2: {  	[sflag:s14] =	ssyncset.done $0x0  }
0x1f3: {  	[sflag:s14] =	ssyncadd.s32 $0xFFFF82C0  }
0x1f4: {  	[hbm4b:s11+s25] =	stream.linear.scatter [tilespmem:s19], [sflag:$0x1], $0x80, $0x38;
	[tilespmem:$0x1A900] =	vst v63  }
0x1f5: {  	_ =	swait.ge [sflag:s14], $0x80  }
0x1f6: {  	[sflag:s14] =	ssyncset.done $0x0  }
0x1f7: {  	[sflag:s14] =	ssyncadd.s32 $0xFFFFFF80  }
.LBB2_14:
0x1f8: {  	s1 =	smul.u32 $0x7D0, s25;
	_ =	sdelay $0x1  }
0x1f9: {  	s1 =	sadd.s32 s12, s1  }
0x1fa: {  	s26 =	sshrl.u32 s1, $0x3  }
0x1fb: {  	s1 =	sadd.s32 s6, s26  }
0x1fc: {  	[tilespmem:s20], [sflag:$0x1] =	stream.linear.gather [hbm4b:s1+s3], $0x7D0, $0x38;
	[tilespmem:$0x1A900] =	vst v63  }
0x1fd: {  	_ =	swait.ge [sflag:s14], $0x7D0  }
0x1fe: {  	[sflag:s14] =	ssyncset.done $0x0  }
0x1ff: {  	s1 =	sadd.s32 s2, s26;
	[sflag:s14] =	ssyncadd.s32 $0xFFFFF830  }
0x200: {  	[tilespmem:s21], [sflag:$0x1] =	stream.linear.gather [hbm4b:s1+s3], $0x7D0, $0x38;
	[tilespmem:$0x1A900] =	vst v63  }
0x201: {  	s28 =	simm.s32 $0xFFFFFFF8;
	_ =	swait.ge [sflag:s14], $0x7D0  }
0x202: {  	s29 =	simm.s32 $0x188C0;
	s30 =	simm.s32 $0x190C0;
	[sflag:s14] =	ssyncset.done $0x0  }
0x203: {  	s31 =	simm.s32 $0x198C0;
	s1 =	simm.s32 $0x1A0C0;
	[sflag:s14] =	ssyncadd.s32 $0xFFFFF830  }
.LBB2_15:
0x204: {  	v7 =	vld [tilespmem:s30+$0xFFFFFFC0]  }
0x205: {  	v8 =	vld [tilespmem:s29+$0xFFFFFFC0];
	_ =	sdelay $0x6  }
0x206: {  	v7 =	vld.idx.msk [tilespmem:v7+s17+$0x0], $0xffff  }
0x207: {  	v8 =	vld.idx.msk [tilespmem:v8+s17+$0x0], $0xffff;
	_ =	sdelay $0x3  }
0x208: {  	vm0 =	veq.s32 v7, $0x1F40  }
0x209: {  	vm1 =	veq.s32 v8, $0x1F40;
	v8 =	vsel vm0, $0x1F40, v8  }
0x20a: {  	v7 =	vsel vm1, $0x1F40, v7;
	[tilespmem:s31+$0xFFFFFFC0] =	vst v8  }
0x20b: {  	[tilespmem:s1+$0xFFFFFFC0] =	vst v7  }
0x20c: {  	v7 =	vld [tilespmem:s30+$0xFFFFFFD0]  }
0x20d: {  	v8 =	vld [tilespmem:s29+$0xFFFFFFD0];
	_ =	sdelay $0x6  }
0x20e: {  	v7 =	vld.idx.msk [tilespmem:v7+s17+$0x0], $0xffff  }
0x20f: {  	v8 =	vld.idx.msk [tilespmem:v8+s17+$0x0], $0xffff;
	_ =	sdelay $0x3  }
0x210: {  	vm14 =	veq.s32 v7, $0x1F40  }
0x211: {  	vm15 =	veq.s32 v8, $0x1F40;
	v8 =	vsel vm14, $0x1F40, v8  }
0x212: {  	v7 =	vsel vm15, $0x1F40, v7;
	[tilespmem:s31+$0xFFFFFFD0] =	vst v8  }
0x213: {  	[tilespmem:s1+$0xFFFFFFD0] =	vst v7  }
0x214: {  	v7 =	vld [tilespmem:s30+$0xFFFFFFE0]  }
0x215: {  	v8 =	vld [tilespmem:s29+$0xFFFFFFE0];
	_ =	sdelay $0x6  }
0x216: {  	v7 =	vld.idx.msk [tilespmem:v7+s17+$0x0], $0xffff  }
0x217: {  	v8 =	vld.idx.msk [tilespmem:v8+s17+$0x0], $0xffff;
	_ =	sdelay $0x3  }
0x218: {  	vm4 =	veq.s32 v7, $0x1F40  }
0x219: {  	vm5 =	veq.s32 v8, $0x1F40;
	v8 =	vsel vm4, $0x1F40, v8  }
0x21a: {  	v7 =	vsel vm5, $0x1F40, v7;
	[tilespmem:s31+$0xFFFFFFE0] =	vst v8  }
0x21b: {  	[tilespmem:s1+$0xFFFFFFE0] =	vst v7  }
0x21c: {  	v7 =	vld [tilespmem:s30+$0xFFFFFFF0]  }
0x21d: {  	v8 =	vld [tilespmem:s29+$0xFFFFFFF0];
	_ =	sdelay $0x6  }
0x21e: {  	v7 =	vld.idx.msk [tilespmem:v7+s17+$0x0], $0xffff  }
0x21f: {  	v8 =	vld.idx.msk [tilespmem:v8+s17+$0x0], $0xffff;
	_ =	sdelay $0x3  }
0x220: {  	vm6 =	veq.s32 v7, $0x1F40  }
0x221: {  	vm7 =	veq.s32 v8, $0x1F40;
	v8 =	vsel vm6, $0x1F40, v8  }
0x222: {  	v7 =	vsel vm7, $0x1F40, v7;
	[tilespmem:s31+$0xFFFFFFF0] =	vst v8  }
0x223: {  	[tilespmem:s1+$0xFFFFFFF0] =	vst v7  }
0x224: {  	v7 =	vld [tilespmem:s30+$0x0]  }
0x225: {  	v8 =	vld [tilespmem:s29+$0x0];
	_ =	sdelay $0x6  }
0x226: {  	v7 =	vld.idx.msk [tilespmem:v7+s17+$0x0], $0xffff  }
0x227: {  	v8 =	vld.idx.msk [tilespmem:v8+s17+$0x0], $0xffff;
	_ =	sdelay $0x3  }
0x228: {  	vm8 =	veq.s32 v7, $0x1F40  }
0x229: {  	vm9 =	veq.s32 v8, $0x1F40;
	v8 =	vsel vm8, $0x1F40, v8  }
0x22a: {  	v7 =	vsel vm9, $0x1F40, v7;
	[tilespmem:s31+$0x0] =	vst v8  }
0x22b: {  	[tilespmem:s1+$0x0] =	vst v7  }
0x22c: {  	v7 =	vld [tilespmem:s30+$0x10]  }
0x22d: {  	v8 =	vld [tilespmem:s29+$0x10];
	_ =	sdelay $0x6  }
0x22e: {  	v7 =	vld.idx.msk [tilespmem:v7+s17+$0x0], $0xffff  }
0x22f: {  	v8 =	vld.idx.msk [tilespmem:v8+s17+$0x0], $0xffff;
	_ =	sdelay $0x3  }
0x230: {  	vm10 =	veq.s32 v7, $0x1F40  }
0x231: {  	vm11 =	veq.s32 v8, $0x1F40;
	v8 =	vsel vm10, $0x1F40, v8  }
0x232: {  	v7 =	vsel vm11, $0x1F40, v7;
	[tilespmem:s31+$0x10] =	vst v8  }
0x233: {  	[tilespmem:s1+$0x10] =	vst v7  }
0x234: {  	v7 =	vld [tilespmem:s30+$0x20]  }
0x235: {  	v8 =	vld [tilespmem:s29+$0x20];
	_ =	sdelay $0x6  }
0x236: {  	v7 =	vld.idx.msk [tilespmem:v7+s17+$0x0], $0xffff  }
0x237: {  	v8 =	vld.idx.msk [tilespmem:v8+s17+$0x0], $0xffff;
	_ =	sdelay $0x3  }
0x238: {  	vm12 =	veq.s32 v7, $0x1F40  }
0x239: {  	vm13 =	veq.s32 v8, $0x1F40;
	v8 =	vsel vm12, $0x1F40, v8  }
0x23a: {  	v7 =	vsel vm13, $0x1F40, v7;
	[tilespmem:s31+$0x20] =	vst v8  }
0x23b: {  	[tilespmem:s1+$0x20] =	vst v7  }
0x23c: {  	v7 =	vld [tilespmem:s30+$0x30]  }
0x23d: {  	v8 =	vld [tilespmem:s29+$0x30];
	_ =	sdelay $0x6  }
0x23e: {  	v7 =	vld.idx.msk [tilespmem:v7+s17+$0x0], $0xffff  }
0x23f: {  	v8 =	vld.idx.msk [tilespmem:v8+s17+$0x0], $0xffff  }
0x240: {  	s28 =	sadd.s32 $0x8, s28  }
0x241: {  	p0 =	slt.u32 s28, $0x70  }
.Ltmp6:
0x242: {  	_ = 	snop;
	(pc) =	sbr.rel @p0 .LBB2_15-.Ltmp6, $4  }
0x243: {  	vm14 =	veq.s32 v7, $0x1F40  }
0x244: {  	vm15 =	veq.s32 v8, $0x1F40;
	v8 =	vsel vm14, $0x1F40, v8  }
0x245: {  	s29 =	sadd.s32 $0x80, s29;
	v7 =	vsel vm15, $0x1F40, v7;
	[tilespmem:s31+$0x30] =	vst v8  }
0x246: {  	s30 =	sadd.s32 $0x80, s30;
	s31 =	sadd.s32 $0x80, s31;
	[tilespmem:s1+$0x30] =	vst v7;
	s1 =	sadd.s32 $0x80, s1  }
0x247: {  	v8 =	vld [tilespmem:$0x19800]  }
0x248: {  	v7 =	vld [tilespmem:$0x19000];
	_ =	sdelay $0x5  }
0x249: {  	v10 =	vld [tilespmem:$0x19810]  }
0x24a: {  	v8 =	vld.idx.msk [tilespmem:v8+s17+$0x0], $0xffff  }
0x24b: {  	v7 =	vld.idx.msk [tilespmem:v7+s17+$0x0], $0xffff  }
0x24c: {  	v9 =	vld [tilespmem:$0x19010];
	_ =	sdelay $0x2  }
0x24d: {  	vm0 =	veq.s32 v8, $0x1F40  }
0x24e: {  	vm1 =	veq.s32 v7, $0x1F40;
	v7 =	vsel vm0, $0x1F40, v7  }
0x24f: {  	[tilespmem:$0x1A000] =	vst v7;
	v7 =	vsel vm1, $0x1F40, v8  }
0x250: {  	v59 =	vld [tilespmem:$0x19820];
	[tilespmem:$0x1A800] =	vst v7  }
0x251: {  	v8 =	vld.idx.msk [tilespmem:v10+s17+$0x0], $0xffff  }
0x252: {  	v7 =	vld.idx.msk [tilespmem:v9+s17+$0x0], $0xffff  }
0x253: {  	v58 =	vld [tilespmem:$0x19020];
	_ =	sdelay $0x2  }
0x254: {  	vm8 =	veq.s32 v8, $0x1F40  }
0x255: {  	vm9 =	veq.s32 v7, $0x1F40;
	v7 =	vsel vm8, $0x1F40, v7  }
0x256: {  	[tilespmem:$0x1A010] =	vst v7;
	v7 =	vsel vm9, $0x1F40, v8  }
0x257: {  	v61 =	vld [tilespmem:$0x19830];
	[tilespmem:$0x1A810] =	vst v7  }
0x258: {  	v8 =	vld.idx.msk [tilespmem:v59+s17+$0x0], $0xffff  }
0x259: {  	v7 =	vld.idx.msk [tilespmem:v58+s17+$0x0], $0xffff  }
0x25a: {  	v60 =	vld [tilespmem:$0x19030];
	_ =	sdelay $0x2  }
0x25b: {  	vm10 =	veq.s32 v8, $0x1F40  }
0x25c: {  	vm11 =	veq.s32 v7, $0x1F40;
	v7 =	vsel vm10, $0x1F40, v7  }
0x25d: {  	[tilespmem:$0x1A020] =	vst v7;
	v7 =	vsel vm11, $0x1F40, v8  }
0x25e: {  	v62 =	vld [tilespmem:$0x19840];
	[tilespmem:$0x1A820] =	vst v7  }
0x25f: {  	v8 =	vld.idx.msk [tilespmem:v61+s17+$0x0], $0xffff  }
0x260: {  	v7 =	vld.idx.msk [tilespmem:v60+s17+$0x0], $0xffff  }
0x261: {  	v63 =	vld [tilespmem:$0x19040];
	_ =	sdelay $0x2  }
0x262: {  	vm12 =	veq.s32 v8, $0x1F40  }
0x263: {  	vm13 =	veq.s32 v7, $0x1F40;
	v7 =	vsel vm12, $0x1F40, v7  }
0x264: {  	[tilespmem:$0x1A030] =	vst v7;
	v7 =	vsel vm13, $0x1F40, v8  }
0x265: {  	[tilespmem:$0x1A830] =	vst v7  }
0x266: {  	v7 =	vld.idx.msk [tilespmem:v62+s17+$0x0], $0xffff  }
0x267: {  	v8 =	vld.idx.msk [tilespmem:v63+s17+$0x0], $0xffff;
	_ =	sdelay $0x3  }
0x268: {  	vm14 =	veq.s32 v7, $0x1F40  }
0x269: {  	vm15 =	veq.s32 v8, $0x1F40;
	v8 =	vsel vm14, $0x1F40, v8  }
0x26a: {  	v7 =	vsel vm15, $0x1F40, v7;
	[tilespmem:$0x1A040] =	vst v8  }
0x26b: {  	s1 =	sadd.s32 s7, s26;
	[tilespmem:$0x1A840] =	vst v7  }
0x26c: {  	[hbm4b:s1+s3] =	stream.linear.scatter [tilespmem:s22], [sflag:$0x1], $0x7D0, $0x38;
	[tilespmem:$0x1A900] =	vst v63  }
0x26d: {  	s25 =	sadd.s32 $0x1, s25;
	_ =	swait.ge [sflag:s14], $0x7D0  }
0x26e: {  	p0 =	sne.s32 s25, $0x5;
	[sflag:s14] =	ssyncset.done $0x0  }
.Ltmp7:
0x26f: {  	s31 =	sadd.s32 s8, s26;
	[sflag:s14] =	ssyncadd.s32 $0xFFFFF830;
	(pc) =	sbr.rel @p0 .LBB2_14-.Ltmp7, $4  }
0x270: {  	[hbm4b:s31+s3] =	stream.linear.scatter [tilespmem:s23], [sflag:$0x1], $0x7D0, $0x38;
	[tilespmem:$0x1A900] =	vst v63  }
0x271: {  	_ =	swait.ge [sflag:s14], $0x7D0  }
0x272: {  	[sflag:s14] =	ssyncset.done $0x0  }
0x273: {  	[sflag:s14] =	ssyncadd.s32 $0xFFFFF830  }
0x274: {  	s24 =	sadd.s32 $0x1, s24  }
0x275: {  	p0 =	sne.s32 s24, s13  }
.Ltmp8:
0x276: {  	_ = 	snop;
	(pc) =	sbr.rel @p0 .LBB2_1-.Ltmp8, $1  }
0x277: {  	_ =	sdelay $0x3  }
0x278: {  	_ =	sfence.sel $0x180000  }
0x279: {  	[bflag:$0x0] =	sbarrier.arrive $0xFFFF  }
0x27a: {  	_ =	strace $0x9000004A  }
0x27b: {  	[bflag:$0x2] =	sbarrier.arrive $0xFFFF  }
0x27c: {  	p0 =	sne.s32 s0, $0x0;
	s0 =	rddreg [dreg:$0x1]  }
0x27d: {  	s0 =	sadd.s32 @!p0 $0x100000, s0  }
0x27e: {  	[sflag:s0] =	ssyncadd.tile.s32 @!p0 $0x1;
	_ =	shalt  }
.Lfunc_end2:
_tile_overlayer_lowered:
.L_overlay_start_2:
0x27f: {  	(tag) =	ssettag $0x2  }
0x280: {  	s0 =	rddreg [dreg:$0x0];
	s2 =	stileid.u32  }
0x281: {  	s1 =	rddreg [dreg:$0x1];
	p0 =	sne.s32 s2, $0x0  }
0x282: {  	s3 =	rddreg [dreg:$0x2];
	[bflag:$0x3] =	sbarrier.arrive $0xFFFF;
	s2 =	simm.s32 @!p0 $0x1C01  }
0x283: {  	[timem:s3], [sflag:s2] =	dma.local @!p0 [hbm:s0], s1  }
0x284: {  	s0 =	simm.s32 @!p0 $0x1  }
0x285: {  	_ =	swait.ge @!p0 [sflag:s0], s1  }
0x286: {  	s1 =	ssub.s32 @!p0 $0x0, s1;
	[sflag:s0] =	ssyncset.done @!p0 $0x0  }
0x287: {  	[sflag:s0] =	ssyncadd.s32 @!p0 s1  }
0x288: {  	[bflag:$0x3] =	sbarrier.arrive $0xFFFF  }
0x289: {  	_ =	shalt  }

// kernel: kernel.14.cloned.1.call-start
scs
__scs_entry_jumppad:
0x0: {  	(pc) =	sbr.rel $0x88, $3  }
0x1: {  	(tag) =	ssettag $0x0;
	lr =	simm.s32 $0x1  }
0x2: {  	[smem:$0x3F8C] =	sst lr;
	_ =	strace $0xD0000000  }
0x3: {  	_ = 	snop  }
0x4: {  	_ = 	snop  }
0x5: {  	_ = 	snop  }
0x6: {  	_ = 	snop  }
0x7: {  	_ = 	snop  }
__scs_overlays_trampoline_lowered:
0x8: {  	[smem:$0x3F9B] =	sst s0  }
0x9: {  	[smem:$0x3F9C] =	sst s1  }
0xa: {  	[smem:$0x3F9D] =	sst s2  }
0xb: {  	[smem:$0x3F9E] =	sst s3  }
0xc: {  	[smem:$0x3F9F] =	sst s4  }
0xd: {  	[smem:$0x3FA0] =	sst s5  }
0xe: {  	[smem:$0x3FA1] =	sst s6  }
0xf: {  	[smem:$0x3FA2] =	sst s7  }
0x10: {  	[smem:$0x3FA3] =	sst s8  }
0x11: {  	[smem:$0x3FA4] =	sst s9;
	s0 =	simm.s32 @!p0 $0x0  }
0x12: {  	s1 =	sld [smem:$0x3F8A];
	s0 =	simm.s32 @p0 $0x1  }
0x13: {  	[smem:$0x3FA5] =	sst s0;
	s0 =	simm.s32 @!p1 $0x0  }
0x14: {  	s2 =	sld [smem:$0x3F89];
	s0 =	simm.s32 @p1 $0x1  }
0x15: {  	[smem:$0x3FA6] =	sst s0;
	s0 =	simm.s32 @!p2 $0x0  }
0x16: {  	s3 =	sld [smem:$0x3FDB];
	s0 =	simm.s32 @p2 $0x1  }
0x17: {  	s4 =	simm.s32 $0x1BF5;
	[smem:$0x3FA8] =	sst s0  }
0x18: {  	s0 =	sld [smem:$0x3F8B];
	_ =	swait.ge [sflag:s4], $0x0  }
0x19: {  	s7 =	sld [smem:$0x3F8C]  }
0x1a: {  	s8 =	sadd.s32 $0xFFFFE003, lr  }
0x1b: {  	s9 =	sadd.s32 $0xFFFFFEF7, lr;
	s5 =	simm.s32 $0xFFFFFFFF;
	p2 =	slt.u32 s8, $0xFFFFF086  }
0x1c: {  	p1 =	slt.u32 s9, $0xF7A;
	s5 =	simm.s32 @!p2 $0x0  }
0x1d: {  	s5 =	simm.s32 @p1 $0x1;
	p0 =	seq.s32 s7, s2  }
0x1e: {  	s7 =	smul.u32 @!p0 $0xF7A, s2;
	p2 =	seq.s32 @!p0 s5, $0x0  }
0x1f: {  	s9 =	smul.u32 $0xF7A, s1;
	s8 =	simm.s32 @!p0 $0x1BF5;
	p2 =	por !p2, p0  }
0x20: {  	[sflag:s8] =	ssyncset.s32 @!p0 $0xFFFFF086;
	s6 =	sadd.s32 @!p0 s3, s7;
	s7 =	simm.s32 @!p0 $0x108  }
0x21: {  	s3 =	sadd.s32 s3, s9;
	s6 =	sadd.s32 @!p0 $0x88, s6;
	s7 =	simm.s32 @p2 $0x1082  }
0x22: {  	[simem:s7], [sflag:s8] =	dma.local @!p0 [hbm:s6], $0xF7A  }
0x23: {  	s9 =	sor.u32 $0xD0000000, s2;
	s6 =	simm.s32 $0x108;
	_ =	swait.ge @!p0 [sflag:s8], $0x0  }
0x24: {  	s3 =	sadd.s32 $0x88, s3;
	s6 =	simm.s32 @!p1 $0x1082;
	[sflag:s4] =	ssyncset.s32 $0xFFFFF086  }
0x25: {  	[simem:s6], [sflag:s4] =	dma.local [hbm:s3], $0xF7A  }
0x26: {  	[smem:$0x3F8C] =	sst s1;
	(tag) =	ssettag s2;
	_ =	strace s9  }
0x27: {  	s1 =	sld [smem:$0x3F9C]  }
0x28: {  	s2 =	sld [smem:$0x3F9D]  }
0x29: {  	s4 =	sld [smem:$0x3F9F]  }
0x2a: {  	p0 =	seq.s32 s5, $0x0;
	s5 =	sld [smem:$0x3FA0]  }
0x2b: {  	s6 =	sld [smem:$0x3FA1]  }
0x2c: {  	s7 =	sld [smem:$0x3FA2]  }
0x2d: {  	s3 =	simm.s32 $0x108;
	s8 =	sld [smem:$0x3FA3]  }
0x2e: {  	s3 =	simm.s32 @!p0 $0x1082;
	s9 =	sld [smem:$0x3FA4]  }
0x2f: {  	lr =	sadd.s32 s0, s3;
	s0 =	sld [smem:$0x3F9B]  }
0x30: {  	s3 =	sld [smem:$0x3F9E]  }
0x31: {  	[smem:$0x3FA7] =	sst s10  }
0x32: {  	s10 =	sld [smem:$0x3FA5];
	_ =	sdelay $0x3  }
0x33: {  	p0 =	seq.s32 s10, $0x1;
	s10 =	sld [smem:$0x3FA7];
	_ =	sdelay $0x3  }
0x34: {  	[smem:$0x3FA7] =	sst s10  }
0x35: {  	s10 =	sld [smem:$0x3FA6];
	_ =	sdelay $0x3  }
0x36: {  	p1 =	seq.s32 s10, $0x1;
	s10 =	sld [smem:$0x3FA7];
	_ =	sdelay $0x3  }
0x37: {  	[smem:$0x3FA7] =	sst s10  }
0x38: {  	s10 =	sld [smem:$0x3FA8]  }
0x39: {  	_ = 	snop;
	(pc) =	sbr.ind lr, $3  }
0x3a: {  	_ = 	snop  }
0x3b: {  	_ = 	snop  }
0x3c: {  	p2 =	seq.s32 s10, $0x1;
	s10 =	sld [smem:$0x3FA7]  }
0x3d: {  	_ =	shalt  }
0x3e: {  	_ =	shalt  }
0x3f: {  	_ =	shalt  }
0x40: {  	_ =	shalt  }
0x41: {  	_ =	shalt  }
0x42: {  	_ =	shalt  }
0x43: {  	_ =	shalt  }
0x44: {  	_ =	shalt  }
0x45: {  	_ =	shalt  }
0x46: {  	_ =	shalt  }
0x47: {  	_ =	shalt  }
0x48: {  	_ =	shalt  }
0x49: {  	_ =	shalt  }
0x4a: {  	_ =	shalt  }
0x4b: {  	_ =	shalt  }
0x4c: {  	_ =	shalt  }
0x4d: {  	_ =	shalt  }
0x4e: {  	_ =	shalt  }
0x4f: {  	_ =	shalt  }
0x50: {  	_ =	shalt  }
0x51: {  	_ =	shalt  }
0x52: {  	_ =	shalt  }
0x53: {  	_ =	shalt  }
0x54: {  	_ =	shalt  }
0x55: {  	_ =	shalt  }
0x56: {  	_ =	shalt  }
0x57: {  	_ =	shalt  }
0x58: {  	_ =	shalt  }
0x59: {  	_ =	shalt  }
0x5a: {  	_ =	shalt  }
0x5b: {  	_ =	shalt  }
0x5c: {  	_ =	shalt  }
0x5d: {  	_ =	shalt  }
0x5e: {  	_ =	shalt  }
0x5f: {  	_ =	shalt  }
0x60: {  	_ =	shalt  }
0x61: {  	_ =	shalt  }
0x62: {  	_ =	shalt  }
0x63: {  	_ =	shalt  }
0x64: {  	_ =	shalt  }
0x65: {  	_ =	shalt  }
0x66: {  	_ =	shalt  }
0x67: {  	_ =	shalt  }
0x68: {  	_ =	shalt  }
0x69: {  	_ =	shalt  }
0x6a: {  	_ =	shalt  }
0x6b: {  	_ =	shalt  }
0x6c: {  	_ =	shalt  }
0x6d: {  	_ =	shalt  }
0x6e: {  	_ =	shalt  }
0x6f: {  	_ =	shalt  }
0x70: {  	_ =	shalt  }
0x71: {  	_ =	shalt  }
0x72: {  	_ =	shalt  }
0x73: {  	_ =	shalt  }
0x74: {  	_ =	shalt  }
0x75: {  	_ =	shalt  }
0x76: {  	_ =	shalt  }
0x77: {  	_ =	shalt  }
0x78: {  	_ =	shalt  }
0x79: {  	_ =	shalt  }
0x7a: {  	_ =	shalt  }
0x7b: {  	_ =	shalt  }
0x7c: {  	_ =	shalt  }
0x7d: {  	_ =	shalt  }
0x7e: {  	_ =	shalt  }
0x7f: {  	_ =	shalt  }
0x80: {  	_ =	shalt  }
0x81: {  	_ =	shalt  }
0x82: {  	_ =	shalt  }
0x83: {  	_ =	shalt  }
0x84: {  	_ =	shalt  }
0x85: {  	_ =	shalt  }
0x86: {  	_ =	shalt  }
0x87: {  	_ =	shalt  }
.Lfunc_end0:
.L_simem_size_0:
called_computation.2_lowered:
.L_overlay_start_0:
0x88: {  	s2 =	sld [smem:$0x3FD9]  }
0x89: {  	s3 =	sld [smem:$0x3FFE];
	_ =	sdelay $0x1  }
0x8a: {  	s1 =	srdreg.scid  }
0x8b: {  	s0 =	sand.u32 $0x1, s1  }
0x8c: {  	s17 =	sshll.u32 s0, $0xA;
	s2 =	sadd.s32 s3, s2  }
0x8d: {  	s2 =	sadd.s32 s2, s17  }
0x8e: {  	[smem:$0x3FB3] =	sst s2  }
0x8f: {  	_ = 	snop  }
0x90: {  	s2 =	sld [smem:$0x3FD0];
	(tm) =	ssettm $0x1  }
0x91: {  	s18 =	sld [smem:$0x3FFB];
	_ =	sdelay $0x3  }
0x92: {  	_ =	strace s18  }
0x93: {  	s3 =	sld [smem:$0x3FFC];
	_ =	sdelay $0x3  }
0x94: {  	_ =	strace s3  }
0x95: {  	s3 =	sld [smem:$0x3FFD];
	_ =	sdelay $0x3  }
0x96: {  	_ =	strace s3  }
0x97: {  	_ =	strace $0x8FFFFFFF  }
0x98: {  	s19 =	sld [smem:$0x3FDB];
	_ =	sdelay $0x1  }
0x99: {  	s4 =	simm.s32 $_scs_section_size  }
0x9a: {  	s5 =	simm.s32 $_size__tile_overlayer_lowered;
	s6 =	simm.s32 $_tile_overlayer_lowered  }
0x9b: {  	s22 =	simm.s32 $0x1BFF;
	s21 =	sshll.u32 s6, $0x1;
	s3 =	sadd.s32 s4, s19  }
0x9c: {  	s7 =	simm.s32 $0x0;
	s20 =	sshll.u32 s5, $0x1;
	s5 =	sadd.s32 s21, s3  }
0x9d: {  	[timem:s7], [sflag:s22] =	dma.local [hbm:s5], s20  }
0x9e: {  	_ =	swait.ge [sflag:s22], s20  }
0x9f: {  	s4 =	ssub.s32 $0x0, s20;
	[sflag:s22] =	ssyncset.done $0x0  }
0xa0: {  	[sflag:s22] =	ssyncadd.s32 s4;
	_ =	sdelay $0x1  }
0xa1: {  	s23 =	simm.s32 $0x1B8B  }
0xa2: {  	_ =	swait.ge [sflag:s23], $0x1  }
0xa3: {  	[sflag:s23] =	ssyncset.done $0x0  }
0xa4: {  	s25 =	simm.s32 $0x1B8E;
	s24 =	sld [smem:$0x3FFE];
	[sflag:s23] =	ssyncadd.s32 $0xFFFFFFFF  }
0xa5: {  	s26 =	simm.s32 $execute0_lowered;
	[smem:$0x3FD2] =	sst s25  }
0xa6: {  	s5 =	sshll.u32 s26, $0x1;
	_ =	strace $0x8000004C;
	[dreg:$0x1] =	wrdreg $0xFFFFFFFF  }
0xa7: {  	s28 =	simm.s32 $_size_execute0_lowered;
	s3 =	sadd.s32 s3, s5;
	[dreg:$0x0] =	wrdreg $0x0  }
0xa8: {  	s5 =	sshll.u32 s28, $0x1;
	[dreg:$0x2] =	wrdreg s3  }
0xa9: {  	[dreg:$0x3] =	wrdreg s5  }
0xaa: {  	[dreg:$0x4] =	wrdreg $0xC0  }
0xab: {  	_ =	task [dreg:s7], $0x5FFFF  }
0xac: {  	[dreg:$0x1] =	wrdreg $0xFFFFFFFF  }
0xad: {  	[dreg:$0x0] =	wrdreg $0x60  }
0xae: {  	[dreg:$0x2] =	wrdreg s24  }
0xaf: {  	[dreg:$0x3] =	wrdreg s2  }
0xb0: {  	[dreg:$0x4] =	wrdreg $0x9  }
0xb1: {  	_ =	task.clear_ibuf [dreg:s7], $0x5FFFF;
	_ =	strace $0x9000004C  }
0xb2: {  	s29 =	simm.s32 $0x9;
	_ =	strace $0x8000004E  }
0xb3: {  	_ =	swait.ge [sflag:s29], $0x1  }
0xb4: {  	[sflag:s29] =	ssyncadd.s32 $0xFFFFFFFF  }
0xb5: {  	_ =	strace $0x9000004E  }
0xb6: {  	_ =	sfence  }
0xb7: {  	s30 =	sld [smem:$0x0];
	_ =	sdelay $0x2  }
0xb8: {  	s31 =	sshll.u32 s1, $0xD;
	s1 =	sshrl.u32 s1, $0x2  }
0xb9: {  	s3 =	sand.u32 $0x4000, s31;
	s1 =	sadd.s32 s1, s30  }
0xba: {  	s0 =	sor.u32 s3, s0;
	s1 =	sshll.u32 s1, $0x11  }
0xbb: {  	s0 =	sor.u32 s1, s0  }
0xbc: {  	s0 =	sadd.s32 $0x8F2B, s0  }
0xbd: {  	[sflag:s0] =	ssyncadd.remote.s32 $0x1  }
0xbe: {  	_ =	sfence.sel $0xFFFF  }
0xbf: {  	[dreg:$0x0] =	wrdreg $0xFFFFFFFF;
	(pc) =	sbr.abs _section_cstart, $3  }
0xc0: {  	[dreg:$0x1] =	wrdreg $0xFFFFFFFF  }
0xc1: {  	_ =	task.clear_ibuf [dreg:s7], $0x2FFFF;
	_ =	strace $0x9FFFFFFF  }
0xc2: {  	(tm) =	ssettm $0x7FFFFFFF  }
0xc3: {  	_ =	shalt  }
tec
execute0_lowered:
.L_overlay_start_1:
0x0: {  	(tag) =	ssettag $0x1  }
0x1: {  	s6 =	rddreg [dreg:$0x0]  }
0x2: {  	s2 =	rddreg [dreg:$0x1]  }
0x3: {  	s0 =	rddreg [dreg:$0x2];
	s4 =	srdreg.scid  }
0x4: {  	s1 =	stileid.u32;
	s3 =	simm.s32 $0x0;
	s14 =	simm.s32 $0x13A80  }
0x5: {  	s4 =	sand.u32 $0x1, s4;
	s5 =	sshll.u32 s1, $0x1;
	[smem:$0x7FF] =	sst s3  }
0x6: {  	s15 =	simm.s32 $0x0;
	s8 =	sor.u32 s4, s5;
	_ =	strace $0x8000004D  }
0x7: {  	s7 =	ssub.s32 $0x2, s4;
	s4 =	sadd.s32 $0x5B000, s6;
	s5 =	sadd.s32 $0x64E00, s6  }
0x8: {  	s9 =	smul.u32 $0xFA8, s8;
	s10 =	sshrl.u32 s7, $0x1;
	s11 =	sshll.u32 s8, $0x2  }
0x9: {  	s13 =	sshllo.u32 s8, $0x2;
	s10 =	ssub.s32 s7, s10;
	s31 =	sor.u32 $0x1, s11  }
0xa: {  	s12 =	sor.u32 $0x2, s11;
	v0 =	vmov s11;
	s11 =	simm.s32 $0x7D80;
	v3 =	vmov s13;
	s13 =	simm.s32 $0xBD00  }
0xb: {  	s6 =	sadd.s32 s6, s9;
	v1 =	vmov s31;
	s8 =	smax.u32 s10, $0x1;
	s9 =	simm.s32 $0x1;
	v0 =	vbroadcast v0, $0x0;
	v2 =	vmov s12  }
0xc: {  	v4 =	vimm.f32 $0.0e+00;
	s10 =	simm.s32 $0xBC80;
	s12 =	simm.s32 $0x9D00;
	s7 =	sadd.s32 $0x3BA00, s6;
	v1 =	vbroadcast v1, $0x0;
	v2 =	vbroadcast v2, $0x0  }
.LBB2_1:
0xd: {  	[tilespmem:s3], [sflag:$0x1] =	stream.linear.gather [hbm4b:s7+s3], $0x7D40, $0x38;
	[tilespmem:$0x1B800] =	vst v63  }
0xe: {  	_ =	swait.ge [sflag:s9], $0x7D40  }
0xf: {  	[sflag:s9] =	ssyncset.done $0x0  }
0x10: {  	[sflag:s9] =	ssyncadd.s32 $0xFFFF82C0  }
0x11: {  	[tilespmem:s10], [sflag:$0x1] =	stream.linear.gather [hbm4b:s2+s3], $0x80, $0x38;
	[tilespmem:$0x1B800] =	vst v63  }
0x12: {  	_ =	swait.ge [sflag:s9], $0x80  }
0x13: {  	[sflag:s9] =	ssyncset.done $0x0  }
0x14: {  	[sflag:s9] =	ssyncadd.s32 $0xFFFFFF80  }
0x15: {  	v5 =	vld.idx.msk [tilespmem:v0+s10+$0x0], $0xffff  }
0x16: {  	v6 =	vld.idx.msk [tilespmem:v1+s10+$0x0], $0xffff  }
0x17: {  	s17 =	simm.s32 $0xBD40;
	v7 =	vld.idx.msk [tilespmem:v2+s10+$0x0], $0xffff  }
0x18: {  	s16 =	simm.s32 $0x13AC0;
	v8 =	vld.idx.msk [tilespmem:v3+s10+$0x0], $0xffff;
	[tilespmem:s17+$0xFFFFFFC0] =	vst v4  }
0x19: {  	[tilespmem:s16+$0xFFFFFFC0] =	vst v4  }
0x1a: {  	[tilespmem:s17+$0xFFFFFFD0] =	vst v4  }
0x1b: {  	[tilespmem:s16+$0xFFFFFFD0] =	vst v4  }
0x1c: {  	[tilespmem:s17+$0xFFFFFFE0] =	vst v4  }
0x1d: {  	[tilespmem:s16+$0xFFFFFFE0] =	vst v4  }
0x1e: {  	[tilespmem:s17+$0xFFFFFFF0] =	vst v4  }
0x1f: {  	[tilespmem:s16+$0xFFFFFFF0] =	vst v4  }
0x20: {  	[tilespmem:s17+$0x0] =	vst v4  }
0x21: {  	[tilespmem:s16+$0x0] =	vst v4  }
0x22: {  	[tilespmem:s17+$0x10] =	vst v4  }
0x23: {  	[tilespmem:s16+$0x10] =	vst v4  }
0x24: {  	[tilespmem:s17+$0x20] =	vst v4  }
0x25: {  	[tilespmem:s16+$0x20] =	vst v4  }
0x26: {  	[tilespmem:s17+$0x30] =	vst v4  }
0x27: {  	s18 =	simm.s32 $0xBDC0;
	s17 =	simm.s32 $0x0;
	[tilespmem:s16+$0x30] =	vst v4  }
.LBB2_2:
0x28: {  	[tilespmem:s18+$0xFFFFFFC0] =	vst v4;
	s16 =	sadd.s32 $0x80, s16  }
0x29: {  	[tilespmem:s16+$0xFFFFFFC0] =	vst v4  }
0x2a: {  	[tilespmem:s18+$0xFFFFFFD0] =	vst v4  }
0x2b: {  	[tilespmem:s16+$0xFFFFFFD0] =	vst v4  }
0x2c: {  	[tilespmem:s18+$0xFFFFFFE0] =	vst v4  }
0x2d: {  	[tilespmem:s16+$0xFFFFFFE0] =	vst v4  }
0x2e: {  	[tilespmem:s18+$0xFFFFFFF0] =	vst v4  }
0x2f: {  	[tilespmem:s16+$0xFFFFFFF0] =	vst v4  }
0x30: {  	[tilespmem:s18+$0x0] =	vst v4  }
0x31: {  	s17 =	sadd.s32 $0x8, s17;
	[tilespmem:s16+$0x0] =	vst v4  }
0x32: {  	p0 =	slt.u32 s17, $0x7C8;
	[tilespmem:s18+$0x10] =	vst v4  }
.Ltmp0:
0x33: {  	[tilespmem:s16+$0x10] =	vst v4;
	(pc) =	sbr.rel @p0 .LBB2_2-.Ltmp0, $4  }
0x34: {  	[tilespmem:s18+$0x20] =	vst v4  }
0x35: {  	[tilespmem:s16+$0x20] =	vst v4  }
0x36: {  	[tilespmem:s18+$0x30] =	vst v4  }
0x37: {  	s18 =	sadd.s32 $0x80, s18;
	[tilespmem:s16+$0x30] =	vst v4  }
0x38: {  	[tilespmem:$0x13A00] =	vst v4  }
0x39: {  	[tilespmem:$0x1B780] =	vst v4  }
0x3a: {  	[tilespmem:$0x13A10] =	vst v4  }
0x3b: {  	[tilespmem:$0x1B790] =	vst v4  }
0x3c: {  	[tilespmem:$0x13A20] =	vst v4  }
0x3d: {  	[tilespmem:$0x1B7A0] =	vst v4  }
0x3e: {  	[tilespmem:$0x13A30] =	vst v4  }
0x3f: {  	[tilespmem:$0x1B7B0] =	vst v4;
	s16 =	simm.s32 $0x0  }
.LBB2_4:
0x40: {  	s17 =	smul.u32 $0x3E8, s16;
	_ =	sdelay $0x1  }
0x41: {  	s18 =	sadd.s32 s4, s17  }
0x42: {  	[tilespmem:s11], [sflag:$0x1] =	stream.linear.gather [hbm4b:s18+s3], $0x1F40, $0x38;
	[tilespmem:$0x1B800] =	vst v63  }
0x43: {  	_ =	swait.ge [sflag:s9], $0x1F40  }
0x44: {  	[sflag:s9] =	ssyncset.done $0x0  }
0x45: {  	s17 =	sadd.s32 s5, s17;
	[sflag:s9] =	ssyncadd.s32 $0xFFFFE0C0  }
0x46: {  	[tilespmem:s12], [sflag:$0x1] =	stream.linear.gather [hbm4b:s17+s3], $0x1F40, $0x38;
	[tilespmem:$0x1B800] =	vst v63  }
0x47: {  	_ =	swait.ge [sflag:s9], $0x1F40  }
0x48: {  	[sflag:s9] =	ssyncset.done $0x0  }
0x49: {  	s29 =	simm.s32 $0x7DA0;
	[sflag:s9] =	ssyncadd.s32 $0xFFFFE0C0  }
0x4a: {  	v24 =	vld [tilespmem:s29+$0xFFFFFFE0];
	_ =	sdelay $0x7  }
0x4b: {  	v9 =	vld.idx.msk [tilespmem:v24+s3+$0x0], $0xffff  }
0x4c: {  	v19 =	vld [tilespmem:s29+$0x0];
	_ =	sdelay $0x2  }
0x4d: {  	v23 =	vld [tilespmem:s29+$0xFFFFFFF0]  }
0x4e: {  	v20 =	vld [tilespmem:s29+$0x10];
	v9 =	vmax.f32 v9, $0.0e+00  }
0x4f: {  	v11 =	vadd.f32 $1.000000010e-07, v9;
	_ =	sdelay $0x1  }
0x50: {  	v10 =	vsub.f32 v11, v5  }
0x51: {  	v9 =	vld.idx.msk [tilespmem:v19+s3+$0x0], $0xffff  }
0x52: {  	v10 =	vmul.f32 $1.442695020e+00, v10;
	_ =	sdelay $0x1  }
0x53: {  	v12 =	vld.idx.msk [tilespmem:v23+s3+$0x0], $0xffff;
	(erf) = vpow2.f32 v10  }
0x54: {  	v13 =	vld.idx.msk [tilespmem:v20+s3+$0x0], $0xffff  }
0x55: {  	s30 =	simm.s32 $0x9D20;
	v9 =	vmax.f32 v9, $0.0e+00  }
0x56: {  	v14 =	vadd.f32 $1.000000010e-07, v9;
	v10 =	vld [tilespmem:s30+$0xFFFFFFE0];
	_ =	sdelay $0x1  }
0x57: {  	v9 =	vmax.f32 v12, $0.0e+00;
	v12 =	vsub.f32 v14, v5  }
0x58: {  	v13 =	vmax.f32 v13, $0.0e+00;
	v15 =	vadd.f32 $1.000000010e-07, v9  }
0x59: {  	v13 =	vadd.f32 $1.000000010e-07, v13;
	v9 =	vmul.f32 $1.442695020e+00, v12  }
0x5a: {  	v17 =	vadd.s32 $0x1F50, v24;
	v12 =	vsub.f32 v15, v5  }
0x5b: {  	v16 =	vsub.f32 v13, v5;
	(erf) = vpow2.f32 v9;
	v21 =	vpop (erf)  }
0x5c: {  	v9 =	vld [tilespmem:s30+$0x0];
	v18 =	vmul.f32 $1.442695020e+00, v12;
	v11 =	vmul.f32 v21, v11  }
0x5d: {  	v16 =	vmul.f32 $1.442695020e+00, v16;
	[tilespmem:v10+s13+$0x0] =	vst.idx.add.f32.msk $0xffff, v21  }
0x5e: {  	(erf) = vpow2.f32 v18;
	[tilespmem:v10+s14+$0x0] =	vst.idx.add.f32.msk $0xffff, v11  }
0x5f: {  	(erf) = vpow2.f32 v16;
	v16 =	vld.idx.msk [tilespmem:v17+s3+$0x0], $0xffff;
	_ =	sdelay $0x1  }
0x60: {  	v12 =	vld [tilespmem:s30+$0xFFFFFFF0];
	_ =	sdelay $0x2  }
0x61: {  	v11 =	vld [tilespmem:s30+$0x10];
	v16 =	vmax.f32 v16, $0.0e+00  }
0x62: {  	v17 =	vpop (erf)  }
0x63: {  	v14 =	vmul.f32 v17, v14;
	[tilespmem:v9+s13+$0x0] =	vst.idx.add.f32.msk $0xffff, v17;
	v17 =	vadd.s32 $0x1F50, v23  }
0x64: {  	v21 =	vadd.f32 $1.000000010e-07, v16;
	v16 =	vpop (erf)  }
0x65: {  	[tilespmem:v9+s14+$0x0] =	vst.idx.add.f32.msk $0xffff, v14;
	v14 =	vmul.f32 v16, v15  }
0x66: {  	[tilespmem:v12+s13+$0x0] =	vst.idx.add.f32.msk $0xffff, v16;
	v16 =	vadd.s32 $0x1F50, v20  }
0x67: {  	v18 =	vsub.f32 v21, v6;
	v15 =	vpop (erf);
	[tilespmem:v12+s14+$0x0] =	vst.idx.add.f32.msk $0xffff, v14  }
0x68: {  	v22 =	vadd.s32 $0x1F50, v19;
	v13 =	vmul.f32 v15, v13;
	v17 =	vld.idx.msk [tilespmem:v17+s3+$0x0], $0xffff  }
0x69: {  	[tilespmem:v11+s13+$0x0] =	vst.idx.add.f32.msk $0xffff, v15;
	v14 =	vmul.f32 $1.442695020e+00, v18  }
0x6a: {  	[tilespmem:v11+s14+$0x0] =	vst.idx.add.f32.msk $0xffff, v13  }
0x6b: {  	s31 =	simm.s32 $0x7DE0;
	(erf) = vpow2.f32 v14;
	v13 =	vld.idx.msk [tilespmem:v16+s3+$0x0], $0xffff  }
0x6c: {  	v15 =	vld [tilespmem:s31+$0xFFFFFFE0]  }
0x6d: {  	v16 =	vld.idx.msk [tilespmem:v22+s3+$0x0], $0xffff;
	v14 =	vmax.f32 v17, $0.0e+00  }
0x6e: {  	v17 =	vadd.f32 $1.000000010e-07, v14;
	_ =	sdelay $0x1  }
0x6f: {  	v14 =	vld [tilespmem:s31+$0x0];
	v13 =	vmax.f32 v13, $0.0e+00;
	v18 =	vsub.f32 v17, v6  }
0x70: {  	v22 =	vadd.s32 $0x1F50, v10;
	v25 =	vadd.f32 $1.000000010e-07, v13  }
0x71: {  	v13 =	vmax.f32 v16, $0.0e+00;
	v26 =	vmul.f32 $1.442695020e+00, v18  }
0x72: {  	v30 =	vadd.f32 $1.000000010e-07, v13;
	v27 =	vsub.f32 v25, v6;
	v18 =	vld [tilespmem:s31+$0xFFFFFFF0]  }
0x73: {  	v29 =	vadd.s32 $0x3EA0, v24;
	v28 =	vpop (erf);
	(erf) = vpow2.f32 v26;
	v26 =	vld.idx.msk [tilespmem:v15+s3+$0x0], $0xffff  }
0x74: {  	v16 =	vld [tilespmem:s31+$0x10];
	v13 =	vmul.f32 v28, v21;
	v21 =	vmul.f32 $1.442695020e+00, v27;
	v27 =	vsub.f32 v30, v6  }
0x75: {  	[tilespmem:v22+s13+$0x0] =	vst.idx.add.f32.msk $0xffff, v28  }
0x76: {  	[tilespmem:v22+s14+$0x0] =	vst.idx.add.f32.msk $0xffff, v13;
	v13 =	vmul.f32 $1.442695020e+00, v27  }
0x77: {  	(erf) = vpow2.f32 v21;
	v22 =	vld.idx.msk [tilespmem:v14+s3+$0x0], $0xffff  }
0x78: {  	v21 =	vld.idx.msk [tilespmem:v29+s3+$0x0], $0xffff;
	(erf) = vpow2.f32 v13;
	v13 =	vmax.f32 v26, $0.0e+00  }
0x79: {  	v26 =	vadd.f32 $1.000000010e-07, v13;
	_ =	sdelay $0x1  }
0x7a: {  	v27 =	vadd.s32 $0x1F50, v12;
	v31 =	vld.idx.msk [tilespmem:v18+s3+$0x0], $0xffff;
	v13 =	vsub.f32 v26, v5  }
0x7b: {  	v33 =	vadd.s32 $0x3EA0, v23;
	v28 =	vld.idx.msk [tilespmem:v16+s3+$0x0], $0xffff;
	v22 =	vmax.f32 v22, $0.0e+00  }
0x7c: {  	v21 =	vmax.f32 v21, $0.0e+00;
	v35 =	vadd.f32 $1.000000010e-07, v22;
	v32 =	vpop (erf);
	v34 =	vmul.f32 $1.442695020e+00, v13  }
0x7d: {  	v37 =	vadd.f32 $1.000000010e-07, v21;
	v17 =	vmul.f32 v32, v17  }
0x7e: {  	v22 =	vadd.s32 $0x1F50, v9;
	v47 =	vsub.f32 v35, v5;
	(erf) = vpow2.f32 v34  }
0x7f: {  	v29 =	vadd.s32 $0x1F50, v11;
	[tilespmem:v27+s13+$0x0] =	vst.idx.add.f32.msk $0xffff, v32;
	v48 =	vsub.f32 v37, v7;
	v31 =	vmax.f32 v31, $0.0e+00  }
0x80: {  	v28 =	vmax.f32 v28, $0.0e+00;
	v36 =	vpop (erf);
	[tilespmem:v27+s14+$0x0] =	vst.idx.add.f32.msk $0xffff, v17;
	v27 =	vadd.f32 $1.000000010e-07, v31;
	v32 =	vmul.f32 $1.442695020e+00, v47  }
0x81: {  	s17 =	simm.s32 $0x9D60;
	v28 =	vadd.f32 $1.000000010e-07, v28;
	v31 =	vadd.s32 $0x3EA0, v19;
	v34 =	vmul.f32 $1.442695020e+00, v48;
	v33 =	vld.idx.msk [tilespmem:v33+s3+$0x0], $0xffff;
	v17 =	vpop (erf)  }
0x82: {  	v21 =	vld [tilespmem:s17+$0xFFFFFFE0];
	v39 =	vsub.f32 v27, v5;
	(erf) = vpow2.f32 v32;
	v30 =	vmul.f32 v17, v30  }
0x83: {  	v38 =	vadd.s32 $0x3EA0, v20;
	v49 =	vsub.f32 v28, v5;
	[tilespmem:v22+s13+$0x0] =	vst.idx.add.f32.msk $0xffff, v17;
	(erf) = vpow2.f32 v34  }
0x84: {  	[tilespmem:v22+s14+$0x0] =	vst.idx.add.f32.msk $0xffff, v30;
	v22 =	vmul.f32 $1.442695020e+00, v39  }
0x85: {  	[tilespmem:v29+s13+$0x0] =	vst.idx.add.f32.msk $0xffff, v36;
	v25 =	vmul.f32 v36, v25;
	v30 =	vmul.f32 $1.442695020e+00, v49  }
0x86: {  	v31 =	vld.idx.msk [tilespmem:v31+s3+$0x0], $0xffff;
	(erf) = vpow2.f32 v22;
	v22 =	vmax.f32 v33, $0.0e+00  }
0x87: {  	[tilespmem:v29+s14+$0x0] =	vst.idx.add.f32.msk $0xffff, v25;
	v51 =	vadd.f32 $1.000000010e-07, v22;
	v50 =	vpop (erf);
	(erf) = vpow2.f32 v30  }
0x88: {  	v29 =	vld.idx.msk [tilespmem:v38+s3+$0x0], $0xffff  }
0x89: {  	v22 =	vld [tilespmem:s17+$0xFFFFFFF0];
	v30 =	vadd.s32 $0x3EA0, v10;
	v26 =	vmul.f32 v50, v26;
	v52 =	vsub.f32 v51, v7  }
0x8a: {  	[tilespmem:v21+s13+$0x0] =	vst.idx.add.f32.msk $0xffff, v50  }
0x8b: {  	v24 =	vadd.s32 $0x5DF0, v24;
	v53 =	vpop (erf);
	[tilespmem:v21+s14+$0x0] =	vst.idx.add.f32.msk $0xffff, v26;
	v26 =	vmax.f32 v31, $0.0e+00;
	v31 =	vmul.f32 $1.442695020e+00, v52  }
0x8c: {  	v13 =	vld [tilespmem:s17+$0x10];
	v25 =	vadd.s32 $0x1F50, v15;
	v54 =	vpop (erf)  }
0x8d: {  	v17 =	vld [tilespmem:s17+$0x0];
	v33 =	vmul.f32 v54, v37  }
0x8e: {  	[tilespmem:v30+s13+$0x0] =	vst.idx.add.f32.msk $0xffff, v54;
	(erf) = vpow2.f32 v31  }
0x8f: {  	[tilespmem:v30+s14+$0x0] =	vst.idx.add.f32.msk $0xffff, v33;
	v31 =	vpop (erf)  }
0x90: {  	v26 =	vadd.f32 $1.000000010e-07, v26;
	v60 =	vld.idx.msk [tilespmem:v24+s3+$0x0], $0xffff;
	v24 =	vmax.f32 v29, $0.0e+00;
	v57 =	vpop (erf)  }
0x91: {  	v25 =	vld.idx.msk [tilespmem:v25+s3+$0x0], $0xffff;
	v29 =	vmul.f32 v31, v27;
	v58 =	vmul.f32 v57, v28;
	v28 =	vadd.f32 $1.000000010e-07, v24  }
0x92: {  	v55 =	vsub.f32 v26, v7;
	[tilespmem:v22+s13+$0x0] =	vst.idx.add.f32.msk $0xffff, v31  }
0x93: {  	[tilespmem:v22+s14+$0x0] =	vst.idx.add.f32.msk $0xffff, v29;
	v29 =	vsub.f32 v28, v7  }
0x94: {  	v56 =	vadd.s32 $0x1F50, v18;
	v30 =	vmul.f32 $1.442695020e+00, v55  }
0x95: {  	v32 =	vmul.f32 v53, v35;
	v29 =	vmul.f32 $1.442695020e+00, v29  }
0x96: {  	v59 =	vadd.s32 $0x1F50, v16;
	[tilespmem:v17+s13+$0x0] =	vst.idx.add.f32.msk $0xffff, v53;
	(erf) = vpow2.f32 v30  }
0x97: {  	[tilespmem:v17+s14+$0x0] =	vst.idx.add.f32.msk $0xffff, v32;
	v30 =	vadd.s32 $0x3EA0, v12;
	v24 =	vmax.f32 v25, $0.0e+00;
	v31 =	vpop (erf);
	(erf) = vpow2.f32 v29  }
0x98: {  	[tilespmem:v13+s13+$0x0] =	vst.idx.add.f32.msk $0xffff, v57;
	v25 =	vadd.s32 $0x1F50, v14;
	v27 =	vadd.f32 $1.000000010e-07, v24  }
0x99: {  	v33 =	vld.idx.msk [tilespmem:v56+s3+$0x0], $0xffff  }
0x9a: {  	v61 =	vadd.s32 $0x5DF0, v23;
	[tilespmem:v13+s14+$0x0] =	vst.idx.add.f32.msk $0xffff, v58;
	v23 =	vsub.f32 v27, v6  }
0x9b: {  	v24 =	vld.idx.msk [tilespmem:v59+s3+$0x0], $0xffff;
	v29 =	vadd.s32 $0x3EA0, v9  }
0x9c: {  	v62 =	vmax.f32 v60, $0.0e+00;
	[tilespmem:v30+s13+$0x0] =	vst.idx.add.f32.msk $0xffff, v31;
	v34 =	vmul.f32 v31, v51;
	v63 =	vmul.f32 $1.442695020e+00, v23  }
0x9d: {  	v32 =	vadd.s32 $0x3EA0, v11;
	v31 =	vld.idx.msk [tilespmem:v25+s3+$0x0], $0xffff;
	v23 =	vadd.f32 $1.000000010e-07, v62  }
0x9e: {  	[tilespmem:v30+s14+$0x0] =	vst.idx.add.f32.msk $0xffff, v34;
	(erf) = vpow2.f32 v63  }
0x9f: {  	s19 =	simm.s32 $0x7E20;
	s18 =	simm.s32 $0x4;
	v35 =	vsub.f32 v23, v8;
	v34 =	vld.idx.msk [tilespmem:v61+s3+$0x0], $0xffff;
	v30 =	vpop (erf)  }
.LBB2_5:
0xa0: {  	s18 =	sadd.s32 $0x4, s18;
	[tilespmem:v29+s13+$0x0] =	vst.idx.add.f32.msk $0xffff, v30;
	v36 =	vpop (erf)  }
0xa1: {  	v25 =	vld [tilespmem:s19+$0xFFFFFFE0];
	p0 =	slt.u32 s18, $0x1F0;
	v35 =	vmul.f32 $1.442695020e+00, v35;
	v28 =	vmul.f32 v36, v28  }
0xa2: {  	v33 =	vmax.f32 v33, $0.0e+00;
	[tilespmem:v32+s13+$0x0] =	vst.idx.add.f32.msk $0xffff, v36;
	v36 =	vadd.s32 $0x5DF0, v20;
	v20 =	vmov v16  }
0xa3: {  	v37 =	vadd.s32 $0x5DF0, v19;
	v19 =	vmovc v14;
	v33 =	vadd.f32 $1.000000010e-07, v33;
	[tilespmem:v32+s14+$0x0] =	vst.idx.add.f32.msk $0xffff, v28;
	(erf) = vpow2.f32 v35  }
0xa4: {  	v24 =	vmax.f32 v24, $0.0e+00;
	v28 =	vadd.s32 $0x1F50, v21;
	v32 =	vadd.s32 $0x5DF0, v10;
	v10 =	vmovc v21;
	v16 =	vld [tilespmem:s19+$0x10]  }
0xa5: {  	v21 =	vsub.f32 v33, v6;
	v35 =	vadd.f32 $1.000000010e-07, v24;
	v34 =	vmax.f32 v34, $0.0e+00;
	v14 =	vld [tilespmem:s19+$0x0]  }
0xa6: {  	v26 =	vmul.f32 v30, v26;
	v31 =	vmax.f32 v31, $0.0e+00;
	v34 =	vadd.f32 $1.000000010e-07, v34;
	v24 =	vld [tilespmem:s19+$0xFFFFFFF0]  }
0xa7: {  	v30 =	vadd.f32 $1.000000010e-07, v31;
	v21 =	vmul.f32 $1.442695020e+00, v21;
	v31 =	vsub.f32 v35, v6;
	v38 =	vpop (erf);
	v36 =	vld.idx.msk [tilespmem:v36+s3+$0x0], $0xffff  }
0xa8: {  	v39 =	vadd.s32 $0x3EA0, v15;
	v40 =	vsub.f32 v34, v8;
	v27 =	vmul.f32 v38, v27;
	[tilespmem:v29+s14+$0x0] =	vst.idx.add.f32.msk $0xffff, v26  }
0xa9: {  	v26 =	vsub.f32 v30, v6;
	v29 =	vmul.f32 $1.442695020e+00, v31;
	(erf) = vpow2.f32 v21;
	v21 =	vld.idx.msk [tilespmem:v37+s3+$0x0], $0xffff  }
0xaa: {  	v31 =	vmul.f32 $1.442695020e+00, v40;
	[tilespmem:v28+s13+$0x0] =	vst.idx.add.f32.msk $0xffff, v38  }
0xab: {  	v26 =	vmul.f32 $1.442695020e+00, v26;
	[tilespmem:v28+s14+$0x0] =	vst.idx.add.f32.msk $0xffff, v27;
	(erf) = vpow2.f32 v29  }
0xac: {  	v27 =	vld.idx.msk [tilespmem:v25+s3+$0x0], $0xffff;
	v28 =	vpop (erf);
	(erf) = vpow2.f32 v31  }
0xad: {  	[tilespmem:v32+s13+$0x0] =	vst.idx.add.f32.msk $0xffff, v28;
	v23 =	vmul.f32 v28, v23;
	v28 =	vmax.f32 v36, $0.0e+00  }
0xae: {  	v31 =	vadd.s32 $0x1F50, v22;
	v29 =	vld.idx.msk [tilespmem:v39+s3+$0x0], $0xffff;
	(erf) = vpow2.f32 v26;
	v26 =	vadd.f32 $1.000000010e-07, v28  }
0xaf: {  	v21 =	vmax.f32 v21, $0.0e+00;
	v28 =	vld.idx.msk [tilespmem:v16+s3+$0x0], $0xffff  }
0xb0: {  	v37 =	vadd.s32 $0x1F50, v13;
	v38 =	vadd.f32 $1.000000010e-07, v21;
	v36 =	vld.idx.msk [tilespmem:v14+s3+$0x0], $0xffff;
	v21 =	vsub.f32 v26, v8  }
0xb1: {  	[tilespmem:v32+s14+$0x0] =	vst.idx.add.f32.msk $0xffff, v23;
	v23 =	vadd.s32 $0x5DF0, v12;
	v12 =	vmov v22  }
0xb2: {  	v22 =	vmax.f32 v27, $0.0e+00;
	v39 =	vsub.f32 v38, v8;
	v27 =	vld.idx.msk [tilespmem:v24+s3+$0x0], $0xffff;
	v32 =	vpop (erf);
	v21 =	vmul.f32 $1.442695020e+00, v21  }
0xb3: {  	s17 =	sadd.s32 $0x40, s17;
	v22 =	vadd.f32 $1.000000010e-07, v22;
	[tilespmem:v31+s13+$0x0] =	vst.idx.add.f32.msk $0xffff, v32;
	v32 =	vmul.f32 v32, v33;
	v33 =	vadd.s32 $0x1F50, v17  }
0xb4: {  	v41 =	vadd.s32 $0x3EA0, v18;
	v29 =	vmax.f32 v29, $0.0e+00;
	v39 =	vmul.f32 $1.442695020e+00, v39;
	v40 =	vld [tilespmem:s17+$0x10];
	v42 =	vpop (erf)  }
0xb5: {  	v43 =	vsub.f32 v22, v5;
	v29 =	vadd.f32 $1.000000010e-07, v29;
	[tilespmem:v37+s13+$0x0] =	vst.idx.add.f32.msk $0xffff, v42;
	v44 =	vpop (erf);
	(erf) = vpow2.f32 v21  }
0xb6: {  	v28 =	vmax.f32 v28, $0.0e+00;
	v36 =	vmax.f32 v36, $0.0e+00;
	v21 =	vld [tilespmem:s17+$0xFFFFFFE0];
	(erf) = vpow2.f32 v39  }
0xb7: {  	v39 =	vmul.f32 $1.442695020e+00, v43;
	v43 =	vsub.f32 v29, v7;
	[tilespmem:v31+s14+$0x0] =	vst.idx.add.f32.msk $0xffff, v32;
	v31 =	vmul.f32 v42, v35;
	v32 =	vpop (erf)  }
0xb8: {  	v35 =	vadd.f32 $1.000000010e-07, v36;
	v36 =	vadd.f32 $1.000000010e-07, v28;
	[tilespmem:v33+s13+$0x0] =	vst.idx.add.f32.msk $0xffff, v32;
	v28 =	vmul.f32 v32, v30  }
0xb9: {  	v30 =	vmul.f32 v44, v34;
	(erf) = vpow2.f32 v39;
	[tilespmem:v23+s13+$0x0] =	vst.idx.add.f32.msk $0xffff, v44  }
0xba: {  	v27 =	vmax.f32 v27, $0.0e+00;
	v32 =	vsub.f32 v36, v5;
	v39 =	vadd.s32 $0x3EA0, v20;
	v34 =	vld.idx.msk [tilespmem:v41+s3+$0x0], $0xffff  }
0xbb: {  	v27 =	vadd.f32 $1.000000010e-07, v27;
	v41 =	vsub.f32 v35, v5;
	[tilespmem:v37+s14+$0x0] =	vst.idx.add.f32.msk $0xffff, v31;
	v31 =	vadd.s32 $0x5DF0, v9;
	v9 =	vmovc v17  }
0xbc: {  	v32 =	vmul.f32 $1.442695020e+00, v32;
	v37 =	vadd.s32 $0x3EA0, v19;
	v17 =	vld [tilespmem:s17+$0x0]  }
0xbd: {  	v42 =	vsub.f32 v27, v5;
	v41 =	vmul.f32 $1.442695020e+00, v41;
	[tilespmem:v23+s14+$0x0] =	vst.idx.add.f32.msk $0xffff, v30;
	v23 =	vadd.s32 $0x5DF0, v11;
	v11 =	vmovc v13  }
0xbe: {  	v30 =	vmul.f32 $1.442695020e+00, v43;
	v13 =	vmov v40;
	[tilespmem:v33+s14+$0x0] =	vst.idx.add.f32.msk $0xffff, v28;
	v28 =	vpop (erf)  }
0xbf: {  	v33 =	vmul.f32 $1.442695020e+00, v42;
	(erf) = vpow2.f32 v41;
	v39 =	vld.idx.msk [tilespmem:v39+s3+$0x0], $0xffff;
	v40 =	vpop (erf)  }
0xc0: {  	(erf) = vpow2.f32 v30;
	[tilespmem:v31+s13+$0x0] =	vst.idx.add.f32.msk $0xffff, v40;
	v30 =	vmul.f32 v40, v38  }
0xc1: {  	v26 =	vmul.f32 v28, v26;
	(erf) = vpow2.f32 v33;
	v33 =	vld.idx.msk [tilespmem:v37+s3+$0x0], $0xffff  }
0xc2: {  	v34 =	vmax.f32 v34, $0.0e+00;
	v37 =	vpop (erf);
	[tilespmem:v31+s14+$0x0] =	vst.idx.add.f32.msk $0xffff, v30  }
0xc3: {  	v34 =	vadd.f32 $1.000000010e-07, v34;
	v31 =	vadd.s32 $0x1F50, v25;
	v30 =	vmul.f32 v37, v22;
	[tilespmem:v23+s13+$0x0] =	vst.idx.add.f32.msk $0xffff, v28  }
0xc4: {  	(erf) = vpow2.f32 v32;
	[tilespmem:v23+s14+$0x0] =	vst.idx.add.f32.msk $0xffff, v26  }
0xc5: {  	v23 =	vadd.s32 $0x3EA0, v10;
	v26 =	vsub.f32 v34, v7;
	v28 =	vmax.f32 v39, $0.0e+00;
	v22 =	vld [tilespmem:s17+$0xFFFFFFF0]  }
0xc6: {  	v28 =	vadd.f32 $1.000000010e-07, v28;
	[tilespmem:v21+s13+$0x0] =	vst.idx.add.f32.msk $0xffff, v37  }
0xc7: {  	[tilespmem:v21+s14+$0x0] =	vst.idx.add.f32.msk $0xffff, v30;
	v30 =	vmul.f32 $1.442695020e+00, v26;
	v26 =	vmax.f32 v33, $0.0e+00  }
0xc8: {  	v33 =	vsub.f32 v28, v7;
	v31 =	vld.idx.msk [tilespmem:v31+s3+$0x0], $0xffff;
	v32 =	vpop (erf);
	v26 =	vadd.f32 $1.000000010e-07, v26  }
0xc9: {  	[tilespmem:v17+s13+$0x0] =	vst.idx.add.f32.msk $0xffff, v32;
	v32 =	vmul.f32 v32, v35;
	v35 =	vadd.s32 $0x5DF0, v15;
	v37 =	vpop (erf);
	v15 =	vmov v25  }
0xca: {  	v25 =	vpop (erf);
	[tilespmem:v23+s13+$0x0] =	vst.idx.add.f32.msk $0xffff, v37;
	v38 =	vmul.f32 v37, v29;
	v37 =	vsub.f32 v26, v7;
	(erf) = vpow2.f32 v30  }
0xcb: {  	v30 =	vmul.f32 v25, v27;
	[tilespmem:v17+s14+$0x0] =	vst.idx.add.f32.msk $0xffff, v32;
	v27 =	vmul.f32 $1.442695020e+00, v33  }
0xcc: {  	[tilespmem:v23+s14+$0x0] =	vst.idx.add.f32.msk $0xffff, v38;
	v23 =	vmul.f32 $1.442695020e+00, v37  }
0xcd: {  	[tilespmem:v22+s13+$0x0] =	vst.idx.add.f32.msk $0xffff, v25;
	v25 =	vadd.s32 $0x1F50, v24;
	v29 =	vpop (erf)  }
0xce: {  	v32 =	vmul.f32 v29, v36;
	v36 =	vadd.s32 $0x1F50, v16;
	v35 =	vld.idx.msk [tilespmem:v35+s3+$0x0], $0xffff;
	(erf) = vpow2.f32 v23  }
0xcf: {  	v37 =	vadd.s32 $0x3EA0, v12;
	v23 =	vmax.f32 v31, $0.0e+00;
	[tilespmem:v13+s13+$0x0] =	vst.idx.add.f32.msk $0xffff, v29;
	(erf) = vpow2.f32 v27  }
0xd0: {  	v27 =	vadd.f32 $1.000000010e-07, v23;
	v23 =	vadd.s32 $0x1F50, v14;
	[tilespmem:v13+s14+$0x0] =	vst.idx.add.f32.msk $0xffff, v32  }
0xd1: {  	[tilespmem:v22+s14+$0x0] =	vst.idx.add.f32.msk $0xffff, v30  }
0xd2: {  	v30 =	vsub.f32 v27, v6;
	v33 =	vld.idx.msk [tilespmem:v25+s3+$0x0], $0xffff;
	v25 =	vadd.s32 $0x5DF0, v18;
	v18 =	vmov v24  }
.Ltmp1:
0xd3: {  	v29 =	vadd.s32 $0x3EA0, v9;
	v24 =	vld.idx.msk [tilespmem:v36+s3+$0x0], $0xffff;
	v31 =	vpop (erf);
	(pc) =	sbr.rel @p0 .LBB2_5-.Ltmp1, $4  }
0xd4: {  	v36 =	vmul.f32 $1.442695020e+00, v30;
	v32 =	vmax.f32 v35, $0.0e+00;
	[tilespmem:v37+s13+$0x0] =	vst.idx.add.f32.msk $0xffff, v31;
	v34 =	vmul.f32 v31, v34  }
0xd5: {  	v31 =	vld.idx.msk [tilespmem:v23+s3+$0x0], $0xffff;
	v23 =	vadd.f32 $1.000000010e-07, v32;
	v32 =	vadd.s32 $0x3EA0, v11  }
0xd6: {  	(erf) = vpow2.f32 v36;
	[tilespmem:v37+s14+$0x0] =	vst.idx.add.f32.msk $0xffff, v34  }
0xd7: {  	s19 =	sadd.s32 $0x40, s19;
	v35 =	vsub.f32 v23, v8;
	v34 =	vld.idx.msk [tilespmem:v25+s3+$0x0], $0xffff;
	v30 =	vpop (erf)  }
0xd8: {  	_ = 	snop  }
0xd9: {  	v25 =	vmax.f32 v33, $0.0e+00  }
0xda: {  	v24 =	vmax.f32 v24, $0.0e+00;
	v25 =	vadd.f32 $1.000000010e-07, v25  }
0xdb: {  	v60 =	vadd.f32 $1.000000010e-07, v24  }
0xdc: {  	v35 =	vmul.f32 $1.442695020e+00, v35;
	v36 =	vsub.f32 v25, v6;
	v61 =	vmax.f32 v34, $0.0e+00  }
0xdd: {  	v31 =	vmax.f32 v31, $0.0e+00;
	v62 =	vsub.f32 v60, v6;
	v24 =	vadd.f32 $1.000000010e-07, v61  }
0xde: {  	v20 =	vadd.s32 $0x5DF0, v20;
	v31 =	vadd.f32 $1.000000010e-07, v31;
	v36 =	vmul.f32 $1.442695020e+00, v36  }
0xdf: {  	(erf) = vpow2.f32 v35;
	v34 =	vmul.f32 $1.442695020e+00, v62;
	v63 =	vsub.f32 v24, v8  }
0xe0: {  	v26 =	vmul.f32 v30, v26;
	v40 =	vsub.f32 v31, v6;
	(erf) = vpow2.f32 v36  }
0xe1: {  	v41 =	vpop (erf);
	[tilespmem:v29+s13+$0x0] =	vst.idx.add.f32.msk $0xffff, v30;
	v19 =	vadd.s32 $0x5DF0, v19;
	(erf) = vpow2.f32 v34;
	v35 =	vmul.f32 $1.442695020e+00, v63  }
0xe2: {  	v42 =	vadd.s32 $0x1F50, v21;
	v28 =	vmul.f32 v41, v28;
	[tilespmem:v32+s13+$0x0] =	vst.idx.add.f32.msk $0xffff, v41;
	v36 =	vmul.f32 $1.442695020e+00, v40  }
0xe3: {  	[tilespmem:v29+s14+$0x0] =	vst.idx.add.f32.msk $0xffff, v26;
	v44 =	vpop (erf);
	(erf) = vpow2.f32 v35  }
0xe4: {  	v43 =	vadd.s32 $0x3EA0, v15;
	[tilespmem:v32+s14+$0x0] =	vst.idx.add.f32.msk $0xffff, v28;
	v27 =	vmul.f32 v44, v27;
	(erf) = vpow2.f32 v36  }
0xe5: {  	v45 =	vadd.s32 $0x1F50, v22;
	v20 =	vld.idx.msk [tilespmem:v20+s3+$0x0], $0xffff  }
0xe6: {  	v46 =	vadd.s32 $0x1F50, v13;
	v19 =	vld.idx.msk [tilespmem:v19+s3+$0x0], $0xffff  }
0xe7: {  	[tilespmem:v42+s13+$0x0] =	vst.idx.add.f32.msk $0xffff, v44  }
0xe8: {  	v49 =	vadd.s32 $0x3EA0, v18;
	[tilespmem:v42+s14+$0x0] =	vst.idx.add.f32.msk $0xffff, v27;
	v27 =	vpop (erf)  }
0xe9: {  	v28 =	vld.idx.msk [tilespmem:v43+s3+$0x0], $0xffff;
	v48 =	vpop (erf)  }
0xea: {  	v47 =	vadd.s32 $0x1F50, v17;
	[tilespmem:v45+s13+$0x0] =	vst.idx.add.f32.msk $0xffff, v48;
	v25 =	vmul.f32 v48, v25;
	v50 =	vpop (erf)  }
0xeb: {  	[tilespmem:v46+s13+$0x0] =	vst.idx.add.f32.msk $0xffff, v50  }
0xec: {  	v52 =	vadd.s32 $0x3EA0, v14;
	v32 =	vmul.f32 v50, v60;
	[tilespmem:v45+s14+$0x0] =	vst.idx.add.f32.msk $0xffff, v25;
	v35 =	vpop (erf)  }
0xed: {  	v53 =	vadd.s32 $0x3EA0, v16;
	v20 =	vmax.f32 v20, $0.0e+00;
	v54 =	vld.idx.msk [tilespmem:v49+s3+$0x0], $0xffff;
	v51 =	vpop (erf)  }
0xee: {  	v19 =	vmax.f32 v19, $0.0e+00;
	v20 =	vadd.f32 $1.000000010e-07, v20;
	[tilespmem:v46+s14+$0x0] =	vst.idx.add.f32.msk $0xffff, v32;
	v25 =	vmul.f32 v51, v31  }
0xef: {  	v19 =	vadd.f32 $1.000000010e-07, v19;
	v28 =	vmax.f32 v28, $0.0e+00;
	[tilespmem:v47+s13+$0x0] =	vst.idx.add.f32.msk $0xffff, v51  }
0xf0: {  	v55 =	vsub.f32 v20, v8;
	v28 =	vadd.f32 $1.000000010e-07, v28;
	[tilespmem:v47+s14+$0x0] =	vst.idx.add.f32.msk $0xffff, v25  }
0xf1: {  	v56 =	vsub.f32 v19, v8;
	v26 =	vld.idx.msk [tilespmem:v52+s3+$0x0], $0xffff  }
0xf2: {  	v58 =	vsub.f32 v28, v7;
	v57 =	vld.idx.msk [tilespmem:v53+s3+$0x0], $0xffff;
	v25 =	vmul.f32 $1.442695020e+00, v55;
	v31 =	vmax.f32 v54, $0.0e+00  }
0xf3: {  	v29 =	vmul.f32 $1.442695020e+00, v56;
	v31 =	vadd.f32 $1.000000010e-07, v31  }
0xf4: {  	v59 =	vmul.f32 $1.442695020e+00, v58;
	(erf) = vpow2.f32 v25  }
0xf5: {  	(erf) = vpow2.f32 v29;
	v60 =	vsub.f32 v31, v7  }
0xf6: {  	(erf) = vpow2.f32 v59;
	v26 =	vmax.f32 v26, $0.0e+00  }
0xf7: {  	v61 =	vmax.f32 v57, $0.0e+00;
	v29 =	vmul.f32 $1.442695020e+00, v60;
	v26 =	vadd.f32 $1.000000010e-07, v26  }
0xf8: {  	v25 =	vadd.f32 $1.000000010e-07, v61  }
0xf9: {  	(erf) = vpow2.f32 v29;
	v62 =	vsub.f32 v26, v7  }
0xfa: {  	v63 =	vsub.f32 v25, v7  }
0xfb: {  	v36 =	vmul.f32 $1.442695020e+00, v62  }
0xfc: {  	v38 =	vadd.s32 $0x3EA0, v21;
	v37 =	vmul.f32 $1.442695020e+00, v63  }
0xfd: {  	v39 =	vpop (erf);
	(erf) = vpow2.f32 v36  }
0xfe: {  	v41 =	vadd.s32 $0x5DF0, v15;
	v40 =	vpop (erf);
	(erf) = vpow2.f32 v37  }
0xff: {  	v43 =	vadd.s32 $0x3EA0, v22;
	v42 =	vpop (erf)  }
0x100: {  	v28 =	vmul.f32 v42, v28  }
0x101: {  	v44 =	vadd.s32 $0x5DF0, v18;
	[tilespmem:v38+s13+$0x0] =	vst.idx.add.f32.msk $0xffff, v42  }
0x102: {  	v45 =	vadd.s32 $0x3EA0, v17;
	[tilespmem:v38+s14+$0x0] =	vst.idx.add.f32.msk $0xffff, v28;
	v46 =	vpop (erf)  }
0x103: {  	v47 =	vadd.s32 $0x3EA0, v13;
	v15 =	vld.idx.msk [tilespmem:v41+s3+$0x0], $0xffff;
	v31 =	vmul.f32 v46, v31  }
0x104: {  	[tilespmem:v43+s13+$0x0] =	vst.idx.add.f32.msk $0xffff, v46  }
0x105: {  	[tilespmem:v43+s14+$0x0] =	vst.idx.add.f32.msk $0xffff, v31  }
0x106: {  	v49 =	vadd.s32 $0x5DF0, v16;
	v18 =	vld.idx.msk [tilespmem:v44+s3+$0x0], $0xffff;
	v48 =	vpop (erf)  }
0x107: {  	v51 =	vadd.s32 $0x5DF0, v14;
	v50 =	vpop (erf);
	[tilespmem:v45+s13+$0x0] =	vst.idx.add.f32.msk $0xffff, v48;
	v52 =	vmul.f32 v48, v26  }
0x108: {  	v25 =	vmul.f32 v50, v25;
	[tilespmem:v47+s13+$0x0] =	vst.idx.add.f32.msk $0xffff, v50  }
0x109: {  	[tilespmem:v45+s14+$0x0] =	vst.idx.add.f32.msk $0xffff, v52  }
0x10a: {  	[tilespmem:v47+s14+$0x0] =	vst.idx.add.f32.msk $0xffff, v25  }
0x10b: {  	v15 =	vmax.f32 v15, $0.0e+00;
	v16 =	vld.idx.msk [tilespmem:v49+s3+$0x0], $0xffff  }
0x10c: {  	v15 =	vadd.f32 $1.000000010e-07, v15;
	v14 =	vld.idx.msk [tilespmem:v51+s3+$0x0], $0xffff;
	_ =	sdelay $0x1  }
0x10d: {  	v53 =	vsub.f32 v15, v8;
	v18 =	vmax.f32 v18, $0.0e+00  }
0x10e: {  	v18 =	vadd.f32 $1.000000010e-07, v18  }
0x10f: {  	v10 =	vadd.s32 $0x5DF0, v10;
	v25 =	vmul.f32 $1.442695020e+00, v53;
	v16 =	vmax.f32 v16, $0.0e+00  }
0x110: {  	v54 =	vsub.f32 v18, v8;
	v14 =	vmax.f32 v14, $0.0e+00;
	v16 =	vadd.f32 $1.000000010e-07, v16  }
0x111: {  	v12 =	vadd.s32 $0x5DF0, v12;
	v14 =	vadd.f32 $1.000000010e-07, v14  }
0x112: {  	(erf) = vpow2.f32 v25;
	v56 =	vmul.f32 $1.442695020e+00, v54;
	v55 =	vsub.f32 v16, v8  }
0x113: {  	v23 =	vmul.f32 v27, v23;
	v57 =	vsub.f32 v14, v8  }
0x114: {  	v9 =	vadd.s32 $0x5DF0, v9;
	[tilespmem:v10+s13+$0x0] =	vst.idx.add.f32.msk $0xffff, v27;
	(erf) = vpow2.f32 v56;
	v28 =	vmul.f32 $1.442695020e+00, v55  }
0x115: {  	[tilespmem:v10+s14+$0x0] =	vst.idx.add.f32.msk $0xffff, v23;
	v10 =	vmul.f32 v35, v24;
	v58 =	vmul.f32 $1.442695020e+00, v57  }
0x116: {  	v11 =	vadd.s32 $0x5DF0, v11;
	[tilespmem:v12+s13+$0x0] =	vst.idx.add.f32.msk $0xffff, v35;
	(erf) = vpow2.f32 v28  }
0x117: {  	[tilespmem:v12+s14+$0x0] =	vst.idx.add.f32.msk $0xffff, v10;
	v10 =	vmul.f32 v40, v19;
	(erf) = vpow2.f32 v58  }
0x118: {  	v59 =	vadd.s32 $0x5DF0, v21  }
0x119: {  	[tilespmem:v9+s13+$0x0] =	vst.idx.add.f32.msk $0xffff, v40  }
0x11a: {  	v60 =	vmul.f32 v39, v20;
	[tilespmem:v9+s14+$0x0] =	vst.idx.add.f32.msk $0xffff, v10;
	v9 =	vadd.s32 $0x5DF0, v22  }
0x11b: {  	[tilespmem:v11+s13+$0x0] =	vst.idx.add.f32.msk $0xffff, v39;
	v10 =	vpop (erf)  }
0x11c: {  	v62 =	vadd.s32 $0x5DF0, v13;
	[tilespmem:v11+s14+$0x0] =	vst.idx.add.f32.msk $0xffff, v60;
	v11 =	vmul.f32 v10, v15  }
0x11d: {  	v61 =	vadd.s32 $0x5DF0, v17;
	[tilespmem:v59+s13+$0x0] =	vst.idx.add.f32.msk $0xffff, v10;
	v10 =	vpop (erf)  }
0x11e: {  	s16 =	sadd.s32 $0x1, s16;
	[tilespmem:v59+s14+$0x0] =	vst.idx.add.f32.msk $0xffff, v11;
	v11 =	vmul.f32 v10, v18  }
0x11f: {  	p0 =	sne.s32 s16, $0x28;
	[tilespmem:v9+s13+$0x0] =	vst.idx.add.f32.msk $0xffff, v10;
	v63 =	vpop (erf)  }
.Ltmp2:
0x120: {  	[tilespmem:v9+s14+$0x0] =	vst.idx.add.f32.msk $0xffff, v11;
	v10 =	vpop (erf);
	(pc) =	sbr.rel @p0 .LBB2_4-.Ltmp2, $4  }
0x121: {  	[tilespmem:v62+s13+$0x0] =	vst.idx.add.f32.msk $0xffff, v63;
	v9 =	vmul.f32 v10, v14  }
0x122: {  	[tilespmem:v61+s13+$0x0] =	vst.idx.add.f32.msk $0xffff, v10;
	v10 =	vmul.f32 v63, v16  }
0x123: {  	[tilespmem:v61+s14+$0x0] =	vst.idx.add.f32.msk $0xffff, v9  }
0x124: {  	[tilespmem:v62+s14+$0x0] =	vst.idx.add.f32.msk $0xffff, v10  }
0x125: {  	s17 =	simm.s32 $0xBD40  }
0x126: {  	v5 =	vld [tilespmem:s17+$0xFFFFFFC0];
	_ =	sdelay $0x4  }
0x127: {  	v5 =	vmax.f32 v5, $1.000000000e-30  }
0x128: {  	(erf) = vrcp.f32 v5;
	_ =	sdelay $0x3  }
0x129: {  	s16 =	simm.s32 $0x13AC0  }
0x12a: {  	v5 =	vld [tilespmem:s16+$0xFFFFFFC0];
	_ =	sdelay $0x3  }
0x12b: {  	v6 =	vpop (erf)  }
0x12c: {  	v5 =	vmul.f32 v6, v5;
	_ =	sdelay $0x1  }
0x12d: {  	[tilespmem:s16+$0xFFFFFFC0] =	vst v5  }
0x12e: {  	v5 =	vld [tilespmem:s17+$0xFFFFFFD0];
	_ =	sdelay $0x4  }
0x12f: {  	v5 =	vmax.f32 v5, $1.000000000e-30  }
0x130: {  	(erf) = vrcp.f32 v5;
	_ =	sdelay $0x4  }
0x131: {  	v5 =	vld [tilespmem:s16+$0xFFFFFFD0];
	_ =	sdelay $0x3  }
0x132: {  	v6 =	vpop (erf)  }
0x133: {  	v5 =	vmul.f32 v6, v5;
	_ =	sdelay $0x1  }
0x134: {  	[tilespmem:s16+$0xFFFFFFD0] =	vst v5  }
0x135: {  	v5 =	vld [tilespmem:s17+$0xFFFFFFE0];
	_ =	sdelay $0x4  }
0x136: {  	v5 =	vmax.f32 v5, $1.000000000e-30  }
0x137: {  	(erf) = vrcp.f32 v5;
	_ =	sdelay $0x4  }
0x138: {  	v5 =	vld [tilespmem:s16+$0xFFFFFFE0];
	_ =	sdelay $0x3  }
0x139: {  	v6 =	vpop (erf)  }
0x13a: {  	v5 =	vmul.f32 v6, v5;
	_ =	sdelay $0x1  }
0x13b: {  	[tilespmem:s16+$0xFFFFFFE0] =	vst v5  }
0x13c: {  	v5 =	vld [tilespmem:s17+$0xFFFFFFF0];
	_ =	sdelay $0x4  }
0x13d: {  	v5 =	vmax.f32 v5, $1.000000000e-30  }
0x13e: {  	(erf) = vrcp.f32 v5;
	_ =	sdelay $0x4  }
0x13f: {  	v5 =	vld [tilespmem:s16+$0xFFFFFFF0];
	_ =	sdelay $0x3  }
0x140: {  	v6 =	vpop (erf)  }
0x141: {  	v5 =	vmul.f32 v6, v5;
	_ =	sdelay $0x1  }
0x142: {  	[tilespmem:s16+$0xFFFFFFF0] =	vst v5  }
0x143: {  	v5 =	vld [tilespmem:s17+$0x0];
	_ =	sdelay $0x4  }
0x144: {  	v5 =	vmax.f32 v5, $1.000000000e-30  }
0x145: {  	(erf) = vrcp.f32 v5;
	_ =	sdelay $0x4  }
0x146: {  	v5 =	vld [tilespmem:s16+$0x0];
	_ =	sdelay $0x3  }
0x147: {  	v6 =	vpop (erf)  }
0x148: {  	v5 =	vmul.f32 v6, v5;
	_ =	sdelay $0x1  }
0x149: {  	[tilespmem:s16+$0x0] =	vst v5  }
0x14a: {  	v5 =	vld [tilespmem:s17+$0x10];
	_ =	sdelay $0x4  }
0x14b: {  	v5 =	vmax.f32 v5, $1.000000000e-30  }
0x14c: {  	(erf) = vrcp.f32 v5;
	_ =	sdelay $0x4  }
0x14d: {  	v5 =	vld [tilespmem:s16+$0x10];
	_ =	sdelay $0x3  }
0x14e: {  	v6 =	vpop (erf)  }
0x14f: {  	v5 =	vmul.f32 v6, v5;
	_ =	sdelay $0x1  }
0x150: {  	[tilespmem:s16+$0x10] =	vst v5  }
0x151: {  	v5 =	vld [tilespmem:s17+$0x20];
	_ =	sdelay $0x4  }
0x152: {  	v5 =	vmax.f32 v5, $1.000000000e-30  }
0x153: {  	(erf) = vrcp.f32 v5;
	_ =	sdelay $0x4  }
0x154: {  	v5 =	vld [tilespmem:s16+$0x20];
	_ =	sdelay $0x3  }
0x155: {  	v6 =	vpop (erf)  }
0x156: {  	v5 =	vmul.f32 v6, v5;
	_ =	sdelay $0x1  }
0x157: {  	[tilespmem:s16+$0x20] =	vst v5  }
0x158: {  	v5 =	vld [tilespmem:s17+$0x30];
	_ =	sdelay $0x4  }
0x159: {  	v5 =	vmax.f32 v5, $1.000000000e-30  }
0x15a: {  	(erf) = vrcp.f32 v5;
	_ =	sdelay $0x4  }
0x15b: {  	v5 =	vld [tilespmem:s16+$0x30];
	_ =	sdelay $0x3  }
0x15c: {  	v6 =	vpop (erf)  }
0x15d: {  	v5 =	vmul.f32 v6, v5;
	_ =	sdelay $0x1  }
0x15e: {  	s18 =	simm.s32 $0xBDC0;
	s17 =	simm.s32 $0x0;
	[tilespmem:s16+$0x30] =	vst v5  }
.LBB2_8:
0x15f: {  	v5 =	vld [tilespmem:s18+$0xFFFFFFC0];
	s17 =	sadd.s32 $0x8, s17  }
0x160: {  	p0 =	slt.u32 s17, $0x7C8;
	_ =	sdelay $0x3  }
0x161: {  	v5 =	vmax.f32 v5, $1.000000000e-30  }
0x162: {  	(erf) = vrcp.f32 v5;
	_ =	sdelay $0x3  }
0x163: {  	s16 =	sadd.s32 $0x80, s16  }
0x164: {  	v5 =	vld [tilespmem:s16+$0xFFFFFFC0];
	_ =	sdelay $0x3  }
0x165: {  	v6 =	vpop (erf)  }
0x166: {  	v5 =	vmul.f32 v6, v5;
	_ =	sdelay $0x1  }
0x167: {  	[tilespmem:s16+$0xFFFFFFC0] =	vst v5  }
0x168: {  	v5 =	vld [tilespmem:s18+$0xFFFFFFD0];
	_ =	sdelay $0x4  }
0x169: {  	v5 =	vmax.f32 v5, $1.000000000e-30  }
0x16a: {  	(erf) = vrcp.f32 v5;
	_ =	sdelay $0x4  }
0x16b: {  	v5 =	vld [tilespmem:s16+$0xFFFFFFD0];
	_ =	sdelay $0x3  }
0x16c: {  	v6 =	vpop (erf)  }
0x16d: {  	v5 =	vmul.f32 v6, v5;
	_ =	sdelay $0x1  }
0x16e: {  	[tilespmem:s16+$0xFFFFFFD0] =	vst v5  }
0x16f: {  	v5 =	vld [tilespmem:s18+$0xFFFFFFE0];
	_ =	sdelay $0x4  }
0x170: {  	v5 =	vmax.f32 v5, $1.000000000e-30  }
0x171: {  	(erf) = vrcp.f32 v5;
	_ =	sdelay $0x4  }
0x172: {  	v5 =	vld [tilespmem:s16+$0xFFFFFFE0];
	_ =	sdelay $0x3  }
0x173: {  	v6 =	vpop (erf)  }
0x174: {  	v5 =	vmul.f32 v6, v5;
	_ =	sdelay $0x1  }
0x175: {  	[tilespmem:s16+$0xFFFFFFE0] =	vst v5  }
0x176: {  	v5 =	vld [tilespmem:s18+$0xFFFFFFF0];
	_ =	sdelay $0x4  }
0x177: {  	v5 =	vmax.f32 v5, $1.000000000e-30  }
0x178: {  	(erf) = vrcp.f32 v5;
	_ =	sdelay $0x4  }
0x179: {  	v5 =	vld [tilespmem:s16+$0xFFFFFFF0];
	_ =	sdelay $0x3  }
0x17a: {  	v6 =	vpop (erf)  }
0x17b: {  	v5 =	vmul.f32 v6, v5;
	_ =	sdelay $0x1  }
0x17c: {  	[tilespmem:s16+$0xFFFFFFF0] =	vst v5  }
0x17d: {  	v5 =	vld [tilespmem:s18+$0x0];
	_ =	sdelay $0x4  }
0x17e: {  	v5 =	vmax.f32 v5, $1.000000000e-30  }
0x17f: {  	(erf) = vrcp.f32 v5;
	_ =	sdelay $0x4  }
0x180: {  	v5 =	vld [tilespmem:s16+$0x0];
	_ =	sdelay $0x3  }
0x181: {  	v6 =	vpop (erf)  }
0x182: {  	v5 =	vmul.f32 v6, v5;
	_ =	sdelay $0x1  }
0x183: {  	[tilespmem:s16+$0x0] =	vst v5  }
0x184: {  	v5 =	vld [tilespmem:s18+$0x10];
	_ =	sdelay $0x4  }
0x185: {  	v5 =	vmax.f32 v5, $1.000000000e-30  }
0x186: {  	(erf) = vrcp.f32 v5;
	_ =	sdelay $0x4  }
0x187: {  	v5 =	vld [tilespmem:s16+$0x10];
	_ =	sdelay $0x3  }
0x188: {  	v6 =	vpop (erf)  }
0x189: {  	v5 =	vmul.f32 v6, v5;
	_ =	sdelay $0x1  }
0x18a: {  	[tilespmem:s16+$0x10] =	vst v5  }
0x18b: {  	v5 =	vld [tilespmem:s18+$0x20];
	_ =	sdelay $0x4  }
0x18c: {  	v5 =	vmax.f32 v5, $1.000000000e-30  }
0x18d: {  	(erf) = vrcp.f32 v5;
	_ =	sdelay $0x4  }
0x18e: {  	v5 =	vld [tilespmem:s16+$0x20];
	_ =	sdelay $0x3  }
0x18f: {  	v6 =	vpop (erf)  }
0x190: {  	v5 =	vmul.f32 v6, v5;
	_ =	sdelay $0x1  }
0x191: {  	[tilespmem:s16+$0x20] =	vst v5  }
0x192: {  	v5 =	vld [tilespmem:s18+$0x30];
	_ =	sdelay $0x4  }
0x193: {  	v5 =	vmax.f32 v5, $1.000000000e-30  }
0x194: {  	(erf) = vrcp.f32 v5;
	_ =	sdelay $0x4  }
0x195: {  	v5 =	vld [tilespmem:s16+$0x30];
	_ =	sdelay $0x2  }
.Ltmp3:
0x196: {  	(pc) =	sbr.rel @p0 .LBB2_8-.Ltmp3, $3  }
0x197: {  	v6 =	vpop (erf)  }
0x198: {  	v5 =	vmul.f32 v6, v5;
	_ =	sdelay $0x1  }
0x199: {  	s18 =	sadd.s32 $0x80, s18;
	[tilespmem:s16+$0x30] =	vst v5  }
0x19a: {  	v5 =	vld [tilespmem:$0x13A00]  }
0x19b: {  	v6 =	vld [tilespmem:$0x13A10]  }
0x19c: {  	v7 =	vld [tilespmem:$0x13A20]  }
0x19d: {  	v8 =	vld [tilespmem:$0x13A30];
	_ =	sdelay $0x1  }
0x19e: {  	v5 =	vmax.f32 v5, $1.000000000e-30  }
0x19f: {  	(erf) = vrcp.f32 v5;
	v5 =	vmax.f32 v6, $1.000000000e-30  }
0x1a0: {  	(erf) = vrcp.f32 v5;
	v5 =	vmax.f32 v7, $1.000000000e-30  }
0x1a1: {  	(erf) = vrcp.f32 v5;
	v5 =	vmax.f32 v8, $1.000000000e-30  }
0x1a2: {  	(erf) = vrcp.f32 v5;
	_ =	sdelay $0x1  }
0x1a3: {  	v5 =	vld [tilespmem:$0x1B780]  }
0x1a4: {  	v6 =	vld [tilespmem:$0x1B790]  }
0x1a5: {  	v7 =	vld [tilespmem:$0x1B7A0]  }
0x1a6: {  	v62 =	vld [tilespmem:$0x1B7B0]  }
0x1a7: {  	v9 =	vpop (erf)  }
0x1a8: {  	v10 =	vpop (erf);
	v5 =	vmul.f32 v9, v5  }
0x1a9: {  	v63 =	vpop (erf);
	v6 =	vmul.f32 v10, v6  }
0x1aa: {  	[tilespmem:$0x1B780] =	vst v5;
	v5 =	vmul.f32 v63, v7;
	v7 =	vpop (erf)  }
0x1ab: {  	s15 =	sadd.s32 $0x1, s15;
	[tilespmem:$0x1B790] =	vst v6;
	v6 =	vmul.f32 v7, v62  }
0x1ac: {  	p0 =	sne.s32 s15, s8;
	[tilespmem:$0x1B7A0] =	vst v5  }
.Ltmp4:
0x1ad: {  	[tilespmem:$0x1B7B0] =	vst v6;
	(pc) =	sbr.rel @p0 .LBB2_1-.Ltmp4, $4  }
0x1ae: {  	[hbm4b:s6+s3] =	stream.linear.scatter [tilespmem:s14], [sflag:$0x1], $0x7D40, $0x38;
	[tilespmem:$0x1B800] =	vst v63  }
0x1af: {  	_ =	swait.ge [sflag:s9], $0x7D40  }
0x1b0: {  	[sflag:s9] =	ssyncset.done $0x0  }
0x1b1: {  	[sflag:s9] =	ssyncadd.s32 $0xFFFF82C0  }
0x1b2: {  	_ =	sfence.sel $0x180000  }
0x1b3: {  	[bflag:$0x0] =	sbarrier.arrive $0xFFFF  }
0x1b4: {  	p0 =	sne.s32 s1, $0x0;
	_ =	strace $0x9000004D  }
0x1b5: {  	s0 =	sadd.s32 @!p0 $0x100000, s0;
	[bflag:$0x2] =	sbarrier.arrive $0xFFFF  }
0x1b6: {  	[sflag:s0] =	ssyncadd.tile.s32 @!p0 $0x1;
	_ =	shalt  }
.Lfunc_end2:
_tile_overlayer_lowered:
.L_overlay_start_2:
0x1b7: {  	(tag) =	ssettag $0x2  }
0x1b8: {  	s0 =	rddreg [dreg:$0x0];
	s2 =	stileid.u32  }
0x1b9: {  	s1 =	rddreg [dreg:$0x1];
	p0 =	sne.s32 s2, $0x0  }
0x1ba: {  	s3 =	rddreg [dreg:$0x2];
	[bflag:$0x3] =	sbarrier.arrive $0xFFFF;
	s2 =	simm.s32 @!p0 $0x1C01  }
0x1bb: {  	[timem:s3], [sflag:s2] =	dma.local @!p0 [hbm:s0], s1  }
0x1bc: {  	s0 =	simm.s32 @!p0 $0x1  }
0x1bd: {  	_ =	swait.ge @!p0 [sflag:s0], s1  }
0x1be: {  	s1 =	ssub.s32 @!p0 $0x0, s1;
	[sflag:s0] =	ssyncset.done @!p0 $0x0  }
0x1bf: {  	[sflag:s0] =	ssyncadd.s32 @!p0 s1  }
0x1c0: {  	[bflag:$0x3] =	sbarrier.arrive $0xFFFF  }
0x1c1: {  	_ =	shalt  }

// kernel: kernel.8.cloned.1.call-start
scs
__scs_entry_jumppad:
0x0: {  	(pc) =	sbr.rel $0x88, $3  }
0x1: {  	(tag) =	ssettag $0x0;
	lr =	simm.s32 $0x1  }
0x2: {  	[smem:$0x3F8C] =	sst lr;
	_ =	strace $0xD0000000  }
0x3: {  	_ = 	snop  }
0x4: {  	_ = 	snop  }
0x5: {  	_ = 	snop  }
0x6: {  	_ = 	snop  }
0x7: {  	_ = 	snop  }
__scs_overlays_trampoline_lowered:
0x8: {  	[smem:$0x3F9B] =	sst s0  }
0x9: {  	[smem:$0x3F9C] =	sst s1  }
0xa: {  	[smem:$0x3F9D] =	sst s2  }
0xb: {  	[smem:$0x3F9E] =	sst s3  }
0xc: {  	[smem:$0x3F9F] =	sst s4  }
0xd: {  	[smem:$0x3FA0] =	sst s5  }
0xe: {  	[smem:$0x3FA1] =	sst s6  }
0xf: {  	[smem:$0x3FA2] =	sst s7  }
0x10: {  	[smem:$0x3FA3] =	sst s8  }
0x11: {  	[smem:$0x3FA4] =	sst s9;
	s0 =	simm.s32 @!p0 $0x0  }
0x12: {  	s1 =	sld [smem:$0x3F8A];
	s0 =	simm.s32 @p0 $0x1  }
0x13: {  	[smem:$0x3FA5] =	sst s0;
	s0 =	simm.s32 @!p1 $0x0  }
0x14: {  	s2 =	sld [smem:$0x3F89];
	s0 =	simm.s32 @p1 $0x1  }
0x15: {  	[smem:$0x3FA6] =	sst s0;
	s0 =	simm.s32 @!p2 $0x0  }
0x16: {  	s3 =	sld [smem:$0x3FDB];
	s0 =	simm.s32 @p2 $0x1  }
0x17: {  	s4 =	simm.s32 $0x1BF5;
	[smem:$0x3FA8] =	sst s0  }
0x18: {  	s0 =	sld [smem:$0x3F8B];
	_ =	swait.ge [sflag:s4], $0x0  }
0x19: {  	s7 =	sld [smem:$0x3F8C]  }
0x1a: {  	s8 =	sadd.s32 $0xFFFFE003, lr  }
0x1b: {  	s9 =	sadd.s32 $0xFFFFFEF7, lr;
	s5 =	simm.s32 $0xFFFFFFFF;
	p2 =	slt.u32 s8, $0xFFFFF086  }
0x1c: {  	p1 =	slt.u32 s9, $0xF7A;
	s5 =	simm.s32 @!p2 $0x0  }
0x1d: {  	s5 =	simm.s32 @p1 $0x1;
	p0 =	seq.s32 s7, s2  }
0x1e: {  	s7 =	smul.u32 @!p0 $0xF7A, s2;
	p2 =	seq.s32 @!p0 s5, $0x0  }
0x1f: {  	s9 =	smul.u32 $0xF7A, s1;
	s8 =	simm.s32 @!p0 $0x1BF5;
	p2 =	por !p2, p0  }
0x20: {  	[sflag:s8] =	ssyncset.s32 @!p0 $0xFFFFF086;
	s6 =	sadd.s32 @!p0 s3, s7;
	s7 =	simm.s32 @!p0 $0x108  }
0x21: {  	s3 =	sadd.s32 s3, s9;
	s6 =	sadd.s32 @!p0 $0x88, s6;
	s7 =	simm.s32 @p2 $0x1082  }
0x22: {  	[simem:s7], [sflag:s8] =	dma.local @!p0 [hbm:s6], $0xF7A  }
0x23: {  	s9 =	sor.u32 $0xD0000000, s2;
	s6 =	simm.s32 $0x108;
	_ =	swait.ge @!p0 [sflag:s8], $0x0  }
0x24: {  	s3 =	sadd.s32 $0x88, s3;
	s6 =	simm.s32 @!p1 $0x1082;
	[sflag:s4] =	ssyncset.s32 $0xFFFFF086  }
0x25: {  	[simem:s6], [sflag:s4] =	dma.local [hbm:s3], $0xF7A  }
0x26: {  	[smem:$0x3F8C] =	sst s1;
	(tag) =	ssettag s2;
	_ =	strace s9  }
0x27: {  	s1 =	sld [smem:$0x3F9C]  }
0x28: {  	s2 =	sld [smem:$0x3F9D]  }
0x29: {  	s4 =	sld [smem:$0x3F9F]  }
0x2a: {  	p0 =	seq.s32 s5, $0x0;
	s5 =	sld [smem:$0x3FA0]  }
0x2b: {  	s6 =	sld [smem:$0x3FA1]  }
0x2c: {  	s7 =	sld [smem:$0x3FA2]  }
0x2d: {  	s3 =	simm.s32 $0x108;
	s8 =	sld [smem:$0x3FA3]  }
0x2e: {  	s3 =	simm.s32 @!p0 $0x1082;
	s9 =	sld [smem:$0x3FA4]  }
0x2f: {  	lr =	sadd.s32 s0, s3;
	s0 =	sld [smem:$0x3F9B]  }
0x30: {  	s3 =	sld [smem:$0x3F9E]  }
0x31: {  	[smem:$0x3FA7] =	sst s10  }
0x32: {  	s10 =	sld [smem:$0x3FA5];
	_ =	sdelay $0x3  }
0x33: {  	p0 =	seq.s32 s10, $0x1;
	s10 =	sld [smem:$0x3FA7];
	_ =	sdelay $0x3  }
0x34: {  	[smem:$0x3FA7] =	sst s10  }
0x35: {  	s10 =	sld [smem:$0x3FA6];
	_ =	sdelay $0x3  }
0x36: {  	p1 =	seq.s32 s10, $0x1;
	s10 =	sld [smem:$0x3FA7];
	_ =	sdelay $0x3  }
0x37: {  	[smem:$0x3FA7] =	sst s10  }
0x38: {  	s10 =	sld [smem:$0x3FA8]  }
0x39: {  	_ = 	snop;
	(pc) =	sbr.ind lr, $3  }
0x3a: {  	_ = 	snop  }
0x3b: {  	_ = 	snop  }
0x3c: {  	p2 =	seq.s32 s10, $0x1;
	s10 =	sld [smem:$0x3FA7]  }
0x3d: {  	_ =	shalt  }
0x3e: {  	_ =	shalt  }
0x3f: {  	_ =	shalt  }
0x40: {  	_ =	shalt  }
0x41: {  	_ =	shalt  }
0x42: {  	_ =	shalt  }
0x43: {  	_ =	shalt  }
0x44: {  	_ =	shalt  }
0x45: {  	_ =	shalt  }
0x46: {  	_ =	shalt  }
0x47: {  	_ =	shalt  }
0x48: {  	_ =	shalt  }
0x49: {  	_ =	shalt  }
0x4a: {  	_ =	shalt  }
0x4b: {  	_ =	shalt  }
0x4c: {  	_ =	shalt  }
0x4d: {  	_ =	shalt  }
0x4e: {  	_ =	shalt  }
0x4f: {  	_ =	shalt  }
0x50: {  	_ =	shalt  }
0x51: {  	_ =	shalt  }
0x52: {  	_ =	shalt  }
0x53: {  	_ =	shalt  }
0x54: {  	_ =	shalt  }
0x55: {  	_ =	shalt  }
0x56: {  	_ =	shalt  }
0x57: {  	_ =	shalt  }
0x58: {  	_ =	shalt  }
0x59: {  	_ =	shalt  }
0x5a: {  	_ =	shalt  }
0x5b: {  	_ =	shalt  }
0x5c: {  	_ =	shalt  }
0x5d: {  	_ =	shalt  }
0x5e: {  	_ =	shalt  }
0x5f: {  	_ =	shalt  }
0x60: {  	_ =	shalt  }
0x61: {  	_ =	shalt  }
0x62: {  	_ =	shalt  }
0x63: {  	_ =	shalt  }
0x64: {  	_ =	shalt  }
0x65: {  	_ =	shalt  }
0x66: {  	_ =	shalt  }
0x67: {  	_ =	shalt  }
0x68: {  	_ =	shalt  }
0x69: {  	_ =	shalt  }
0x6a: {  	_ =	shalt  }
0x6b: {  	_ =	shalt  }
0x6c: {  	_ =	shalt  }
0x6d: {  	_ =	shalt  }
0x6e: {  	_ =	shalt  }
0x6f: {  	_ =	shalt  }
0x70: {  	_ =	shalt  }
0x71: {  	_ =	shalt  }
0x72: {  	_ =	shalt  }
0x73: {  	_ =	shalt  }
0x74: {  	_ =	shalt  }
0x75: {  	_ =	shalt  }
0x76: {  	_ =	shalt  }
0x77: {  	_ =	shalt  }
0x78: {  	_ =	shalt  }
0x79: {  	_ =	shalt  }
0x7a: {  	_ =	shalt  }
0x7b: {  	_ =	shalt  }
0x7c: {  	_ =	shalt  }
0x7d: {  	_ =	shalt  }
0x7e: {  	_ =	shalt  }
0x7f: {  	_ =	shalt  }
0x80: {  	_ =	shalt  }
0x81: {  	_ =	shalt  }
0x82: {  	_ =	shalt  }
0x83: {  	_ =	shalt  }
0x84: {  	_ =	shalt  }
0x85: {  	_ =	shalt  }
0x86: {  	_ =	shalt  }
0x87: {  	_ =	shalt  }
.Lfunc_end0:
.L_simem_size_0:
called_computation_lowered:
.L_overlay_start_0:
0x88: {  	s2 =	sld [smem:$0x3FD9]  }
0x89: {  	s3 =	sld [smem:$0x3FFE];
	_ =	sdelay $0x1  }
0x8a: {  	s1 =	srdreg.scid  }
0x8b: {  	s0 =	sand.u32 $0x1, s1  }
0x8c: {  	s16 =	sshll.u32 s0, $0xA;
	s2 =	sadd.s32 s3, s2  }
0x8d: {  	s2 =	sadd.s32 s2, s16  }
0x8e: {  	[smem:$0x3FB3] =	sst s2  }
0x8f: {  	_ = 	snop  }
0x90: {  	(tm) =	ssettm $0x1  }
0x91: {  	s17 =	sld [smem:$0x3FFB];
	_ =	sdelay $0x3  }
0x92: {  	_ =	strace s17  }
0x93: {  	s2 =	sld [smem:$0x3FFC];
	_ =	sdelay $0x3  }
0x94: {  	_ =	strace s2  }
0x95: {  	s2 =	sld [smem:$0x3FFD];
	_ =	sdelay $0x3  }
0x96: {  	_ =	strace s2  }
0x97: {  	_ =	strace $0x8FFFFFFF  }
0x98: {  	s18 =	sld [smem:$0x3FDB];
	_ =	sdelay $0x1  }
0x99: {  	s19 =	simm.s32 $_scs_section_size  }
0x9a: {  	s4 =	simm.s32 $_size__tile_overlayer_lowered;
	s5 =	simm.s32 $_tile_overlayer_lowered  }
0x9b: {  	s22 =	simm.s32 $0x1BFF;
	s21 =	sshll.u32 s5, $0x1;
	s2 =	sadd.s32 s19, s18  }
0x9c: {  	s6 =	simm.s32 $0x0;
	s20 =	sshll.u32 s4, $0x1;
	s4 =	sadd.s32 s21, s2  }
0x9d: {  	[timem:s6], [sflag:s22] =	dma.local [hbm:s4], s20  }
0x9e: {  	_ =	swait.ge [sflag:s22], s20  }
0x9f: {  	s3 =	ssub.s32 $0x0, s20;
	[sflag:s22] =	ssyncset.done $0x0  }
0xa0: {  	[sflag:s22] =	ssyncadd.s32 s3;
	_ =	sdelay $0x1  }
0xa1: {  	s23 =	simm.s32 $0x1B8B  }
0xa2: {  	_ =	swait.ge [sflag:s23], $0x1  }
0xa3: {  	[sflag:s23] =	ssyncset.done $0x0  }
0xa4: {  	s25 =	simm.s32 $0x1B8E;
	s24 =	sld [smem:$0x3FFE];
	[sflag:s23] =	ssyncadd.s32 $0xFFFFFFFF  }
0xa5: {  	s26 =	simm.s32 $execute0_lowered;
	[smem:$0x3FD2] =	sst s25  }
0xa6: {  	s4 =	sshll.u32 s26, $0x1;
	_ =	strace $0x80000046;
	[dreg:$0x1] =	wrdreg $0xFFFFFFFF  }
0xa7: {  	s28 =	simm.s32 $_size_execute0_lowered;
	s2 =	sadd.s32 s2, s4;
	[dreg:$0x0] =	wrdreg $0x0  }
0xa8: {  	s4 =	sshll.u32 s28, $0x1;
	[dreg:$0x2] =	wrdreg s2  }
0xa9: {  	[dreg:$0x3] =	wrdreg s4  }
0xaa: {  	[dreg:$0x4] =	wrdreg $0xC0  }
0xab: {  	_ =	task [dreg:s6], $0x5FFFF  }
0xac: {  	[dreg:$0x1] =	wrdreg $0xFFFFFFFF  }
0xad: {  	[dreg:$0x0] =	wrdreg $0x60  }
0xae: {  	[dreg:$0x2] =	wrdreg s24  }
0xaf: {  	[dreg:$0x3] =	wrdreg $0x9  }
0xb0: {  	_ =	task.clear_ibuf [dreg:s6], $0x4FFFF;
	_ =	strace $0x90000046  }
0xb1: {  	s29 =	simm.s32 $0x9;
	_ =	strace $0x80000048  }
0xb2: {  	_ =	swait.ge [sflag:s29], $0x1  }
0xb3: {  	[sflag:s29] =	ssyncadd.s32 $0xFFFFFFFF  }
0xb4: {  	_ =	strace $0x90000048  }
0xb5: {  	_ =	sfence  }
0xb6: {  	s30 =	sld [smem:$0x0];
	_ =	sdelay $0x2  }
0xb7: {  	s31 =	sshll.u32 s1, $0xD;
	s1 =	sshrl.u32 s1, $0x2  }
0xb8: {  	s3 =	sand.u32 $0x4000, s31;
	s1 =	sadd.s32 s1, s30  }
0xb9: {  	s0 =	sor.u32 s3, s0;
	s1 =	sshll.u32 s1, $0x11  }
0xba: {  	s0 =	sor.u32 s1, s0  }
0xbb: {  	s0 =	sadd.s32 $0x8F2B, s0  }
0xbc: {  	[sflag:s0] =	ssyncadd.remote.s32 $0x1  }
0xbd: {  	_ =	sfence.sel $0xFFFF  }
0xbe: {  	[dreg:$0x0] =	wrdreg $0xFFFFFFFF;
	(pc) =	sbr.abs _section_cstart, $3  }
0xbf: {  	[dreg:$0x1] =	wrdreg $0xFFFFFFFF  }
0xc0: {  	_ =	task.clear_ibuf [dreg:s6], $0x2FFFF;
	_ =	strace $0x9FFFFFFF  }
0xc1: {  	(tm) =	ssettm $0x7FFFFFFF  }
tec
execute0_lowered:
.L_overlay_start_1:
0x0: {  	(tag) =	ssettag $0x1  }
0x1: {  	s1 =	srdreg.scid  }
0x2: {  	s0 =	stileid.u32;
	s2 =	rddreg [dreg:$0x0]  }
0x3: {  	s3 =	simm.s32 $0x0;
	s14 =	simm.s32 $0x8600;
	s15 =	simm.s32 $0x2780  }
0x4: {  	s16 =	simm.s32 $0x4700;
	s17 =	simm.s32 $0x6680;
	s18 =	simm.s32 $0x8680  }
0x5: {  	s19 =	simm.s32 $0xAE00;
	s6 =	sand.u32 $0x1, s1;
	s1 =	rddreg [dreg:$0x1]  }
0x6: {  	s20 =	simm.s32 $0x0;
	s30 =	sshll.u32 s0, $0x1;
	[smem:$0x7FF] =	sst s3  }
0x7: {  	s5 =	sadd.s32 $0x9E00, s2;
	s31 =	sshrl.u32 s0, $0x1;
	s7 =	sor.u32 s6, s30  }
0x8: {  	_ =	strace $0x80000047;
	s6 =	ssub.s32 $0x2, s6;
	s9 =	sand.u32 $0x3, s7  }
0x9: {  	s10 =	smul.u32 $0x4E40, s7;
	s7 =	sshll.u32 s7, $0x4;
	s11 =	sshrl.u32 s6, $0x1  }
0xa: {  	s4 =	smul.u32 $0x4E4, s9;
	s7 =	sadd.s32 s7, s2;
	s13 =	ssub.s32 s6, s11  }
0xb: {  	s9 =	smul.u32 $0x4E200, s9;
	s10 =	sshrl.u32 s10, $0x3;
	s7 =	sadd.s32 $0x3C200, s7  }
0xc: {  	s8 =	sadd.s32 s4, s2;
	s4 =	sadd.s32 $0x15000, s2;
	s12 =	sadd.s32 s10, s2  }
0xd: {  	s6 =	sadd.s32 $0x13C00, s8;
	s8 =	smul.u32 $0x9C40, s31;
	s10 =	sadd.s32 $0x3C400, s12  }
0xe: {  	v0 =	vimm.f32 $0.0e+00;
	s11 =	sadd.s32 $0x3C8E4, s12;
	s12 =	smax.u32 s13, $0x1;
	s13 =	simm.s32 $0x1  }
.LBB2_1:
0xf: {  	[tilespmem:s3], [sflag:$0x1] =	stream.linear.gather [hbm4b:s6+s3], $0x2720, $0x38;
	[tilespmem:$0xD580] =	vst v63  }
0x10: {  	_ =	swait.ge [sflag:s13], $0x2720  }
0x11: {  	[sflag:s13] =	ssyncset.done $0x0  }
0x12: {  	[sflag:s13] =	ssyncadd.s32 $0xFFFFD8E0  }
0x13: {  	[tilespmem:s14], [sflag:$0x1] =	stream.linear.gather [hbm4b:s7+s3], $0x80, $0x38;
	[tilespmem:$0xD580] =	vst v63  }
0x14: {  	_ =	swait.ge [sflag:s13], $0x80  }
0x15: {  	[sflag:s13] =	ssyncset.done $0x0  }
0x16: {  	s22 =	simm.s32 $0x86C0;
	[sflag:s13] =	ssyncadd.s32 $0xFFFFFF80  }
0x17: {  	s21 =	simm.s32 $0xAE40;
	v1 =	vld [tilespmem:$0x8600];
	[tilespmem:s22+$0xFFFFFFC0] =	vst v0  }
0x18: {  	[tilespmem:s21+$0xFFFFFFC0] =	vst v0  }
0x19: {  	[tilespmem:s22+$0xFFFFFFD0] =	vst v0  }
0x1a: {  	[tilespmem:s21+$0xFFFFFFD0] =	vst v0  }
0x1b: {  	[tilespmem:s22+$0xFFFFFFE0] =	vst v0  }
0x1c: {  	[tilespmem:s21+$0xFFFFFFE0] =	vst v0  }
0x1d: {  	[tilespmem:s22+$0xFFFFFFF0] =	vst v0  }
0x1e: {  	[tilespmem:s21+$0xFFFFFFF0] =	vst v0  }
0x1f: {  	[tilespmem:s22+$0x0] =	vst v0  }
0x20: {  	[tilespmem:s21+$0x0] =	vst v0  }
0x21: {  	[tilespmem:s22+$0x10] =	vst v0  }
0x22: {  	[tilespmem:s21+$0x10] =	vst v0  }
0x23: {  	[tilespmem:s22+$0x20] =	vst v0  }
0x24: {  	[tilespmem:s21+$0x20] =	vst v0  }
0x25: {  	[tilespmem:s22+$0x30] =	vst v0  }
0x26: {  	s23 =	simm.s32 $0x8740;
	s22 =	simm.s32 $0x0;
	[tilespmem:s21+$0x30] =	vst v0  }
.LBB2_2:
0x27: {  	[tilespmem:s23+$0xFFFFFFC0] =	vst v0;
	s21 =	sadd.s32 $0x80, s21  }
0x28: {  	[tilespmem:s21+$0xFFFFFFC0] =	vst v0  }
0x29: {  	[tilespmem:s23+$0xFFFFFFD0] =	vst v0  }
0x2a: {  	[tilespmem:s21+$0xFFFFFFD0] =	vst v0  }
0x2b: {  	[tilespmem:s23+$0xFFFFFFE0] =	vst v0  }
0x2c: {  	[tilespmem:s21+$0xFFFFFFE0] =	vst v0  }
0x2d: {  	[tilespmem:s23+$0xFFFFFFF0] =	vst v0  }
0x2e: {  	[tilespmem:s21+$0xFFFFFFF0] =	vst v0  }
0x2f: {  	[tilespmem:s23+$0x0] =	vst v0  }
0x30: {  	s22 =	sadd.s32 $0x8, s22;
	[tilespmem:s21+$0x0] =	vst v0  }
0x31: {  	p0 =	slt.u32 s22, $0x268;
	[tilespmem:s23+$0x10] =	vst v0  }
.Ltmp0:
0x32: {  	[tilespmem:s21+$0x10] =	vst v0;
	(pc) =	sbr.rel @p0 .LBB2_2-.Ltmp0, $4  }
0x33: {  	[tilespmem:s23+$0x20] =	vst v0  }
0x34: {  	[tilespmem:s21+$0x20] =	vst v0  }
0x35: {  	[tilespmem:s23+$0x30] =	vst v0  }
0x36: {  	s23 =	sadd.s32 $0x80, s23;
	[tilespmem:s21+$0x30] =	vst v0  }
0x37: {  	[tilespmem:$0xAD80] =	vst v0  }
0x38: {  	[tilespmem:$0xD500] =	vst v0  }
0x39: {  	[tilespmem:$0xAD90] =	vst v0  }
0x3a: {  	[tilespmem:$0xD510] =	vst v0;
	s21 =	simm.s32 $0x0;
	s22 =	simm.s32 $0x0  }
.LBB2_4:
0x3b: {  	s23 =	smul.u32 $0x1F40, s22;
	_ =	sdelay $0x1  }
0x3c: {  	s23 =	sadd.s32 s8, s23  }
0x3d: {  	s24 =	sshrl.u32 s23, $0x3  }
0x3e: {  	s25 =	sadd.s32 s5, s24  }
0x3f: {  	[tilespmem:s15], [sflag:$0x1] =	stream.linear.gather [hbm4b:s25+s3], $0x1F40, $0x38;
	[tilespmem:$0xD580] =	vst v63  }
0x40: {  	_ =	swait.ge [sflag:s13], $0x1F40  }
0x41: {  	[sflag:s13] =	ssyncset.done $0x0  }
0x42: {  	s24 =	sadd.s32 s2, s24;
	[sflag:s13] =	ssyncadd.s32 $0xFFFFE0C0  }
0x43: {  	[tilespmem:s16], [sflag:$0x1] =	stream.linear.gather [hbm4b:s24+s3], $0x1F40, $0x38;
	[tilespmem:$0xD580] =	vst v63  }
0x44: {  	s23 =	sadd.s32 s9, s23;
	_ =	swait.ge [sflag:s13], $0x1F40  }
0x45: {  	s23 =	sshrl.u32 s23, $0x3;
	[sflag:s13] =	ssyncset.done $0x0  }
0x46: {  	s23 =	sadd.s32 s4, s23;
	[sflag:s13] =	ssyncadd.s32 $0xFFFFE0C0  }
0x47: {  	[tilespmem:s17], [sflag:$0x1] =	stream.linear.gather [hbm4b:s23+s3], $0x1F40, $0x38;
	[tilespmem:$0xD580] =	vst v63  }
0x48: {  	_ =	swait.ge [sflag:s13], $0x1F40  }
0x49: {  	[sflag:s13] =	ssyncset.done $0x0  }
0x4a: {  	s31 =	simm.s32 $0x27C0;
	[sflag:s13] =	ssyncadd.s32 $0xFFFFE0C0  }
0x4b: {  	s23 =	simm.s32 $0x66C0;
	v2 =	vld [tilespmem:s31+$0x20]  }
0x4c: {  	v3 =	vld [tilespmem:s23+$0xFFFFFFD0]  }
0x4d: {  	v4 =	vld [tilespmem:s23+$0xFFFFFFF0]  }
0x4e: {  	v5 =	vld [tilespmem:s23+$0x20]  }
0x4f: {  	v6 =	vld [tilespmem:s31+$0xFFFFFFC0]  }
0x50: {  	v7 =	vld [tilespmem:s31+$0x30]  }
0x51: {  	v8 =	vld [tilespmem:s31+$0xFFFFFFF0]  }
0x52: {  	v9 =	vld [tilespmem:s23+$0x30]  }
0x53: {  	v10 =	vld [tilespmem:s31+$0x0]  }
0x54: {  	v11 =	vld [tilespmem:s31+$0xFFFFFFD0]  }
0x55: {  	v12 =	vld [tilespmem:s31+$0xFFFFFFE0]  }
0x56: {  	v13 =	vld [tilespmem:s23+$0xFFFFFFC0]  }
0x57: {  	v14 =	vld [tilespmem:s23+$0x0]  }
0x58: {  	v6 =	vld.idx.msk [tilespmem:v6+s21+$0x0], $0xffff  }
0x59: {  	v7 =	vld.idx.msk [tilespmem:v7+s21+$0x0], $0xffff  }
0x5a: {  	v8 =	vld.idx.msk [tilespmem:v8+s21+$0x0], $0xffff  }
0x5b: {  	v2 =	vld.idx.msk [tilespmem:v2+s21+$0x0], $0xffff  }
0x5c: {  	v10 =	vld.idx.msk [tilespmem:v10+s21+$0x0], $0xffff  }
0x5d: {  	v11 =	vld.idx.msk [tilespmem:v11+s21+$0x0], $0xffff;
	_ =	sdelay $0x1  }
0x5e: {  	v7 =	vadd.f32 v7, v9;
	v4 =	vadd.f32 v8, v4  }
0x5f: {  	v8 =	vadd.f32 v6, v13;
	v5 =	vadd.f32 v2, v5  }
0x60: {  	v6 =	vmax.f32 v7, $0.0e+00;
	v2 =	vmax.f32 v4, $0.0e+00;
	v4 =	vadd.f32 v10, v14  }
0x61: {  	v9 =	vld [tilespmem:s23+$0xFFFFFFE0];
	v10 =	vadd.f32 v11, v3;
	v3 =	vmax.f32 v5, $0.0e+00;
	v2 =	vadd.f32 $1.000000010e-07, v2  }
0x62: {  	v7 =	vld.idx.msk [tilespmem:v12+s21+$0x0], $0xffff;
	v6 =	vadd.f32 $1.000000010e-07, v6;
	v3 =	vadd.f32 $1.000000010e-07, v3;
	v4 =	vmax.f32 v4, $0.0e+00  }
0x63: {  	v5 =	vld [tilespmem:s31+$0x10];
	v11 =	vsub.f32 v2, v1;
	v4 =	vadd.f32 $1.000000010e-07, v4  }
0x64: {  	v12 =	vsub.f32 v6, v1;
	v13 =	vsub.f32 v3, v1  }
0x65: {  	v10 =	vmax.f32 v10, $0.0e+00;
	v11 =	vmul.f32 $1.442695020e+00, v11  }
0x66: {  	v14 =	vsub.f32 v4, v1;
	v12 =	vmul.f32 $1.442695020e+00, v12;
	v13 =	vmul.f32 $1.442695020e+00, v13  }
0x67: {  	v7 =	vadd.f32 v7, v9;
	v9 =	vadd.f32 $1.000000010e-07, v10;
	v11 =	vmax.f32 v11, $-1.250000000e+02  }
0x68: {  	v10 =	vmul.f32 $1.442695020e+00, v14;
	v14 =	vmax.f32 v12, $-1.250000000e+02;
	v12 =	vmax.f32 v13, $-1.250000000e+02  }
0x69: {  	v15 =	vsub.f32 v9, v1;
	v7 =	vmax.f32 v7, $0.0e+00;
	v13 =	vadd.f32 $1.258291200e+07, v11  }
0x6a: {  	v17 =	vld [tilespmem:s23+$0x10];
	v21 =	vadd.f32 $1.258291200e+07, v12;
	v18 =	vadd.f32 $1.258291200e+07, v14;
	v16 =	vmax.f32 v10, $-1.250000000e+02  }
0x6b: {  	v22 =	vld.idx.msk [tilespmem:v5+s21+$0x0], $0xffff;
	v7 =	vadd.f32 $1.000000010e-07, v7;
	v5 =	vmul.f32 $1.442695020e+00, v15;
	v19 =	vadd.f32 $1.258291200e+07, v16  }
0x6c: {  	v8 =	vmax.f32 v8, $0.0e+00;
	v15 =	vadd.f32 $-1.258291200e+07, v13;
	v10 =	vadd.f32 $-1.258291200e+07, v21  }
0x6d: {  	v23 =	vadd.f32 $-1.258291200e+07, v18;
	v26 =	vmax.f32 v5, $-1.250000000e+02;
	v5 =	vadd.f32 $1.000000010e-07, v8  }
0x6e: {  	v20 =	vadd.f32 $-1.258291200e+07, v19;
	v10 =	vsub.f32 v12, v10  }
0x6f: {  	v24 =	vsub.f32 v14, v23;
	v15 =	vsub.f32 v11, v15;
	v14 =	vshll.u32 v19, $0x17  }
0x70: {  	v11 =	vadd.f32 v22, v17;
	v17 =	vadd.f32 $1.258291200e+07, v26;
	v8 =	vmul.f32 $1.333355790e-03, v10  }
0x71: {  	v22 =	vsub.f32 v5, v1;
	v12 =	vsub.f32 v16, v20;
	v16 =	vmul.f32 $1.333355790e-03, v24  }
0x72: {  	v20 =	vshll.u32 v18, $0x17;
	v18 =	vmul.f32 $1.333355790e-03, v15;
	v8 =	vadd.f32 $9.618128650e-03, v8  }
0x73: {  	v22 =	vmul.f32 $1.442695020e+00, v22;
	v19 =	vmul.f32 $1.333355790e-03, v12;
	v23 =	vadd.f32 $9.618128650e-03, v16  }
0x74: {  	v16 =	vshll.u32 v17, $0x17;
	v18 =	vadd.f32 $9.618128650e-03, v18;
	v8 =	vmul.f32 v8, v10  }
0x75: {  	v17 =	vadd.f32 $-1.258291200e+07, v17;
	v19 =	vadd.f32 $9.618128650e-03, v19;
	v23 =	vmul.f32 v23, v24  }
0x76: {  	v25 =	vmax.f32 v22, $-1.250000000e+02;
	v18 =	vmul.f32 v18, v15;
	v8 =	vadd.f32 $5.550410970e-02, v8  }
0x77: {  	v22 =	vsub.f32 v7, v1;
	v19 =	vmul.f32 v19, v12;
	v27 =	vadd.f32 $5.550410970e-02, v23  }
0x78: {  	v30 =	vadd.f32 $5.550410970e-02, v18;
	v23 =	vsub.f32 v26, v17;
	v8 =	vmul.f32 v8, v10  }
0x79: {  	v17 =	vmul.f32 v27, v24;
	v18 =	vadd.f32 $5.550410970e-02, v19;
	v19 =	vmul.f32 $1.442695020e+00, v22  }
0x7a: {  	v28 =	vmax.f32 v11, $0.0e+00;
	v11 =	vmul.f32 $1.333355790e-03, v23  }
0x7b: {  	v8 =	vadd.f32 $2.402265070e-01, v8;
	v17 =	vadd.f32 $2.402265070e-01, v17;
	v27 =	vmax.f32 v19, $-1.250000000e+02  }
0x7c: {  	s26 =	simm.s32 $0x4740;
	v13 =	vshll.u32 v13, $0x17;
	v22 =	vmul.f32 v18, v12;
	v19 =	vadd.f32 $1.258291200e+07, v27  }
0x7d: {  	v29 =	vadd.f32 $9.618128650e-03, v11;
	v18 =	vld [tilespmem:s26+$0xFFFFFFD0];
	v26 =	vmul.f32 v8, v10;
	v32 =	vmul.f32 v17, v24  }
0x7e: {  	v21 =	vshll.u32 v21, $0x17;
	v11 =	vld [tilespmem:s26+$0x30];
	v22 =	vadd.f32 $2.402265070e-01, v22;
	v31 =	vadd.f32 $-1.258291200e+07, v19  }
0x7f: {  	s28 =	simm.s32 $0x0;
	s29 =	simm.s32 $0x2840;
	s25 =	simm.s32 $0x4740;
	v8 =	vld [tilespmem:s26+$0xFFFFFFF0];
	v17 =	vadd.f32 $6.931471820e-01, v26;
	v26 =	vmul.f32 v30, v15;
	v30 =	vadd.f32 $6.931471820e-01, v32  }
.LBB2_5:
0x80: {  	v32 =	vld [tilespmem:s29+$0x20];
	s28 =	sadd.s32 $0x8, s28;
	v29 =	vmul.f32 v29, v23;
	v33 =	vshll.u32 v19, $0x17;
	v19 =	vadd.f32 $1.000000010e-07, v28;
	s26 =	sadd.s32 $0x80, s26;
	s23 =	sadd.s32 $0x80, s23  }
0x81: {  	v34 =	vadd.f32 $1.258291200e+07, v25;
	v28 =	vld [tilespmem:s23+$0xFFFFFFD0];
	p0 =	slt.u32 s28, $0x1E8;
	v27 =	vsub.f32 v27, v31;
	v30 =	vmul.f32 v30, v24  }
0x82: {  	v20 =	vadd.s32 $0x3F800000, v20;
	v24 =	vld [tilespmem:s23+$0xFFFFFFE0];
	v29 =	vadd.f32 $5.550410970e-02, v29;
	v31 =	vsub.f32 v19, v1  }
0x83: {  	v36 =	vshll.u32 v34, $0x17;
	v35 =	vld [tilespmem:s23+$0xFFFFFFF0];
	v37 =	vmul.f32 $1.333355790e-03, v27;
	v30 =	vadd.f32 $1.000000000e+00, v30  }
0x84: {  	v34 =	vadd.f32 $-1.258291200e+07, v34;
	v38 =	vld [tilespmem:s23+$0x20];
	v29 =	vmul.f32 v29, v23;
	v31 =	vmul.f32 $1.442695020e+00, v31  }
0x85: {  	v26 =	vadd.f32 $2.402265070e-01, v26;
	v39 =	vld [tilespmem:s23+$0x30];
	v37 =	vadd.f32 $9.618128650e-03, v37;
	v30 =	vmul.f32 v20, v30  }
0x86: {  	v25 =	vsub.f32 v25, v34;
	v40 =	vld [tilespmem:s29+$0xFFFFFFC0];
	v29 =	vadd.f32 $2.402265070e-01, v29;
	v31 =	vmax.f32 v31, $-1.250000000e+02  }
0x87: {  	v34 =	vld [tilespmem:s29+$0x30];
	v37 =	vmul.f32 v37, v27;
	v41 =	vadd.f32 $1.258291200e+07, v31;
	v20 =	vmul.f32 v30, v6  }
0x88: {  	s24 =	simm.s32 $0x0;
	v6 =	vmul.f32 $1.333355790e-03, v25;
	v42 =	vld [tilespmem:s29+$0x10];
	v29 =	vmul.f32 v29, v23  }
0x89: {  	v43 =	vld [tilespmem:s29+$0xFFFFFFF0];
	v37 =	vadd.f32 $5.550410970e-02, v37;
	v44 =	vadd.f32 $-1.258291200e+07, v41;
	v41 =	vshll.u32 v41, $0x17  }
0x8a: {  	v26 =	vmul.f32 v26, v15;
	v6 =	vadd.f32 $9.618128650e-03, v6;
	v45 =	vld [tilespmem:s29+$0xFFFFFFD0];
	v29 =	vadd.f32 $6.931471820e-01, v29  }
0x8b: {  	v21 =	vadd.s32 $0x3F800000, v21;
	v46 =	vld [tilespmem:s29+$0xFFFFFFE0];
	v37 =	vmul.f32 v37, v27;
	v31 =	vsub.f32 v31, v44  }
0x8c: {  	v26 =	vadd.f32 $6.931471820e-01, v26;
	v6 =	vmul.f32 v6, v25;
	v44 =	vld [tilespmem:s29+$0x0];
	v23 =	vmul.f32 v29, v23  }
0x8d: {  	v14 =	vadd.s32 $0x3F800000, v14;
	v29 =	vld [tilespmem:s23+$0xFFFFFFC0];
	v37 =	vadd.f32 $2.402265070e-01, v37;
	v47 =	vmul.f32 $1.333355790e-03, v31  }
0x8e: {  	v15 =	vmul.f32 v26, v15;
	v6 =	vadd.f32 $5.550410970e-02, v6;
	v40 =	vld.idx.msk [tilespmem:v40+s24+$0x0], $0xffff;
	v23 =	vadd.f32 $1.000000000e+00, v23  }
0x8f: {  	v13 =	vadd.s32 $0x3F800000, v13;
	v26 =	vld.idx.msk [tilespmem:v34+s24+$0x0], $0xffff;
	v34 =	vmul.f32 v37, v27;
	v37 =	vadd.f32 $9.618128650e-03, v47  }
0x90: {  	v16 =	vadd.s32 $0x3F800000, v16;
	v15 =	vadd.f32 $1.000000000e+00, v15;
	v6 =	vmul.f32 v6, v25;
	[tilespmem:v11+s18+$0x0] =	vst.idx.add.f32.msk $0xffff, v30  }
0x91: {  	v16 =	vmul.f32 v16, v23;
	v30 =	vld.idx.msk [tilespmem:v43+s24+$0x0], $0xffff;
	v23 =	vadd.f32 $6.931471820e-01, v34;
	v34 =	vmul.f32 v37, v31  }
0x92: {  	v22 =	vmul.f32 v22, v12;
	v36 =	vadd.s32 $0x3F800000, v36;
	v6 =	vadd.f32 $2.402265070e-01, v6;
	v37 =	vld.idx.msk [tilespmem:v45+s24+$0x0], $0xffff  }
0x93: {  	v32 =	vld.idx.msk [tilespmem:v32+s24+$0x0], $0xffff;
	v23 =	vmul.f32 v23, v27;
	v27 =	vadd.s32 $0x3F800000, v33;
	v33 =	vadd.f32 $5.550410970e-02, v34  }
0x94: {  	v22 =	vadd.f32 $6.931471820e-01, v22;
	v9 =	vmul.f32 v16, v9;
	v29 =	vadd.f32 v40, v29;
	v34 =	vld.idx.msk [tilespmem:v44+s24+$0x0], $0xffff  }
0x95: {  	v13 =	vmul.f32 v13, v15;
	v26 =	vadd.f32 v26, v39;
	v40 =	vld [tilespmem:s23+$0x0];
	v15 =	vmul.f32 v33, v31  }
0x96: {  	v12 =	vmul.f32 v22, v12;
	v6 =	vmul.f32 v6, v25;
	v29 =	vmax.f32 v29, $0.0e+00;
	[tilespmem:v18+s18+$0x0] =	vst.idx.add.f32.msk $0xffff, v16  }
0x97: {  	v22 =	vadd.f32 v30, v35;
	v26 =	vmax.f32 v26, $0.0e+00;
	v16 =	vld.idx.msk [tilespmem:v46+s24+$0x0], $0xffff;
	v15 =	vadd.f32 $2.402265070e-01, v15  }
0x98: {  	v10 =	vmul.f32 v17, v10;
	v30 =	vadd.f32 $6.931471820e-01, v6;
	[tilespmem:v18+s19+$0x0] =	vst.idx.add.f32.msk $0xffff, v9;
	v9 =	vadd.f32 $1.000000000e+00, v12  }
0x99: {  	v6 =	vadd.f32 $1.000000010e-07, v26;
	v12 =	vadd.f32 v37, v28;
	v17 =	vmax.f32 v22, $0.0e+00;
	[tilespmem:v8+s18+$0x0] =	vst.idx.add.f32.msk $0xffff, v13  }
0x9a: {  	v18 =	vadd.f32 v32, v38;
	v17 =	vadd.f32 $1.000000010e-07, v17;
	v15 =	vmul.f32 v15, v31  }
0x9b: {  	v23 =	vadd.f32 $1.000000000e+00, v23;
	v26 =	vadd.s32 $0x3F800000, v41;
	v12 =	vmax.f32 v12, $0.0e+00;
	v22 =	vld [tilespmem:s25+$0xFFFFFFE0]  }
0x9c: {  	v18 =	vmax.f32 v18, $0.0e+00;
	v28 =	vsub.f32 v17, v1;
	v15 =	vadd.f32 $6.931471820e-01, v15;
	v32 =	vld [tilespmem:s25+$0x0]  }
0x9d: {  	v25 =	vmul.f32 v30, v25;
	v33 =	vadd.f32 v34, v40;
	v18 =	vadd.f32 $1.000000010e-07, v18;
	v30 =	vld [tilespmem:s25+$0x10]  }
0x9e: {  	v16 =	vadd.f32 v16, v24;
	v24 =	vmul.f32 $1.442695020e+00, v28;
	v15 =	vmul.f32 v15, v31  }
0x9f: {  	v23 =	vmul.f32 v27, v23;
	v28 =	vmax.f32 v33, $0.0e+00;
	v31 =	vsub.f32 v6, v1;
	v27 =	vld [tilespmem:s25+$0x20]  }
0xa0: {  	v33 =	vmax.f32 v24, $-1.250000000e+02;
	v24 =	vsub.f32 v18, v1;
	v15 =	vadd.f32 $1.000000000e+00, v15;
	v34 =	vld [tilespmem:s25+$0xFFFFFFC0];
	s25 =	smov.u32 s26  }
0xa1: {  	v9 =	vmul.f32 v14, v9;
	v28 =	vadd.f32 $1.000000010e-07, v28;
	v31 =	vmul.f32 $1.442695020e+00, v31;
	v35 =	vld [tilespmem:s23+$0x10]  }
0xa2: {  	v10 =	vadd.f32 $1.000000000e+00, v10;
	v25 =	vadd.f32 $1.000000000e+00, v25;
	v24 =	vmul.f32 $1.442695020e+00, v24;
	v14 =	vld.idx.msk [tilespmem:v42+s24+$0x0], $0xffff  }
0xa3: {  	v37 =	vmul.f32 v9, v4;
	v31 =	vmax.f32 v31, $-1.250000000e+02;
	v26 =	vmul.f32 v26, v15;
	[tilespmem:v22+s18+$0x0] =	vst.idx.add.f32.msk $0xffff, v23  }
0xa4: {  	v25 =	vmul.f32 v36, v25;
	v15 =	vsub.f32 v28, v1;
	v24 =	vmax.f32 v24, $-1.250000000e+02;
	[tilespmem:v32+s18+$0x0] =	vst.idx.add.f32.msk $0xffff, v9  }
0xa5: {  	v4 =	vmovc v28;
	v19 =	vmul.f32 v26, v19;
	v9 =	vadd.f32 $1.000000010e-07, v12;
	v12 =	vadd.f32 $1.258291200e+07, v33;
	[tilespmem:v30+s18+$0x0] =	vst.idx.add.f32.msk $0xffff, v26  }
0xa6: {  	v10 =	vmul.f32 v21, v10;
	v15 =	vmul.f32 $1.442695020e+00, v15;
	v36 =	vadd.f32 $1.258291200e+07, v24;
	[tilespmem:v32+s19+$0x0] =	vst.idx.add.f32.msk $0xffff, v37  }
0xa7: {  	v7 =	vmul.f32 v23, v7;
	v26 =	vmax.f32 v16, $0.0e+00;
	v21 =	vsub.f32 v9, v1;
	[tilespmem:v30+s19+$0x0] =	vst.idx.add.f32.msk $0xffff, v19  }
0xa8: {  	v15 =	vmax.f32 v15, $-1.250000000e+02;
	v16 =	vadd.f32 $1.258291200e+07, v31;
	v19 =	vmul.f32 v10, v3;
	v3 =	vmovc v18;
	[tilespmem:v34+s18+$0x0] =	vst.idx.add.f32.msk $0xffff, v25  }
0xa9: {  	v23 =	vadd.f32 $1.258291200e+07, v15;
	v18 =	vmul.f32 $1.442695020e+00, v21;
	v21 =	vadd.f32 $-1.258291200e+07, v12;
	[tilespmem:v27+s18+$0x0] =	vst.idx.add.f32.msk $0xffff, v10  }
0xaa: {  	v25 =	vmul.f32 v25, v5;
	v10 =	vadd.f32 $-1.258291200e+07, v36;
	[tilespmem:v22+s19+$0x0] =	vst.idx.add.f32.msk $0xffff, v7;
	v7 =	vmul.f32 v13, v2  }
0xab: {  	v28 =	vadd.f32 $-1.258291200e+07, v16;
	v18 =	vmax.f32 v18, $-1.250000000e+02;
	v22 =	vadd.f32 $-1.258291200e+07, v23;
	v2 =	vmovc v17;
	[tilespmem:v11+s19+$0x0] =	vst.idx.add.f32.msk $0xffff, v20  }
0xac: {  	v5 =	vadd.f32 $1.000000010e-07, v29;
	v13 =	vshll.u32 v12, $0x17;
	v10 =	vsub.f32 v24, v10;
	[tilespmem:v27+s19+$0x0] =	vst.idx.add.f32.msk $0xffff, v19  }
0xad: {  	v24 =	vsub.f32 v31, v28;
	v20 =	vshll.u32 v16, $0x17;
	v12 =	vsub.f32 v15, v22;
	[tilespmem:v34+s19+$0x0] =	vst.idx.add.f32.msk $0xffff, v25  }
0xae: {  	v11 =	vadd.f32 v14, v35;
	v15 =	vsub.f32 v33, v21;
	v16 =	vmul.f32 $1.333355790e-03, v10;
	[tilespmem:v8+s19+$0x0] =	vst.idx.add.f32.msk $0xffff, v7  }
0xaf: {  	v14 =	vshll.u32 v23, $0x17;
	v8 =	vadd.f32 $1.258291200e+07, v18;
	v7 =	vmul.f32 $1.333355790e-03, v24  }
0xb0: {  	v17 =	vmul.f32 $1.333355790e-03, v15;
	v19 =	vmul.f32 $1.333355790e-03, v12;
	v21 =	vadd.f32 $9.618128650e-03, v16  }
0xb1: {  	v22 =	vsub.f32 v5, v1;
	v16 =	vshll.u32 v8, $0x17;
	v23 =	vadd.f32 $9.618128650e-03, v7  }
0xb2: {  	v17 =	vadd.f32 $9.618128650e-03, v17;
	v19 =	vadd.f32 $9.618128650e-03, v19;
	v21 =	vmul.f32 v21, v10  }
0xb3: {  	v22 =	vmul.f32 $1.442695020e+00, v22;
	v7 =	vadd.f32 $1.000000010e-07, v26;
	v23 =	vmul.f32 v23, v24  }
0xb4: {  	v17 =	vmul.f32 v17, v15;
	v19 =	vmul.f32 v19, v12;
	v21 =	vadd.f32 $5.550410970e-02, v21  }
0xb5: {  	v25 =	vmax.f32 v22, $-1.250000000e+02;
	v8 =	vadd.f32 $-1.258291200e+07, v8;
	v22 =	vadd.f32 $5.550410970e-02, v23  }
0xb6: {  	v26 =	vsub.f32 v7, v1;
	v17 =	vadd.f32 $5.550410970e-02, v17;
	v21 =	vmul.f32 v21, v10  }
0xb7: {  	v23 =	vsub.f32 v18, v8;
	v8 =	vadd.f32 $5.550410970e-02, v19;
	v18 =	vmul.f32 v22, v24  }
0xb8: {  	v28 =	vmax.f32 v11, $0.0e+00;
	v19 =	vmul.f32 $1.442695020e+00, v26;
	v11 =	vadd.f32 $2.402265070e-01, v21  }
.Ltmp1:
0xb9: {  	v22 =	vmul.f32 v8, v12;
	v21 =	vmul.f32 $1.333355790e-03, v23;
	v18 =	vadd.f32 $2.402265070e-01, v18;
	(pc) =	sbr.rel @p0 .LBB2_5-.Ltmp1, $4  }
0xba: {  	v27 =	vmax.f32 v19, $-1.250000000e+02;
	v26 =	vmul.f32 v17, v15;
	v11 =	vmul.f32 v11, v10  }
0xbb: {  	v19 =	vadd.f32 $1.258291200e+07, v27;
	v29 =	vadd.f32 $9.618128650e-03, v21;
	v30 =	vmul.f32 v18, v24;
	v8 =	vld [tilespmem:s26+$0xFFFFFFF0]  }
0xbc: {  	v22 =	vadd.f32 $2.402265070e-01, v22;
	v21 =	vshll.u32 v36, $0x17;
	v17 =	vadd.f32 $6.931471820e-01, v11;
	v18 =	vld [tilespmem:s26+$0xFFFFFFD0]  }
0xbd: {  	s29 =	sadd.s32 $0x80, s29;
	v31 =	vadd.f32 $-1.258291200e+07, v19;
	v30 =	vadd.f32 $6.931471820e-01, v30;
	v11 =	vld [tilespmem:s26+$0x30]  }
0xbe: {  	v28 =	vadd.f32 $1.000000010e-07, v28;
	_ =	sdelay $0x1  }
0xbf: {  	v32 =	vsub.f32 v28, v1;
	_ =	sdelay $0x1  }
0xc0: {  	v32 =	vmul.f32 $1.442695020e+00, v32;
	_ =	sdelay $0x1  }
0xc1: {  	v27 =	vsub.f32 v27, v31;
	v32 =	vmax.f32 v32, $-1.250000000e+02  }
0xc2: {  	v29 =	vmul.f32 v29, v23;
	v34 =	vadd.f32 $1.258291200e+07, v25;
	v33 =	vadd.f32 $1.258291200e+07, v32  }
0xc3: {  	v20 =	vadd.s32 $0x3F800000, v20;
	v26 =	vadd.f32 $2.402265070e-01, v26;
	v35 =	vmul.f32 $1.333355790e-03, v27  }
0xc4: {  	v19 =	vshll.u32 v19, $0x17;
	v22 =	vmul.f32 v22, v12;
	v59 =	vadd.f32 $-1.258291200e+07, v33  }
0xc5: {  	v10 =	vmul.f32 v17, v10;
	v29 =	vadd.f32 $5.550410970e-02, v29;
	v35 =	vadd.f32 $9.618128650e-03, v35  }
0xc6: {  	v24 =	vmul.f32 v30, v24;
	v60 =	vadd.f32 $-1.258291200e+07, v34;
	v31 =	vsub.f32 v32, v59  }
0xc7: {  	v16 =	vadd.s32 $0x3F800000, v16;
	v29 =	vmul.f32 v29, v23;
	v62 =	vmul.f32 v35, v27  }
0xc8: {  	v22 =	vadd.f32 $6.931471820e-01, v22;
	v61 =	vsub.f32 v25, v60;
	v36 =	vmul.f32 $1.333355790e-03, v31  }
0xc9: {  	v26 =	vmul.f32 v26, v15;
	v29 =	vadd.f32 $2.402265070e-01, v29;
	v30 =	vadd.f32 $5.550410970e-02, v62  }
0xca: {  	v24 =	vadd.f32 $1.000000000e+00, v24;
	v63 =	vadd.f32 $9.618128650e-03, v36;
	v36 =	vmul.f32 $1.333355790e-03, v61  }
0xcb: {  	v26 =	vadd.f32 $6.931471820e-01, v26;
	v29 =	vmul.f32 v29, v23;
	v30 =	vmul.f32 v30, v27  }
0xcc: {  	v50 =	vmul.f32 v22, v12;
	v32 =	vmul.f32 v63, v31;
	v37 =	vadd.f32 $9.618128650e-03, v36  }
0xcd: {  	v48 =	vld [tilespmem:s25+$0x0];
	v20 =	vmul.f32 v20, v24;
	v29 =	vadd.f32 $6.931471820e-01, v29;
	v39 =	vadd.f32 $2.402265070e-01, v30  }
0xce: {  	v42 =	vmul.f32 v26, v15;
	v32 =	vadd.f32 $5.550410970e-02, v32;
	v24 =	vmul.f32 v37, v61  }
0xcf: {  	v47 =	vld [tilespmem:s25+$0xFFFFFFE0];
	v14 =	vadd.s32 $0x3F800000, v14;
	v38 =	vmul.f32 v29, v23;
	v43 =	vmul.f32 v39, v27  }
0xd0: {  	v49 =	vld [tilespmem:s25+$0x10];
	v12 =	vadd.f32 $1.000000000e+00, v50;
	v40 =	vmul.f32 v32, v31;
	v24 =	vadd.f32 $5.550410970e-02, v24  }
0xd1: {  	v55 =	vld [tilespmem:s25+$0xFFFFFFC0];
	v6 =	vmul.f32 v20, v6;
	v23 =	vadd.f32 $1.000000000e+00, v38;
	v45 =	vadd.f32 $6.931471820e-01, v43  }
0xd2: {  	v56 =	vld [tilespmem:s25+$0x20];
	v12 =	vmul.f32 v14, v12;
	v44 =	vadd.f32 $2.402265070e-01, v40;
	v24 =	vmul.f32 v24, v61  }
0xd3: {  	v13 =	vadd.s32 $0x3F800000, v13;
	[tilespmem:v11+s18+$0x0] =	vst.idx.add.f32.msk $0xffff, v20;
	v16 =	vmul.f32 v16, v23;
	v23 =	vmul.f32 v45, v27  }
0xd4: {  	v15 =	vadd.f32 $1.000000000e+00, v42;
	[tilespmem:v11+s19+$0x0] =	vst.idx.add.f32.msk $0xffff, v6;
	v46 =	vmul.f32 v44, v31;
	v24 =	vadd.f32 $2.402265070e-01, v24  }
0xd5: {  	v51 =	vadd.s32 $0x3F800000, v19;
	[tilespmem:v48+s18+$0x0] =	vst.idx.add.f32.msk $0xffff, v12;
	v9 =	vmul.f32 v16, v9;
	v52 =	vadd.f32 $1.000000000e+00, v23  }
0xd6: {  	v13 =	vmul.f32 v13, v15;
	[tilespmem:v18+s18+$0x0] =	vst.idx.add.f32.msk $0xffff, v16;
	v26 =	vadd.f32 $6.931471820e-01, v46;
	v24 =	vmul.f32 v24, v61  }
0xd7: {  	v4 =	vmul.f32 v12, v4;
	[tilespmem:v18+s19+$0x0] =	vst.idx.add.f32.msk $0xffff, v9;
	v9 =	vmul.f32 v51, v52  }
0xd8: {  	[tilespmem:v8+s18+$0x0] =	vst.idx.add.f32.msk $0xffff, v13;
	v2 =	vmul.f32 v13, v2;
	v53 =	vmul.f32 v26, v31;
	v54 =	vadd.f32 $6.931471820e-01, v24  }
0xd9: {  	v10 =	vadd.f32 $1.000000000e+00, v10;
	v41 =	vshll.u32 v33, $0x17;
	[tilespmem:v48+s19+$0x0] =	vst.idx.add.f32.msk $0xffff, v4;
	v7 =	vmul.f32 v9, v7  }
0xda: {  	[tilespmem:v8+s19+$0x0] =	vst.idx.add.f32.msk $0xffff, v2;
	v18 =	vadd.f32 $1.000000000e+00, v53;
	v15 =	vmul.f32 v54, v61;
	v61 =	vadd.s32 $0x3F800000, v21  }
0xdb: {  	v57 =	vadd.s32 $0x3F800000, v41;
	[tilespmem:v47+s18+$0x0] =	vst.idx.add.f32.msk $0xffff, v9;
	v62 =	vmul.f32 v61, v10  }
0xdc: {  	v59 =	vshll.u32 v34, $0x17;
	[tilespmem:v47+s19+$0x0] =	vst.idx.add.f32.msk $0xffff, v7;
	v58 =	vmul.f32 v57, v18;
	v15 =	vadd.f32 $1.000000000e+00, v15  }
0xdd: {  	v60 =	vadd.s32 $0x3F800000, v59;
	[tilespmem:v56+s18+$0x0] =	vst.idx.add.f32.msk $0xffff, v62;
	v3 =	vmul.f32 v62, v3  }
0xde: {  	[tilespmem:v49+s18+$0x0] =	vst.idx.add.f32.msk $0xffff, v58;
	v14 =	vmul.f32 v58, v28;
	v12 =	vmul.f32 v60, v15  }
0xdf: {  	[tilespmem:v56+s19+$0x0] =	vst.idx.add.f32.msk $0xffff, v3  }
0xe0: {  	[tilespmem:v49+s19+$0x0] =	vst.idx.add.f32.msk $0xffff, v14;
	v63 =	vmul.f32 v12, v5  }
0xe1: {  	[tilespmem:v55+s18+$0x0] =	vst.idx.add.f32.msk $0xffff, v12  }
0xe2: {  	[tilespmem:v55+s19+$0x0] =	vst.idx.add.f32.msk $0xffff, v63  }
.LBB2_7:
0xe3: {  	s23 =	sshra.s32 s24, $0x2  }
0xe4: {  	v2 =	vld [tilespmem:s23+$0x4680];
	_ =	sdelay $0x6  }
0xe5: {  	v3 =	vld [tilespmem:s23+$0x8580]  }
0xe6: {  	v2 =	vld.idx.msk [tilespmem:v2+s3+$0x0], $0xffff;
	_ =	sdelay $0x4  }
0xe7: {  	v2 =	vadd.f32 v2, v3;
	_ =	sdelay $0x1  }
0xe8: {  	v2 =	vmax.f32 v2, $0.0e+00  }
0xe9: {  	v2 =	vadd.f32 $1.000000010e-07, v2;
	_ =	sdelay $0x1  }
0xea: {  	v3 =	vsub.f32 v2, v1;
	_ =	sdelay $0x1  }
0xeb: {  	v3 =	vmul.f32 $1.442695020e+00, v3;
	_ =	sdelay $0x1  }
0xec: {  	v3 =	vmax.f32 v3, $-1.250000000e+02  }
0xed: {  	v4 =	vadd.f32 $1.258291200e+07, v3;
	_ =	sdelay $0x1  }
0xee: {  	v5 =	vadd.f32 $-1.258291200e+07, v4;
	_ =	sdelay $0x1  }
0xef: {  	v3 =	vsub.f32 v3, v5;
	_ =	sdelay $0x1  }
0xf0: {  	v5 =	vmul.f32 $1.333355790e-03, v3;
	_ =	sdelay $0x1  }
0xf1: {  	v5 =	vadd.f32 $9.618128650e-03, v5;
	_ =	sdelay $0x1  }
0xf2: {  	v5 =	vmul.f32 v5, v3;
	_ =	sdelay $0x1  }
0xf3: {  	v5 =	vadd.f32 $5.550410970e-02, v5;
	_ =	sdelay $0x1  }
0xf4: {  	v5 =	vmul.f32 v5, v3;
	_ =	sdelay $0x1  }
0xf5: {  	v5 =	vadd.f32 $2.402265070e-01, v5;
	_ =	sdelay $0x1  }
0xf6: {  	v5 =	vmul.f32 v5, v3;
	_ =	sdelay $0x1  }
0xf7: {  	v5 =	vadd.f32 $6.931471820e-01, v5  }
0xf8: {  	v6 =	vld [tilespmem:s23+$0x6600]  }
0xf9: {  	v3 =	vmul.f32 v5, v3;
	_ =	sdelay $0x1  }
0xfa: {  	v4 =	vshll.u32 v4, $0x17;
	v3 =	vadd.f32 $1.000000000e+00, v3  }
0xfb: {  	p0 =	sne.s32 s24, $0xC0;
	v4 =	vadd.s32 $0x3F800000, v4  }
.Ltmp2:
0xfc: {  	v3 =	vmul.f32 v4, v3;
	(pc) =	sbr.rel @p0 .LBB2_7-.Ltmp2, $4  }
0xfd: {  	_ = 	snop  }
0xfe: {  	v2 =	vmul.f32 v3, v2  }
0xff: {  	[tilespmem:v6+s18+$0x0] =	vst.idx.add.f32.msk $0xffff, v3  }
0x100: {  	s24 =	sadd.s32 $0x40, s24;
	[tilespmem:v6+s19+$0x0] =	vst.idx.add.f32.msk $0xffff, v2  }
0x101: {  	s22 =	sadd.s32 $0x1, s22  }
0x102: {  	p0 =	sne.s32 s22, $0x5  }
.Ltmp3:
0x103: {  	_ = 	snop;
	(pc) =	sbr.rel @p0 .LBB2_4-.Ltmp3, $1  }
0x104: {  	_ =	sdelay $0x3  }
0x105: {  	[hbm4b:s10+s3] =	stream.linear.scatter [tilespmem:s18], [sflag:$0x1], $0x2720, $0x38;
	[tilespmem:$0xD580] =	vst v63  }
0x106: {  	s20 =	sadd.s32 $0x1, s20;
	_ =	swait.ge [sflag:s13], $0x2720  }
0x107: {  	p0 =	sne.s32 s20, s12;
	[sflag:s13] =	ssyncset.done $0x0  }
.Ltmp4:
0x108: {  	[sflag:s13] =	ssyncadd.s32 $0xFFFFD8E0;
	(pc) =	sbr.rel @p0 .LBB2_1-.Ltmp4, $4  }
0x109: {  	[hbm4b:s11+s3] =	stream.linear.scatter [tilespmem:s19], [sflag:$0x1], $0x2720, $0x38;
	[tilespmem:$0xD580] =	vst v63  }
0x10a: {  	_ =	swait.ge [sflag:s13], $0x2720  }
0x10b: {  	[sflag:s13] =	ssyncset.done $0x0  }
0x10c: {  	[sflag:s13] =	ssyncadd.s32 $0xFFFFD8E0  }
0x10d: {  	_ =	sfence.sel $0x180000  }
0x10e: {  	[bflag:$0x0] =	sbarrier.arrive $0xFFFF  }
0x10f: {  	p0 =	sne.s32 s0, $0x0;
	_ =	strace $0x90000047  }
0x110: {  	s0 =	sadd.s32 @!p0 $0x100000, s1;
	[bflag:$0x2] =	sbarrier.arrive $0xFFFF  }
0x111: {  	[sflag:s0] =	ssyncadd.tile.s32 @!p0 $0x1;
	_ =	shalt  }
.Lfunc_end2:
_tile_overlayer_lowered:
.L_overlay_start_2:
0x112: {  	(tag) =	ssettag $0x2  }
0x113: {  	s0 =	rddreg [dreg:$0x0];
	s2 =	stileid.u32  }
0x114: {  	s1 =	rddreg [dreg:$0x1];
	p0 =	sne.s32 s2, $0x0  }
0x115: {  	s3 =	rddreg [dreg:$0x2];
	[bflag:$0x3] =	sbarrier.arrive $0xFFFF;
	s2 =	simm.s32 @!p0 $0x1C01  }
0x116: {  	[timem:s3], [sflag:s2] =	dma.local @!p0 [hbm:s0], s1  }
0x117: {  	s0 =	simm.s32 @!p0 $0x1  }
0x118: {  	_ =	swait.ge @!p0 [sflag:s0], s1  }
0x119: {  	s1 =	ssub.s32 @!p0 $0x0, s1;
	[sflag:s0] =	ssyncset.done @!p0 $0x0  }
0x11a: {  	[sflag:s0] =	ssyncadd.s32 @!p0 s1  }
0x11b: {  	[bflag:$0x3] =	sbarrier.arrive $0xFFFF  }
0x11c: {  	_ =	shalt  }

</sc_bundles>
